<compile_context>
chip_gen: v7x
topology: tpu7x:2x2x1
jax: 0.10.2.dev20260603
libtpu: 0.0.44.dev20260713+nightly
codegen_flags: <defaults>
</compile_context>

<pallas_src>
import functools

import jax
import jax.numpy as jnp
from jax import lax
from jax.experimental import pallas as pl
from jax.experimental.pallas import tpu as pltpu
from jax.experimental.pallas import tpu_sc as plsc

N = 10000
E = 320000
D_IN = 128
D = 64
D_OUT = 4

NC = 2
NS = 16
NW = NC * NS
K = 128
NBUF = 2
B = -(-(-(-E // (NW * K))) // NBUF) * NBUF
EPT = B * K
EP = NW * EPT
NROWS = 10240
DUMMY = N
ZROWS = NROWS // NS
DEGW = 16


def _sc_edge_body(g_hbm, src_hbm, dst_hbm, zeros_hbm, out_hbm,
                  acc, g_s, src_v, dst_v, rows_v, gsem, ssem):
    c = lax.axis_index("c")
    s = lax.axis_index("s")
    wid = c * NS + s
    pltpu.sync_copy(src_hbm.at[wid], src_v)
    pltpu.sync_copy(dst_hbm.at[wid], dst_v)
    last = N - (NS - 1) * ZROWS

    @pl.when(s < NS - 1)
    def _():
        pltpu.sync_copy(g_hbm.at[pl.ds(s * ZROWS, ZROWS)],
                        g_s.at[pl.ds(s * ZROWS, ZROWS)])

    @pl.when(s == NS - 1)
    def _():
        pltpu.sync_copy(g_hbm.at[pl.ds((NS - 1) * ZROWS, last)],
                        g_s.at[pl.ds((NS - 1) * ZROWS, last)])

    for k in range(ZROWS // K):
        pltpu.sync_copy(zeros_hbm, acc.at[pl.ds(s * ZROWS + k * K, K)])
    plsc.subcore_barrier()

    def gather(j, b):
        pltpu.async_copy(g_s.at[src_v.at[j]], rows_v.at[b], gsem.at[b])

    def scatter(j, b):
        pltpu.async_copy(rows_v.at[b], acc.at[dst_v.at[j]], ssem.at[b],
                         add=True)

    def wait_g(b):
        pltpu.make_async_copy(g_s.at[src_v.at[0]], rows_v.at[b],
                              gsem.at[b]).wait()

    def wait_s(b):
        pltpu.make_async_copy(rows_v.at[b], acc.at[dst_v.at[0]],
                              ssem.at[b]).wait()

    for b in range(NBUF):
        gather(b, b)

    @pl.loop(0, B // NBUF - 1)
    def _(i):
        base = i * NBUF
        for b in range(NBUF):
            wait_g(b)
            scatter(base + b, b)
        for b in range(NBUF):
            wait_s(b)
            gather(base + NBUF + b, b)

    tail = B - NBUF
    for b in range(NBUF):
        wait_g(b)
        scatter(tail + b, b)
    for b in range(NBUF):
        wait_s(b)

    plsc.subcore_barrier()
    pltpu.sync_copy(
        acc.at[pl.ds(s * ZROWS, ZROWS)],
        out_hbm.at[c, pl.ds(s * ZROWS, ZROWS)],
    )


_DCHUNK = 8


def _sc_degree_body(dst_hbm, zeros_hbm, ones_hbm, out_hbm,
                    acc, dst_v, ones_v, zbuf_v, sem):
    c = lax.axis_index("c")
    s = lax.axis_index("s")
    wid = c * NS + s
    pltpu.sync_copy(zeros_hbm, zbuf_v)
    pltpu.sync_copy(ones_hbm, ones_v)
    pltpu.sync_copy(dst_hbm.at[wid], dst_v)
    for k in range(ZROWS // K):
        pltpu.sync_copy(zbuf_v, acc.at[pl.ds(s * ZROWS + k * K, K)])
    plsc.subcore_barrier()

    @pl.loop(0, B // _DCHUNK)
    def _(i):
        for k in range(_DCHUNK):
            pltpu.async_copy(ones_v, acc.at[dst_v.at[i * _DCHUNK + k]], sem,
                             add=True)
        for k in range(_DCHUNK):
            pltpu.make_async_copy(ones_v, acc.at[dst_v.at[0]], sem).wait()

    plsc.subcore_barrier()
    pltpu.sync_copy(
        acc.at[pl.ds(s * ZROWS, ZROWS)],
        out_hbm.at[c, pl.ds(s * ZROWS, ZROWS)],
    )


@functools.cache
def _sc_kernels():
    mesh = plsc.VectorSubcoreMesh(
        core_axis_name="c", subcore_axis_name="s", num_cores=NC, num_subcores=NS
    )
    params = pltpu.CompilerParams(use_tc_tiling_on_sc=False)
    edge_params = pltpu.CompilerParams(use_tc_tiling_on_sc=False,
                                       internal_scratch_in_bytes=1 << 20)
    edge = pl.kernel(
        _sc_edge_body,
        compiler_params=edge_params,
        out_type=jax.ShapeDtypeStruct((NC, NROWS, D), jnp.float32),
        mesh=mesh,
        scratch_types=[
            pltpu.VMEM_SHARED((NROWS, D), jnp.float32),
            pltpu.VMEM_SHARED((NROWS, D), jnp.float32),
            pltpu.VMEM((B, K), jnp.int32),
            pltpu.VMEM((B, K), jnp.int32),
            pltpu.VMEM((NBUF, K, D), jnp.float32),
            pltpu.SemaphoreType.DMA((NBUF,)),
            pltpu.SemaphoreType.DMA((NBUF,)),
        ],
    )
    degree = pl.kernel(
        _sc_degree_body,
        compiler_params=params,
        out_type=jax.ShapeDtypeStruct((NC, NROWS, DEGW), jnp.float32),
        mesh=mesh,
        scratch_types=[
            pltpu.VMEM_SHARED((NROWS, DEGW), jnp.float32),
            pltpu.VMEM((B, K), jnp.int32),
            pltpu.VMEM((K, DEGW), jnp.float32),
            pltpu.VMEM((K, DEGW), jnp.float32),
            pltpu.SemaphoreType.DMA,
        ],
    )
    return edge, degree



R = 2000
GRID = N // R

_DOT = dict(preferred_element_type=jnp.float32, precision=lax.Precision.HIGHEST)


RP = R // 2


def _enc_body(x_ref, dp_ref, encW_ref, encb_ref, W1_ref,
              g1_ref, dinv_ref):
    deg = dp_ref[0, :, 0:1] + dp_ref[1, :, 0:1] + 1.0
    dinv = lax.rsqrt(deg)
    z = jnp.maximum(jnp.dot(x_ref[...], encW_ref[...], **_DOT) + encb_ref[...], 0.0)
    g1_ref[...] = jnp.dot(z, W1_ref[...], **_DOT) * dinv
    dinv_ref[...] = dinv


def _packed_hidden(sp_ref, g_ref, dpk_ref, b_ref):
    s = sp_ref[0] + sp_ref[1] + g_ref[...]
    return jax.nn.gelu(dpk_ref[...] * s + b_ref[...])


def _layer_body(sp_ref, g_ref, dpk_ref, b_ref, Wn_ref, gn_ref):
    h = _packed_hidden(sp_ref, g_ref, dpk_ref, b_ref)
    me = jnp.dot(h[:, 0:D], Wn_ref[...], **_DOT)
    mo = jnp.dot(h[:, D:2 * D], Wn_ref[...], **_DOT)
    gn_ref[...] = jnp.concatenate([me, mo], axis=1) * dpk_ref[...]


def _final_body(sp_ref, g_ref, dpk_ref, b_ref, decW_ref, decb_ref, out_ref):
    h = _packed_hidden(sp_ref, g_ref, dpk_ref, b_ref)
    oe = jnp.dot(h[:, 0:D], decW_ref[...], **_DOT) + decb_ref[...]
    oo = jnp.dot(h[:, D:2 * D], decW_ref[...], **_DOT) + decb_ref[...]
    out_ref[...] = jnp.concatenate([oe, oo], axis=1)


def _rows(shape, blk):
    nlead = len(shape) - 2
    if nlead:
        return pl.BlockSpec(shape[:nlead] + (blk, shape[-1]),
                            lambda i: (0,) * nlead + (i, 0))
    return pl.BlockSpec((blk, shape[-1]), lambda i: (i, 0))


def _whole(shape):
    return pl.BlockSpec(shape, lambda i: (0,) * len(shape))


_ROWDIMS = {N: R, NROWS: R, NROWS // 2: RP, N // 2: RP}


def _tc_call(body, in_arrays, out_shape):
    in_specs = [_rows(a.shape, _ROWDIMS[a.shape[-2]])
                if a.shape[-2] in _ROWDIMS else _whole(a.shape)
                for a in in_arrays]
    out_specs = jax.tree.map(lambda s: _rows(s.shape, _ROWDIMS[s.shape[-2]]),
                             out_shape)
    return pl.pallas_call(
        body,
        grid=(GRID,),
        in_specs=in_specs,
        out_specs=out_specs,
        out_shape=out_shape,
    )(*in_arrays)



def kernel(x, edge_index, enc_W, enc_b, W1, b1, W2, b2, W3, b3, W4, b4,
           dec_W, dec_b):
    ept_real = E // NW
    padt = EPT - ept_real
    src_pad = jnp.zeros((NW, padt), jnp.int32)
    dst_pad = jnp.broadcast_to(
        DUMMY + (jnp.arange(padt, dtype=jnp.int32) % (NROWS - N)), (NW, padt))
    srcR = jnp.concatenate(
        [edge_index[0].reshape(NW, ept_real), src_pad], axis=1).reshape(NW, B, K)
    dstR = jnp.concatenate(
        [edge_index[1].reshape(NW, ept_real), dst_pad], axis=1).reshape(NW, B, K)

    zeros_d = jnp.zeros((K, D), jnp.float32)
    zeros_w = jnp.zeros((K, DEGW), jnp.float32)
    ones_w = jnp.ones((K, DEGW), jnp.float32)

    edge_scatter, degree = _sc_kernels()
    deg_parts = degree(dstR, zeros_w, ones_w)

    f32 = jnp.float32
    g1, dinv = _tc_call(
        _enc_body,
        [x, deg_parts, enc_W, enc_b.reshape(1, D), W1],
        (jax.ShapeDtypeStruct((N, D), f32), jax.ShapeDtypeStruct((N, 1), f32)),
    )

    g = g1.reshape(N // 2, 2 * D)
    dinv_pk = jnp.repeat(dinv.reshape(N // 2, 2), D, axis=1)

    for b, Wn in ((b1, W2), (b2, W3), (b3, W4)):
        s_pk = edge_scatter(g.reshape(N, D), srcR, dstR,
                            zeros_d).reshape(NC, NROWS // 2, 2 * D)
        b_pk = jnp.tile(b, 2).reshape(1, 2 * D)
        g = _tc_call(
            _layer_body,
            [s_pk, g, dinv_pk, b_pk, Wn],
            jax.ShapeDtypeStruct((N // 2, 2 * D), f32),
        )

    s_pk = edge_scatter(g.reshape(N, D), srcR, dstR,
                        zeros_d).reshape(NC, NROWS // 2, 2 * D)
    out_pk = _tc_call(
        _final_body,
        [s_pk, g, dinv_pk, jnp.tile(b4, 2).reshape(1, 2 * D), dec_W,
         dec_b.reshape(1, D_OUT)],
        jax.ShapeDtypeStruct((N // 2, 2 * D_OUT), f32),
    )
    return out_pk.reshape(N, D_OUT)

# --- scband reference (transcript-rebuilt; emitter-appended) ---
"""Pipeline reference for scband-gcn-net-84593675862498 (READ-ONLY COPY).

The authoritative reference and input builder live on the scoring server;
editing this copy changes nothing except your own understanding.
"""

import jax, jax.numpy as jnp
import numpy as np

N = 10000
E = 320000
D_IN = 128
D_ENC = 64
D_HID = 64
D_OUT = 4


def _glorot(key, shape):
    fan_in, fan_out = shape[0], shape[1]
    scale = jnp.sqrt(2.0 / (fan_in + fan_out))
    return (jax.random.normal(key, shape, dtype=jnp.float32) * scale).astype(jnp.float32)


def setup_inputs(seed: int = 0) -> dict:
    key = jax.random.key(seed)
    ks = jax.random.split(key, 16)
    inp = {}
    inp["x"] = jax.random.normal(ks[0], (N, D_IN), dtype=jnp.float32)
    inp["edge_index"] = jax.random.randint(ks[1], (2, E), 0, N, dtype=jnp.int32)
    # encoder params: Linear(128 -> 64) + ReLU
    inp["enc_W"] = _glorot(ks[2], (D_IN, D_ENC))
    inp["enc_b"] = jnp.zeros((D_ENC,), dtype=jnp.float32)
    # GCNConv layers
    inp["W1"] = _glorot(ks[3], (D_ENC, D_HID))
    inp["b1"] = jnp.zeros((D_HID,), dtype=jnp.float32)
    inp["W2"] = _glorot(ks[4], (D_HID, D_HID))
    inp["b2"] = jnp.zeros((D_HID,), dtype=jnp.float32)
    inp["W3"] = _glorot(ks[5], (D_HID, D_HID))
    inp["b3"] = jnp.zeros((D_HID,), dtype=jnp.float32)
    inp["W4"] = _glorot(ks[6], (D_HID, D_HID))
    inp["b4"] = jnp.zeros((D_HID,), dtype=jnp.float32)
    # decoder params: Linear(64 -> 4)
    inp["dec_W"] = _glorot(ks[7], (D_HID, D_OUT))
    inp["dec_b"] = jnp.zeros((D_OUT,), dtype=jnp.float32)
    return inp


def _gcn_conv(h, src, dst, norm, W, b):
    # PyG GCNConv: h' = A_hat @ (h @ W) + b, with symmetric normalization
    h = h @ W
    msg = h[src] * norm[:, None]
    out = jnp.zeros((h.shape[0], h.shape[1]), dtype=h.dtype).at[dst].add(msg)
    return out + b


def reference(x, edge_index, enc_W, enc_b, W1, b1, W2, b2, W3, b3, W4, b4, dec_W, dec_b):
    num_nodes = x.shape[0]
    # add self loops (GCNConv default)
    loop = jnp.arange(num_nodes, dtype=edge_index.dtype)
    src = jnp.concatenate([edge_index[0], loop])
    dst = jnp.concatenate([edge_index[1], loop])
    deg = jnp.zeros((num_nodes,), dtype=jnp.float32).at[dst].add(1.0)
    dinv = jnp.where(deg > 0, deg ** -0.5, 0.0)
    norm = dinv[src] * dinv[dst]
    # encoder
    z = jax.nn.relu(x @ enc_W + enc_b)
    # 4 GCN layers with GELU
    z = jax.nn.gelu(_gcn_conv(z, src, dst, norm, W1, b1))
    z = jax.nn.gelu(_gcn_conv(z, src, dst, norm, W2, b2))
    z = jax.nn.gelu(_gcn_conv(z, src, dst, norm, W3, b3))
    z = jax.nn.gelu(_gcn_conv(z, src, dst, norm, W4, b4))
    # decoder
    z = z @ dec_W + dec_b
    return z

if __name__ == "__main__":
    import jax
    _d = setup_inputs()
    print(jax.jit(kernel)(*tuple(_d.values())))

</pallas_src>

<mosaic_0001>
#map = affine_map<(d0, d1) -> (0, 0, 0)>
#map1 = affine_map<(d0, d1) -> (0, 0)>
module attributes {stable_mosaic.version = 14 : i64} {
  func.func @_sc_degree_body(%arg0: i32, %arg1: i32, %arg2: memref<32x80x128xi32, #tpu.memory_space<hbm>>, %arg3: memref<128x16xf32, #tpu.memory_space<hbm>>, %arg4: memref<128x16xf32, #tpu.memory_space<hbm>>, %arg5: memref<2x10240x16xf32, #tpu.memory_space<hbm>>, %arg6: memref<10240x16xf32, #tpu.memory_space<vmem_shared>>, %arg7: memref<80x128xi32, #tpu.memory_space<vmem>>, %arg8: memref<128x16xf32, #tpu.memory_space<vmem>>, %arg9: memref<128x16xf32, #tpu.memory_space<vmem>>, %arg10: memref<!tpu.dma_semaphore, #tpu.memory_space<semaphore_mem>>) attributes {dimension_semantics = [#tpu.dimension_semantics<core_parallel>, #tpu.dimension_semantics<subcore_parallel>], iteration_bounds = array<i64: 2, 16>, scalar_prefetch = 0 : i64, scratch_operands = 5 : i64, tpu.core_type = #tpu.core_type<sc_vector_subcore>, window_params = [{transform_indices = #map}, {transform_indices = #map1}, {transform_indices = #map1}, {transform_indices = #map}]} {
    %mul3A = arith.constant 16 : i32
    %mul3A_0 = arith.muli %arg0, %mul3A : i32
    %add3A = arith.addi %mul3A_0, %arg1 : i32
    "tpu.region"() ({
      %run_scoped3A = tpu.sem_alloc : memref<!tpu.dma_semaphore, #tpu.memory_space<semaphore_mem>>
      tpu.enqueue_dma source(%arg3 : memref<128x16xf32, #tpu.memory_space<hbm>>) target(%arg9 : memref<128x16xf32, #tpu.memory_space<vmem>>) target_semaphore(%run_scoped3A : memref<!tpu.dma_semaphore, #tpu.memory_space<semaphore_mem>>)
      tpu.wait_dma2 semaphore(%run_scoped3A : memref<!tpu.dma_semaphore, #tpu.memory_space<semaphore_mem>>) src(%arg3 : memref<128x16xf32, #tpu.memory_space<hbm>>) dst(%arg9 : memref<128x16xf32, #tpu.memory_space<vmem>>)
      tpu.yield
    }) : () -> ()
    "tpu.region"() ({
      %run_scoped3A = tpu.sem_alloc : memref<!tpu.dma_semaphore, #tpu.memory_space<semaphore_mem>>
      tpu.enqueue_dma source(%arg4 : memref<128x16xf32, #tpu.memory_space<hbm>>) target(%arg8 : memref<128x16xf32, #tpu.memory_space<vmem>>) target_semaphore(%run_scoped3A : memref<!tpu.dma_semaphore, #tpu.memory_space<semaphore_mem>>)
      tpu.wait_dma2 semaphore(%run_scoped3A : memref<!tpu.dma_semaphore, #tpu.memory_space<semaphore_mem>>) src(%arg4 : memref<128x16xf32, #tpu.memory_space<hbm>>) dst(%arg8 : memref<128x16xf32, #tpu.memory_space<vmem>>)
      tpu.yield
    }) : () -> ()
    "tpu.region"() ({
      %run_scoped3A = tpu.sem_alloc : memref<!tpu.dma_semaphore, #tpu.memory_space<semaphore_mem>>
      %dma_start3A = arith.constant 0 : i32
      %dma_start3A_30 = arith.constant 0 : i32
      %dma_start3A_31 = tpu.memref_slice %arg2[%add3A, %dma_start3A, %dma_start3A_30] : memref<32x80x128xi32, #tpu.memory_space<hbm>> -> memref<1x80x128xi32, #tpu.memory_space<hbm>>
      %dma_start3A_32 = tpu.memref_squeeze %dma_start3A_31 : memref<1x80x128xi32, #tpu.memory_space<hbm>> -> memref<80x128xi32, #tpu.memory_space<hbm>>
      %dma_start3A_33 = arith.constant 0 : i32
      %dma_start3A_34 = arith.constant 0 : i32
      %dma_start3A_35 = tpu.memref_slice %arg2[%add3A, %dma_start3A_33, %dma_start3A_34] : memref<32x80x128xi32, #tpu.memory_space<hbm>> -> memref<1x80x128xi32, #tpu.memory_space<hbm>>
      %dma_start3A_36 = tpu.memref_squeeze %dma_start3A_35 : memref<1x80x128xi32, #tpu.memory_space<hbm>> -> memref<80x128xi32, #tpu.memory_space<hbm>>
      tpu.enqueue_dma source(%dma_start3A_36 : memref<80x128xi32, #tpu.memory_space<hbm>>) target(%arg7 : memref<80x128xi32, #tpu.memory_space<vmem>>) target_semaphore(%run_scoped3A : memref<!tpu.dma_semaphore, #tpu.memory_space<semaphore_mem>>)
      %dma_wait3A = arith.constant 0 : i32
      %dma_wait3A_37 = arith.constant 0 : i32
      %dma_wait3A_38 = tpu.memref_slice %arg2[%add3A, %dma_wait3A, %dma_wait3A_37] : memref<32x80x128xi32, #tpu.memory_space<hbm>> -> memref<1x80x128xi32, #tpu.memory_space<hbm>>
      %dma_wait3A_39 = tpu.memref_squeeze %dma_wait3A_38 : memref<1x80x128xi32, #tpu.memory_space<hbm>> -> memref<80x128xi32, #tpu.memory_space<hbm>>
      %dma_wait3A_40 = arith.constant 0 : i32
      %dma_wait3A_41 = arith.constant 0 : i32
      %dma_wait3A_42 = tpu.memref_slice %arg2[%add3A, %dma_wait3A_40, %dma_wait3A_41] : memref<32x80x128xi32, #tpu.memory_space<hbm>> -> memref<1x80x128xi32, #tpu.memory_space<hbm>>
      %dma_wait3A_43 = tpu.memref_squeeze %dma_wait3A_42 : memref<1x80x128xi32, #tpu.memory_space<hbm>> -> memref<80x128xi32, #tpu.memory_space<hbm>>
      tpu.wait_dma2 semaphore(%run_scoped3A : memref<!tpu.dma_semaphore, #tpu.memory_space<semaphore_mem>>) src(%dma_wait3A_43 : memref<80x128xi32, #tpu.memory_space<hbm>>) dst(%arg7 : memref<80x128xi32, #tpu.memory_space<vmem>>)
      tpu.yield
    }) : () -> ()
    %mul3A_1 = arith.constant 640 : i32
    %mul3A_2 = arith.muli %arg1, %mul3A_1 : i32
    %add3A_3 = arith.constant 0 : i32
    %add3A_4 = arith.addi %mul3A_2, %add3A_3 : i32
    "tpu.region"() ({
      %run_scoped3A = tpu.sem_alloc : memref<!tpu.dma_semaphore, #tpu.memory_space<semaphore_mem>>
      %dma_start3A = arith.constant 0 : i32
      %dma_start3A_30 = tpu.memref_slice %arg6[%add3A_4, %dma_start3A] : memref<10240x16xf32, #tpu.memory_space<vmem_shared>> -> memref<128x16xf32, #tpu.memory_space<vmem_shared>>
      %dma_start3A_31 = arith.constant 0 : i32
      %dma_start3A_32 = tpu.memref_slice %arg6[%add3A_4, %dma_start3A_31] : memref<10240x16xf32, #tpu.memory_space<vmem_shared>> -> memref<128x16xf32, #tpu.memory_space<vmem_shared>>
      tpu.enqueue_dma source(%arg9 : memref<128x16xf32, #tpu.memory_space<vmem>>) target(%dma_start3A_32 : memref<128x16xf32, #tpu.memory_space<vmem_shared>>) target_semaphore(%run_scoped3A : memref<!tpu.dma_semaphore, #tpu.memory_space<semaphore_mem>>)
      %dma_wait3A = arith.constant 0 : i32
      %dma_wait3A_33 = tpu.memref_slice %arg6[%add3A_4, %dma_wait3A] : memref<10240x16xf32, #tpu.memory_space<vmem_shared>> -> memref<128x16xf32, #tpu.memory_space<vmem_shared>>
      %dma_wait3A_34 = arith.constant 0 : i32
      %dma_wait3A_35 = tpu.memref_slice %arg6[%add3A_4, %dma_wait3A_34] : memref<10240x16xf32, #tpu.memory_space<vmem_shared>> -> memref<128x16xf32, #tpu.memory_space<vmem_shared>>
      tpu.wait_dma2 semaphore(%run_scoped3A : memref<!tpu.dma_semaphore, #tpu.memory_space<semaphore_mem>>) src(%arg9 : memref<128x16xf32, #tpu.memory_space<vmem>>) dst(%dma_wait3A_35 : memref<128x16xf32, #tpu.memory_space<vmem_shared>>)
      tpu.yield
    }) : () -> ()
    %mul3A_5 = arith.constant 640 : i32
    %mul3A_6 = arith.muli %arg1, %mul3A_5 : i32
    %add3A_7 = arith.constant 128 : i32
    %add3A_8 = arith.addi %mul3A_6, %add3A_7 : i32
    "tpu.region"() ({
      %run_scoped3A = tpu.sem_alloc : memref<!tpu.dma_semaphore, #tpu.memory_space<semaphore_mem>>
      %dma_start3A = arith.constant 0 : i32
      %dma_start3A_30 = tpu.memref_slice %arg6[%add3A_8, %dma_start3A] : memref<10240x16xf32, #tpu.memory_space<vmem_shared>> -> memref<128x16xf32, #tpu.memory_space<vmem_shared>>
      %dma_start3A_31 = arith.constant 0 : i32
      %dma_start3A_32 = tpu.memref_slice %arg6[%add3A_8, %dma_start3A_31] : memref<10240x16xf32, #tpu.memory_space<vmem_shared>> -> memref<128x16xf32, #tpu.memory_space<vmem_shared>>
      tpu.enqueue_dma source(%arg9 : memref<128x16xf32, #tpu.memory_space<vmem>>) target(%dma_start3A_32 : memref<128x16xf32, #tpu.memory_space<vmem_shared>>) target_semaphore(%run_scoped3A : memref<!tpu.dma_semaphore, #tpu.memory_space<semaphore_mem>>)
      %dma_wait3A = arith.constant 0 : i32
      %dma_wait3A_33 = tpu.memref_slice %arg6[%add3A_8, %dma_wait3A] : memref<10240x16xf32, #tpu.memory_space<vmem_shared>> -> memref<128x16xf32, #tpu.memory_space<vmem_shared>>
      %dma_wait3A_34 = arith.constant 0 : i32
      %dma_wait3A_35 = tpu.memref_slice %arg6[%add3A_8, %dma_wait3A_34] : memref<10240x16xf32, #tpu.memory_space<vmem_shared>> -> memref<128x16xf32, #tpu.memory_space<vmem_shared>>
      tpu.wait_dma2 semaphore(%run_scoped3A : memref<!tpu.dma_semaphore, #tpu.memory_space<semaphore_mem>>) src(%arg9 : memref<128x16xf32, #tpu.memory_space<vmem>>) dst(%dma_wait3A_35 : memref<128x16xf32, #tpu.memory_space<vmem_shared>>)
      tpu.yield
    }) : () -> ()
    %mul3A_9 = arith.constant 640 : i32
    %mul3A_10 = arith.muli %arg1, %mul3A_9 : i32
    %add3A_11 = arith.constant 256 : i32
    %add3A_12 = arith.addi %mul3A_10, %add3A_11 : i32
    "tpu.region"() ({
      %run_scoped3A = tpu.sem_alloc : memref<!tpu.dma_semaphore, #tpu.memory_space<semaphore_mem>>
      %dma_start3A = arith.constant 0 : i32
      %dma_start3A_30 = tpu.memref_slice %arg6[%add3A_12, %dma_start3A] : memref<10240x16xf32, #tpu.memory_space<vmem_shared>> -> memref<128x16xf32, #tpu.memory_space<vmem_shared>>
      %dma_start3A_31 = arith.constant 0 : i32
      %dma_start3A_32 = tpu.memref_slice %arg6[%add3A_12, %dma_start3A_31] : memref<10240x16xf32, #tpu.memory_space<vmem_shared>> -> memref<128x16xf32, #tpu.memory_space<vmem_shared>>
      tpu.enqueue_dma source(%arg9 : memref<128x16xf32, #tpu.memory_space<vmem>>) target(%dma_start3A_32 : memref<128x16xf32, #tpu.memory_space<vmem_shared>>) target_semaphore(%run_scoped3A : memref<!tpu.dma_semaphore, #tpu.memory_space<semaphore_mem>>)
      %dma_wait3A = arith.constant 0 : i32
      %dma_wait3A_33 = tpu.memref_slice %arg6[%add3A_12, %dma_wait3A] : memref<10240x16xf32, #tpu.memory_space<vmem_shared>> -> memref<128x16xf32, #tpu.memory_space<vmem_shared>>
      %dma_wait3A_34 = arith.constant 0 : i32
      %dma_wait3A_35 = tpu.memref_slice %arg6[%add3A_12, %dma_wait3A_34] : memref<10240x16xf32, #tpu.memory_space<vmem_shared>> -> memref<128x16xf32, #tpu.memory_space<vmem_shared>>
      tpu.wait_dma2 semaphore(%run_scoped3A : memref<!tpu.dma_semaphore, #tpu.memory_space<semaphore_mem>>) src(%arg9 : memref<128x16xf32, #tpu.memory_space<vmem>>) dst(%dma_wait3A_35 : memref<128x16xf32, #tpu.memory_space<vmem_shared>>)
      tpu.yield
    }) : () -> ()
    %mul3A_13 = arith.constant 640 : i32
    %mul3A_14 = arith.muli %arg1, %mul3A_13 : i32
    %add3A_15 = arith.constant 384 : i32
    %add3A_16 = arith.addi %mul3A_14, %add3A_15 : i32
    "tpu.region"() ({
      %run_scoped3A = tpu.sem_alloc : memref<!tpu.dma_semaphore, #tpu.memory_space<semaphore_mem>>
      %dma_start3A = arith.constant 0 : i32
      %dma_start3A_30 = tpu.memref_slice %arg6[%add3A_16, %dma_start3A] : memref<10240x16xf32, #tpu.memory_space<vmem_shared>> -> memref<128x16xf32, #tpu.memory_space<vmem_shared>>
      %dma_start3A_31 = arith.constant 0 : i32
      %dma_start3A_32 = tpu.memref_slice %arg6[%add3A_16, %dma_start3A_31] : memref<10240x16xf32, #tpu.memory_space<vmem_shared>> -> memref<128x16xf32, #tpu.memory_space<vmem_shared>>
      tpu.enqueue_dma source(%arg9 : memref<128x16xf32, #tpu.memory_space<vmem>>) target(%dma_start3A_32 : memref<128x16xf32, #tpu.memory_space<vmem_shared>>) target_semaphore(%run_scoped3A : memref<!tpu.dma_semaphore, #tpu.memory_space<semaphore_mem>>)
      %dma_wait3A = arith.constant 0 : i32
      %dma_wait3A_33 = tpu.memref_slice %arg6[%add3A_16, %dma_wait3A] : memref<10240x16xf32, #tpu.memory_space<vmem_shared>> -> memref<128x16xf32, #tpu.memory_space<vmem_shared>>
      %dma_wait3A_34 = arith.constant 0 : i32
      %dma_wait3A_35 = tpu.memref_slice %arg6[%add3A_16, %dma_wait3A_34] : memref<10240x16xf32, #tpu.memory_space<vmem_shared>> -> memref<128x16xf32, #tpu.memory_space<vmem_shared>>
      tpu.wait_dma2 semaphore(%run_scoped3A : memref<!tpu.dma_semaphore, #tpu.memory_space<semaphore_mem>>) src(%arg9 : memref<128x16xf32, #tpu.memory_space<vmem>>) dst(%dma_wait3A_35 : memref<128x16xf32, #tpu.memory_space<vmem_shared>>)
      tpu.yield
    }) : () -> ()
    %mul3A_17 = arith.constant 640 : i32
    %mul3A_18 = arith.muli %arg1, %mul3A_17 : i32
    %add3A_19 = arith.constant 512 : i32
    %add3A_20 = arith.addi %mul3A_18, %add3A_19 : i32
    "tpu.region"() ({
      %run_scoped3A = tpu.sem_alloc : memref<!tpu.dma_semaphore, #tpu.memory_space<semaphore_mem>>
      %dma_start3A = arith.constant 0 : i32
      %dma_start3A_30 = tpu.memref_slice %arg6[%add3A_20, %dma_start3A] : memref<10240x16xf32, #tpu.memory_space<vmem_shared>> -> memref<128x16xf32, #tpu.memory_space<vmem_shared>>
      %dma_start3A_31 = arith.constant 0 : i32
      %dma_start3A_32 = tpu.memref_slice %arg6[%add3A_20, %dma_start3A_31] : memref<10240x16xf32, #tpu.memory_space<vmem_shared>> -> memref<128x16xf32, #tpu.memory_space<vmem_shared>>
      tpu.enqueue_dma source(%arg9 : memref<128x16xf32, #tpu.memory_space<vmem>>) target(%dma_start3A_32 : memref<128x16xf32, #tpu.memory_space<vmem_shared>>) target_semaphore(%run_scoped3A : memref<!tpu.dma_semaphore, #tpu.memory_space<semaphore_mem>>)
      %dma_wait3A = arith.constant 0 : i32
      %dma_wait3A_33 = tpu.memref_slice %arg6[%add3A_20, %dma_wait3A] : memref<10240x16xf32, #tpu.memory_space<vmem_shared>> -> memref<128x16xf32, #tpu.memory_space<vmem_shared>>
      %dma_wait3A_34 = arith.constant 0 : i32
      %dma_wait3A_35 = tpu.memref_slice %arg6[%add3A_20, %dma_wait3A_34] : memref<10240x16xf32, #tpu.memory_space<vmem_shared>> -> memref<128x16xf32, #tpu.memory_space<vmem_shared>>
      tpu.wait_dma2 semaphore(%run_scoped3A : memref<!tpu.dma_semaphore, #tpu.memory_space<semaphore_mem>>) src(%arg9 : memref<128x16xf32, #tpu.memory_space<vmem>>) dst(%dma_wait3A_35 : memref<128x16xf32, #tpu.memory_space<vmem_shared>>)
      tpu.yield
    }) : () -> ()
    %barrier3A = arith.constant 0 : index
    tpu.barrier barrier_id(%barrier3A)
    %scan3A = arith.constant 0 : i32
    %scan3A_21 = arith.constant 10 : i32
    %scan3A_22 = arith.addi %scan3A, %scan3A_21 : i32
    %scan3A_23 = arith.constant 1 : i32
    scf.for %scan3A_30 = %scan3A to %scan3A_22 step %scan3A_23  : i32 {
      %mul3A_31 = arith.constant 1 : i32
      %mul3A_32 = arith.muli %scan3A_30, %mul3A_31 : i32
      %add3A_33 = arith.constant 0 : i32
      %add3A_34 = arith.addi %add3A_33, %mul3A_32 : i32
      %mul3A_35 = arith.constant 8 : i32
      %mul3A_36 = arith.muli %add3A_34, %mul3A_35 : i32
      %add3A_37 = arith.constant 0 : i32
      %add3A_38 = arith.addi %mul3A_36, %add3A_37 : i32
      %dma_start3A = arith.constant 0 : i32
      %dma_start3A_39 = tpu.memref_slice %arg7[%add3A_38, %dma_start3A] : memref<80x128xi32, #tpu.memory_space<vmem>> -> memref<1x128xi32, #tpu.memory_space<vmem>>
      %dma_start3A_40 = tpu.memref_squeeze %dma_start3A_39 : memref<1x128xi32, #tpu.memory_space<vmem>> -> memref<128xi32, #tpu.memory_space<vmem>>
      %dma_start3A_41 = arith.constant 0 : i32
      %dma_start3A_42 = arith.constant 0 : i32
      %dma_start3A_43 = tpu.memref_slice %arg6[%dma_start3A_41, %dma_start3A_42] : memref<10240x16xf32, #tpu.memory_space<vmem_shared>> -> memref<10240x16xf32, #tpu.memory_space<vmem_shared>>
      tpu.enqueue_indirect_dma source(%arg8 : memref<128x16xf32, #tpu.memory_space<vmem>>) target(%dma_start3A_43 : memref<10240x16xf32, #tpu.memory_space<vmem_shared>>) offsets(%dma_start3A_40 : memref<128xi32, #tpu.memory_space<vmem>>) semaphore(%arg10 : memref<!tpu.dma_semaphore, #tpu.memory_space<semaphore_mem>>) {add = true}
      %mul3A_44 = arith.constant 8 : i32
      %mul3A_45 = arith.muli %add3A_34, %mul3A_44 : i32
      %add3A_46 = arith.constant 1 : i32
      %add3A_47 = arith.addi %mul3A_45, %add3A_46 : i32
      %dma_start3A_48 = arith.constant 0 : i32
      %dma_start3A_49 = tpu.memref_slice %arg7[%add3A_47, %dma_start3A_48] : memref<80x128xi32, #tpu.memory_space<vmem>> -> memref<1x128xi32, #tpu.memory_space<vmem>>
      %dma_start3A_50 = tpu.memref_squeeze %dma_start3A_49 : memref<1x128xi32, #tpu.memory_space<vmem>> -> memref<128xi32, #tpu.memory_space<vmem>>
      %dma_start3A_51 = arith.constant 0 : i32
      %dma_start3A_52 = arith.constant 0 : i32
      %dma_start3A_53 = tpu.memref_slice %arg6[%dma_start3A_51, %dma_start3A_52] : memref<10240x16xf32, #tpu.memory_space<vmem_shared>> -> memref<10240x16xf32, #tpu.memory_space<vmem_shared>>
      tpu.enqueue_indirect_dma source(%arg8 : memref<128x16xf32, #tpu.memory_space<vmem>>) target(%dma_start3A_53 : memref<10240x16xf32, #tpu.memory_space<vmem_shared>>) offsets(%dma_start3A_50 : memref<128xi32, #tpu.memory_space<vmem>>) semaphore(%arg10 : memref<!tpu.dma_semaphore, #tpu.memory_space<semaphore_mem>>) {add = true}
      %mul3A_54 = arith.constant 8 : i32
      %mul3A_55 = arith.muli %add3A_34, %mul3A_54 : i32
      %add3A_56 = arith.constant 2 : i32
      %add3A_57 = arith.addi %mul3A_55, %add3A_56 : i32
      %dma_start3A_58 = arith.constant 0 : i32
      %dma_start3A_59 = tpu.memref_slice %arg7[%add3A_57, %dma_start3A_58] : memref<80x128xi32, #tpu.memory_space<vmem>> -> memref<1x128xi32, #tpu.memory_space<vmem>>
      %dma_start3A_60 = tpu.memref_squeeze %dma_start3A_59 : memref<1x128xi32, #tpu.memory_space<vmem>> -> memref<128xi32, #tpu.memory_space<vmem>>
      %dma_start3A_61 = arith.constant 0 : i32
      %dma_start3A_62 = arith.constant 0 : i32
      %dma_start3A_63 = tpu.memref_slice %arg6[%dma_start3A_61, %dma_start3A_62] : memref<10240x16xf32, #tpu.memory_space<vmem_shared>> -> memref<10240x16xf32, #tpu.memory_space<vmem_shared>>
      tpu.enqueue_indirect_dma source(%arg8 : memref<128x16xf32, #tpu.memory_space<vmem>>) target(%dma_start3A_63 : memref<10240x16xf32, #tpu.memory_space<vmem_shared>>) offsets(%dma_start3A_60 : memref<128xi32, #tpu.memory_space<vmem>>) semaphore(%arg10 : memref<!tpu.dma_semaphore, #tpu.memory_space<semaphore_mem>>) {add = true}
      %mul3A_64 = arith.constant 8 : i32
      %mul3A_65 = arith.muli %add3A_34, %mul3A_64 : i32
      %add3A_66 = arith.constant 3 : i32
      %add3A_67 = arith.addi %mul3A_65, %add3A_66 : i32
      %dma_start3A_68 = arith.constant 0 : i32
      %dma_start3A_69 = tpu.memref_slice %arg7[%add3A_67, %dma_start3A_68] : memref<80x128xi32, #tpu.memory_space<vmem>> -> memref<1x128xi32, #tpu.memory_space<vmem>>
      %dma_start3A_70 = tpu.memref_squeeze %dma_start3A_69 : memref<1x128xi32, #tpu.memory_space<vmem>> -> memref<128xi32, #tpu.memory_space<vmem>>
      %dma_start3A_71 = arith.constant 0 : i32
      %dma_start3A_72 = arith.constant 0 : i32
      %dma_start3A_73 = tpu.memref_slice %arg6[%dma_start3A_71, %dma_start3A_72] : memref<10240x16xf32, #tpu.memory_space<vmem_shared>> -> memref<10240x16xf32, #tpu.memory_space<vmem_shared>>
      tpu.enqueue_indirect_dma source(%arg8 : memref<128x16xf32, #tpu.memory_space<vmem>>) target(%dma_start3A_73 : memref<10240x16xf32, #tpu.memory_space<vmem_shared>>) offsets(%dma_start3A_70 : memref<128xi32, #tpu.memory_space<vmem>>) semaphore(%arg10 : memref<!tpu.dma_semaphore, #tpu.memory_space<semaphore_mem>>) {add = true}
      %mul3A_74 = arith.constant 8 : i32
      %mul3A_75 = arith.muli %add3A_34, %mul3A_74 : i32
      %add3A_76 = arith.constant 4 : i32
      %add3A_77 = arith.addi %mul3A_75, %add3A_76 : i32
      %dma_start3A_78 = arith.constant 0 : i32
      %dma_start3A_79 = tpu.memref_slice %arg7[%add3A_77, %dma_start3A_78] : memref<80x128xi32, #tpu.memory_space<vmem>> -> memref<1x128xi32, #tpu.memory_space<vmem>>
      %dma_start3A_80 = tpu.memref_squeeze %dma_start3A_79 : memref<1x128xi32, #tpu.memory_space<vmem>> -> memref<128xi32, #tpu.memory_space<vmem>>
      %dma_start3A_81 = arith.constant 0 : i32
      %dma_start3A_82 = arith.constant 0 : i32
      %dma_start3A_83 = tpu.memref_slice %arg6[%dma_start3A_81, %dma_start3A_82] : memref<10240x16xf32, #tpu.memory_space<vmem_shared>> -> memref<10240x16xf32, #tpu.memory_space<vmem_shared>>
      tpu.enqueue_indirect_dma source(%arg8 : memref<128x16xf32, #tpu.memory_space<vmem>>) target(%dma_start3A_83 : memref<10240x16xf32, #tpu.memory_space<vmem_shared>>) offsets(%dma_start3A_80 : memref<128xi32, #tpu.memory_space<vmem>>) semaphore(%arg10 : memref<!tpu.dma_semaphore, #tpu.memory_space<semaphore_mem>>) {add = true}
      %mul3A_84 = arith.constant 8 : i32
      %mul3A_85 = arith.muli %add3A_34, %mul3A_84 : i32
      %add3A_86 = arith.constant 5 : i32
      %add3A_87 = arith.addi %mul3A_85, %add3A_86 : i32
      %dma_start3A_88 = arith.constant 0 : i32
      %dma_start3A_89 = tpu.memref_slice %arg7[%add3A_87, %dma_start3A_88] : memref<80x128xi32, #tpu.memory_space<vmem>> -> memref<1x128xi32, #tpu.memory_space<vmem>>
      %dma_start3A_90 = tpu.memref_squeeze %dma_start3A_89 : memref<1x128xi32, #tpu.memory_space<vmem>> -> memref<128xi32, #tpu.memory_space<vmem>>
      %dma_start3A_91 = arith.constant 0 : i32
      %dma_start3A_92 = arith.constant 0 : i32
      %dma_start3A_93 = tpu.memref_slice %arg6[%dma_start3A_91, %dma_start3A_92] : memref<10240x16xf32, #tpu.memory_space<vmem_shared>> -> memref<10240x16xf32, #tpu.memory_space<vmem_shared>>
      tpu.enqueue_indirect_dma source(%arg8 : memref<128x16xf32, #tpu.memory_space<vmem>>) target(%dma_start3A_93 : memref<10240x16xf32, #tpu.memory_space<vmem_shared>>) offsets(%dma_start3A_90 : memref<128xi32, #tpu.memory_space<vmem>>) semaphore(%arg10 : memref<!tpu.dma_semaphore, #tpu.memory_space<semaphore_mem>>) {add = true}
      %mul3A_94 = arith.constant 8 : i32
      %mul3A_95 = arith.muli %add3A_34, %mul3A_94 : i32
      %add3A_96 = arith.constant 6 : i32
      %add3A_97 = arith.addi %mul3A_95, %add3A_96 : i32
      %dma_start3A_98 = arith.constant 0 : i32
      %dma_start3A_99 = tpu.memref_slice %arg7[%add3A_97, %dma_start3A_98] : memref<80x128xi32, #tpu.memory_space<vmem>> -> memref<1x128xi32, #tpu.memory_space<vmem>>
      %dma_start3A_100 = tpu.memref_squeeze %dma_start3A_99 : memref<1x128xi32, #tpu.memory_space<vmem>> -> memref<128xi32, #tpu.memory_space<vmem>>
      %dma_start3A_101 = arith.constant 0 : i32
      %dma_start3A_102 = arith.constant 0 : i32
      %dma_start3A_103 = tpu.memref_slice %arg6[%dma_start3A_101, %dma_start3A_102] : memref<10240x16xf32, #tpu.memory_space<vmem_shared>> -> memref<10240x16xf32, #tpu.memory_space<vmem_shared>>
      tpu.enqueue_indirect_dma source(%arg8 : memref<128x16xf32, #tpu.memory_space<vmem>>) target(%dma_start3A_103 : memref<10240x16xf32, #tpu.memory_space<vmem_shared>>) offsets(%dma_start3A_100 : memref<128xi32, #tpu.memory_space<vmem>>) semaphore(%arg10 : memref<!tpu.dma_semaphore, #tpu.memory_space<semaphore_mem>>) {add = true}
      %mul3A_104 = arith.constant 8 : i32
      %mul3A_105 = arith.muli %add3A_34, %mul3A_104 : i32
      %add3A_106 = arith.constant 7 : i32
      %add3A_107 = arith.addi %mul3A_105, %add3A_106 : i32
      %dma_start3A_108 = arith.constant 0 : i32
      %dma_start3A_109 = tpu.memref_slice %arg7[%add3A_107, %dma_start3A_108] : memref<80x128xi32, #tpu.memory_space<vmem>> -> memref<1x128xi32, #tpu.memory_space<vmem>>
      %dma_start3A_110 = tpu.memref_squeeze %dma_start3A_109 : memref<1x128xi32, #tpu.memory_space<vmem>> -> memref<128xi32, #tpu.memory_space<vmem>>
      %dma_start3A_111 = arith.constant 0 : i32
      %dma_start3A_112 = arith.constant 0 : i32
      %dma_start3A_113 = tpu.memref_slice %arg6[%dma_start3A_111, %dma_start3A_112] : memref<10240x16xf32, #tpu.memory_space<vmem_shared>> -> memref<10240x16xf32, #tpu.memory_space<vmem_shared>>
      tpu.enqueue_indirect_dma source(%arg8 : memref<128x16xf32, #tpu.memory_space<vmem>>) target(%dma_start3A_113 : memref<10240x16xf32, #tpu.memory_space<vmem_shared>>) offsets(%dma_start3A_110 : memref<128xi32, #tpu.memory_space<vmem>>) semaphore(%arg10 : memref<!tpu.dma_semaphore, #tpu.memory_space<semaphore_mem>>) {add = true}
      %dma_wait3A = arith.constant 0 : i32
      %dma_wait3A_114 = arith.constant 0 : i32
      %dma_wait3A_115 = tpu.memref_slice %arg7[%dma_wait3A, %dma_wait3A_114] : memref<80x128xi32, #tpu.memory_space<vmem>> -> memref<1x128xi32, #tpu.memory_space<vmem>>
      %dma_wait3A_116 = tpu.memref_squeeze %dma_wait3A_115 : memref<1x128xi32, #tpu.memory_space<vmem>> -> memref<128xi32, #tpu.memory_space<vmem>>
      %dma_wait3A_117 = arith.constant 0 : i32
      %dma_wait3A_118 = arith.constant 0 : i32
      %dma_wait3A_119 = tpu.memref_slice %arg6[%dma_wait3A_117, %dma_wait3A_118] : memref<10240x16xf32, #tpu.memory_space<vmem_shared>> -> memref<10240x16xf32, #tpu.memory_space<vmem_shared>>
      tpu.wait_indirect_dma semaphore(%arg10 : memref<!tpu.dma_semaphore, #tpu.memory_space<semaphore_mem>>) src(%arg8 : memref<128x16xf32, #tpu.memory_space<vmem>>) dst(%dma_wait3A_119 : memref<10240x16xf32, #tpu.memory_space<vmem_shared>>)
      %dma_wait3A_120 = arith.constant 0 : i32
      %dma_wait3A_121 = arith.constant 0 : i32
      %dma_wait3A_122 = tpu.memref_slice %arg7[%dma_wait3A_120, %dma_wait3A_121] : memref<80x128xi32, #tpu.memory_space<vmem>> -> memref<1x128xi32, #tpu.memory_space<vmem>>
      %dma_wait3A_123 = tpu.memref_squeeze %dma_wait3A_122 : memref<1x128xi32, #tpu.memory_space<vmem>> -> memref<128xi32, #tpu.memory_space<vmem>>
      %dma_wait3A_124 = arith.constant 0 : i32
      %dma_wait3A_125 = arith.constant 0 : i32
      %dma_wait3A_126 = tpu.memref_slice %arg6[%dma_wait3A_124, %dma_wait3A_125] : memref<10240x16xf32, #tpu.memory_space<vmem_shared>> -> memref<10240x16xf32, #tpu.memory_space<vmem_shared>>
      tpu.wait_indirect_dma semaphore(%arg10 : memref<!tpu.dma_semaphore, #tpu.memory_space<semaphore_mem>>) src(%arg8 : memref<128x16xf32, #tpu.memory_space<vmem>>) dst(%dma_wait3A_126 : memref<10240x16xf32, #tpu.memory_space<vmem_shared>>)
      %dma_wait3A_127 = arith.constant 0 : i32
      %dma_wait3A_128 = arith.constant 0 : i32
      %dma_wait3A_129 = tpu.memref_slice %arg7[%dma_wait3A_127, %dma_wait3A_128] : memref<80x128xi32, #tpu.memory_space<vmem>> -> memref<1x128xi32, #tpu.memory_space<vmem>>
      %dma_wait3A_130 = tpu.memref_squeeze %dma_wait3A_129 : memref<1x128xi32, #tpu.memory_space<vmem>> -> memref<128xi32, #tpu.memory_space<vmem>>
      %dma_wait3A_131 = arith.constant 0 : i32
      %dma_wait3A_132 = arith.constant 0 : i32
      %dma_wait3A_133 = tpu.memref_slice %arg6[%dma_wait3A_131, %dma_wait3A_132] : memref<10240x16xf32, #tpu.memory_space<vmem_shared>> -> memref<10240x16xf32, #tpu.memory_space<vmem_shared>>
      tpu.wait_indirect_dma semaphore(%arg10 : memref<!tpu.dma_semaphore, #tpu.memory_space<semaphore_mem>>) src(%arg8 : memref<128x16xf32, #tpu.memory_space<vmem>>) dst(%dma_wait3A_133 : memref<10240x16xf32, #tpu.memory_space<vmem_shared>>)
      %dma_wait3A_134 = arith.constant 0 : i32
      %dma_wait3A_135 = arith.constant 0 : i32
      %dma_wait3A_136 = tpu.memref_slice %arg7[%dma_wait3A_134, %dma_wait3A_135] : memref<80x128xi32, #tpu.memory_space<vmem>> -> memref<1x128xi32, #tpu.memory_space<vmem>>
      %dma_wait3A_137 = tpu.memref_squeeze %dma_wait3A_136 : memref<1x128xi32, #tpu.memory_space<vmem>> -> memref<128xi32, #tpu.memory_space<vmem>>
      %dma_wait3A_138 = arith.constant 0 : i32
      %dma_wait3A_139 = arith.constant 0 : i32
      %dma_wait3A_140 = tpu.memref_slice %arg6[%dma_wait3A_138, %dma_wait3A_139] : memref<10240x16xf32, #tpu.memory_space<vmem_shared>> -> memref<10240x16xf32, #tpu.memory_space<vmem_shared>>
      tpu.wait_indirect_dma semaphore(%arg10 : memref<!tpu.dma_semaphore, #tpu.memory_space<semaphore_mem>>) src(%arg8 : memref<128x16xf32, #tpu.memory_space<vmem>>) dst(%dma_wait3A_140 : memref<10240x16xf32, #tpu.memory_space<vmem_shared>>)
      %dma_wait3A_141 = arith.constant 0 : i32
      %dma_wait3A_142 = arith.constant 0 : i32
      %dma_wait3A_143 = tpu.memref_slice %arg7[%dma_wait3A_141, %dma_wait3A_142] : memref<80x128xi32, #tpu.memory_space<vmem>> -> memref<1x128xi32, #tpu.memory_space<vmem>>
      %dma_wait3A_144 = tpu.memref_squeeze %dma_wait3A_143 : memref<1x128xi32, #tpu.memory_space<vmem>> -> memref<128xi32, #tpu.memory_space<vmem>>
      %dma_wait3A_145 = arith.constant 0 : i32
      %dma_wait3A_146 = arith.constant 0 : i32
      %dma_wait3A_147 = tpu.memref_slice %arg6[%dma_wait3A_145, %dma_wait3A_146] : memref<10240x16xf32, #tpu.memory_space<vmem_shared>> -> memref<10240x16xf32, #tpu.memory_space<vmem_shared>>
      tpu.wait_indirect_dma semaphore(%arg10 : memref<!tpu.dma_semaphore, #tpu.memory_space<semaphore_mem>>) src(%arg8 : memref<128x16xf32, #tpu.memory_space<vmem>>) dst(%dma_wait3A_147 : memref<10240x16xf32, #tpu.memory_space<vmem_shared>>)
      %dma_wait3A_148 = arith.constant 0 : i32
      %dma_wait3A_149 = arith.constant 0 : i32
      %dma_wait3A_150 = tpu.memref_slice %arg7[%dma_wait3A_148, %dma_wait3A_149] : memref<80x128xi32, #tpu.memory_space<vmem>> -> memref<1x128xi32, #tpu.memory_space<vmem>>
      %dma_wait3A_151 = tpu.memref_squeeze %dma_wait3A_150 : memref<1x128xi32, #tpu.memory_space<vmem>> -> memref<128xi32, #tpu.memory_space<vmem>>
      %dma_wait3A_152 = arith.constant 0 : i32
      %dma_wait3A_153 = arith.constant 0 : i32
      %dma_wait3A_154 = tpu.memref_slice %arg6[%dma_wait3A_152, %dma_wait3A_153] : memref<10240x16xf32, #tpu.memory_space<vmem_shared>> -> memref<10240x16xf32, #tpu.memory_space<vmem_shared>>
      tpu.wait_indirect_dma semaphore(%arg10 : memref<!tpu.dma_semaphore, #tpu.memory_space<semaphore_mem>>) src(%arg8 : memref<128x16xf32, #tpu.memory_space<vmem>>) dst(%dma_wait3A_154 : memref<10240x16xf32, #tpu.memory_space<vmem_shared>>)
      %dma_wait3A_155 = arith.constant 0 : i32
      %dma_wait3A_156 = arith.constant 0 : i32
      %dma_wait3A_157 = tpu.memref_slice %arg7[%dma_wait3A_155, %dma_wait3A_156] : memref<80x128xi32, #tpu.memory_space<vmem>> -> memref<1x128xi32, #tpu.memory_space<vmem>>
      %dma_wait3A_158 = tpu.memref_squeeze %dma_wait3A_157 : memref<1x128xi32, #tpu.memory_space<vmem>> -> memref<128xi32, #tpu.memory_space<vmem>>
      %dma_wait3A_159 = arith.constant 0 : i32
      %dma_wait3A_160 = arith.constant 0 : i32
      %dma_wait3A_161 = tpu.memref_slice %arg6[%dma_wait3A_159, %dma_wait3A_160] : memref<10240x16xf32, #tpu.memory_space<vmem_shared>> -> memref<10240x16xf32, #tpu.memory_space<vmem_shared>>
      tpu.wait_indirect_dma semaphore(%arg10 : memref<!tpu.dma_semaphore, #tpu.memory_space<semaphore_mem>>) src(%arg8 : memref<128x16xf32, #tpu.memory_space<vmem>>) dst(%dma_wait3A_161 : memref<10240x16xf32, #tpu.memory_space<vmem_shared>>)
      %dma_wait3A_162 = arith.constant 0 : i32
      %dma_wait3A_163 = arith.constant 0 : i32
      %dma_wait3A_164 = tpu.memref_slice %arg7[%dma_wait3A_162, %dma_wait3A_163] : memref<80x128xi32, #tpu.memory_space<vmem>> -> memref<1x128xi32, #tpu.memory_space<vmem>>
      %dma_wait3A_165 = tpu.memref_squeeze %dma_wait3A_164 : memref<1x128xi32, #tpu.memory_space<vmem>> -> memref<128xi32, #tpu.memory_space<vmem>>
      %dma_wait3A_166 = arith.constant 0 : i32
      %dma_wait3A_167 = arith.constant 0 : i32
      %dma_wait3A_168 = tpu.memref_slice %arg6[%dma_wait3A_166, %dma_wait3A_167] : memref<10240x16xf32, #tpu.memory_space<vmem_shared>> -> memref<10240x16xf32, #tpu.memory_space<vmem_shared>>
      tpu.wait_indirect_dma semaphore(%arg10 : memref<!tpu.dma_semaphore, #tpu.memory_space<semaphore_mem>>) src(%arg8 : memref<128x16xf32, #tpu.memory_space<vmem>>) dst(%dma_wait3A_168 : memref<10240x16xf32, #tpu.memory_space<vmem_shared>>)
    }
    %scan3A_24 = arith.constant 10 : i32
    %barrier3A_25 = arith.constant 0 : index
    tpu.barrier barrier_id(%barrier3A_25)
    %mul3A_26 = arith.constant 640 : i32
    %mul3A_27 = arith.muli %arg1, %mul3A_26 : i32
    %mul3A_28 = arith.constant 640 : i32
    %mul3A_29 = arith.muli %arg1, %mul3A_28 : i32
    "tpu.region"() ({
      %run_scoped3A = tpu.sem_alloc : memref<!tpu.dma_semaphore, #tpu.memory_space<semaphore_mem>>
      %dma_start3A = arith.constant 0 : i32
      %dma_start3A_30 = tpu.memref_slice %arg5[%arg0, %mul3A_29, %dma_start3A] : memref<2x10240x16xf32, #tpu.memory_space<hbm>> -> memref<1x640x16xf32, #tpu.memory_space<hbm>>
      %dma_start3A_31 = tpu.memref_squeeze %dma_start3A_30 : memref<1x640x16xf32, #tpu.memory_space<hbm>> -> memref<640x16xf32, #tpu.memory_space<hbm>>
      %dma_start3A_32 = arith.constant 0 : i32
      %dma_start3A_33 = tpu.memref_slice %arg6[%mul3A_27, %dma_start3A_32] : memref<10240x16xf32, #tpu.memory_space<vmem_shared>> -> memref<640x16xf32, #tpu.memory_space<vmem_shared>>
      tpu.enqueue_dma source(%dma_start3A_33 : memref<640x16xf32, #tpu.memory_space<vmem_shared>>) target(%dma_start3A_31 : memref<640x16xf32, #tpu.memory_space<hbm>>) target_semaphore(%run_scoped3A : memref<!tpu.dma_semaphore, #tpu.memory_space<semaphore_mem>>)
      %dma_wait3A = arith.constant 0 : i32
      %dma_wait3A_34 = tpu.memref_slice %arg5[%arg0, %mul3A_29, %dma_wait3A] : memref<2x10240x16xf32, #tpu.memory_space<hbm>> -> memref<1x640x16xf32, #tpu.memory_space<hbm>>
      %dma_wait3A_35 = tpu.memref_squeeze %dma_wait3A_34 : memref<1x640x16xf32, #tpu.memory_space<hbm>> -> memref<640x16xf32, #tpu.memory_space<hbm>>
      %dma_wait3A_36 = arith.constant 0 : i32
      %dma_wait3A_37 = tpu.memref_slice %arg6[%mul3A_27, %dma_wait3A_36] : memref<10240x16xf32, #tpu.memory_space<vmem_shared>> -> memref<640x16xf32, #tpu.memory_space<vmem_shared>>
      tpu.wait_dma2 semaphore(%run_scoped3A : memref<!tpu.dma_semaphore, #tpu.memory_space<semaphore_mem>>) src(%dma_wait3A_37 : memref<640x16xf32, #tpu.memory_space<vmem_shared>>) dst(%dma_wait3A_35 : memref<640x16xf32, #tpu.memory_space<hbm>>)
      tpu.yield
    }) : () -> ()
    return
  }
}

#map = affine_map<(d0, d1) -> (0, 0)>
#map1 = affine_map<(d0, d1) -> (0, 0, 0)>
module attributes {stable_mosaic.version = 14 : i64} {
  func.func @_sc_edge_body(%arg0: i32, %arg1: i32, %arg2: memref<10000x64xf32, #tpu.memory_space<hbm>>, %arg3: memref<32x80x128xi32, #tpu.memory_space<hbm>>, %arg4: memref<32x80x128xi32, #tpu.memory_space<hbm>>, %arg5: memref<128x64xf32, #tpu.memory_space<hbm>>, %arg6: memref<2x10240x64xf32, #tpu.memory_space<hbm>>, %arg7: memref<10240x64xf32, #tpu.memory_space<vmem_shared>>, %arg8: memref<10240x64xf32, #tpu.memory_space<vmem_shared>>, %arg9: memref<80x128xi32, #tpu.memory_space<vmem>>, %arg10: memref<80x128xi32, #tpu.memory_space<vmem>>, %arg11: memref<2x128x64xf32, #tpu.memory_space<vmem>>, %arg12: memref<2x!tpu.dma_semaphore, #tpu.memory_space<semaphore_mem>>, %arg13: memref<2x!tpu.dma_semaphore, #tpu.memory_space<semaphore_mem>>) attributes {dimension_semantics = [#tpu.dimension_semantics<core_parallel>, #tpu.dimension_semantics<subcore_parallel>], iteration_bounds = array<i64: 2, 16>, scalar_prefetch = 0 : i64, scratch_operands = 7 : i64, tpu.core_type = #tpu.core_type<sc_vector_subcore>, window_params = [{transform_indices = #map}, {transform_indices = #map1}, {transform_indices = #map1}, {transform_indices = #map}, {transform_indices = #map1}]} {
    %mul3A = arith.constant 16 : i32
    %mul3A_0 = arith.muli %arg0, %mul3A : i32
    %add3A = arith.addi %mul3A_0, %arg1 : i32
    "tpu.region"() ({
      %run_scoped3A = tpu.sem_alloc : memref<!tpu.dma_semaphore, #tpu.memory_space<semaphore_mem>>
      %dma_start3A_154 = arith.constant 0 : i32
      %dma_start3A_155 = arith.constant 0 : i32
      %dma_start3A_156 = tpu.memref_slice %arg3[%add3A, %dma_start3A_154, %dma_start3A_155] : memref<32x80x128xi32, #tpu.memory_space<hbm>> -> memref<1x80x128xi32, #tpu.memory_space<hbm>>
      %dma_start3A_157 = tpu.memref_squeeze %dma_start3A_156 : memref<1x80x128xi32, #tpu.memory_space<hbm>> -> memref<80x128xi32, #tpu.memory_space<hbm>>
      %dma_start3A_158 = arith.constant 0 : i32
      %dma_start3A_159 = arith.constant 0 : i32
      %dma_start3A_160 = tpu.memref_slice %arg3[%add3A, %dma_start3A_158, %dma_start3A_159] : memref<32x80x128xi32, #tpu.memory_space<hbm>> -> memref<1x80x128xi32, #tpu.memory_space<hbm>>
      %dma_start3A_161 = tpu.memref_squeeze %dma_start3A_160 : memref<1x80x128xi32, #tpu.memory_space<hbm>> -> memref<80x128xi32, #tpu.memory_space<hbm>>
      tpu.enqueue_dma source(%dma_start3A_161 : memref<80x128xi32, #tpu.memory_space<hbm>>) target(%arg9 : memref<80x128xi32, #tpu.memory_space<vmem>>) target_semaphore(%run_scoped3A : memref<!tpu.dma_semaphore, #tpu.memory_space<semaphore_mem>>)
      %dma_wait3A_162 = arith.constant 0 : i32
      %dma_wait3A_163 = arith.constant 0 : i32
      %dma_wait3A_164 = tpu.memref_slice %arg3[%add3A, %dma_wait3A_162, %dma_wait3A_163] : memref<32x80x128xi32, #tpu.memory_space<hbm>> -> memref<1x80x128xi32, #tpu.memory_space<hbm>>
      %dma_wait3A_165 = tpu.memref_squeeze %dma_wait3A_164 : memref<1x80x128xi32, #tpu.memory_space<hbm>> -> memref<80x128xi32, #tpu.memory_space<hbm>>
      %dma_wait3A_166 = arith.constant 0 : i32
      %dma_wait3A_167 = arith.constant 0 : i32
      %dma_wait3A_168 = tpu.memref_slice %arg3[%add3A, %dma_wait3A_166, %dma_wait3A_167] : memref<32x80x128xi32, #tpu.memory_space<hbm>> -> memref<1x80x128xi32, #tpu.memory_space<hbm>>
      %dma_wait3A_169 = tpu.memref_squeeze %dma_wait3A_168 : memref<1x80x128xi32, #tpu.memory_space<hbm>> -> memref<80x128xi32, #tpu.memory_space<hbm>>
      tpu.wait_dma2 semaphore(%run_scoped3A : memref<!tpu.dma_semaphore, #tpu.memory_space<semaphore_mem>>) src(%dma_wait3A_169 : memref<80x128xi32, #tpu.memory_space<hbm>>) dst(%arg9 : memref<80x128xi32, #tpu.memory_space<vmem>>)
      tpu.yield
    }) : () -> ()
    "tpu.region"() ({
      %run_scoped3A = tpu.sem_alloc : memref<!tpu.dma_semaphore, #tpu.memory_space<semaphore_mem>>
      %dma_start3A_154 = arith.constant 0 : i32
      %dma_start3A_155 = arith.constant 0 : i32
      %dma_start3A_156 = tpu.memref_slice %arg4[%add3A, %dma_start3A_154, %dma_start3A_155] : memref<32x80x128xi32, #tpu.memory_space<hbm>> -> memref<1x80x128xi32, #tpu.memory_space<hbm>>
      %dma_start3A_157 = tpu.memref_squeeze %dma_start3A_156 : memref<1x80x128xi32, #tpu.memory_space<hbm>> -> memref<80x128xi32, #tpu.memory_space<hbm>>
      %dma_start3A_158 = arith.constant 0 : i32
      %dma_start3A_159 = arith.constant 0 : i32
      %dma_start3A_160 = tpu.memref_slice %arg4[%add3A, %dma_start3A_158, %dma_start3A_159] : memref<32x80x128xi32, #tpu.memory_space<hbm>> -> memref<1x80x128xi32, #tpu.memory_space<hbm>>
      %dma_start3A_161 = tpu.memref_squeeze %dma_start3A_160 : memref<1x80x128xi32, #tpu.memory_space<hbm>> -> memref<80x128xi32, #tpu.memory_space<hbm>>
      tpu.enqueue_dma source(%dma_start3A_161 : memref<80x128xi32, #tpu.memory_space<hbm>>) target(%arg10 : memref<80x128xi32, #tpu.memory_space<vmem>>) target_semaphore(%run_scoped3A : memref<!tpu.dma_semaphore, #tpu.memory_space<semaphore_mem>>)
      %dma_wait3A_162 = arith.constant 0 : i32
      %dma_wait3A_163 = arith.constant 0 : i32
      %dma_wait3A_164 = tpu.memref_slice %arg4[%add3A, %dma_wait3A_162, %dma_wait3A_163] : memref<32x80x128xi32, #tpu.memory_space<hbm>> -> memref<1x80x128xi32, #tpu.memory_space<hbm>>
      %dma_wait3A_165 = tpu.memref_squeeze %dma_wait3A_164 : memref<1x80x128xi32, #tpu.memory_space<hbm>> -> memref<80x128xi32, #tpu.memory_space<hbm>>
      %dma_wait3A_166 = arith.constant 0 : i32
      %dma_wait3A_167 = arith.constant 0 : i32
      %dma_wait3A_168 = tpu.memref_slice %arg4[%add3A, %dma_wait3A_166, %dma_wait3A_167] : memref<32x80x128xi32, #tpu.memory_space<hbm>> -> memref<1x80x128xi32, #tpu.memory_space<hbm>>
      %dma_wait3A_169 = tpu.memref_squeeze %dma_wait3A_168 : memref<1x80x128xi32, #tpu.memory_space<hbm>> -> memref<80x128xi32, #tpu.memory_space<hbm>>
      tpu.wait_dma2 semaphore(%run_scoped3A : memref<!tpu.dma_semaphore, #tpu.memory_space<semaphore_mem>>) src(%dma_wait3A_169 : memref<80x128xi32, #tpu.memory_space<hbm>>) dst(%arg10 : memref<80x128xi32, #tpu.memory_space<vmem>>)
      tpu.yield
    }) : () -> ()
    %lt3A = arith.constant 15 : i32
    %lt3A_1 = arith.cmpi slt, %arg1, %lt3A : i32
    %convert_element_type3A = arith.extui %lt3A_1 : i1 to i32
    %cond3A = arith.constant 0 : i32
    %cond3A_2 = arith.cmpi ne, %convert_element_type3A, %cond3A : i32
    scf.if %cond3A_2 {
      %mul3A_154 = arith.constant 640 : i32
      %mul3A_155 = arith.muli %arg1, %mul3A_154 : i32
      %mul3A_156 = arith.constant 640 : i32
      %mul3A_157 = arith.muli %arg1, %mul3A_156 : i32
      "tpu.region"() ({
        %run_scoped3A = tpu.sem_alloc : memref<!tpu.dma_semaphore, #tpu.memory_space<semaphore_mem>>
        %dma_start3A_158 = arith.constant 0 : i32
        %dma_start3A_159 = tpu.memref_slice %arg8[%mul3A_157, %dma_start3A_158] : memref<10240x64xf32, #tpu.memory_space<vmem_shared>> -> memref<640x64xf32, #tpu.memory_space<vmem_shared>>
        %dma_start3A_160 = arith.constant 0 : i32
        %dma_start3A_161 = tpu.memref_slice %arg2[%mul3A_155, %dma_start3A_160] : memref<10000x64xf32, #tpu.memory_space<hbm>> -> memref<640x64xf32, #tpu.memory_space<hbm>>
        tpu.enqueue_dma source(%dma_start3A_161 : memref<640x64xf32, #tpu.memory_space<hbm>>) target(%dma_start3A_159 : memref<640x64xf32, #tpu.memory_space<vmem_shared>>) target_semaphore(%run_scoped3A : memref<!tpu.dma_semaphore, #tpu.memory_space<semaphore_mem>>)
        %dma_wait3A_162 = arith.constant 0 : i32
        %dma_wait3A_163 = tpu.memref_slice %arg8[%mul3A_157, %dma_wait3A_162] : memref<10240x64xf32, #tpu.memory_space<vmem_shared>> -> memref<640x64xf32, #tpu.memory_space<vmem_shared>>
        %dma_wait3A_164 = arith.constant 0 : i32
        %dma_wait3A_165 = tpu.memref_slice %arg2[%mul3A_155, %dma_wait3A_164] : memref<10000x64xf32, #tpu.memory_space<hbm>> -> memref<640x64xf32, #tpu.memory_space<hbm>>
        tpu.wait_dma2 semaphore(%run_scoped3A : memref<!tpu.dma_semaphore, #tpu.memory_space<semaphore_mem>>) src(%dma_wait3A_165 : memref<640x64xf32, #tpu.memory_space<hbm>>) dst(%dma_wait3A_163 : memref<640x64xf32, #tpu.memory_space<vmem_shared>>)
        tpu.yield
      }) : () -> ()
    } else {
    }
    %eq3A = arith.constant 15 : i32
    %eq3A_3 = arith.cmpi eq, %arg1, %eq3A : i32
    %convert_element_type3A_4 = arith.extui %eq3A_3 : i1 to i32
    %cond3A_5 = arith.constant 0 : i32
    %cond3A_6 = arith.cmpi ne, %convert_element_type3A_4, %cond3A_5 : i32
    scf.if %cond3A_6 {
      "tpu.region"() ({
        %run_scoped3A = tpu.sem_alloc : memref<!tpu.dma_semaphore, #tpu.memory_space<semaphore_mem>>
        %dma_start3A_154 = arith.constant 9600 : i32
        %dma_start3A_155 = arith.constant 0 : i32
        %dma_start3A_156 = tpu.memref_slice %arg8[%dma_start3A_154, %dma_start3A_155] : memref<10240x64xf32, #tpu.memory_space<vmem_shared>> -> memref<400x64xf32, #tpu.memory_space<vmem_shared>>
        %dma_start3A_157 = arith.constant 9600 : i32
        %dma_start3A_158 = arith.constant 0 : i32
        %dma_start3A_159 = tpu.memref_slice %arg2[%dma_start3A_157, %dma_start3A_158] : memref<10000x64xf32, #tpu.memory_space<hbm>> -> memref<400x64xf32, #tpu.memory_space<hbm>>
        tpu.enqueue_dma source(%dma_start3A_159 : memref<400x64xf32, #tpu.memory_space<hbm>>) target(%dma_start3A_156 : memref<400x64xf32, #tpu.memory_space<vmem_shared>>) target_semaphore(%run_scoped3A : memref<!tpu.dma_semaphore, #tpu.memory_space<semaphore_mem>>)
        %dma_wait3A_160 = arith.constant 9600 : i32
        %dma_wait3A_161 = arith.constant 0 : i32
        %dma_wait3A_162 = tpu.memref_slice %arg8[%dma_wait3A_160, %dma_wait3A_161] : memref<10240x64xf32, #tpu.memory_space<vmem_shared>> -> memref<400x64xf32, #tpu.memory_space<vmem_shared>>
        %dma_wait3A_163 = arith.constant 9600 : i32
        %dma_wait3A_164 = arith.constant 0 : i32
        %dma_wait3A_165 = tpu.memref_slice %arg2[%dma_wait3A_163, %dma_wait3A_164] : memref<10000x64xf32, #tpu.memory_space<hbm>> -> memref<400x64xf32, #tpu.memory_space<hbm>>
        tpu.wait_dma2 semaphore(%run_scoped3A : memref<!tpu.dma_semaphore, #tpu.memory_space<semaphore_mem>>) src(%dma_wait3A_165 : memref<400x64xf32, #tpu.memory_space<hbm>>) dst(%dma_wait3A_162 : memref<400x64xf32, #tpu.memory_space<vmem_shared>>)
        tpu.yield
      }) : () -> ()
    } else {
    }
    %mul3A_7 = arith.constant 640 : i32
    %mul3A_8 = arith.muli %arg1, %mul3A_7 : i32
    %add3A_9 = arith.constant 0 : i32
    %add3A_10 = arith.addi %mul3A_8, %add3A_9 : i32
    "tpu.region"() ({
      %run_scoped3A = tpu.sem_alloc : memref<!tpu.dma_semaphore, #tpu.memory_space<semaphore_mem>>
      %dma_start3A_154 = arith.constant 0 : i32
      %dma_start3A_155 = tpu.memref_slice %arg7[%add3A_10, %dma_start3A_154] : memref<10240x64xf32, #tpu.memory_space<vmem_shared>> -> memref<128x64xf32, #tpu.memory_space<vmem_shared>>
      tpu.enqueue_dma source(%arg5 : memref<128x64xf32, #tpu.memory_space<hbm>>) target(%dma_start3A_155 : memref<128x64xf32, #tpu.memory_space<vmem_shared>>) target_semaphore(%run_scoped3A : memref<!tpu.dma_semaphore, #tpu.memory_space<semaphore_mem>>)
      %dma_wait3A_156 = arith.constant 0 : i32
      %dma_wait3A_157 = tpu.memref_slice %arg7[%add3A_10, %dma_wait3A_156] : memref<10240x64xf32, #tpu.memory_space<vmem_shared>> -> memref<128x64xf32, #tpu.memory_space<vmem_shared>>
      tpu.wait_dma2 semaphore(%run_scoped3A : memref<!tpu.dma_semaphore, #tpu.memory_space<semaphore_mem>>) src(%arg5 : memref<128x64xf32, #tpu.memory_space<hbm>>) dst(%dma_wait3A_157 : memref<128x64xf32, #tpu.memory_space<vmem_shared>>)
      tpu.yield
    }) : () -> ()
    %mul3A_11 = arith.constant 640 : i32
    %mul3A_12 = arith.muli %arg1, %mul3A_11 : i32
    %add3A_13 = arith.constant 128 : i32
    %add3A_14 = arith.addi %mul3A_12, %add3A_13 : i32
    "tpu.region"() ({
      %run_scoped3A = tpu.sem_alloc : memref<!tpu.dma_semaphore, #tpu.memory_space<semaphore_mem>>
      %dma_start3A_154 = arith.constant 0 : i32
      %dma_start3A_155 = tpu.memref_slice %arg7[%add3A_14, %dma_start3A_154] : memref<10240x64xf32, #tpu.memory_space<vmem_shared>> -> memref<128x64xf32, #tpu.memory_space<vmem_shared>>
      tpu.enqueue_dma source(%arg5 : memref<128x64xf32, #tpu.memory_space<hbm>>) target(%dma_start3A_155 : memref<128x64xf32, #tpu.memory_space<vmem_shared>>) target_semaphore(%run_scoped3A : memref<!tpu.dma_semaphore, #tpu.memory_space<semaphore_mem>>)
      %dma_wait3A_156 = arith.constant 0 : i32
      %dma_wait3A_157 = tpu.memref_slice %arg7[%add3A_14, %dma_wait3A_156] : memref<10240x64xf32, #tpu.memory_space<vmem_shared>> -> memref<128x64xf32, #tpu.memory_space<vmem_shared>>
      tpu.wait_dma2 semaphore(%run_scoped3A : memref<!tpu.dma_semaphore, #tpu.memory_space<semaphore_mem>>) src(%arg5 : memref<128x64xf32, #tpu.memory_space<hbm>>) dst(%dma_wait3A_157 : memref<128x64xf32, #tpu.memory_space<vmem_shared>>)
      tpu.yield
    }) : () -> ()
    %mul3A_15 = arith.constant 640 : i32
    %mul3A_16 = arith.muli %arg1, %mul3A_15 : i32
    %add3A_17 = arith.constant 256 : i32
    %add3A_18 = arith.addi %mul3A_16, %add3A_17 : i32
    "tpu.region"() ({
      %run_scoped3A = tpu.sem_alloc : memref<!tpu.dma_semaphore, #tpu.memory_space<semaphore_mem>>
      %dma_start3A_154 = arith.constant 0 : i32
      %dma_start3A_155 = tpu.memref_slice %arg7[%add3A_18, %dma_start3A_154] : memref<10240x64xf32, #tpu.memory_space<vmem_shared>> -> memref<128x64xf32, #tpu.memory_space<vmem_shared>>
      tpu.enqueue_dma source(%arg5 : memref<128x64xf32, #tpu.memory_space<hbm>>) target(%dma_start3A_155 : memref<128x64xf32, #tpu.memory_space<vmem_shared>>) target_semaphore(%run_scoped3A : memref<!tpu.dma_semaphore, #tpu.memory_space<semaphore_mem>>)
      %dma_wait3A_156 = arith.constant 0 : i32
      %dma_wait3A_157 = tpu.memref_slice %arg7[%add3A_18, %dma_wait3A_156] : memref<10240x64xf32, #tpu.memory_space<vmem_shared>> -> memref<128x64xf32, #tpu.memory_space<vmem_shared>>
      tpu.wait_dma2 semaphore(%run_scoped3A : memref<!tpu.dma_semaphore, #tpu.memory_space<semaphore_mem>>) src(%arg5 : memref<128x64xf32, #tpu.memory_space<hbm>>) dst(%dma_wait3A_157 : memref<128x64xf32, #tpu.memory_space<vmem_shared>>)
      tpu.yield
    }) : () -> ()
    %mul3A_19 = arith.constant 640 : i32
    %mul3A_20 = arith.muli %arg1, %mul3A_19 : i32
    %add3A_21 = arith.constant 384 : i32
    %add3A_22 = arith.addi %mul3A_20, %add3A_21 : i32
    "tpu.region"() ({
      %run_scoped3A = tpu.sem_alloc : memref<!tpu.dma_semaphore, #tpu.memory_space<semaphore_mem>>
      %dma_start3A_154 = arith.constant 0 : i32
      %dma_start3A_155 = tpu.memref_slice %arg7[%add3A_22, %dma_start3A_154] : memref<10240x64xf32, #tpu.memory_space<vmem_shared>> -> memref<128x64xf32, #tpu.memory_space<vmem_shared>>
      tpu.enqueue_dma source(%arg5 : memref<128x64xf32, #tpu.memory_space<hbm>>) target(%dma_start3A_155 : memref<128x64xf32, #tpu.memory_space<vmem_shared>>) target_semaphore(%run_scoped3A : memref<!tpu.dma_semaphore, #tpu.memory_space<semaphore_mem>>)
      %dma_wait3A_156 = arith.constant 0 : i32
      %dma_wait3A_157 = tpu.memref_slice %arg7[%add3A_22, %dma_wait3A_156] : memref<10240x64xf32, #tpu.memory_space<vmem_shared>> -> memref<128x64xf32, #tpu.memory_space<vmem_shared>>
      tpu.wait_dma2 semaphore(%run_scoped3A : memref<!tpu.dma_semaphore, #tpu.memory_space<semaphore_mem>>) src(%arg5 : memref<128x64xf32, #tpu.memory_space<hbm>>) dst(%dma_wait3A_157 : memref<128x64xf32, #tpu.memory_space<vmem_shared>>)
      tpu.yield
    }) : () -> ()
    %mul3A_23 = arith.constant 640 : i32
    %mul3A_24 = arith.muli %arg1, %mul3A_23 : i32
    %add3A_25 = arith.constant 512 : i32
    %add3A_26 = arith.addi %mul3A_24, %add3A_25 : i32
    "tpu.region"() ({
      %run_scoped3A = tpu.sem_alloc : memref<!tpu.dma_semaphore, #tpu.memory_space<semaphore_mem>>
      %dma_start3A_154 = arith.constant 0 : i32
      %dma_start3A_155 = tpu.memref_slice %arg7[%add3A_26, %dma_start3A_154] : memref<10240x64xf32, #tpu.memory_space<vmem_shared>> -> memref<128x64xf32, #tpu.memory_space<vmem_shared>>
      tpu.enqueue_dma source(%arg5 : memref<128x64xf32, #tpu.memory_space<hbm>>) target(%dma_start3A_155 : memref<128x64xf32, #tpu.memory_space<vmem_shared>>) target_semaphore(%run_scoped3A : memref<!tpu.dma_semaphore, #tpu.memory_space<semaphore_mem>>)
      %dma_wait3A_156 = arith.constant 0 : i32
      %dma_wait3A_157 = tpu.memref_slice %arg7[%add3A_26, %dma_wait3A_156] : memref<10240x64xf32, #tpu.memory_space<vmem_shared>> -> memref<128x64xf32, #tpu.memory_space<vmem_shared>>
      tpu.wait_dma2 semaphore(%run_scoped3A : memref<!tpu.dma_semaphore, #tpu.memory_space<semaphore_mem>>) src(%arg5 : memref<128x64xf32, #tpu.memory_space<hbm>>) dst(%dma_wait3A_157 : memref<128x64xf32, #tpu.memory_space<vmem_shared>>)
      tpu.yield
    }) : () -> ()
    %barrier3A = arith.constant 0 : index
    tpu.barrier barrier_id(%barrier3A)
    %dma_start3A = arith.constant 0 : i32
    %dma_start3A_27 = arith.constant 0 : i32
    %dma_start3A_28 = arith.constant 0 : i32
    %dma_start3A_29 = arith.constant 0 : i32
    %dma_start3A_30 = arith.constant 0 : i32
    %dma_start3A_31 = tpu.memref_slice %arg11[%dma_start3A_27, %dma_start3A_29, %dma_start3A_30] : memref<2x128x64xf32, #tpu.memory_space<vmem>> -> memref<1x128x64xf32, #tpu.memory_space<vmem>>
    %dma_start3A_32 = tpu.memref_squeeze %dma_start3A_31 : memref<1x128x64xf32, #tpu.memory_space<vmem>> -> memref<128x64xf32, #tpu.memory_space<vmem>>
    %dma_start3A_33 = arith.constant 0 : i32
    %dma_start3A_34 = tpu.memref_slice %arg9[%dma_start3A, %dma_start3A_33] : memref<80x128xi32, #tpu.memory_space<vmem>> -> memref<1x128xi32, #tpu.memory_space<vmem>>
    %dma_start3A_35 = tpu.memref_squeeze %dma_start3A_34 : memref<1x128xi32, #tpu.memory_space<vmem>> -> memref<128xi32, #tpu.memory_space<vmem>>
    %dma_start3A_36 = arith.constant 0 : i32
    %dma_start3A_37 = arith.constant 0 : i32
    %dma_start3A_38 = tpu.memref_slice %arg8[%dma_start3A_36, %dma_start3A_37] : memref<10240x64xf32, #tpu.memory_space<vmem_shared>> -> memref<10240x64xf32, #tpu.memory_space<vmem_shared>>
    %dma_start3A_39 = tpu.memref_slice %arg12[%dma_start3A_28] : memref<2x!tpu.dma_semaphore, #tpu.memory_space<semaphore_mem>> -> memref<1x!tpu.dma_semaphore, #tpu.memory_space<semaphore_mem>>
    %dma_start3A_40 = tpu.memref_squeeze %dma_start3A_39 : memref<1x!tpu.dma_semaphore, #tpu.memory_space<semaphore_mem>> -> memref<!tpu.dma_semaphore, #tpu.memory_space<semaphore_mem>>
    tpu.enqueue_indirect_dma source(%dma_start3A_38 : memref<10240x64xf32, #tpu.memory_space<vmem_shared>>) target(%dma_start3A_32 : memref<128x64xf32, #tpu.memory_space<vmem>>) offsets(%dma_start3A_35 : memref<128xi32, #tpu.memory_space<vmem>>) semaphore(%dma_start3A_40 : memref<!tpu.dma_semaphore, #tpu.memory_space<semaphore_mem>>)
    %dma_start3A_41 = arith.constant 1 : i32
    %dma_start3A_42 = arith.constant 1 : i32
    %dma_start3A_43 = arith.constant 1 : i32
    %dma_start3A_44 = arith.constant 0 : i32
    %dma_start3A_45 = arith.constant 0 : i32
    %dma_start3A_46 = tpu.memref_slice %arg11[%dma_start3A_42, %dma_start3A_44, %dma_start3A_45] : memref<2x128x64xf32, #tpu.memory_space<vmem>> -> memref<1x128x64xf32, #tpu.memory_space<vmem>>
    %dma_start3A_47 = tpu.memref_squeeze %dma_start3A_46 : memref<1x128x64xf32, #tpu.memory_space<vmem>> -> memref<128x64xf32, #tpu.memory_space<vmem>>
    %dma_start3A_48 = arith.constant 0 : i32
    %dma_start3A_49 = tpu.memref_slice %arg9[%dma_start3A_41, %dma_start3A_48] : memref<80x128xi32, #tpu.memory_space<vmem>> -> memref<1x128xi32, #tpu.memory_space<vmem>>
    %dma_start3A_50 = tpu.memref_squeeze %dma_start3A_49 : memref<1x128xi32, #tpu.memory_space<vmem>> -> memref<128xi32, #tpu.memory_space<vmem>>
    %dma_start3A_51 = arith.constant 0 : i32
    %dma_start3A_52 = arith.constant 0 : i32
    %dma_start3A_53 = tpu.memref_slice %arg8[%dma_start3A_51, %dma_start3A_52] : memref<10240x64xf32, #tpu.memory_space<vmem_shared>> -> memref<10240x64xf32, #tpu.memory_space<vmem_shared>>
    %dma_start3A_54 = tpu.memref_slice %arg12[%dma_start3A_43] : memref<2x!tpu.dma_semaphore, #tpu.memory_space<semaphore_mem>> -> memref<1x!tpu.dma_semaphore, #tpu.memory_space<semaphore_mem>>
    %dma_start3A_55 = tpu.memref_squeeze %dma_start3A_54 : memref<1x!tpu.dma_semaphore, #tpu.memory_space<semaphore_mem>> -> memref<!tpu.dma_semaphore, #tpu.memory_space<semaphore_mem>>
    tpu.enqueue_indirect_dma source(%dma_start3A_53 : memref<10240x64xf32, #tpu.memory_space<vmem_shared>>) target(%dma_start3A_47 : memref<128x64xf32, #tpu.memory_space<vmem>>) offsets(%dma_start3A_50 : memref<128xi32, #tpu.memory_space<vmem>>) semaphore(%dma_start3A_55 : memref<!tpu.dma_semaphore, #tpu.memory_space<semaphore_mem>>)
    %scan3A = arith.constant 0 : i32
    %scan3A_56 = arith.constant 39 : i32
    %scan3A_57 = arith.addi %scan3A, %scan3A_56 : i32
    %scan3A_58 = arith.constant 1 : i32
    scf.for %scan3A_154 = %scan3A to %scan3A_57 step %scan3A_58  : i32 {
      %mul3A_155 = arith.constant 1 : i32
      %mul3A_156 = arith.muli %scan3A_154, %mul3A_155 : i32
      %add3A_157 = arith.constant 0 : i32
      %add3A_158 = arith.addi %add3A_157, %mul3A_156 : i32
      %mul3A_159 = arith.constant 2 : i32
      %mul3A_160 = arith.muli %add3A_158, %mul3A_159 : i32
      %dma_wait3A_161 = arith.constant 0 : i32
      %dma_wait3A_162 = arith.constant 0 : i32
      %dma_wait3A_163 = arith.constant 0 : i32
      %dma_wait3A_164 = arith.constant 0 : i32
      %dma_wait3A_165 = arith.constant 0 : i32
      %dma_wait3A_166 = tpu.memref_slice %arg11[%dma_wait3A_162, %dma_wait3A_164, %dma_wait3A_165] : memref<2x128x64xf32, #tpu.memory_space<vmem>> -> memref<1x128x64xf32, #tpu.memory_space<vmem>>
      %dma_wait3A_167 = tpu.memref_squeeze %dma_wait3A_166 : memref<1x128x64xf32, #tpu.memory_space<vmem>> -> memref<128x64xf32, #tpu.memory_space<vmem>>
      %dma_wait3A_168 = arith.constant 0 : i32
      %dma_wait3A_169 = tpu.memref_slice %arg9[%dma_wait3A_161, %dma_wait3A_168] : memref<80x128xi32, #tpu.memory_space<vmem>> -> memref<1x128xi32, #tpu.memory_space<vmem>>
      %dma_wait3A_170 = tpu.memref_squeeze %dma_wait3A_169 : memref<1x128xi32, #tpu.memory_space<vmem>> -> memref<128xi32, #tpu.memory_space<vmem>>
      %dma_wait3A_171 = arith.constant 0 : i32
      %dma_wait3A_172 = arith.constant 0 : i32
      %dma_wait3A_173 = tpu.memref_slice %arg8[%dma_wait3A_171, %dma_wait3A_172] : memref<10240x64xf32, #tpu.memory_space<vmem_shared>> -> memref<10240x64xf32, #tpu.memory_space<vmem_shared>>
      %dma_wait3A_174 = tpu.memref_slice %arg12[%dma_wait3A_163] : memref<2x!tpu.dma_semaphore, #tpu.memory_space<semaphore_mem>> -> memref<1x!tpu.dma_semaphore, #tpu.memory_space<semaphore_mem>>
      %dma_wait3A_175 = tpu.memref_squeeze %dma_wait3A_174 : memref<1x!tpu.dma_semaphore, #tpu.memory_space<semaphore_mem>> -> memref<!tpu.dma_semaphore, #tpu.memory_space<semaphore_mem>>
      tpu.wait_indirect_dma semaphore(%dma_wait3A_175 : memref<!tpu.dma_semaphore, #tpu.memory_space<semaphore_mem>>) src(%dma_wait3A_173 : memref<10240x64xf32, #tpu.memory_space<vmem_shared>>) dst(%dma_wait3A_167 : memref<128x64xf32, #tpu.memory_space<vmem>>)
      %add3A_176 = arith.constant 0 : i32
      %add3A_177 = arith.addi %mul3A_160, %add3A_176 : i32
      %dma_start3A_178 = arith.constant 0 : i32
      %dma_start3A_179 = arith.constant 0 : i32
      %dma_start3A_180 = arith.constant 0 : i32
      %dma_start3A_181 = arith.constant 0 : i32
      %dma_start3A_182 = tpu.memref_slice %arg11[%dma_start3A_178, %dma_start3A_180, %dma_start3A_181] : memref<2x128x64xf32, #tpu.memory_space<vmem>> -> memref<1x128x64xf32, #tpu.memory_space<vmem>>
      %dma_start3A_183 = tpu.memref_squeeze %dma_start3A_182 : memref<1x128x64xf32, #tpu.memory_space<vmem>> -> memref<128x64xf32, #tpu.memory_space<vmem>>
      %dma_start3A_184 = arith.constant 0 : i32
      %dma_start3A_185 = tpu.memref_slice %arg10[%add3A_177, %dma_start3A_184] : memref<80x128xi32, #tpu.memory_space<vmem>> -> memref<1x128xi32, #tpu.memory_space<vmem>>
      %dma_start3A_186 = tpu.memref_squeeze %dma_start3A_185 : memref<1x128xi32, #tpu.memory_space<vmem>> -> memref<128xi32, #tpu.memory_space<vmem>>
      %dma_start3A_187 = arith.constant 0 : i32
      %dma_start3A_188 = arith.constant 0 : i32
      %dma_start3A_189 = tpu.memref_slice %arg7[%dma_start3A_187, %dma_start3A_188] : memref<10240x64xf32, #tpu.memory_space<vmem_shared>> -> memref<10240x64xf32, #tpu.memory_space<vmem_shared>>
      %dma_start3A_190 = tpu.memref_slice %arg13[%dma_start3A_179] : memref<2x!tpu.dma_semaphore, #tpu.memory_space<semaphore_mem>> -> memref<1x!tpu.dma_semaphore, #tpu.memory_space<semaphore_mem>>
      %dma_start3A_191 = tpu.memref_squeeze %dma_start3A_190 : memref<1x!tpu.dma_semaphore, #tpu.memory_space<semaphore_mem>> -> memref<!tpu.dma_semaphore, #tpu.memory_space<semaphore_mem>>
      tpu.enqueue_indirect_dma source(%dma_start3A_183 : memref<128x64xf32, #tpu.memory_space<vmem>>) target(%dma_start3A_189 : memref<10240x64xf32, #tpu.memory_space<vmem_shared>>) offsets(%dma_start3A_186 : memref<128xi32, #tpu.memory_space<vmem>>) semaphore(%dma_start3A_191 : memref<!tpu.dma_semaphore, #tpu.memory_space<semaphore_mem>>) {add = true}
      %dma_wait3A_192 = arith.constant 0 : i32
      %dma_wait3A_193 = arith.constant 1 : i32
      %dma_wait3A_194 = arith.constant 1 : i32
      %dma_wait3A_195 = arith.constant 0 : i32
      %dma_wait3A_196 = arith.constant 0 : i32
      %dma_wait3A_197 = tpu.memref_slice %arg11[%dma_wait3A_193, %dma_wait3A_195, %dma_wait3A_196] : memref<2x128x64xf32, #tpu.memory_space<vmem>> -> memref<1x128x64xf32, #tpu.memory_space<vmem>>
      %dma_wait3A_198 = tpu.memref_squeeze %dma_wait3A_197 : memref<1x128x64xf32, #tpu.memory_space<vmem>> -> memref<128x64xf32, #tpu.memory_space<vmem>>
      %dma_wait3A_199 = arith.constant 0 : i32
      %dma_wait3A_200 = tpu.memref_slice %arg9[%dma_wait3A_192, %dma_wait3A_199] : memref<80x128xi32, #tpu.memory_space<vmem>> -> memref<1x128xi32, #tpu.memory_space<vmem>>
      %dma_wait3A_201 = tpu.memref_squeeze %dma_wait3A_200 : memref<1x128xi32, #tpu.memory_space<vmem>> -> memref<128xi32, #tpu.memory_space<vmem>>
      %dma_wait3A_202 = arith.constant 0 : i32
      %dma_wait3A_203 = arith.constant 0 : i32
      %dma_wait3A_204 = tpu.memref_slice %arg8[%dma_wait3A_202, %dma_wait3A_203] : memref<10240x64xf32, #tpu.memory_space<vmem_shared>> -> memref<10240x64xf32, #tpu.memory_space<vmem_shared>>
      %dma_wait3A_205 = tpu.memref_slice %arg12[%dma_wait3A_194] : memref<2x!tpu.dma_semaphore, #tpu.memory_space<semaphore_mem>> -> memref<1x!tpu.dma_semaphore, #tpu.memory_space<semaphore_mem>>
      %dma_wait3A_206 = tpu.memref_squeeze %dma_wait3A_205 : memref<1x!tpu.dma_semaphore, #tpu.memory_space<semaphore_mem>> -> memref<!tpu.dma_semaphore, #tpu.memory_space<semaphore_mem>>
      tpu.wait_indirect_dma semaphore(%dma_wait3A_206 : memref<!tpu.dma_semaphore, #tpu.memory_space<semaphore_mem>>) src(%dma_wait3A_204 : memref<10240x64xf32, #tpu.memory_space<vmem_shared>>) dst(%dma_wait3A_198 : memref<128x64xf32, #tpu.memory_space<vmem>>)
      %add3A_207 = arith.constant 1 : i32
      %add3A_208 = arith.addi %mul3A_160, %add3A_207 : i32
      %dma_start3A_209 = arith.constant 1 : i32
      %dma_start3A_210 = arith.constant 1 : i32
      %dma_start3A_211 = arith.constant 0 : i32
      %dma_start3A_212 = arith.constant 0 : i32
      %dma_start3A_213 = tpu.memref_slice %arg11[%dma_start3A_209, %dma_start3A_211, %dma_start3A_212] : memref<2x128x64xf32, #tpu.memory_space<vmem>> -> memref<1x128x64xf32, #tpu.memory_space<vmem>>
      %dma_start3A_214 = tpu.memref_squeeze %dma_start3A_213 : memref<1x128x64xf32, #tpu.memory_space<vmem>> -> memref<128x64xf32, #tpu.memory_space<vmem>>
      %dma_start3A_215 = arith.constant 0 : i32
      %dma_start3A_216 = tpu.memref_slice %arg10[%add3A_208, %dma_start3A_215] : memref<80x128xi32, #tpu.memory_space<vmem>> -> memref<1x128xi32, #tpu.memory_space<vmem>>
      %dma_start3A_217 = tpu.memref_squeeze %dma_start3A_216 : memref<1x128xi32, #tpu.memory_space<vmem>> -> memref<128xi32, #tpu.memory_space<vmem>>
      %dma_start3A_218 = arith.constant 0 : i32
      %dma_start3A_219 = arith.constant 0 : i32
      %dma_start3A_220 = tpu.memref_slice %arg7[%dma_start3A_218, %dma_start3A_219] : memref<10240x64xf32, #tpu.memory_space<vmem_shared>> -> memref<10240x64xf32, #tpu.memory_space<vmem_shared>>
      %dma_start3A_221 = tpu.memref_slice %arg13[%dma_start3A_210] : memref<2x!tpu.dma_semaphore, #tpu.memory_space<semaphore_mem>> -> memref<1x!tpu.dma_semaphore, #tpu.memory_space<semaphore_mem>>
      %dma_start3A_222 = tpu.memref_squeeze %dma_start3A_221 : memref<1x!tpu.dma_semaphore, #tpu.memory_space<semaphore_mem>> -> memref<!tpu.dma_semaphore, #tpu.memory_space<semaphore_mem>>
      tpu.enqueue_indirect_dma source(%dma_start3A_214 : memref<128x64xf32, #tpu.memory_space<vmem>>) target(%dma_start3A_220 : memref<10240x64xf32, #tpu.memory_space<vmem_shared>>) offsets(%dma_start3A_217 : memref<128xi32, #tpu.memory_space<vmem>>) semaphore(%dma_start3A_222 : memref<!tpu.dma_semaphore, #tpu.memory_space<semaphore_mem>>) {add = true}
      %dma_wait3A_223 = arith.constant 0 : i32
      %dma_wait3A_224 = arith.constant 0 : i32
      %dma_wait3A_225 = arith.constant 0 : i32
      %dma_wait3A_226 = arith.constant 0 : i32
      %dma_wait3A_227 = arith.constant 0 : i32
      %dma_wait3A_228 = tpu.memref_slice %arg11[%dma_wait3A_223, %dma_wait3A_226, %dma_wait3A_227] : memref<2x128x64xf32, #tpu.memory_space<vmem>> -> memref<1x128x64xf32, #tpu.memory_space<vmem>>
      %dma_wait3A_229 = tpu.memref_squeeze %dma_wait3A_228 : memref<1x128x64xf32, #tpu.memory_space<vmem>> -> memref<128x64xf32, #tpu.memory_space<vmem>>
      %dma_wait3A_230 = arith.constant 0 : i32
      %dma_wait3A_231 = tpu.memref_slice %arg10[%dma_wait3A_224, %dma_wait3A_230] : memref<80x128xi32, #tpu.memory_space<vmem>> -> memref<1x128xi32, #tpu.memory_space<vmem>>
      %dma_wait3A_232 = tpu.memref_squeeze %dma_wait3A_231 : memref<1x128xi32, #tpu.memory_space<vmem>> -> memref<128xi32, #tpu.memory_space<vmem>>
      %dma_wait3A_233 = arith.constant 0 : i32
      %dma_wait3A_234 = arith.constant 0 : i32
      %dma_wait3A_235 = tpu.memref_slice %arg7[%dma_wait3A_233, %dma_wait3A_234] : memref<10240x64xf32, #tpu.memory_space<vmem_shared>> -> memref<10240x64xf32, #tpu.memory_space<vmem_shared>>
      %dma_wait3A_236 = tpu.memref_slice %arg13[%dma_wait3A_225] : memref<2x!tpu.dma_semaphore, #tpu.memory_space<semaphore_mem>> -> memref<1x!tpu.dma_semaphore, #tpu.memory_space<semaphore_mem>>
      %dma_wait3A_237 = tpu.memref_squeeze %dma_wait3A_236 : memref<1x!tpu.dma_semaphore, #tpu.memory_space<semaphore_mem>> -> memref<!tpu.dma_semaphore, #tpu.memory_space<semaphore_mem>>
      tpu.wait_indirect_dma semaphore(%dma_wait3A_237 : memref<!tpu.dma_semaphore, #tpu.memory_space<semaphore_mem>>) src(%dma_wait3A_229 : memref<128x64xf32, #tpu.memory_space<vmem>>) dst(%dma_wait3A_235 : memref<10240x64xf32, #tpu.memory_space<vmem_shared>>)
      %add3A_238 = arith.constant 2 : i32
      %add3A_239 = arith.addi %mul3A_160, %add3A_238 : i32
      %add3A_240 = arith.constant 0 : i32
      %add3A_241 = arith.addi %add3A_239, %add3A_240 : i32
      %dma_start3A_242 = arith.constant 0 : i32
      %dma_start3A_243 = arith.constant 0 : i32
      %dma_start3A_244 = arith.constant 0 : i32
      %dma_start3A_245 = arith.constant 0 : i32
      %dma_start3A_246 = tpu.memref_slice %arg11[%dma_start3A_242, %dma_start3A_244, %dma_start3A_245] : memref<2x128x64xf32, #tpu.memory_space<vmem>> -> memref<1x128x64xf32, #tpu.memory_space<vmem>>
      %dma_start3A_247 = tpu.memref_squeeze %dma_start3A_246 : memref<1x128x64xf32, #tpu.memory_space<vmem>> -> memref<128x64xf32, #tpu.memory_space<vmem>>
      %dma_start3A_248 = arith.constant 0 : i32
      %dma_start3A_249 = tpu.memref_slice %arg9[%add3A_241, %dma_start3A_248] : memref<80x128xi32, #tpu.memory_space<vmem>> -> memref<1x128xi32, #tpu.memory_space<vmem>>
      %dma_start3A_250 = tpu.memref_squeeze %dma_start3A_249 : memref<1x128xi32, #tpu.memory_space<vmem>> -> memref<128xi32, #tpu.memory_space<vmem>>
      %dma_start3A_251 = arith.constant 0 : i32
      %dma_start3A_252 = arith.constant 0 : i32
      %dma_start3A_253 = tpu.memref_slice %arg8[%dma_start3A_251, %dma_start3A_252] : memref<10240x64xf32, #tpu.memory_space<vmem_shared>> -> memref<10240x64xf32, #tpu.memory_space<vmem_shared>>
      %dma_start3A_254 = tpu.memref_slice %arg12[%dma_start3A_243] : memref<2x!tpu.dma_semaphore, #tpu.memory_space<semaphore_mem>> -> memref<1x!tpu.dma_semaphore, #tpu.memory_space<semaphore_mem>>
      %dma_start3A_255 = tpu.memref_squeeze %dma_start3A_254 : memref<1x!tpu.dma_semaphore, #tpu.memory_space<semaphore_mem>> -> memref<!tpu.dma_semaphore, #tpu.memory_space<semaphore_mem>>
      tpu.enqueue_indirect_dma source(%dma_start3A_253 : memref<10240x64xf32, #tpu.memory_space<vmem_shared>>) target(%dma_start3A_247 : memref<128x64xf32, #tpu.memory_space<vmem>>) offsets(%dma_start3A_250 : memref<128xi32, #tpu.memory_space<vmem>>) semaphore(%dma_start3A_255 : memref<!tpu.dma_semaphore, #tpu.memory_space<semaphore_mem>>)
      %dma_wait3A_256 = arith.constant 1 : i32
      %dma_wait3A_257 = arith.constant 0 : i32
      %dma_wait3A_258 = arith.constant 1 : i32
      %dma_wait3A_259 = arith.constant 0 : i32
      %dma_wait3A_260 = arith.constant 0 : i32
      %dma_wait3A_261 = tpu.memref_slice %arg11[%dma_wait3A_256, %dma_wait3A_259, %dma_wait3A_260] : memref<2x128x64xf32, #tpu.memory_space<vmem>> -> memref<1x128x64xf32, #tpu.memory_space<vmem>>
      %dma_wait3A_262 = tpu.memref_squeeze %dma_wait3A_261 : memref<1x128x64xf32, #tpu.memory_space<vmem>> -> memref<128x64xf32, #tpu.memory_space<vmem>>
      %dma_wait3A_263 = arith.constant 0 : i32
      %dma_wait3A_264 = tpu.memref_slice %arg10[%dma_wait3A_257, %dma_wait3A_263] : memref<80x128xi32, #tpu.memory_space<vmem>> -> memref<1x128xi32, #tpu.memory_space<vmem>>
      %dma_wait3A_265 = tpu.memref_squeeze %dma_wait3A_264 : memref<1x128xi32, #tpu.memory_space<vmem>> -> memref<128xi32, #tpu.memory_space<vmem>>
      %dma_wait3A_266 = arith.constant 0 : i32
      %dma_wait3A_267 = arith.constant 0 : i32
      %dma_wait3A_268 = tpu.memref_slice %arg7[%dma_wait3A_266, %dma_wait3A_267] : memref<10240x64xf32, #tpu.memory_space<vmem_shared>> -> memref<10240x64xf32, #tpu.memory_space<vmem_shared>>
      %dma_wait3A_269 = tpu.memref_slice %arg13[%dma_wait3A_258] : memref<2x!tpu.dma_semaphore, #tpu.memory_space<semaphore_mem>> -> memref<1x!tpu.dma_semaphore, #tpu.memory_space<semaphore_mem>>
      %dma_wait3A_270 = tpu.memref_squeeze %dma_wait3A_269 : memref<1x!tpu.dma_semaphore, #tpu.memory_space<semaphore_mem>> -> memref<!tpu.dma_semaphore, #tpu.memory_space<semaphore_mem>>
      tpu.wait_indirect_dma semaphore(%dma_wait3A_270 : memref<!tpu.dma_semaphore, #tpu.memory_space<semaphore_mem>>) src(%dma_wait3A_262 : memref<128x64xf32, #tpu.memory_space<vmem>>) dst(%dma_wait3A_268 : memref<10240x64xf32, #tpu.memory_space<vmem_shared>>)
      %add3A_271 = arith.constant 2 : i32
      %add3A_272 = arith.addi %mul3A_160, %add3A_271 : i32
      %add3A_273 = arith.constant 1 : i32
      %add3A_274 = arith.addi %add3A_272, %add3A_273 : i32
      %dma_start3A_275 = arith.constant 1 : i32
      %dma_start3A_276 = arith.constant 1 : i32
      %dma_start3A_277 = arith.constant 0 : i32
      %dma_start3A_278 = arith.constant 0 : i32
      %dma_start3A_279 = tpu.memref_slice %arg11[%dma_start3A_275, %dma_start3A_277, %dma_start3A_278] : memref<2x128x64xf32, #tpu.memory_space<vmem>> -> memref<1x128x64xf32, #tpu.memory_space<vmem>>
      %dma_start3A_280 = tpu.memref_squeeze %dma_start3A_279 : memref<1x128x64xf32, #tpu.memory_space<vmem>> -> memref<128x64xf32, #tpu.memory_space<vmem>>
      %dma_start3A_281 = arith.constant 0 : i32
      %dma_start3A_282 = tpu.memref_slice %arg9[%add3A_274, %dma_start3A_281] : memref<80x128xi32, #tpu.memory_space<vmem>> -> memref<1x128xi32, #tpu.memory_space<vmem>>
      %dma_start3A_283 = tpu.memref_squeeze %dma_start3A_282 : memref<1x128xi32, #tpu.memory_space<vmem>> -> memref<128xi32, #tpu.memory_space<vmem>>
      %dma_start3A_284 = arith.constant 0 : i32
      %dma_start3A_285 = arith.constant 0 : i32
      %dma_start3A_286 = tpu.memref_slice %arg8[%dma_start3A_284, %dma_start3A_285] : memref<10240x64xf32, #tpu.memory_space<vmem_shared>> -> memref<10240x64xf32, #tpu.memory_space<vmem_shared>>
      %dma_start3A_287 = tpu.memref_slice %arg12[%dma_start3A_276] : memref<2x!tpu.dma_semaphore, #tpu.memory_space<semaphore_mem>> -> memref<1x!tpu.dma_semaphore, #tpu.memory_space<semaphore_mem>>
      %dma_start3A_288 = tpu.memref_squeeze %dma_start3A_287 : memref<1x!tpu.dma_semaphore, #tpu.memory_space<semaphore_mem>> -> memref<!tpu.dma_semaphore, #tpu.memory_space<semaphore_mem>>
      tpu.enqueue_indirect_dma source(%dma_start3A_286 : memref<10240x64xf32, #tpu.memory_space<vmem_shared>>) target(%dma_start3A_280 : memref<128x64xf32, #tpu.memory_space<vmem>>) offsets(%dma_start3A_283 : memref<128xi32, #tpu.memory_space<vmem>>) semaphore(%dma_start3A_288 : memref<!tpu.dma_semaphore, #tpu.memory_space<semaphore_mem>>)
    }
    %scan3A_59 = arith.constant 39 : i32
    %dma_wait3A = arith.constant 0 : i32
    %dma_wait3A_60 = arith.constant 0 : i32
    %dma_wait3A_61 = arith.constant 0 : i32
    %dma_wait3A_62 = arith.constant 0 : i32
    %dma_wait3A_63 = arith.constant 0 : i32
    %dma_wait3A_64 = tpu.memref_slice %arg11[%dma_wait3A_60, %dma_wait3A_62, %dma_wait3A_63] : memref<2x128x64xf32, #tpu.memory_space<vmem>> -> memref<1x128x64xf32, #tpu.memory_space<vmem>>
    %dma_wait3A_65 = tpu.memref_squeeze %dma_wait3A_64 : memref<1x128x64xf32, #tpu.memory_space<vmem>> -> memref<128x64xf32, #tpu.memory_space<vmem>>
    %dma_wait3A_66 = arith.constant 0 : i32
    %dma_wait3A_67 = tpu.memref_slice %arg9[%dma_wait3A, %dma_wait3A_66] : memref<80x128xi32, #tpu.memory_space<vmem>> -> memref<1x128xi32, #tpu.memory_space<vmem>>
    %dma_wait3A_68 = tpu.memref_squeeze %dma_wait3A_67 : memref<1x128xi32, #tpu.memory_space<vmem>> -> memref<128xi32, #tpu.memory_space<vmem>>
    %dma_wait3A_69 = arith.constant 0 : i32
    %dma_wait3A_70 = arith.constant 0 : i32
    %dma_wait3A_71 = tpu.memref_slice %arg8[%dma_wait3A_69, %dma_wait3A_70] : memref<10240x64xf32, #tpu.memory_space<vmem_shared>> -> memref<10240x64xf32, #tpu.memory_space<vmem_shared>>
    %dma_wait3A_72 = tpu.memref_slice %arg12[%dma_wait3A_61] : memref<2x!tpu.dma_semaphore, #tpu.memory_space<semaphore_mem>> -> memref<1x!tpu.dma_semaphore, #tpu.memory_space<semaphore_mem>>
    %dma_wait3A_73 = tpu.memref_squeeze %dma_wait3A_72 : memref<1x!tpu.dma_semaphore, #tpu.memory_space<semaphore_mem>> -> memref<!tpu.dma_semaphore, #tpu.memory_space<semaphore_mem>>
    tpu.wait_indirect_dma semaphore(%dma_wait3A_73 : memref<!tpu.dma_semaphore, #tpu.memory_space<semaphore_mem>>) src(%dma_wait3A_71 : memref<10240x64xf32, #tpu.memory_space<vmem_shared>>) dst(%dma_wait3A_65 : memref<128x64xf32, #tpu.memory_space<vmem>>)
    %dma_start3A_74 = arith.constant 0 : i32
    %dma_start3A_75 = arith.constant 78 : i32
    %dma_start3A_76 = arith.constant 0 : i32
    %dma_start3A_77 = arith.constant 0 : i32
    %dma_start3A_78 = arith.constant 0 : i32
    %dma_start3A_79 = tpu.memref_slice %arg11[%dma_start3A_74, %dma_start3A_77, %dma_start3A_78] : memref<2x128x64xf32, #tpu.memory_space<vmem>> -> memref<1x128x64xf32, #tpu.memory_space<vmem>>
    %dma_start3A_80 = tpu.memref_squeeze %dma_start3A_79 : memref<1x128x64xf32, #tpu.memory_space<vmem>> -> memref<128x64xf32, #tpu.memory_space<vmem>>
    %dma_start3A_81 = arith.constant 0 : i32
    %dma_start3A_82 = tpu.memref_slice %arg10[%dma_start3A_75, %dma_start3A_81] : memref<80x128xi32, #tpu.memory_space<vmem>> -> memref<1x128xi32, #tpu.memory_space<vmem>>
    %dma_start3A_83 = tpu.memref_squeeze %dma_start3A_82 : memref<1x128xi32, #tpu.memory_space<vmem>> -> memref<128xi32, #tpu.memory_space<vmem>>
    %dma_start3A_84 = arith.constant 0 : i32
    %dma_start3A_85 = arith.constant 0 : i32
    %dma_start3A_86 = tpu.memref_slice %arg7[%dma_start3A_84, %dma_start3A_85] : memref<10240x64xf32, #tpu.memory_space<vmem_shared>> -> memref<10240x64xf32, #tpu.memory_space<vmem_shared>>
    %dma_start3A_87 = tpu.memref_slice %arg13[%dma_start3A_76] : memref<2x!tpu.dma_semaphore, #tpu.memory_space<semaphore_mem>> -> memref<1x!tpu.dma_semaphore, #tpu.memory_space<semaphore_mem>>
    %dma_start3A_88 = tpu.memref_squeeze %dma_start3A_87 : memref<1x!tpu.dma_semaphore, #tpu.memory_space<semaphore_mem>> -> memref<!tpu.dma_semaphore, #tpu.memory_space<semaphore_mem>>
    tpu.enqueue_indirect_dma source(%dma_start3A_80 : memref<128x64xf32, #tpu.memory_space<vmem>>) target(%dma_start3A_86 : memref<10240x64xf32, #tpu.memory_space<vmem_shared>>) offsets(%dma_start3A_83 : memref<128xi32, #tpu.memory_space<vmem>>) semaphore(%dma_start3A_88 : memref<!tpu.dma_semaphore, #tpu.memory_space<semaphore_mem>>) {add = true}
    %dma_wait3A_89 = arith.constant 0 : i32
    %dma_wait3A_90 = arith.constant 1 : i32
    %dma_wait3A_91 = arith.constant 1 : i32
    %dma_wait3A_92 = arith.constant 0 : i32
    %dma_wait3A_93 = arith.constant 0 : i32
    %dma_wait3A_94 = tpu.memref_slice %arg11[%dma_wait3A_90, %dma_wait3A_92, %dma_wait3A_93] : memref<2x128x64xf32, #tpu.memory_space<vmem>> -> memref<1x128x64xf32, #tpu.memory_space<vmem>>
    %dma_wait3A_95 = tpu.memref_squeeze %dma_wait3A_94 : memref<1x128x64xf32, #tpu.memory_space<vmem>> -> memref<128x64xf32, #tpu.memory_space<vmem>>
    %dma_wait3A_96 = arith.constant 0 : i32
    %dma_wait3A_97 = tpu.memref_slice %arg9[%dma_wait3A_89, %dma_wait3A_96] : memref<80x128xi32, #tpu.memory_space<vmem>> -> memref<1x128xi32, #tpu.memory_space<vmem>>
    %dma_wait3A_98 = tpu.memref_squeeze %dma_wait3A_97 : memref<1x128xi32, #tpu.memory_space<vmem>> -> memref<128xi32, #tpu.memory_space<vmem>>
    %dma_wait3A_99 = arith.constant 0 : i32
    %dma_wait3A_100 = arith.constant 0 : i32
    %dma_wait3A_101 = tpu.memref_slice %arg8[%dma_wait3A_99, %dma_wait3A_100] : memref<10240x64xf32, #tpu.memory_space<vmem_shared>> -> memref<10240x64xf32, #tpu.memory_space<vmem_shared>>
    %dma_wait3A_102 = tpu.memref_slice %arg12[%dma_wait3A_91] : memref<2x!tpu.dma_semaphore, #tpu.memory_space<semaphore_mem>> -> memref<1x!tpu.dma_semaphore, #tpu.memory_space<semaphore_mem>>
    %dma_wait3A_103 = tpu.memref_squeeze %dma_wait3A_102 : memref<1x!tpu.dma_semaphore, #tpu.memory_space<semaphore_mem>> -> memref<!tpu.dma_semaphore, #tpu.memory_space<semaphore_mem>>
    tpu.wait_indirect_dma semaphore(%dma_wait3A_103 : memref<!tpu.dma_semaphore, #tpu.memory_space<semaphore_mem>>) src(%dma_wait3A_101 : memref<10240x64xf32, #tpu.memory_space<vmem_shared>>) dst(%dma_wait3A_95 : memref<128x64xf32, #tpu.memory_space<vmem>>)
    %dma_start3A_104 = arith.constant 1 : i32
    %dma_start3A_105 = arith.constant 79 : i32
    %dma_start3A_106 = arith.constant 1 : i32
    %dma_start3A_107 = arith.constant 0 : i32
    %dma_start3A_108 = arith.constant 0 : i32
    %dma_start3A_109 = tpu.memref_slice %arg11[%dma_start3A_104, %dma_start3A_107, %dma_start3A_108] : memref<2x128x64xf32, #tpu.memory_space<vmem>> -> memref<1x128x64xf32, #tpu.memory_space<vmem>>
    %dma_start3A_110 = tpu.memref_squeeze %dma_start3A_109 : memref<1x128x64xf32, #tpu.memory_space<vmem>> -> memref<128x64xf32, #tpu.memory_space<vmem>>
    %dma_start3A_111 = arith.constant 0 : i32
    %dma_start3A_112 = tpu.memref_slice %arg10[%dma_start3A_105, %dma_start3A_111] : memref<80x128xi32, #tpu.memory_space<vmem>> -> memref<1x128xi32, #tpu.memory_space<vmem>>
    %dma_start3A_113 = tpu.memref_squeeze %dma_start3A_112 : memref<1x128xi32, #tpu.memory_space<vmem>> -> memref<128xi32, #tpu.memory_space<vmem>>
    %dma_start3A_114 = arith.constant 0 : i32
    %dma_start3A_115 = arith.constant 0 : i32
    %dma_start3A_116 = tpu.memref_slice %arg7[%dma_start3A_114, %dma_start3A_115] : memref<10240x64xf32, #tpu.memory_space<vmem_shared>> -> memref<10240x64xf32, #tpu.memory_space<vmem_shared>>
    %dma_start3A_117 = tpu.memref_slice %arg13[%dma_start3A_106] : memref<2x!tpu.dma_semaphore, #tpu.memory_space<semaphore_mem>> -> memref<1x!tpu.dma_semaphore, #tpu.memory_space<semaphore_mem>>
    %dma_start3A_118 = tpu.memref_squeeze %dma_start3A_117 : memref<1x!tpu.dma_semaphore, #tpu.memory_space<semaphore_mem>> -> memref<!tpu.dma_semaphore, #tpu.memory_space<semaphore_mem>>
    tpu.enqueue_indirect_dma source(%dma_start3A_110 : memref<128x64xf32, #tpu.memory_space<vmem>>) target(%dma_start3A_116 : memref<10240x64xf32, #tpu.memory_space<vmem_shared>>) offsets(%dma_start3A_113 : memref<128xi32, #tpu.memory_space<vmem>>) semaphore(%dma_start3A_118 : memref<!tpu.dma_semaphore, #tpu.memory_space<semaphore_mem>>) {add = true}
    %dma_wait3A_119 = arith.constant 0 : i32
    %dma_wait3A_120 = arith.constant 0 : i32
    %dma_wait3A_121 = arith.constant 0 : i32
    %dma_wait3A_122 = arith.constant 0 : i32
    %dma_wait3A_123 = arith.constant 0 : i32
    %dma_wait3A_124 = tpu.memref_slice %arg11[%dma_wait3A_119, %dma_wait3A_122, %dma_wait3A_123] : memref<2x128x64xf32, #tpu.memory_space<vmem>> -> memref<1x128x64xf32, #tpu.memory_space<vmem>>
    %dma_wait3A_125 = tpu.memref_squeeze %dma_wait3A_124 : memref<1x128x64xf32, #tpu.memory_space<vmem>> -> memref<128x64xf32, #tpu.memory_space<vmem>>
    %dma_wait3A_126 = arith.constant 0 : i32
    %dma_wait3A_127 = tpu.memref_slice %arg10[%dma_wait3A_120, %dma_wait3A_126] : memref<80x128xi32, #tpu.memory_space<vmem>> -> memref<1x128xi32, #tpu.memory_space<vmem>>
    %dma_wait3A_128 = tpu.memref_squeeze %dma_wait3A_127 : memref<1x128xi32, #tpu.memory_space<vmem>> -> memref<128xi32, #tpu.memory_space<vmem>>
    %dma_wait3A_129 = arith.constant 0 : i32
    %dma_wait3A_130 = arith.constant 0 : i32
    %dma_wait3A_131 = tpu.memref_slice %arg7[%dma_wait3A_129, %dma_wait3A_130] : memref<10240x64xf32, #tpu.memory_space<vmem_shared>> -> memref<10240x64xf32, #tpu.memory_space<vmem_shared>>
    %dma_wait3A_132 = tpu.memref_slice %arg13[%dma_wait3A_121] : memref<2x!tpu.dma_semaphore, #tpu.memory_space<semaphore_mem>> -> memref<1x!tpu.dma_semaphore, #tpu.memory_space<semaphore_mem>>
    %dma_wait3A_133 = tpu.memref_squeeze %dma_wait3A_132 : memref<1x!tpu.dma_semaphore, #tpu.memory_space<semaphore_mem>> -> memref<!tpu.dma_semaphore, #tpu.memory_space<semaphore_mem>>
    tpu.wait_indirect_dma semaphore(%dma_wait3A_133 : memref<!tpu.dma_semaphore, #tpu.memory_space<semaphore_mem>>) src(%dma_wait3A_125 : memref<128x64xf32, #tpu.memory_space<vmem>>) dst(%dma_wait3A_131 : memref<10240x64xf32, #tpu.memory_space<vmem_shared>>)
    %dma_wait3A_134 = arith.constant 1 : i32
    %dma_wait3A_135 = arith.constant 0 : i32
    %dma_wait3A_136 = arith.constant 1 : i32
    %dma_wait3A_137 = arith.constant 0 : i32
    %dma_wait3A_138 = arith.constant 0 : i32
    %dma_wait3A_139 = tpu.memref_slice %arg11[%dma_wait3A_134, %dma_wait3A_137, %dma_wait3A_138] : memref<2x128x64xf32, #tpu.memory_space<vmem>> -> memref<1x128x64xf32, #tpu.memory_space<vmem>>
    %dma_wait3A_140 = tpu.memref_squeeze %dma_wait3A_139 : memref<1x128x64xf32, #tpu.memory_space<vmem>> -> memref<128x64xf32, #tpu.memory_space<vmem>>
    %dma_wait3A_141 = arith.constant 0 : i32
    %dma_wait3A_142 = tpu.memref_slice %arg10[%dma_wait3A_135, %dma_wait3A_141] : memref<80x128xi32, #tpu.memory_space<vmem>> -> memref<1x128xi32, #tpu.memory_space<vmem>>
    %dma_wait3A_143 = tpu.memref_squeeze %dma_wait3A_142 : memref<1x128xi32, #tpu.memory_space<vmem>> -> memref<128xi32, #tpu.memory_space<vmem>>
    %dma_wait3A_144 = arith.constant 0 : i32
    %dma_wait3A_145 = arith.constant 0 : i32
    %dma_wait3A_146 = tpu.memref_slice %arg7[%dma_wait3A_144, %dma_wait3A_145] : memref<10240x64xf32, #tpu.memory_space<vmem_shared>> -> memref<10240x64xf32, #tpu.memory_space<vmem_shared>>
    %dma_wait3A_147 = tpu.memref_slice %arg13[%dma_wait3A_136] : memref<2x!tpu.dma_semaphore, #tpu.memory_space<semaphore_mem>> -> memref<1x!tpu.dma_semaphore, #tpu.memory_space<semaphore_mem>>
    %dma_wait3A_148 = tpu.memref_squeeze %dma_wait3A_147 : memref<1x!tpu.dma_semaphore, #tpu.memory_space<semaphore_mem>> -> memref<!tpu.dma_semaphore, #tpu.memory_space<semaphore_mem>>
    tpu.wait_indirect_dma semaphore(%dma_wait3A_148 : memref<!tpu.dma_semaphore, #tpu.memory_space<semaphore_mem>>) src(%dma_wait3A_140 : memref<128x64xf32, #tpu.memory_space<vmem>>) dst(%dma_wait3A_146 : memref<10240x64xf32, #tpu.memory_space<vmem_shared>>)
    %barrier3A_149 = arith.constant 0 : index
    tpu.barrier barrier_id(%barrier3A_149)
    %mul3A_150 = arith.constant 640 : i32
    %mul3A_151 = arith.muli %arg1, %mul3A_150 : i32
    %mul3A_152 = arith.constant 640 : i32
    %mul3A_153 = arith.muli %arg1, %mul3A_152 : i32
    "tpu.region"() ({
      %run_scoped3A = tpu.sem_alloc : memref<!tpu.dma_semaphore, #tpu.memory_space<semaphore_mem>>
      %dma_start3A_154 = arith.constant 0 : i32
      %dma_start3A_155 = tpu.memref_slice %arg6[%arg0, %mul3A_153, %dma_start3A_154] : memref<2x10240x64xf32, #tpu.memory_space<hbm>> -> memref<1x640x64xf32, #tpu.memory_space<hbm>>
      %dma_start3A_156 = tpu.memref_squeeze %dma_start3A_155 : memref<1x640x64xf32, #tpu.memory_space<hbm>> -> memref<640x64xf32, #tpu.memory_space<hbm>>
      %dma_start3A_157 = arith.constant 0 : i32
      %dma_start3A_158 = tpu.memref_slice %arg7[%mul3A_151, %dma_start3A_157] : memref<10240x64xf32, #tpu.memory_space<vmem_shared>> -> memref<640x64xf32, #tpu.memory_space<vmem_shared>>
      tpu.enqueue_dma source(%dma_start3A_158 : memref<640x64xf32, #tpu.memory_space<vmem_shared>>) target(%dma_start3A_156 : memref<640x64xf32, #tpu.memory_space<hbm>>) target_semaphore(%run_scoped3A : memref<!tpu.dma_semaphore, #tpu.memory_space<semaphore_mem>>)
      %dma_wait3A_159 = arith.constant 0 : i32
      %dma_wait3A_160 = tpu.memref_slice %arg6[%arg0, %mul3A_153, %dma_wait3A_159] : memref<2x10240x64xf32, #tpu.memory_space<hbm>> -> memref<1x640x64xf32, #tpu.memory_space<hbm>>
      %dma_wait3A_161 = tpu.memref_squeeze %dma_wait3A_160 : memref<1x640x64xf32, #tpu.memory_space<hbm>> -> memref<640x64xf32, #tpu.memory_space<hbm>>
      %dma_wait3A_162 = arith.constant 0 : i32
      %dma_wait3A_163 = tpu.memref_slice %arg7[%mul3A_151, %dma_wait3A_162] : memref<10240x64xf32, #tpu.memory_space<vmem_shared>> -> memref<640x64xf32, #tpu.memory_space<vmem_shared>>
      tpu.wait_dma2 semaphore(%run_scoped3A : memref<!tpu.dma_semaphore, #tpu.memory_space<semaphore_mem>>) src(%dma_wait3A_163 : memref<640x64xf32, #tpu.memory_space<vmem_shared>>) dst(%dma_wait3A_161 : memref<640x64xf32, #tpu.memory_space<hbm>>)
      tpu.yield
    }) : () -> ()
    return
  }
}

#map = affine_map<(d0, d1) -> (0, 0)>
#map1 = affine_map<(d0, d1) -> (0, 0, 0)>
module attributes {stable_mosaic.version = 14 : i64} {
  func.func @_sc_edge_body(%arg0: i32, %arg1: i32, %arg2: memref<10000x64xf32, #tpu.memory_space<hbm>>, %arg3: memref<32x80x128xi32, #tpu.memory_space<hbm>>, %arg4: memref<32x80x128xi32, #tpu.memory_space<hbm>>, %arg5: memref<128x64xf32, #tpu.memory_space<hbm>>, %arg6: memref<2x10240x64xf32, #tpu.memory_space<hbm>>, %arg7: memref<10240x64xf32, #tpu.memory_space<vmem_shared>>, %arg8: memref<10240x64xf32, #tpu.memory_space<vmem_shared>>, %arg9: memref<80x128xi32, #tpu.memory_space<vmem>>, %arg10: memref<80x128xi32, #tpu.memory_space<vmem>>, %arg11: memref<2x128x64xf32, #tpu.memory_space<vmem>>, %arg12: memref<2x!tpu.dma_semaphore, #tpu.memory_space<semaphore_mem>>, %arg13: memref<2x!tpu.dma_semaphore, #tpu.memory_space<semaphore_mem>>) attributes {dimension_semantics = [#tpu.dimension_semantics<core_parallel>, #tpu.dimension_semantics<subcore_parallel>], iteration_bounds = array<i64: 2, 16>, scalar_prefetch = 0 : i64, scratch_operands = 7 : i64, tpu.core_type = #tpu.core_type<sc_vector_subcore>, window_params = [{transform_indices = #map}, {transform_indices = #map1}, {transform_indices = #map1}, {transform_indices = #map}, {transform_indices = #map1}]} {
    %mul3A = arith.constant 16 : i32
    %mul3A_0 = arith.muli %arg0, %mul3A : i32
    %add3A = arith.addi %mul3A_0, %arg1 : i32
    "tpu.region"() ({
      %run_scoped3A = tpu.sem_alloc : memref<!tpu.dma_semaphore, #tpu.memory_space<semaphore_mem>>
      %dma_start3A_154 = arith.constant 0 : i32
      %dma_start3A_155 = arith.constant 0 : i32
      %dma_start3A_156 = tpu.memref_slice %arg3[%add3A, %dma_start3A_154, %dma_start3A_155] : memref<32x80x128xi32, #tpu.memory_space<hbm>> -> memref<1x80x128xi32, #tpu.memory_space<hbm>>
      %dma_start3A_157 = tpu.memref_squeeze %dma_start3A_156 : memref<1x80x128xi32, #tpu.memory_space<hbm>> -> memref<80x128xi32, #tpu.memory_space<hbm>>
      %dma_start3A_158 = arith.constant 0 : i32
      %dma_start3A_159 = arith.constant 0 : i32
      %dma_start3A_160 = tpu.memref_slice %arg3[%add3A, %dma_start3A_158, %dma_start3A_159] : memref<32x80x128xi32, #tpu.memory_space<hbm>> -> memref<1x80x128xi32, #tpu.memory_space<hbm>>
      %dma_start3A_161 = tpu.memref_squeeze %dma_start3A_160 : memref<1x80x128xi32, #tpu.memory_space<hbm>> -> memref<80x128xi32, #tpu.memory_space<hbm>>
      tpu.enqueue_dma source(%dma_start3A_161 : memref<80x128xi32, #tpu.memory_space<hbm>>) target(%arg9 : memref<80x128xi32, #tpu.memory_space<vmem>>) target_semaphore(%run_scoped3A : memref<!tpu.dma_semaphore, #tpu.memory_space<semaphore_mem>>)
      %dma_wait3A_162 = arith.constant 0 : i32
      %dma_wait3A_163 = arith.constant 0 : i32
      %dma_wait3A_164 = tpu.memref_slice %arg3[%add3A, %dma_wait3A_162, %dma_wait3A_163] : memref<32x80x128xi32, #tpu.memory_space<hbm>> -> memref<1x80x128xi32, #tpu.memory_space<hbm>>
      %dma_wait3A_165 = tpu.memref_squeeze %dma_wait3A_164 : memref<1x80x128xi32, #tpu.memory_space<hbm>> -> memref<80x128xi32, #tpu.memory_space<hbm>>
      %dma_wait3A_166 = arith.constant 0 : i32
      %dma_wait3A_167 = arith.constant 0 : i32
      %dma_wait3A_168 = tpu.memref_slice %arg3[%add3A, %dma_wait3A_166, %dma_wait3A_167] : memref<32x80x128xi32, #tpu.memory_space<hbm>> -> memref<1x80x128xi32, #tpu.memory_space<hbm>>
      %dma_wait3A_169 = tpu.memref_squeeze %dma_wait3A_168 : memref<1x80x128xi32, #tpu.memory_space<hbm>> -> memref<80x128xi32, #tpu.memory_space<hbm>>
      tpu.wait_dma2 semaphore(%run_scoped3A : memref<!tpu.dma_semaphore, #tpu.memory_space<semaphore_mem>>) src(%dma_wait3A_169 : memref<80x128xi32, #tpu.memory_space<hbm>>) dst(%arg9 : memref<80x128xi32, #tpu.memory_space<vmem>>)
      tpu.yield
    }) : () -> ()
    "tpu.region"() ({
      %run_scoped3A = tpu.sem_alloc : memref<!tpu.dma_semaphore, #tpu.memory_space<semaphore_mem>>
      %dma_start3A_154 = arith.constant 0 : i32
      %dma_start3A_155 = arith.constant 0 : i32
      %dma_start3A_156 = tpu.memref_slice %arg4[%add3A, %dma_start3A_154, %dma_start3A_155] : memref<32x80x128xi32, #tpu.memory_space<hbm>> -> memref<1x80x128xi32, #tpu.memory_space<hbm>>
      %dma_start3A_157 = tpu.memref_squeeze %dma_start3A_156 : memref<1x80x128xi32, #tpu.memory_space<hbm>> -> memref<80x128xi32, #tpu.memory_space<hbm>>
      %dma_start3A_158 = arith.constant 0 : i32
      %dma_start3A_159 = arith.constant 0 : i32
      %dma_start3A_160 = tpu.memref_slice %arg4[%add3A, %dma_start3A_158, %dma_start3A_159] : memref<32x80x128xi32, #tpu.memory_space<hbm>> -> memref<1x80x128xi32, #tpu.memory_space<hbm>>
      %dma_start3A_161 = tpu.memref_squeeze %dma_start3A_160 : memref<1x80x128xi32, #tpu.memory_space<hbm>> -> memref<80x128xi32, #tpu.memory_space<hbm>>
      tpu.enqueue_dma source(%dma_start3A_161 : memref<80x128xi32, #tpu.memory_space<hbm>>) target(%arg10 : memref<80x128xi32, #tpu.memory_space<vmem>>) target_semaphore(%run_scoped3A : memref<!tpu.dma_semaphore, #tpu.memory_space<semaphore_mem>>)
      %dma_wait3A_162 = arith.constant 0 : i32
      %dma_wait3A_163 = arith.constant 0 : i32
      %dma_wait3A_164 = tpu.memref_slice %arg4[%add3A, %dma_wait3A_162, %dma_wait3A_163] : memref<32x80x128xi32, #tpu.memory_space<hbm>> -> memref<1x80x128xi32, #tpu.memory_space<hbm>>
      %dma_wait3A_165 = tpu.memref_squeeze %dma_wait3A_164 : memref<1x80x128xi32, #tpu.memory_space<hbm>> -> memref<80x128xi32, #tpu.memory_space<hbm>>
      %dma_wait3A_166 = arith.constant 0 : i32
      %dma_wait3A_167 = arith.constant 0 : i32
      %dma_wait3A_168 = tpu.memref_slice %arg4[%add3A, %dma_wait3A_166, %dma_wait3A_167] : memref<32x80x128xi32, #tpu.memory_space<hbm>> -> memref<1x80x128xi32, #tpu.memory_space<hbm>>
      %dma_wait3A_169 = tpu.memref_squeeze %dma_wait3A_168 : memref<1x80x128xi32, #tpu.memory_space<hbm>> -> memref<80x128xi32, #tpu.memory_space<hbm>>
      tpu.wait_dma2 semaphore(%run_scoped3A : memref<!tpu.dma_semaphore, #tpu.memory_space<semaphore_mem>>) src(%dma_wait3A_169 : memref<80x128xi32, #tpu.memory_space<hbm>>) dst(%arg10 : memref<80x128xi32, #tpu.memory_space<vmem>>)
      tpu.yield
    }) : () -> ()
    %lt3A = arith.constant 15 : i32
    %lt3A_1 = arith.cmpi slt, %arg1, %lt3A : i32
    %convert_element_type3A = arith.extui %lt3A_1 : i1 to i32
    %cond3A = arith.constant 0 : i32
    %cond3A_2 = arith.cmpi ne, %convert_element_type3A, %cond3A : i32
    scf.if %cond3A_2 {
      %mul3A_154 = arith.constant 640 : i32
      %mul3A_155 = arith.muli %arg1, %mul3A_154 : i32
      %mul3A_156 = arith.constant 640 : i32
      %mul3A_157 = arith.muli %arg1, %mul3A_156 : i32
      "tpu.region"() ({
        %run_scoped3A = tpu.sem_alloc : memref<!tpu.dma_semaphore, #tpu.memory_space<semaphore_mem>>
        %dma_start3A_158 = arith.constant 0 : i32
        %dma_start3A_159 = tpu.memref_slice %arg8[%mul3A_157, %dma_start3A_158] : memref<10240x64xf32, #tpu.memory_space<vmem_shared>> -> memref<640x64xf32, #tpu.memory_space<vmem_shared>>
        %dma_start3A_160 = arith.constant 0 : i32
        %dma_start3A_161 = tpu.memref_slice %arg2[%mul3A_155, %dma_start3A_160] : memref<10000x64xf32, #tpu.memory_space<hbm>> -> memref<640x64xf32, #tpu.memory_space<hbm>>
        tpu.enqueue_dma source(%dma_start3A_161 : memref<640x64xf32, #tpu.memory_space<hbm>>) target(%dma_start3A_159 : memref<640x64xf32, #tpu.memory_space<vmem_shared>>) target_semaphore(%run_scoped3A : memref<!tpu.dma_semaphore, #tpu.memory_space<semaphore_mem>>)
        %dma_wait3A_162 = arith.constant 0 : i32
        %dma_wait3A_163 = tpu.memref_slice %arg8[%mul3A_157, %dma_wait3A_162] : memref<10240x64xf32, #tpu.memory_space<vmem_shared>> -> memref<640x64xf32, #tpu.memory_space<vmem_shared>>
        %dma_wait3A_164 = arith.constant 0 : i32
        %dma_wait3A_165 = tpu.memref_slice %arg2[%mul3A_155, %dma_wait3A_164] : memref<10000x64xf32, #tpu.memory_space<hbm>> -> memref<640x64xf32, #tpu.memory_space<hbm>>
        tpu.wait_dma2 semaphore(%run_scoped3A : memref<!tpu.dma_semaphore, #tpu.memory_space<semaphore_mem>>) src(%dma_wait3A_165 : memref<640x64xf32, #tpu.memory_space<hbm>>) dst(%dma_wait3A_163 : memref<640x64xf32, #tpu.memory_space<vmem_shared>>)
        tpu.yield
      }) : () -> ()
    } else {
    }
    %eq3A = arith.constant 15 : i32
    %eq3A_3 = arith.cmpi eq, %arg1, %eq3A : i32
    %convert_element_type3A_4 = arith.extui %eq3A_3 : i1 to i32
    %cond3A_5 = arith.constant 0 : i32
    %cond3A_6 = arith.cmpi ne, %convert_element_type3A_4, %cond3A_5 : i32
    scf.if %cond3A_6 {
      "tpu.region"() ({
        %run_scoped3A = tpu.sem_alloc : memref<!tpu.dma_semaphore, #tpu.memory_space<semaphore_mem>>
        %dma_start3A_154 = arith.constant 9600 : i32
        %dma_start3A_155 = arith.constant 0 : i32
        %dma_start3A_156 = tpu.memref_slice %arg8[%dma_start3A_154, %dma_start3A_155] : memref<10240x64xf32, #tpu.memory_space<vmem_shared>> -> memref<400x64xf32, #tpu.memory_space<vmem_shared>>
        %dma_start3A_157 = arith.constant 9600 : i32
        %dma_start3A_158 = arith.constant 0 : i32
        %dma_start3A_159 = tpu.memref_slice %arg2[%dma_start3A_157, %dma_start3A_158] : memref<10000x64xf32, #tpu.memory_space<hbm>> -> memref<400x64xf32, #tpu.memory_space<hbm>>
        tpu.enqueue_dma source(%dma_start3A_159 : memref<400x64xf32, #tpu.memory_space<hbm>>) target(%dma_start3A_156 : memref<400x64xf32, #tpu.memory_space<vmem_shared>>) target_semaphore(%run_scoped3A : memref<!tpu.dma_semaphore, #tpu.memory_space<semaphore_mem>>)
        %dma_wait3A_160 = arith.constant 9600 : i32
        %dma_wait3A_161 = arith.constant 0 : i32
        %dma_wait3A_162 = tpu.memref_slice %arg8[%dma_wait3A_160, %dma_wait3A_161] : memref<10240x64xf32, #tpu.memory_space<vmem_shared>> -> memref<400x64xf32, #tpu.memory_space<vmem_shared>>
        %dma_wait3A_163 = arith.constant 9600 : i32
        %dma_wait3A_164 = arith.constant 0 : i32
        %dma_wait3A_165 = tpu.memref_slice %arg2[%dma_wait3A_163, %dma_wait3A_164] : memref<10000x64xf32, #tpu.memory_space<hbm>> -> memref<400x64xf32, #tpu.memory_space<hbm>>
        tpu.wait_dma2 semaphore(%run_scoped3A : memref<!tpu.dma_semaphore, #tpu.memory_space<semaphore_mem>>) src(%dma_wait3A_165 : memref<400x64xf32, #tpu.memory_space<hbm>>) dst(%dma_wait3A_162 : memref<400x64xf32, #tpu.memory_space<vmem_shared>>)
        tpu.yield
      }) : () -> ()
    } else {
    }
    %mul3A_7 = arith.constant 640 : i32
    %mul3A_8 = arith.muli %arg1, %mul3A_7 : i32
    %add3A_9 = arith.constant 0 : i32
    %add3A_10 = arith.addi %mul3A_8, %add3A_9 : i32
    "tpu.region"() ({
      %run_scoped3A = tpu.sem_alloc : memref<!tpu.dma_semaphore, #tpu.memory_space<semaphore_mem>>
      %dma_start3A_154 = arith.constant 0 : i32
      %dma_start3A_155 = tpu.memref_slice %arg7[%add3A_10, %dma_start3A_154] : memref<10240x64xf32, #tpu.memory_space<vmem_shared>> -> memref<128x64xf32, #tpu.memory_space<vmem_shared>>
      tpu.enqueue_dma source(%arg5 : memref<128x64xf32, #tpu.memory_space<hbm>>) target(%dma_start3A_155 : memref<128x64xf32, #tpu.memory_space<vmem_shared>>) target_semaphore(%run_scoped3A : memref<!tpu.dma_semaphore, #tpu.memory_space<semaphore_mem>>)
      %dma_wait3A_156 = arith.constant 0 : i32
      %dma_wait3A_157 = tpu.memref_slice %arg7[%add3A_10, %dma_wait3A_156] : memref<10240x64xf32, #tpu.memory_space<vmem_shared>> -> memref<128x64xf32, #tpu.memory_space<vmem_shared>>
      tpu.wait_dma2 semaphore(%run_scoped3A : memref<!tpu.dma_semaphore, #tpu.memory_space<semaphore_mem>>) src(%arg5 : memref<128x64xf32, #tpu.memory_space<hbm>>) dst(%dma_wait3A_157 : memref<128x64xf32, #tpu.memory_space<vmem_shared>>)
      tpu.yield
    }) : () -> ()
    %mul3A_11 = arith.constant 640 : i32
    %mul3A_12 = arith.muli %arg1, %mul3A_11 : i32
    %add3A_13 = arith.constant 128 : i32
    %add3A_14 = arith.addi %mul3A_12, %add3A_13 : i32
    "tpu.region"() ({
      %run_scoped3A = tpu.sem_alloc : memref<!tpu.dma_semaphore, #tpu.memory_space<semaphore_mem>>
      %dma_start3A_154 = arith.constant 0 : i32
      %dma_start3A_155 = tpu.memref_slice %arg7[%add3A_14, %dma_start3A_154] : memref<10240x64xf32, #tpu.memory_space<vmem_shared>> -> memref<128x64xf32, #tpu.memory_space<vmem_shared>>
      tpu.enqueue_dma source(%arg5 : memref<128x64xf32, #tpu.memory_space<hbm>>) target(%dma_start3A_155 : memref<128x64xf32, #tpu.memory_space<vmem_shared>>) target_semaphore(%run_scoped3A : memref<!tpu.dma_semaphore, #tpu.memory_space<semaphore_mem>>)
      %dma_wait3A_156 = arith.constant 0 : i32
      %dma_wait3A_157 = tpu.memref_slice %arg7[%add3A_14, %dma_wait3A_156] : memref<10240x64xf32, #tpu.memory_space<vmem_shared>> -> memref<128x64xf32, #tpu.memory_space<vmem_shared>>
      tpu.wait_dma2 semaphore(%run_scoped3A : memref<!tpu.dma_semaphore, #tpu.memory_space<semaphore_mem>>) src(%arg5 : memref<128x64xf32, #tpu.memory_space<hbm>>) dst(%dma_wait3A_157 : memref<128x64xf32, #tpu.memory_space<vmem_shared>>)
      tpu.yield
    }) : () -> ()
    %mul3A_15 = arith.constant 640 : i32
    %mul3A_16 = arith.muli %arg1, %mul3A_15 : i32
    %add3A_17 = arith.constant 256 : i32
    %add3A_18 = arith.addi %mul3A_16, %add3A_17 : i32
    "tpu.region"() ({
      %run_scoped3A = tpu.sem_alloc : memref<!tpu.dma_semaphore, #tpu.memory_space<semaphore_mem>>
      %dma_start3A_154 = arith.constant 0 : i32
      %dma_start3A_155 = tpu.memref_slice %arg7[%add3A_18, %dma_start3A_154] : memref<10240x64xf32, #tpu.memory_space<vmem_shared>> -> memref<128x64xf32, #tpu.memory_space<vmem_shared>>
      tpu.enqueue_dma source(%arg5 : memref<128x64xf32, #tpu.memory_space<hbm>>) target(%dma_start3A_155 : memref<128x64xf32, #tpu.memory_space<vmem_shared>>) target_semaphore(%run_scoped3A : memref<!tpu.dma_semaphore, #tpu.memory_space<semaphore_mem>>)
      %dma_wait3A_156 = arith.constant 0 : i32
      %dma_wait3A_157 = tpu.memref_slice %arg7[%add3A_18, %dma_wait3A_156] : memref<10240x64xf32, #tpu.memory_space<vmem_shared>> -> memref<128x64xf32, #tpu.memory_space<vmem_shared>>
      tpu.wait_dma2 semaphore(%run_scoped3A : memref<!tpu.dma_semaphore, #tpu.memory_space<semaphore_mem>>) src(%arg5 : memref<128x64xf32, #tpu.memory_space<hbm>>) dst(%dma_wait3A_157 : memref<128x64xf32, #tpu.memory_space<vmem_shared>>)
      tpu.yield
    }) : () -> ()
    %mul3A_19 = arith.constant 640 : i32
    %mul3A_20 = arith.muli %arg1, %mul3A_19 : i32
    %add3A_21 = arith.constant 384 : i32
    %add3A_22 = arith.addi %mul3A_20, %add3A_21 : i32
    "tpu.region"() ({
      %run_scoped3A = tpu.sem_alloc : memref<!tpu.dma_semaphore, #tpu.memory_space<semaphore_mem>>
      %dma_start3A_154 = arith.constant 0 : i32
      %dma_start3A_155 = tpu.memref_slice %arg7[%add3A_22, %dma_start3A_154] : memref<10240x64xf32, #tpu.memory_space<vmem_shared>> -> memref<128x64xf32, #tpu.memory_space<vmem_shared>>
      tpu.enqueue_dma source(%arg5 : memref<128x64xf32, #tpu.memory_space<hbm>>) target(%dma_start3A_155 : memref<128x64xf32, #tpu.memory_space<vmem_shared>>) target_semaphore(%run_scoped3A : memref<!tpu.dma_semaphore, #tpu.memory_space<semaphore_mem>>)
      %dma_wait3A_156 = arith.constant 0 : i32
      %dma_wait3A_157 = tpu.memref_slice %arg7[%add3A_22, %dma_wait3A_156] : memref<10240x64xf32, #tpu.memory_space<vmem_shared>> -> memref<128x64xf32, #tpu.memory_space<vmem_shared>>
      tpu.wait_dma2 semaphore(%run_scoped3A : memref<!tpu.dma_semaphore, #tpu.memory_space<semaphore_mem>>) src(%arg5 : memref<128x64xf32, #tpu.memory_space<hbm>>) dst(%dma_wait3A_157 : memref<128x64xf32, #tpu.memory_space<vmem_shared>>)
      tpu.yield
    }) : () -> ()
    %mul3A_23 = arith.constant 640 : i32
    %mul3A_24 = arith.muli %arg1, %mul3A_23 : i32
    %add3A_25 = arith.constant 512 : i32
    %add3A_26 = arith.addi %mul3A_24, %add3A_25 : i32
    "tpu.region"() ({
      %run_scoped3A = tpu.sem_alloc : memref<!tpu.dma_semaphore, #tpu.memory_space<semaphore_mem>>
      %dma_start3A_154 = arith.constant 0 : i32
      %dma_start3A_155 = tpu.memref_slice %arg7[%add3A_26, %dma_start3A_154] : memref<10240x64xf32, #tpu.memory_space<vmem_shared>> -> memref<128x64xf32, #tpu.memory_space<vmem_shared>>
      tpu.enqueue_dma source(%arg5 : memref<128x64xf32, #tpu.memory_space<hbm>>) target(%dma_start3A_155 : memref<128x64xf32, #tpu.memory_space<vmem_shared>>) target_semaphore(%run_scoped3A : memref<!tpu.dma_semaphore, #tpu.memory_space<semaphore_mem>>)
      %dma_wait3A_156 = arith.constant 0 : i32
      %dma_wait3A_157 = tpu.memref_slice %arg7[%add3A_26, %dma_wait3A_156] : memref<10240x64xf32, #tpu.memory_space<vmem_shared>> -> memref<128x64xf32, #tpu.memory_space<vmem_shared>>
      tpu.wait_dma2 semaphore(%run_scoped3A : memref<!tpu.dma_semaphore, #tpu.memory_space<semaphore_mem>>) src(%arg5 : memref<128x64xf32, #tpu.memory_space<hbm>>) dst(%dma_wait3A_157 : memref<128x64xf32, #tpu.memory_space<vmem_shared>>)
      tpu.yield
    }) : () -> ()
    %barrier3A = arith.constant 0 : index
    tpu.barrier barrier_id(%barrier3A)
    %dma_start3A = arith.constant 0 : i32
    %dma_start3A_27 = arith.constant 0 : i32
    %dma_start3A_28 = arith.constant 0 : i32
    %dma_start3A_29 = arith.constant 0 : i32
    %dma_start3A_30 = arith.constant 0 : i32
    %dma_start3A_31 = tpu.memref_slice %arg11[%dma_start3A_27, %dma_start3A_29, %dma_start3A_30] : memref<2x128x64xf32, #tpu.memory_space<vmem>> -> memref<1x128x64xf32, #tpu.memory_space<vmem>>
    %dma_start3A_32 = tpu.memref_squeeze %dma_start3A_31 : memref<1x128x64xf32, #tpu.memory_space<vmem>> -> memref<128x64xf32, #tpu.memory_space<vmem>>
    %dma_start3A_33 = arith.constant 0 : i32
    %dma_start3A_34 = tpu.memref_slice %arg9[%dma_start3A, %dma_start3A_33] : memref<80x128xi32, #tpu.memory_space<vmem>> -> memref<1x128xi32, #tpu.memory_space<vmem>>
    %dma_start3A_35 = tpu.memref_squeeze %dma_start3A_34 : memref<1x128xi32, #tpu.memory_space<vmem>> -> memref<128xi32, #tpu.memory_space<vmem>>
    %dma_start3A_36 = arith.constant 0 : i32
    %dma_start3A_37 = arith.constant 0 : i32
    %dma_start3A_38 = tpu.memref_slice %arg8[%dma_start3A_36, %dma_start3A_37] : memref<10240x64xf32, #tpu.memory_space<vmem_shared>> -> memref<10240x64xf32, #tpu.memory_space<vmem_shared>>
    %dma_start3A_39 = tpu.memref_slice %arg12[%dma_start3A_28] : memref<2x!tpu.dma_semaphore, #tpu.memory_space<semaphore_mem>> -> memref<1x!tpu.dma_semaphore, #tpu.memory_space<semaphore_mem>>
    %dma_start3A_40 = tpu.memref_squeeze %dma_start3A_39 : memref<1x!tpu.dma_semaphore, #tpu.memory_space<semaphore_mem>> -> memref<!tpu.dma_semaphore, #tpu.memory_space<semaphore_mem>>
    tpu.enqueue_indirect_dma source(%dma_start3A_38 : memref<10240x64xf32, #tpu.memory_space<vmem_shared>>) target(%dma_start3A_32 : memref<128x64xf32, #tpu.memory_space<vmem>>) offsets(%dma_start3A_35 : memref<128xi32, #tpu.memory_space<vmem>>) semaphore(%dma_start3A_40 : memref<!tpu.dma_semaphore, #tpu.memory_space<semaphore_mem>>)
    %dma_start3A_41 = arith.constant 1 : i32
    %dma_start3A_42 = arith.constant 1 : i32
    %dma_start3A_43 = arith.constant 1 : i32
    %dma_start3A_44 = arith.constant 0 : i32
    %dma_start3A_45 = arith.constant 0 : i32
    %dma_start3A_46 = tpu.memref_slice %arg11[%dma_start3A_42, %dma_start3A_44, %dma_start3A_45] : memref<2x128x64xf32, #tpu.memory_space<vmem>> -> memref<1x128x64xf32, #tpu.memory_space<vmem>>
    %dma_start3A_47 = tpu.memref_squeeze %dma_start3A_46 : memref<1x128x64xf32, #tpu.memory_space<vmem>> -> memref<128x64xf32, #tpu.memory_space<vmem>>
    %dma_start3A_48 = arith.constant 0 : i32
    %dma_start3A_49 = tpu.memref_slice %arg9[%dma_start3A_41, %dma_start3A_48] : memref<80x128xi32, #tpu.memory_space<vmem>> -> memref<1x128xi32, #tpu.memory_space<vmem>>
    %dma_start3A_50 = tpu.memref_squeeze %dma_start3A_49 : memref<1x128xi32, #tpu.memory_space<vmem>> -> memref<128xi32, #tpu.memory_space<vmem>>
    %dma_start3A_51 = arith.constant 0 : i32
    %dma_start3A_52 = arith.constant 0 : i32
    %dma_start3A_53 = tpu.memref_slice %arg8[%dma_start3A_51, %dma_start3A_52] : memref<10240x64xf32, #tpu.memory_space<vmem_shared>> -> memref<10240x64xf32, #tpu.memory_space<vmem_shared>>
    %dma_start3A_54 = tpu.memref_slice %arg12[%dma_start3A_43] : memref<2x!tpu.dma_semaphore, #tpu.memory_space<semaphore_mem>> -> memref<1x!tpu.dma_semaphore, #tpu.memory_space<semaphore_mem>>
    %dma_start3A_55 = tpu.memref_squeeze %dma_start3A_54 : memref<1x!tpu.dma_semaphore, #tpu.memory_space<semaphore_mem>> -> memref<!tpu.dma_semaphore, #tpu.memory_space<semaphore_mem>>
    tpu.enqueue_indirect_dma source(%dma_start3A_53 : memref<10240x64xf32, #tpu.memory_space<vmem_shared>>) target(%dma_start3A_47 : memref<128x64xf32, #tpu.memory_space<vmem>>) offsets(%dma_start3A_50 : memref<128xi32, #tpu.memory_space<vmem>>) semaphore(%dma_start3A_55 : memref<!tpu.dma_semaphore, #tpu.memory_space<semaphore_mem>>)
    %scan3A = arith.constant 0 : i32
    %scan3A_56 = arith.constant 39 : i32
    %scan3A_57 = arith.addi %scan3A, %scan3A_56 : i32
    %scan3A_58 = arith.constant 1 : i32
    scf.for %scan3A_154 = %scan3A to %scan3A_57 step %scan3A_58  : i32 {
      %mul3A_155 = arith.constant 1 : i32
      %mul3A_156 = arith.muli %scan3A_154, %mul3A_155 : i32
      %add3A_157 = arith.constant 0 : i32
      %add3A_158 = arith.addi %add3A_157, %mul3A_156 : i32
      %mul3A_159 = arith.constant 2 : i32
      %mul3A_160 = arith.muli %add3A_158, %mul3A_159 : i32
      %dma_wait3A_161 = arith.constant 0 : i32
      %dma_wait3A_162 = arith.constant 0 : i32
      %dma_wait3A_163 = arith.constant 0 : i32
      %dma_wait3A_164 = arith.constant 0 : i32
      %dma_wait3A_165 = arith.constant 0 : i32
      %dma_wait3A_166 = tpu.memref_slice %arg11[%dma_wait3A_162, %dma_wait3A_164, %dma_wait3A_165] : memref<2x128x64xf32, #tpu.memory_space<vmem>> -> memref<1x128x64xf32, #tpu.memory_space<vmem>>
      %dma_wait3A_167 = tpu.memref_squeeze %dma_wait3A_166 : memref<1x128x64xf32, #tpu.memory_space<vmem>> -> memref<128x64xf32, #tpu.memory_space<vmem>>
      %dma_wait3A_168 = arith.constant 0 : i32
      %dma_wait3A_169 = tpu.memref_slice %arg9[%dma_wait3A_161, %dma_wait3A_168] : memref<80x128xi32, #tpu.memory_space<vmem>> -> memref<1x128xi32, #tpu.memory_space<vmem>>
      %dma_wait3A_170 = tpu.memref_squeeze %dma_wait3A_169 : memref<1x128xi32, #tpu.memory_space<vmem>> -> memref<128xi32, #tpu.memory_space<vmem>>
      %dma_wait3A_171 = arith.constant 0 : i32
      %dma_wait3A_172 = arith.constant 0 : i32
      %dma_wait3A_173 = tpu.memref_slice %arg8[%dma_wait3A_171, %dma_wait3A_172] : memref<10240x64xf32, #tpu.memory_space<vmem_shared>> -> memref<10240x64xf32, #tpu.memory_space<vmem_shared>>
      %dma_wait3A_174 = tpu.memref_slice %arg12[%dma_wait3A_163] : memref<2x!tpu.dma_semaphore, #tpu.memory_space<semaphore_mem>> -> memref<1x!tpu.dma_semaphore, #tpu.memory_space<semaphore_mem>>
      %dma_wait3A_175 = tpu.memref_squeeze %dma_wait3A_174 : memref<1x!tpu.dma_semaphore, #tpu.memory_space<semaphore_mem>> -> memref<!tpu.dma_semaphore, #tpu.memory_space<semaphore_mem>>
      tpu.wait_indirect_dma semaphore(%dma_wait3A_175 : memref<!tpu.dma_semaphore, #tpu.memory_space<semaphore_mem>>) src(%dma_wait3A_173 : memref<10240x64xf32, #tpu.memory_space<vmem_shared>>) dst(%dma_wait3A_167 : memref<128x64xf32, #tpu.memory_space<vmem>>)
      %add3A_176 = arith.constant 0 : i32
      %add3A_177 = arith.addi %mul3A_160, %add3A_176 : i32
      %dma_start3A_178 = arith.constant 0 : i32
      %dma_start3A_179 = arith.constant 0 : i32
      %dma_start3A_180 = arith.constant 0 : i32
      %dma_start3A_181 = arith.constant 0 : i32
      %dma_start3A_182 = tpu.memref_slice %arg11[%dma_start3A_178, %dma_start3A_180, %dma_start3A_181] : memref<2x128x64xf32, #tpu.memory_space<vmem>> -> memref<1x128x64xf32, #tpu.memory_space<vmem>>
      %dma_start3A_183 = tpu.memref_squeeze %dma_start3A_182 : memref<1x128x64xf32, #tpu.memory_space<vmem>> -> memref<128x64xf32, #tpu.memory_space<vmem>>
      %dma_start3A_184 = arith.constant 0 : i32
      %dma_start3A_185 = tpu.memref_slice %arg10[%add3A_177, %dma_start3A_184] : memref<80x128xi32, #tpu.memory_space<vmem>> -> memref<1x128xi32, #tpu.memory_space<vmem>>
      %dma_start3A_186 = tpu.memref_squeeze %dma_start3A_185 : memref<1x128xi32, #tpu.memory_space<vmem>> -> memref<128xi32, #tpu.memory_space<vmem>>
      %dma_start3A_187 = arith.constant 0 : i32
      %dma_start3A_188 = arith.constant 0 : i32
      %dma_start3A_189 = tpu.memref_slice %arg7[%dma_start3A_187, %dma_start3A_188] : memref<10240x64xf32, #tpu.memory_space<vmem_shared>> -> memref<10240x64xf32, #tpu.memory_space<vmem_shared>>
      %dma_start3A_190 = tpu.memref_slice %arg13[%dma_start3A_179] : memref<2x!tpu.dma_semaphore, #tpu.memory_space<semaphore_mem>> -> memref<1x!tpu.dma_semaphore, #tpu.memory_space<semaphore_mem>>
      %dma_start3A_191 = tpu.memref_squeeze %dma_start3A_190 : memref<1x!tpu.dma_semaphore, #tpu.memory_space<semaphore_mem>> -> memref<!tpu.dma_semaphore, #tpu.memory_space<semaphore_mem>>
      tpu.enqueue_indirect_dma source(%dma_start3A_183 : memref<128x64xf32, #tpu.memory_space<vmem>>) target(%dma_start3A_189 : memref<10240x64xf32, #tpu.memory_space<vmem_shared>>) offsets(%dma_start3A_186 : memref<128xi32, #tpu.memory_space<vmem>>) semaphore(%dma_start3A_191 : memref<!tpu.dma_semaphore, #tpu.memory_space<semaphore_mem>>) {add = true}
      %dma_wait3A_192 = arith.constant 0 : i32
      %dma_wait3A_193 = arith.constant 1 : i32
      %dma_wait3A_194 = arith.constant 1 : i32
      %dma_wait3A_195 = arith.constant 0 : i32
      %dma_wait3A_196 = arith.constant 0 : i32
      %dma_wait3A_197 = tpu.memref_slice %arg11[%dma_wait3A_193, %dma_wait3A_195, %dma_wait3A_196] : memref<2x128x64xf32, #tpu.memory_space<vmem>> -> memref<1x128x64xf32, #tpu.memory_space<vmem>>
      %dma_wait3A_198 = tpu.memref_squeeze %dma_wait3A_197 : memref<1x128x64xf32, #tpu.memory_space<vmem>> -> memref<128x64xf32, #tpu.memory_space<vmem>>
      %dma_wait3A_199 = arith.constant 0 : i32
      %dma_wait3A_200 = tpu.memref_slice %arg9[%dma_wait3A_192, %dma_wait3A_199] : memref<80x128xi32, #tpu.memory_space<vmem>> -> memref<1x128xi32, #tpu.memory_space<vmem>>
      %dma_wait3A_201 = tpu.memref_squeeze %dma_wait3A_200 : memref<1x128xi32, #tpu.memory_space<vmem>> -> memref<128xi32, #tpu.memory_space<vmem>>
      %dma_wait3A_202 = arith.constant 0 : i32
      %dma_wait3A_203 = arith.constant 0 : i32
      %dma_wait3A_204 = tpu.memref_slice %arg8[%dma_wait3A_202, %dma_wait3A_203] : memref<10240x64xf32, #tpu.memory_space<vmem_shared>> -> memref<10240x64xf32, #tpu.memory_space<vmem_shared>>
      %dma_wait3A_205 = tpu.memref_slice %arg12[%dma_wait3A_194] : memref<2x!tpu.dma_semaphore, #tpu.memory_space<semaphore_mem>> -> memref<1x!tpu.dma_semaphore, #tpu.memory_space<semaphore_mem>>
      %dma_wait3A_206 = tpu.memref_squeeze %dma_wait3A_205 : memref<1x!tpu.dma_semaphore, #tpu.memory_space<semaphore_mem>> -> memref<!tpu.dma_semaphore, #tpu.memory_space<semaphore_mem>>
      tpu.wait_indirect_dma semaphore(%dma_wait3A_206 : memref<!tpu.dma_semaphore, #tpu.memory_space<semaphore_mem>>) src(%dma_wait3A_204 : memref<10240x64xf32, #tpu.memory_space<vmem_shared>>) dst(%dma_wait3A_198 : memref<128x64xf32, #tpu.memory_space<vmem>>)
      %add3A_207 = arith.constant 1 : i32
      %add3A_208 = arith.addi %mul3A_160, %add3A_207 : i32
      %dma_start3A_209 = arith.constant 1 : i32
      %dma_start3A_210 = arith.constant 1 : i32
      %dma_start3A_211 = arith.constant 0 : i32
      %dma_start3A_212 = arith.constant 0 : i32
      %dma_start3A_213 = tpu.memref_slice %arg11[%dma_start3A_209, %dma_start3A_211, %dma_start3A_212] : memref<2x128x64xf32, #tpu.memory_space<vmem>> -> memref<1x128x64xf32, #tpu.memory_space<vmem>>
      %dma_start3A_214 = tpu.memref_squeeze %dma_start3A_213 : memref<1x128x64xf32, #tpu.memory_space<vmem>> -> memref<128x64xf32, #tpu.memory_space<vmem>>
      %dma_start3A_215 = arith.constant 0 : i32
      %dma_start3A_216 = tpu.memref_slice %arg10[%add3A_208, %dma_start3A_215] : memref<80x128xi32, #tpu.memory_space<vmem>> -> memref<1x128xi32, #tpu.memory_space<vmem>>
      %dma_start3A_217 = tpu.memref_squeeze %dma_start3A_216 : memref<1x128xi32, #tpu.memory_space<vmem>> -> memref<128xi32, #tpu.memory_space<vmem>>
      %dma_start3A_218 = arith.constant 0 : i32
      %dma_start3A_219 = arith.constant 0 : i32
      %dma_start3A_220 = tpu.memref_slice %arg7[%dma_start3A_218, %dma_start3A_219] : memref<10240x64xf32, #tpu.memory_space<vmem_shared>> -> memref<10240x64xf32, #tpu.memory_space<vmem_shared>>
      %dma_start3A_221 = tpu.memref_slice %arg13[%dma_start3A_210] : memref<2x!tpu.dma_semaphore, #tpu.memory_space<semaphore_mem>> -> memref<1x!tpu.dma_semaphore, #tpu.memory_space<semaphore_mem>>
      %dma_start3A_222 = tpu.memref_squeeze %dma_start3A_221 : memref<1x!tpu.dma_semaphore, #tpu.memory_space<semaphore_mem>> -> memref<!tpu.dma_semaphore, #tpu.memory_space<semaphore_mem>>
      tpu.enqueue_indirect_dma source(%dma_start3A_214 : memref<128x64xf32, #tpu.memory_space<vmem>>) target(%dma_start3A_220 : memref<10240x64xf32, #tpu.memory_space<vmem_shared>>) offsets(%dma_start3A_217 : memref<128xi32, #tpu.memory_space<vmem>>) semaphore(%dma_start3A_222 : memref<!tpu.dma_semaphore, #tpu.memory_space<semaphore_mem>>) {add = true}
      %dma_wait3A_223 = arith.constant 0 : i32
      %dma_wait3A_224 = arith.constant 0 : i32
      %dma_wait3A_225 = arith.constant 0 : i32
      %dma_wait3A_226 = arith.constant 0 : i32
      %dma_wait3A_227 = arith.constant 0 : i32
      %dma_wait3A_228 = tpu.memref_slice %arg11[%dma_wait3A_223, %dma_wait3A_226, %dma_wait3A_227] : memref<2x128x64xf32, #tpu.memory_space<vmem>> -> memref<1x128x64xf32, #tpu.memory_space<vmem>>
      %dma_wait3A_229 = tpu.memref_squeeze %dma_wait3A_228 : memref<1x128x64xf32, #tpu.memory_space<vmem>> -> memref<128x64xf32, #tpu.memory_space<vmem>>
      %dma_wait3A_230 = arith.constant 0 : i32
      %dma_wait3A_231 = tpu.memref_slice %arg10[%dma_wait3A_224, %dma_wait3A_230] : memref<80x128xi32, #tpu.memory_space<vmem>> -> memref<1x128xi32, #tpu.memory_space<vmem>>
      %dma_wait3A_232 = tpu.memref_squeeze %dma_wait3A_231 : memref<1x128xi32, #tpu.memory_space<vmem>> -> memref<128xi32, #tpu.memory_space<vmem>>
      %dma_wait3A_233 = arith.constant 0 : i32
      %dma_wait3A_234 = arith.constant 0 : i32
      %dma_wait3A_235 = tpu.memref_slice %arg7[%dma_wait3A_233, %dma_wait3A_234] : memref<10240x64xf32, #tpu.memory_space<vmem_shared>> -> memref<10240x64xf32, #tpu.memory_space<vmem_shared>>
      %dma_wait3A_236 = tpu.memref_slice %arg13[%dma_wait3A_225] : memref<2x!tpu.dma_semaphore, #tpu.memory_space<semaphore_mem>> -> memref<1x!tpu.dma_semaphore, #tpu.memory_space<semaphore_mem>>
      %dma_wait3A_237 = tpu.memref_squeeze %dma_wait3A_236 : memref<1x!tpu.dma_semaphore, #tpu.memory_space<semaphore_mem>> -> memref<!tpu.dma_semaphore, #tpu.memory_space<semaphore_mem>>
      tpu.wait_indirect_dma semaphore(%dma_wait3A_237 : memref<!tpu.dma_semaphore, #tpu.memory_space<semaphore_mem>>) src(%dma_wait3A_229 : memref<128x64xf32, #tpu.memory_space<vmem>>) dst(%dma_wait3A_235 : memref<10240x64xf32, #tpu.memory_space<vmem_shared>>)
      %add3A_238 = arith.constant 2 : i32
      %add3A_239 = arith.addi %mul3A_160, %add3A_238 : i32
      %add3A_240 = arith.constant 0 : i32
      %add3A_241 = arith.addi %add3A_239, %add3A_240 : i32
      %dma_start3A_242 = arith.constant 0 : i32
      %dma_start3A_243 = arith.constant 0 : i32
      %dma_start3A_244 = arith.constant 0 : i32
      %dma_start3A_245 = arith.constant 0 : i32
      %dma_start3A_246 = tpu.memref_slice %arg11[%dma_start3A_242, %dma_start3A_244, %dma_start3A_245] : memref<2x128x64xf32, #tpu.memory_space<vmem>> -> memref<1x128x64xf32, #tpu.memory_space<vmem>>
      %dma_start3A_247 = tpu.memref_squeeze %dma_start3A_246 : memref<1x128x64xf32, #tpu.memory_space<vmem>> -> memref<128x64xf32, #tpu.memory_space<vmem>>
      %dma_start3A_248 = arith.constant 0 : i32
      %dma_start3A_249 = tpu.memref_slice %arg9[%add3A_241, %dma_start3A_248] : memref<80x128xi32, #tpu.memory_space<vmem>> -> memref<1x128xi32, #tpu.memory_space<vmem>>
      %dma_start3A_250 = tpu.memref_squeeze %dma_start3A_249 : memref<1x128xi32, #tpu.memory_space<vmem>> -> memref<128xi32, #tpu.memory_space<vmem>>
      %dma_start3A_251 = arith.constant 0 : i32
      %dma_start3A_252 = arith.constant 0 : i32
      %dma_start3A_253 = tpu.memref_slice %arg8[%dma_start3A_251, %dma_start3A_252] : memref<10240x64xf32, #tpu.memory_space<vmem_shared>> -> memref<10240x64xf32, #tpu.memory_space<vmem_shared>>
      %dma_start3A_254 = tpu.memref_slice %arg12[%dma_start3A_243] : memref<2x!tpu.dma_semaphore, #tpu.memory_space<semaphore_mem>> -> memref<1x!tpu.dma_semaphore, #tpu.memory_space<semaphore_mem>>
      %dma_start3A_255 = tpu.memref_squeeze %dma_start3A_254 : memref<1x!tpu.dma_semaphore, #tpu.memory_space<semaphore_mem>> -> memref<!tpu.dma_semaphore, #tpu.memory_space<semaphore_mem>>
      tpu.enqueue_indirect_dma source(%dma_start3A_253 : memref<10240x64xf32, #tpu.memory_space<vmem_shared>>) target(%dma_start3A_247 : memref<128x64xf32, #tpu.memory_space<vmem>>) offsets(%dma_start3A_250 : memref<128xi32, #tpu.memory_space<vmem>>) semaphore(%dma_start3A_255 : memref<!tpu.dma_semaphore, #tpu.memory_space<semaphore_mem>>)
      %dma_wait3A_256 = arith.constant 1 : i32
      %dma_wait3A_257 = arith.constant 0 : i32
      %dma_wait3A_258 = arith.constant 1 : i32
      %dma_wait3A_259 = arith.constant 0 : i32
      %dma_wait3A_260 = arith.constant 0 : i32
      %dma_wait3A_261 = tpu.memref_slice %arg11[%dma_wait3A_256, %dma_wait3A_259, %dma_wait3A_260] : memref<2x128x64xf32, #tpu.memory_space<vmem>> -> memref<1x128x64xf32, #tpu.memory_space<vmem>>
      %dma_wait3A_262 = tpu.memref_squeeze %dma_wait3A_261 : memref<1x128x64xf32, #tpu.memory_space<vmem>> -> memref<128x64xf32, #tpu.memory_space<vmem>>
      %dma_wait3A_263 = arith.constant 0 : i32
      %dma_wait3A_264 = tpu.memref_slice %arg10[%dma_wait3A_257, %dma_wait3A_263] : memref<80x128xi32, #tpu.memory_space<vmem>> -> memref<1x128xi32, #tpu.memory_space<vmem>>
      %dma_wait3A_265 = tpu.memref_squeeze %dma_wait3A_264 : memref<1x128xi32, #tpu.memory_space<vmem>> -> memref<128xi32, #tpu.memory_space<vmem>>
      %dma_wait3A_266 = arith.constant 0 : i32
      %dma_wait3A_267 = arith.constant 0 : i32
      %dma_wait3A_268 = tpu.memref_slice %arg7[%dma_wait3A_266, %dma_wait3A_267] : memref<10240x64xf32, #tpu.memory_space<vmem_shared>> -> memref<10240x64xf32, #tpu.memory_space<vmem_shared>>
      %dma_wait3A_269 = tpu.memref_slice %arg13[%dma_wait3A_258] : memref<2x!tpu.dma_semaphore, #tpu.memory_space<semaphore_mem>> -> memref<1x!tpu.dma_semaphore, #tpu.memory_space<semaphore_mem>>
      %dma_wait3A_270 = tpu.memref_squeeze %dma_wait3A_269 : memref<1x!tpu.dma_semaphore, #tpu.memory_space<semaphore_mem>> -> memref<!tpu.dma_semaphore, #tpu.memory_space<semaphore_mem>>
      tpu.wait_indirect_dma semaphore(%dma_wait3A_270 : memref<!tpu.dma_semaphore, #tpu.memory_space<semaphore_mem>>) src(%dma_wait3A_262 : memref<128x64xf32, #tpu.memory_space<vmem>>) dst(%dma_wait3A_268 : memref<10240x64xf32, #tpu.memory_space<vmem_shared>>)
      %add3A_271 = arith.constant 2 : i32
      %add3A_272 = arith.addi %mul3A_160, %add3A_271 : i32
      %add3A_273 = arith.constant 1 : i32
      %add3A_274 = arith.addi %add3A_272, %add3A_273 : i32
      %dma_start3A_275 = arith.constant 1 : i32
      %dma_start3A_276 = arith.constant 1 : i32
      %dma_start3A_277 = arith.constant 0 : i32
      %dma_start3A_278 = arith.constant 0 : i32
      %dma_start3A_279 = tpu.memref_slice %arg11[%dma_start3A_275, %dma_start3A_277, %dma_start3A_278] : memref<2x128x64xf32, #tpu.memory_space<vmem>> -> memref<1x128x64xf32, #tpu.memory_space<vmem>>
      %dma_start3A_280 = tpu.memref_squeeze %dma_start3A_279 : memref<1x128x64xf32, #tpu.memory_space<vmem>> -> memref<128x64xf32, #tpu.memory_space<vmem>>
      %dma_start3A_281 = arith.constant 0 : i32
      %dma_start3A_282 = tpu.memref_slice %arg9[%add3A_274, %dma_start3A_281] : memref<80x128xi32, #tpu.memory_space<vmem>> -> memref<1x128xi32, #tpu.memory_space<vmem>>
      %dma_start3A_283 = tpu.memref_squeeze %dma_start3A_282 : memref<1x128xi32, #tpu.memory_space<vmem>> -> memref<128xi32, #tpu.memory_space<vmem>>
      %dma_start3A_284 = arith.constant 0 : i32
      %dma_start3A_285 = arith.constant 0 : i32
      %dma_start3A_286 = tpu.memref_slice %arg8[%dma_start3A_284, %dma_start3A_285] : memref<10240x64xf32, #tpu.memory_space<vmem_shared>> -> memref<10240x64xf32, #tpu.memory_space<vmem_shared>>
      %dma_start3A_287 = tpu.memref_slice %arg12[%dma_start3A_276] : memref<2x!tpu.dma_semaphore, #tpu.memory_space<semaphore_mem>> -> memref<1x!tpu.dma_semaphore, #tpu.memory_space<semaphore_mem>>
      %dma_start3A_288 = tpu.memref_squeeze %dma_start3A_287 : memref<1x!tpu.dma_semaphore, #tpu.memory_space<semaphore_mem>> -> memref<!tpu.dma_semaphore, #tpu.memory_space<semaphore_mem>>
      tpu.enqueue_indirect_dma source(%dma_start3A_286 : memref<10240x64xf32, #tpu.memory_space<vmem_shared>>) target(%dma_start3A_280 : memref<128x64xf32, #tpu.memory_space<vmem>>) offsets(%dma_start3A_283 : memref<128xi32, #tpu.memory_space<vmem>>) semaphore(%dma_start3A_288 : memref<!tpu.dma_semaphore, #tpu.memory_space<semaphore_mem>>)
    }
    %scan3A_59 = arith.constant 39 : i32
    %dma_wait3A = arith.constant 0 : i32
    %dma_wait3A_60 = arith.constant 0 : i32
    %dma_wait3A_61 = arith.constant 0 : i32
    %dma_wait3A_62 = arith.constant 0 : i32
    %dma_wait3A_63 = arith.constant 0 : i32
    %dma_wait3A_64 = tpu.memref_slice %arg11[%dma_wait3A_60, %dma_wait3A_62, %dma_wait3A_63] : memref<2x128x64xf32, #tpu.memory_space<vmem>> -> memref<1x128x64xf32, #tpu.memory_space<vmem>>
    %dma_wait3A_65 = tpu.memref_squeeze %dma_wait3A_64 : memref<1x128x64xf32, #tpu.memory_space<vmem>> -> memref<128x64xf32, #tpu.memory_space<vmem>>
    %dma_wait3A_66 = arith.constant 0 : i32
    %dma_wait3A_67 = tpu.memref_slice %arg9[%dma_wait3A, %dma_wait3A_66] : memref<80x128xi32, #tpu.memory_space<vmem>> -> memref<1x128xi32, #tpu.memory_space<vmem>>
    %dma_wait3A_68 = tpu.memref_squeeze %dma_wait3A_67 : memref<1x128xi32, #tpu.memory_space<vmem>> -> memref<128xi32, #tpu.memory_space<vmem>>
    %dma_wait3A_69 = arith.constant 0 : i32
    %dma_wait3A_70 = arith.constant 0 : i32
    %dma_wait3A_71 = tpu.memref_slice %arg8[%dma_wait3A_69, %dma_wait3A_70] : memref<10240x64xf32, #tpu.memory_space<vmem_shared>> -> memref<10240x64xf32, #tpu.memory_space<vmem_shared>>
    %dma_wait3A_72 = tpu.memref_slice %arg12[%dma_wait3A_61] : memref<2x!tpu.dma_semaphore, #tpu.memory_space<semaphore_mem>> -> memref<1x!tpu.dma_semaphore, #tpu.memory_space<semaphore_mem>>
    %dma_wait3A_73 = tpu.memref_squeeze %dma_wait3A_72 : memref<1x!tpu.dma_semaphore, #tpu.memory_space<semaphore_mem>> -> memref<!tpu.dma_semaphore, #tpu.memory_space<semaphore_mem>>
    tpu.wait_indirect_dma semaphore(%dma_wait3A_73 : memref<!tpu.dma_semaphore, #tpu.memory_space<semaphore_mem>>) src(%dma_wait3A_71 : memref<10240x64xf32, #tpu.memory_space<vmem_shared>>) dst(%dma_wait3A_65 : memref<128x64xf32, #tpu.memory_space<vmem>>)
    %dma_start3A_74 = arith.constant 0 : i32
    %dma_start3A_75 = arith.constant 78 : i32
    %dma_start3A_76 = arith.constant 0 : i32
    %dma_start3A_77 = arith.constant 0 : i32
    %dma_start3A_78 = arith.constant 0 : i32
    %dma_start3A_79 = tpu.memref_slice %arg11[%dma_start3A_74, %dma_start3A_77, %dma_start3A_78] : memref<2x128x64xf32, #tpu.memory_space<vmem>> -> memref<1x128x64xf32, #tpu.memory_space<vmem>>
    %dma_start3A_80 = tpu.memref_squeeze %dma_start3A_79 : memref<1x128x64xf32, #tpu.memory_space<vmem>> -> memref<128x64xf32, #tpu.memory_space<vmem>>
    %dma_start3A_81 = arith.constant 0 : i32
    %dma_start3A_82 = tpu.memref_slice %arg10[%dma_start3A_75, %dma_start3A_81] : memref<80x128xi32, #tpu.memory_space<vmem>> -> memref<1x128xi32, #tpu.memory_space<vmem>>
    %dma_start3A_83 = tpu.memref_squeeze %dma_start3A_82 : memref<1x128xi32, #tpu.memory_space<vmem>> -> memref<128xi32, #tpu.memory_space<vmem>>
    %dma_start3A_84 = arith.constant 0 : i32
    %dma_start3A_85 = arith.constant 0 : i32
    %dma_start3A_86 = tpu.memref_slice %arg7[%dma_start3A_84, %dma_start3A_85] : memref<10240x64xf32, #tpu.memory_space<vmem_shared>> -> memref<10240x64xf32, #tpu.memory_space<vmem_shared>>
    %dma_start3A_87 = tpu.memref_slice %arg13[%dma_start3A_76] : memref<2x!tpu.dma_semaphore, #tpu.memory_space<semaphore_mem>> -> memref<1x!tpu.dma_semaphore, #tpu.memory_space<semaphore_mem>>
    %dma_start3A_88 = tpu.memref_squeeze %dma_start3A_87 : memref<1x!tpu.dma_semaphore, #tpu.memory_space<semaphore_mem>> -> memref<!tpu.dma_semaphore, #tpu.memory_space<semaphore_mem>>
    tpu.enqueue_indirect_dma source(%dma_start3A_80 : memref<128x64xf32, #tpu.memory_space<vmem>>) target(%dma_start3A_86 : memref<10240x64xf32, #tpu.memory_space<vmem_shared>>) offsets(%dma_start3A_83 : memref<128xi32, #tpu.memory_space<vmem>>) semaphore(%dma_start3A_88 : memref<!tpu.dma_semaphore, #tpu.memory_space<semaphore_mem>>) {add = true}
    %dma_wait3A_89 = arith.constant 0 : i32
    %dma_wait3A_90 = arith.constant 1 : i32
    %dma_wait3A_91 = arith.constant 1 : i32
    %dma_wait3A_92 = arith.constant 0 : i32
    %dma_wait3A_93 = arith.constant 0 : i32
    %dma_wait3A_94 = tpu.memref_slice %arg11[%dma_wait3A_90, %dma_wait3A_92, %dma_wait3A_93] : memref<2x128x64xf32, #tpu.memory_space<vmem>> -> memref<1x128x64xf32, #tpu.memory_space<vmem>>
    %dma_wait3A_95 = tpu.memref_squeeze %dma_wait3A_94 : memref<1x128x64xf32, #tpu.memory_space<vmem>> -> memref<128x64xf32, #tpu.memory_space<vmem>>
    %dma_wait3A_96 = arith.constant 0 : i32
    %dma_wait3A_97 = tpu.memref_slice %arg9[%dma_wait3A_89, %dma_wait3A_96] : memref<80x128xi32, #tpu.memory_space<vmem>> -> memref<1x128xi32, #tpu.memory_space<vmem>>
    %dma_wait3A_98 = tpu.memref_squeeze %dma_wait3A_97 : memref<1x128xi32, #tpu.memory_space<vmem>> -> memref<128xi32, #tpu.memory_space<vmem>>
    %dma_wait3A_99 = arith.constant 0 : i32
    %dma_wait3A_100 = arith.constant 0 : i32
    %dma_wait3A_101 = tpu.memref_slice %arg8[%dma_wait3A_99, %dma_wait3A_100] : memref<10240x64xf32, #tpu.memory_space<vmem_shared>> -> memref<10240x64xf32, #tpu.memory_space<vmem_shared>>
    %dma_wait3A_102 = tpu.memref_slice %arg12[%dma_wait3A_91] : memref<2x!tpu.dma_semaphore, #tpu.memory_space<semaphore_mem>> -> memref<1x!tpu.dma_semaphore, #tpu.memory_space<semaphore_mem>>
    %dma_wait3A_103 = tpu.memref_squeeze %dma_wait3A_102 : memref<1x!tpu.dma_semaphore, #tpu.memory_space<semaphore_mem>> -> memref<!tpu.dma_semaphore, #tpu.memory_space<semaphore_mem>>
    tpu.wait_indirect_dma semaphore(%dma_wait3A_103 : memref<!tpu.dma_semaphore, #tpu.memory_space<semaphore_mem>>) src(%dma_wait3A_101 : memref<10240x64xf32, #tpu.memory_space<vmem_shared>>) dst(%dma_wait3A_95 : memref<128x64xf32, #tpu.memory_space<vmem>>)
    %dma_start3A_104 = arith.constant 1 : i32
    %dma_start3A_105 = arith.constant 79 : i32
    %dma_start3A_106 = arith.constant 1 : i32
    %dma_start3A_107 = arith.constant 0 : i32
    %dma_start3A_108 = arith.constant 0 : i32
    %dma_start3A_109 = tpu.memref_slice %arg11[%dma_start3A_104, %dma_start3A_107, %dma_start3A_108] : memref<2x128x64xf32, #tpu.memory_space<vmem>> -> memref<1x128x64xf32, #tpu.memory_space<vmem>>
    %dma_start3A_110 = tpu.memref_squeeze %dma_start3A_109 : memref<1x128x64xf32, #tpu.memory_space<vmem>> -> memref<128x64xf32, #tpu.memory_space<vmem>>
    %dma_start3A_111 = arith.constant 0 : i32
    %dma_start3A_112 = tpu.memref_slice %arg10[%dma_start3A_105, %dma_start3A_111] : memref<80x128xi32, #tpu.memory_space<vmem>> -> memref<1x128xi32, #tpu.memory_space<vmem>>
    %dma_start3A_113 = tpu.memref_squeeze %dma_start3A_112 : memref<1x128xi32, #tpu.memory_space<vmem>> -> memref<128xi32, #tpu.memory_space<vmem>>
    %dma_start3A_114 = arith.constant 0 : i32
    %dma_start3A_115 = arith.constant 0 : i32
    %dma_start3A_116 = tpu.memref_slice %arg7[%dma_start3A_114, %dma_start3A_115] : memref<10240x64xf32, #tpu.memory_space<vmem_shared>> -> memref<10240x64xf32, #tpu.memory_space<vmem_shared>>
    %dma_start3A_117 = tpu.memref_slice %arg13[%dma_start3A_106] : memref<2x!tpu.dma_semaphore, #tpu.memory_space<semaphore_mem>> -> memref<1x!tpu.dma_semaphore, #tpu.memory_space<semaphore_mem>>
    %dma_start3A_118 = tpu.memref_squeeze %dma_start3A_117 : memref<1x!tpu.dma_semaphore, #tpu.memory_space<semaphore_mem>> -> memref<!tpu.dma_semaphore, #tpu.memory_space<semaphore_mem>>
    tpu.enqueue_indirect_dma source(%dma_start3A_110 : memref<128x64xf32, #tpu.memory_space<vmem>>) target(%dma_start3A_116 : memref<10240x64xf32, #tpu.memory_space<vmem_shared>>) offsets(%dma_start3A_113 : memref<128xi32, #tpu.memory_space<vmem>>) semaphore(%dma_start3A_118 : memref<!tpu.dma_semaphore, #tpu.memory_space<semaphore_mem>>) {add = true}
    %dma_wait3A_119 = arith.constant 0 : i32
    %dma_wait3A_120 = arith.constant 0 : i32
    %dma_wait3A_121 = arith.constant 0 : i32
    %dma_wait3A_122 = arith.constant 0 : i32
    %dma_wait3A_123 = arith.constant 0 : i32
    %dma_wait3A_124 = tpu.memref_slice %arg11[%dma_wait3A_119, %dma_wait3A_122, %dma_wait3A_123] : memref<2x128x64xf32, #tpu.memory_space<vmem>> -> memref<1x128x64xf32, #tpu.memory_space<vmem>>
    %dma_wait3A_125 = tpu.memref_squeeze %dma_wait3A_124 : memref<1x128x64xf32, #tpu.memory_space<vmem>> -> memref<128x64xf32, #tpu.memory_space<vmem>>
    %dma_wait3A_126 = arith.constant 0 : i32
    %dma_wait3A_127 = tpu.memref_slice %arg10[%dma_wait3A_120, %dma_wait3A_126] : memref<80x128xi32, #tpu.memory_space<vmem>> -> memref<1x128xi32, #tpu.memory_space<vmem>>
    %dma_wait3A_128 = tpu.memref_squeeze %dma_wait3A_127 : memref<1x128xi32, #tpu.memory_space<vmem>> -> memref<128xi32, #tpu.memory_space<vmem>>
    %dma_wait3A_129 = arith.constant 0 : i32
    %dma_wait3A_130 = arith.constant 0 : i32
    %dma_wait3A_131 = tpu.memref_slice %arg7[%dma_wait3A_129, %dma_wait3A_130] : memref<10240x64xf32, #tpu.memory_space<vmem_shared>> -> memref<10240x64xf32, #tpu.memory_space<vmem_shared>>
    %dma_wait3A_132 = tpu.memref_slice %arg13[%dma_wait3A_121] : memref<2x!tpu.dma_semaphore, #tpu.memory_space<semaphore_mem>> -> memref<1x!tpu.dma_semaphore, #tpu.memory_space<semaphore_mem>>
    %dma_wait3A_133 = tpu.memref_squeeze %dma_wait3A_132 : memref<1x!tpu.dma_semaphore, #tpu.memory_space<semaphore_mem>> -> memref<!tpu.dma_semaphore, #tpu.memory_space<semaphore_mem>>
    tpu.wait_indirect_dma semaphore(%dma_wait3A_133 : memref<!tpu.dma_semaphore, #tpu.memory_space<semaphore_mem>>) src(%dma_wait3A_125 : memref<128x64xf32, #tpu.memory_space<vmem>>) dst(%dma_wait3A_131 : memref<10240x64xf32, #tpu.memory_space<vmem_shared>>)
    %dma_wait3A_134 = arith.constant 1 : i32
    %dma_wait3A_135 = arith.constant 0 : i32
    %dma_wait3A_136 = arith.constant 1 : i32
    %dma_wait3A_137 = arith.constant 0 : i32
    %dma_wait3A_138 = arith.constant 0 : i32
    %dma_wait3A_139 = tpu.memref_slice %arg11[%dma_wait3A_134, %dma_wait3A_137, %dma_wait3A_138] : memref<2x128x64xf32, #tpu.memory_space<vmem>> -> memref<1x128x64xf32, #tpu.memory_space<vmem>>
    %dma_wait3A_140 = tpu.memref_squeeze %dma_wait3A_139 : memref<1x128x64xf32, #tpu.memory_space<vmem>> -> memref<128x64xf32, #tpu.memory_space<vmem>>
    %dma_wait3A_141 = arith.constant 0 : i32
    %dma_wait3A_142 = tpu.memref_slice %arg10[%dma_wait3A_135, %dma_wait3A_141] : memref<80x128xi32, #tpu.memory_space<vmem>> -> memref<1x128xi32, #tpu.memory_space<vmem>>
    %dma_wait3A_143 = tpu.memref_squeeze %dma_wait3A_142 : memref<1x128xi32, #tpu.memory_space<vmem>> -> memref<128xi32, #tpu.memory_space<vmem>>
    %dma_wait3A_144 = arith.constant 0 : i32
    %dma_wait3A_145 = arith.constant 0 : i32
    %dma_wait3A_146 = tpu.memref_slice %arg7[%dma_wait3A_144, %dma_wait3A_145] : memref<10240x64xf32, #tpu.memory_space<vmem_shared>> -> memref<10240x64xf32, #tpu.memory_space<vmem_shared>>
    %dma_wait3A_147 = tpu.memref_slice %arg13[%dma_wait3A_136] : memref<2x!tpu.dma_semaphore, #tpu.memory_space<semaphore_mem>> -> memref<1x!tpu.dma_semaphore, #tpu.memory_space<semaphore_mem>>
    %dma_wait3A_148 = tpu.memref_squeeze %dma_wait3A_147 : memref<1x!tpu.dma_semaphore, #tpu.memory_space<semaphore_mem>> -> memref<!tpu.dma_semaphore, #tpu.memory_space<semaphore_mem>>
    tpu.wait_indirect_dma semaphore(%dma_wait3A_148 : memref<!tpu.dma_semaphore, #tpu.memory_space<semaphore_mem>>) src(%dma_wait3A_140 : memref<128x64xf32, #tpu.memory_space<vmem>>) dst(%dma_wait3A_146 : memref<10240x64xf32, #tpu.memory_space<vmem_shared>>)
    %barrier3A_149 = arith.constant 0 : index
    tpu.barrier barrier_id(%barrier3A_149)
    %mul3A_150 = arith.constant 640 : i32
    %mul3A_151 = arith.muli %arg1, %mul3A_150 : i32
    %mul3A_152 = arith.constant 640 : i32
    %mul3A_153 = arith.muli %arg1, %mul3A_152 : i32
    "tpu.region"() ({
      %run_scoped3A = tpu.sem_alloc : memref<!tpu.dma_semaphore, #tpu.memory_space<semaphore_mem>>
      %dma_start3A_154 = arith.constant 0 : i32
      %dma_start3A_155 = tpu.memref_slice %arg6[%arg0, %mul3A_153, %dma_start3A_154] : memref<2x10240x64xf32, #tpu.memory_space<hbm>> -> memref<1x640x64xf32, #tpu.memory_space<hbm>>
      %dma_start3A_156 = tpu.memref_squeeze %dma_start3A_155 : memref<1x640x64xf32, #tpu.memory_space<hbm>> -> memref<640x64xf32, #tpu.memory_space<hbm>>
      %dma_start3A_157 = arith.constant 0 : i32
      %dma_start3A_158 = tpu.memref_slice %arg7[%mul3A_151, %dma_start3A_157] : memref<10240x64xf32, #tpu.memory_space<vmem_shared>> -> memref<640x64xf32, #tpu.memory_space<vmem_shared>>
      tpu.enqueue_dma source(%dma_start3A_158 : memref<640x64xf32, #tpu.memory_space<vmem_shared>>) target(%dma_start3A_156 : memref<640x64xf32, #tpu.memory_space<hbm>>) target_semaphore(%run_scoped3A : memref<!tpu.dma_semaphore, #tpu.memory_space<semaphore_mem>>)
      %dma_wait3A_159 = arith.constant 0 : i32
      %dma_wait3A_160 = tpu.memref_slice %arg6[%arg0, %mul3A_153, %dma_wait3A_159] : memref<2x10240x64xf32, #tpu.memory_space<hbm>> -> memref<1x640x64xf32, #tpu.memory_space<hbm>>
      %dma_wait3A_161 = tpu.memref_squeeze %dma_wait3A_160 : memref<1x640x64xf32, #tpu.memory_space<hbm>> -> memref<640x64xf32, #tpu.memory_space<hbm>>
      %dma_wait3A_162 = arith.constant 0 : i32
      %dma_wait3A_163 = tpu.memref_slice %arg7[%mul3A_151, %dma_wait3A_162] : memref<10240x64xf32, #tpu.memory_space<vmem_shared>> -> memref<640x64xf32, #tpu.memory_space<vmem_shared>>
      tpu.wait_dma2 semaphore(%run_scoped3A : memref<!tpu.dma_semaphore, #tpu.memory_space<semaphore_mem>>) src(%dma_wait3A_163 : memref<640x64xf32, #tpu.memory_space<vmem_shared>>) dst(%dma_wait3A_161 : memref<640x64xf32, #tpu.memory_space<hbm>>)
      tpu.yield
    }) : () -> ()
    return
  }
}

#map = affine_map<(d0, d1) -> (0, 0)>
#map1 = affine_map<(d0, d1) -> (0, 0, 0)>
module attributes {stable_mosaic.version = 14 : i64} {
  func.func @_sc_edge_body(%arg0: i32, %arg1: i32, %arg2: memref<10000x64xf32, #tpu.memory_space<hbm>>, %arg3: memref<32x80x128xi32, #tpu.memory_space<hbm>>, %arg4: memref<32x80x128xi32, #tpu.memory_space<hbm>>, %arg5: memref<128x64xf32, #tpu.memory_space<hbm>>, %arg6: memref<2x10240x64xf32, #tpu.memory_space<hbm>>, %arg7: memref<10240x64xf32, #tpu.memory_space<vmem_shared>>, %arg8: memref<10240x64xf32, #tpu.memory_space<vmem_shared>>, %arg9: memref<80x128xi32, #tpu.memory_space<vmem>>, %arg10: memref<80x128xi32, #tpu.memory_space<vmem>>, %arg11: memref<2x128x64xf32, #tpu.memory_space<vmem>>, %arg12: memref<2x!tpu.dma_semaphore, #tpu.memory_space<semaphore_mem>>, %arg13: memref<2x!tpu.dma_semaphore, #tpu.memory_space<semaphore_mem>>) attributes {dimension_semantics = [#tpu.dimension_semantics<core_parallel>, #tpu.dimension_semantics<subcore_parallel>], iteration_bounds = array<i64: 2, 16>, scalar_prefetch = 0 : i64, scratch_operands = 7 : i64, tpu.core_type = #tpu.core_type<sc_vector_subcore>, window_params = [{transform_indices = #map}, {transform_indices = #map1}, {transform_indices = #map1}, {transform_indices = #map}, {transform_indices = #map1}]} {
    %mul3A = arith.constant 16 : i32
    %mul3A_0 = arith.muli %arg0, %mul3A : i32
    %add3A = arith.addi %mul3A_0, %arg1 : i32
    "tpu.region"() ({
      %run_scoped3A = tpu.sem_alloc : memref<!tpu.dma_semaphore, #tpu.memory_space<semaphore_mem>>
      %dma_start3A_154 = arith.constant 0 : i32
      %dma_start3A_155 = arith.constant 0 : i32
      %dma_start3A_156 = tpu.memref_slice %arg3[%add3A, %dma_start3A_154, %dma_start3A_155] : memref<32x80x128xi32, #tpu.memory_space<hbm>> -> memref<1x80x128xi32, #tpu.memory_space<hbm>>
      %dma_start3A_157 = tpu.memref_squeeze %dma_start3A_156 : memref<1x80x128xi32, #tpu.memory_space<hbm>> -> memref<80x128xi32, #tpu.memory_space<hbm>>
      %dma_start3A_158 = arith.constant 0 : i32
      %dma_start3A_159 = arith.constant 0 : i32
      %dma_start3A_160 = tpu.memref_slice %arg3[%add3A, %dma_start3A_158, %dma_start3A_159] : memref<32x80x128xi32, #tpu.memory_space<hbm>> -> memref<1x80x128xi32, #tpu.memory_space<hbm>>
      %dma_start3A_161 = tpu.memref_squeeze %dma_start3A_160 : memref<1x80x128xi32, #tpu.memory_space<hbm>> -> memref<80x128xi32, #tpu.memory_space<hbm>>
      tpu.enqueue_dma source(%dma_start3A_161 : memref<80x128xi32, #tpu.memory_space<hbm>>) target(%arg9 : memref<80x128xi32, #tpu.memory_space<vmem>>) target_semaphore(%run_scoped3A : memref<!tpu.dma_semaphore, #tpu.memory_space<semaphore_mem>>)
      %dma_wait3A_162 = arith.constant 0 : i32
      %dma_wait3A_163 = arith.constant 0 : i32
      %dma_wait3A_164 = tpu.memref_slice %arg3[%add3A, %dma_wait3A_162, %dma_wait3A_163] : memref<32x80x128xi32, #tpu.memory_space<hbm>> -> memref<1x80x128xi32, #tpu.memory_space<hbm>>
      %dma_wait3A_165 = tpu.memref_squeeze %dma_wait3A_164 : memref<1x80x128xi32, #tpu.memory_space<hbm>> -> memref<80x128xi32, #tpu.memory_space<hbm>>
      %dma_wait3A_166 = arith.constant 0 : i32
      %dma_wait3A_167 = arith.constant 0 : i32
      %dma_wait3A_168 = tpu.memref_slice %arg3[%add3A, %dma_wait3A_166, %dma_wait3A_167] : memref<32x80x128xi32, #tpu.memory_space<hbm>> -> memref<1x80x128xi32, #tpu.memory_space<hbm>>
      %dma_wait3A_169 = tpu.memref_squeeze %dma_wait3A_168 : memref<1x80x128xi32, #tpu.memory_space<hbm>> -> memref<80x128xi32, #tpu.memory_space<hbm>>
      tpu.wait_dma2 semaphore(%run_scoped3A : memref<!tpu.dma_semaphore, #tpu.memory_space<semaphore_mem>>) src(%dma_wait3A_169 : memref<80x128xi32, #tpu.memory_space<hbm>>) dst(%arg9 : memref<80x128xi32, #tpu.memory_space<vmem>>)
      tpu.yield
    }) : () -> ()
    "tpu.region"() ({
      %run_scoped3A = tpu.sem_alloc : memref<!tpu.dma_semaphore, #tpu.memory_space<semaphore_mem>>
      %dma_start3A_154 = arith.constant 0 : i32
      %dma_start3A_155 = arith.constant 0 : i32
      %dma_start3A_156 = tpu.memref_slice %arg4[%add3A, %dma_start3A_154, %dma_start3A_155] : memref<32x80x128xi32, #tpu.memory_space<hbm>> -> memref<1x80x128xi32, #tpu.memory_space<hbm>>
      %dma_start3A_157 = tpu.memref_squeeze %dma_start3A_156 : memref<1x80x128xi32, #tpu.memory_space<hbm>> -> memref<80x128xi32, #tpu.memory_space<hbm>>
      %dma_start3A_158 = arith.constant 0 : i32
      %dma_start3A_159 = arith.constant 0 : i32
      %dma_start3A_160 = tpu.memref_slice %arg4[%add3A, %dma_start3A_158, %dma_start3A_159] : memref<32x80x128xi32, #tpu.memory_space<hbm>> -> memref<1x80x128xi32, #tpu.memory_space<hbm>>
      %dma_start3A_161 = tpu.memref_squeeze %dma_start3A_160 : memref<1x80x128xi32, #tpu.memory_space<hbm>> -> memref<80x128xi32, #tpu.memory_space<hbm>>
      tpu.enqueue_dma source(%dma_start3A_161 : memref<80x128xi32, #tpu.memory_space<hbm>>) target(%arg10 : memref<80x128xi32, #tpu.memory_space<vmem>>) target_semaphore(%run_scoped3A : memref<!tpu.dma_semaphore, #tpu.memory_space<semaphore_mem>>)
      %dma_wait3A_162 = arith.constant 0 : i32
      %dma_wait3A_163 = arith.constant 0 : i32
      %dma_wait3A_164 = tpu.memref_slice %arg4[%add3A, %dma_wait3A_162, %dma_wait3A_163] : memref<32x80x128xi32, #tpu.memory_space<hbm>> -> memref<1x80x128xi32, #tpu.memory_space<hbm>>
      %dma_wait3A_165 = tpu.memref_squeeze %dma_wait3A_164 : memref<1x80x128xi32, #tpu.memory_space<hbm>> -> memref<80x128xi32, #tpu.memory_space<hbm>>
      %dma_wait3A_166 = arith.constant 0 : i32
      %dma_wait3A_167 = arith.constant 0 : i32
      %dma_wait3A_168 = tpu.memref_slice %arg4[%add3A, %dma_wait3A_166, %dma_wait3A_167] : memref<32x80x128xi32, #tpu.memory_space<hbm>> -> memref<1x80x128xi32, #tpu.memory_space<hbm>>
      %dma_wait3A_169 = tpu.memref_squeeze %dma_wait3A_168 : memref<1x80x128xi32, #tpu.memory_space<hbm>> -> memref<80x128xi32, #tpu.memory_space<hbm>>
      tpu.wait_dma2 semaphore(%run_scoped3A : memref<!tpu.dma_semaphore, #tpu.memory_space<semaphore_mem>>) src(%dma_wait3A_169 : memref<80x128xi32, #tpu.memory_space<hbm>>) dst(%arg10 : memref<80x128xi32, #tpu.memory_space<vmem>>)
      tpu.yield
    }) : () -> ()
    %lt3A = arith.constant 15 : i32
    %lt3A_1 = arith.cmpi slt, %arg1, %lt3A : i32
    %convert_element_type3A = arith.extui %lt3A_1 : i1 to i32
    %cond3A = arith.constant 0 : i32
    %cond3A_2 = arith.cmpi ne, %convert_element_type3A, %cond3A : i32
    scf.if %cond3A_2 {
      %mul3A_154 = arith.constant 640 : i32
      %mul3A_155 = arith.muli %arg1, %mul3A_154 : i32
      %mul3A_156 = arith.constant 640 : i32
      %mul3A_157 = arith.muli %arg1, %mul3A_156 : i32
      "tpu.region"() ({
        %run_scoped3A = tpu.sem_alloc : memref<!tpu.dma_semaphore, #tpu.memory_space<semaphore_mem>>
        %dma_start3A_158 = arith.constant 0 : i32
        %dma_start3A_159 = tpu.memref_slice %arg8[%mul3A_157, %dma_start3A_158] : memref<10240x64xf32, #tpu.memory_space<vmem_shared>> -> memref<640x64xf32, #tpu.memory_space<vmem_shared>>
        %dma_start3A_160 = arith.constant 0 : i32
        %dma_start3A_161 = tpu.memref_slice %arg2[%mul3A_155, %dma_start3A_160] : memref<10000x64xf32, #tpu.memory_space<hbm>> -> memref<640x64xf32, #tpu.memory_space<hbm>>
        tpu.enqueue_dma source(%dma_start3A_161 : memref<640x64xf32, #tpu.memory_space<hbm>>) target(%dma_start3A_159 : memref<640x64xf32, #tpu.memory_space<vmem_shared>>) target_semaphore(%run_scoped3A : memref<!tpu.dma_semaphore, #tpu.memory_space<semaphore_mem>>)
        %dma_wait3A_162 = arith.constant 0 : i32
        %dma_wait3A_163 = tpu.memref_slice %arg8[%mul3A_157, %dma_wait3A_162] : memref<10240x64xf32, #tpu.memory_space<vmem_shared>> -> memref<640x64xf32, #tpu.memory_space<vmem_shared>>
        %dma_wait3A_164 = arith.constant 0 : i32
        %dma_wait3A_165 = tpu.memref_slice %arg2[%mul3A_155, %dma_wait3A_164] : memref<10000x64xf32, #tpu.memory_space<hbm>> -> memref<640x64xf32, #tpu.memory_space<hbm>>
        tpu.wait_dma2 semaphore(%run_scoped3A : memref<!tpu.dma_semaphore, #tpu.memory_space<semaphore_mem>>) src(%dma_wait3A_165 : memref<640x64xf32, #tpu.memory_space<hbm>>) dst(%dma_wait3A_163 : memref<640x64xf32, #tpu.memory_space<vmem_shared>>)
        tpu.yield
      }) : () -> ()
    } else {
    }
    %eq3A = arith.constant 15 : i32
    %eq3A_3 = arith.cmpi eq, %arg1, %eq3A : i32
    %convert_element_type3A_4 = arith.extui %eq3A_3 : i1 to i32
    %cond3A_5 = arith.constant 0 : i32
    %cond3A_6 = arith.cmpi ne, %convert_element_type3A_4, %cond3A_5 : i32
    scf.if %cond3A_6 {
      "tpu.region"() ({
        %run_scoped3A = tpu.sem_alloc : memref<!tpu.dma_semaphore, #tpu.memory_space<semaphore_mem>>
        %dma_start3A_154 = arith.constant 9600 : i32
        %dma_start3A_155 = arith.constant 0 : i32
        %dma_start3A_156 = tpu.memref_slice %arg8[%dma_start3A_154, %dma_start3A_155] : memref<10240x64xf32, #tpu.memory_space<vmem_shared>> -> memref<400x64xf32, #tpu.memory_space<vmem_shared>>
        %dma_start3A_157 = arith.constant 9600 : i32
        %dma_start3A_158 = arith.constant 0 : i32
        %dma_start3A_159 = tpu.memref_slice %arg2[%dma_start3A_157, %dma_start3A_158] : memref<10000x64xf32, #tpu.memory_space<hbm>> -> memref<400x64xf32, #tpu.memory_space<hbm>>
        tpu.enqueue_dma source(%dma_start3A_159 : memref<400x64xf32, #tpu.memory_space<hbm>>) target(%dma_start3A_156 : memref<400x64xf32, #tpu.memory_space<vmem_shared>>) target_semaphore(%run_scoped3A : memref<!tpu.dma_semaphore, #tpu.memory_space<semaphore_mem>>)
        %dma_wait3A_160 = arith.constant 9600 : i32
        %dma_wait3A_161 = arith.constant 0 : i32
        %dma_wait3A_162 = tpu.memref_slice %arg8[%dma_wait3A_160, %dma_wait3A_161] : memref<10240x64xf32, #tpu.memory_space<vmem_shared>> -> memref<400x64xf32, #tpu.memory_space<vmem_shared>>
        %dma_wait3A_163 = arith.constant 9600 : i32
        %dma_wait3A_164 = arith.constant 0 : i32
        %dma_wait3A_165 = tpu.memref_slice %arg2[%dma_wait3A_163, %dma_wait3A_164] : memref<10000x64xf32, #tpu.memory_space<hbm>> -> memref<400x64xf32, #tpu.memory_space<hbm>>
        tpu.wait_dma2 semaphore(%run_scoped3A : memref<!tpu.dma_semaphore, #tpu.memory_space<semaphore_mem>>) src(%dma_wait3A_165 : memref<400x64xf32, #tpu.memory_space<hbm>>) dst(%dma_wait3A_162 : memref<400x64xf32, #tpu.memory_space<vmem_shared>>)
        tpu.yield
      }) : () -> ()
    } else {
    }
    %mul3A_7 = arith.constant 640 : i32
    %mul3A_8 = arith.muli %arg1, %mul3A_7 : i32
    %add3A_9 = arith.constant 0 : i32
    %add3A_10 = arith.addi %mul3A_8, %add3A_9 : i32
    "tpu.region"() ({
      %run_scoped3A = tpu.sem_alloc : memref<!tpu.dma_semaphore, #tpu.memory_space<semaphore_mem>>
      %dma_start3A_154 = arith.constant 0 : i32
      %dma_start3A_155 = tpu.memref_slice %arg7[%add3A_10, %dma_start3A_154] : memref<10240x64xf32, #tpu.memory_space<vmem_shared>> -> memref<128x64xf32, #tpu.memory_space<vmem_shared>>
      tpu.enqueue_dma source(%arg5 : memref<128x64xf32, #tpu.memory_space<hbm>>) target(%dma_start3A_155 : memref<128x64xf32, #tpu.memory_space<vmem_shared>>) target_semaphore(%run_scoped3A : memref<!tpu.dma_semaphore, #tpu.memory_space<semaphore_mem>>)
      %dma_wait3A_156 = arith.constant 0 : i32
      %dma_wait3A_157 = tpu.memref_slice %arg7[%add3A_10, %dma_wait3A_156] : memref<10240x64xf32, #tpu.memory_space<vmem_shared>> -> memref<128x64xf32, #tpu.memory_space<vmem_shared>>
      tpu.wait_dma2 semaphore(%run_scoped3A : memref<!tpu.dma_semaphore, #tpu.memory_space<semaphore_mem>>) src(%arg5 : memref<128x64xf32, #tpu.memory_space<hbm>>) dst(%dma_wait3A_157 : memref<128x64xf32, #tpu.memory_space<vmem_shared>>)
      tpu.yield
    }) : () -> ()
    %mul3A_11 = arith.constant 640 : i32
    %mul3A_12 = arith.muli %arg1, %mul3A_11 : i32
    %add3A_13 = arith.constant 128 : i32
    %add3A_14 = arith.addi %mul3A_12, %add3A_13 : i32
    "tpu.region"() ({
      %run_scoped3A = tpu.sem_alloc : memref<!tpu.dma_semaphore, #tpu.memory_space<semaphore_mem>>
      %dma_start3A_154 = arith.constant 0 : i32
      %dma_start3A_155 = tpu.memref_slice %arg7[%add3A_14, %dma_start3A_154] : memref<10240x64xf32, #tpu.memory_space<vmem_shared>> -> memref<128x64xf32, #tpu.memory_space<vmem_shared>>
      tpu.enqueue_dma source(%arg5 : memref<128x64xf32, #tpu.memory_space<hbm>>) target(%dma_start3A_155 : memref<128x64xf32, #tpu.memory_space<vmem_shared>>) target_semaphore(%run_scoped3A : memref<!tpu.dma_semaphore, #tpu.memory_space<semaphore_mem>>)
      %dma_wait3A_156 = arith.constant 0 : i32
      %dma_wait3A_157 = tpu.memref_slice %arg7[%add3A_14, %dma_wait3A_156] : memref<10240x64xf32, #tpu.memory_space<vmem_shared>> -> memref<128x64xf32, #tpu.memory_space<vmem_shared>>
      tpu.wait_dma2 semaphore(%run_scoped3A : memref<!tpu.dma_semaphore, #tpu.memory_space<semaphore_mem>>) src(%arg5 : memref<128x64xf32, #tpu.memory_space<hbm>>) dst(%dma_wait3A_157 : memref<128x64xf32, #tpu.memory_space<vmem_shared>>)
      tpu.yield
    }) : () -> ()
    %mul3A_15 = arith.constant 640 : i32
    %mul3A_16 = arith.muli %arg1, %mul3A_15 : i32
    %add3A_17 = arith.constant 256 : i32
    %add3A_18 = arith.addi %mul3A_16, %add3A_17 : i32
    "tpu.region"() ({
      %run_scoped3A = tpu.sem_alloc : memref<!tpu.dma_semaphore, #tpu.memory_space<semaphore_mem>>
      %dma_start3A_154 = arith.constant 0 : i32
      %dma_start3A_155 = tpu.memref_slice %arg7[%add3A_18, %dma_start3A_154] : memref<10240x64xf32, #tpu.memory_space<vmem_shared>> -> memref<128x64xf32, #tpu.memory_space<vmem_shared>>
      tpu.enqueue_dma source(%arg5 : memref<128x64xf32, #tpu.memory_space<hbm>>) target(%dma_start3A_155 : memref<128x64xf32, #tpu.memory_space<vmem_shared>>) target_semaphore(%run_scoped3A : memref<!tpu.dma_semaphore, #tpu.memory_space<semaphore_mem>>)
      %dma_wait3A_156 = arith.constant 0 : i32
      %dma_wait3A_157 = tpu.memref_slice %arg7[%add3A_18, %dma_wait3A_156] : memref<10240x64xf32, #tpu.memory_space<vmem_shared>> -> memref<128x64xf32, #tpu.memory_space<vmem_shared>>
      tpu.wait_dma2 semaphore(%run_scoped3A : memref<!tpu.dma_semaphore, #tpu.memory_space<semaphore_mem>>) src(%arg5 : memref<128x64xf32, #tpu.memory_space<hbm>>) dst(%dma_wait3A_157 : memref<128x64xf32, #tpu.memory_space<vmem_shared>>)
      tpu.yield
    }) : () -> ()
    %mul3A_19 = arith.constant 640 : i32
    %mul3A_20 = arith.muli %arg1, %mul3A_19 : i32
    %add3A_21 = arith.constant 384 : i32
    %add3A_22 = arith.addi %mul3A_20, %add3A_21 : i32
    "tpu.region"() ({
      %run_scoped3A = tpu.sem_alloc : memref<!tpu.dma_semaphore, #tpu.memory_space<semaphore_mem>>
      %dma_start3A_154 = arith.constant 0 : i32
      %dma_start3A_155 = tpu.memref_slice %arg7[%add3A_22, %dma_start3A_154] : memref<10240x64xf32, #tpu.memory_space<vmem_shared>> -> memref<128x64xf32, #tpu.memory_space<vmem_shared>>
      tpu.enqueue_dma source(%arg5 : memref<128x64xf32, #tpu.memory_space<hbm>>) target(%dma_start3A_155 : memref<128x64xf32, #tpu.memory_space<vmem_shared>>) target_semaphore(%run_scoped3A : memref<!tpu.dma_semaphore, #tpu.memory_space<semaphore_mem>>)
      %dma_wait3A_156 = arith.constant 0 : i32
      %dma_wait3A_157 = tpu.memref_slice %arg7[%add3A_22, %dma_wait3A_156] : memref<10240x64xf32, #tpu.memory_space<vmem_shared>> -> memref<128x64xf32, #tpu.memory_space<vmem_shared>>
      tpu.wait_dma2 semaphore(%run_scoped3A : memref<!tpu.dma_semaphore, #tpu.memory_space<semaphore_mem>>) src(%arg5 : memref<128x64xf32, #tpu.memory_space<hbm>>) dst(%dma_wait3A_157 : memref<128x64xf32, #tpu.memory_space<vmem_shared>>)
      tpu.yield
    }) : () -> ()
    %mul3A_23 = arith.constant 640 : i32
    %mul3A_24 = arith.muli %arg1, %mul3A_23 : i32
    %add3A_25 = arith.constant 512 : i32
    %add3A_26 = arith.addi %mul3A_24, %add3A_25 : i32
    "tpu.region"() ({
      %run_scoped3A = tpu.sem_alloc : memref<!tpu.dma_semaphore, #tpu.memory_space<semaphore_mem>>
      %dma_start3A_154 = arith.constant 0 : i32
      %dma_start3A_155 = tpu.memref_slice %arg7[%add3A_26, %dma_start3A_154] : memref<10240x64xf32, #tpu.memory_space<vmem_shared>> -> memref<128x64xf32, #tpu.memory_space<vmem_shared>>
      tpu.enqueue_dma source(%arg5 : memref<128x64xf32, #tpu.memory_space<hbm>>) target(%dma_start3A_155 : memref<128x64xf32, #tpu.memory_space<vmem_shared>>) target_semaphore(%run_scoped3A : memref<!tpu.dma_semaphore, #tpu.memory_space<semaphore_mem>>)
      %dma_wait3A_156 = arith.constant 0 : i32
      %dma_wait3A_157 = tpu.memref_slice %arg7[%add3A_26, %dma_wait3A_156] : memref<10240x64xf32, #tpu.memory_space<vmem_shared>> -> memref<128x64xf32, #tpu.memory_space<vmem_shared>>
      tpu.wait_dma2 semaphore(%run_scoped3A : memref<!tpu.dma_semaphore, #tpu.memory_space<semaphore_mem>>) src(%arg5 : memref<128x64xf32, #tpu.memory_space<hbm>>) dst(%dma_wait3A_157 : memref<128x64xf32, #tpu.memory_space<vmem_shared>>)
      tpu.yield
    }) : () -> ()
    %barrier3A = arith.constant 0 : index
    tpu.barrier barrier_id(%barrier3A)
    %dma_start3A = arith.constant 0 : i32
    %dma_start3A_27 = arith.constant 0 : i32
    %dma_start3A_28 = arith.constant 0 : i32
    %dma_start3A_29 = arith.constant 0 : i32
    %dma_start3A_30 = arith.constant 0 : i32
    %dma_start3A_31 = tpu.memref_slice %arg11[%dma_start3A_27, %dma_start3A_29, %dma_start3A_30] : memref<2x128x64xf32, #tpu.memory_space<vmem>> -> memref<1x128x64xf32, #tpu.memory_space<vmem>>
    %dma_start3A_32 = tpu.memref_squeeze %dma_start3A_31 : memref<1x128x64xf32, #tpu.memory_space<vmem>> -> memref<128x64xf32, #tpu.memory_space<vmem>>
    %dma_start3A_33 = arith.constant 0 : i32
    %dma_start3A_34 = tpu.memref_slice %arg9[%dma_start3A, %dma_start3A_33] : memref<80x128xi32, #tpu.memory_space<vmem>> -> memref<1x128xi32, #tpu.memory_space<vmem>>
    %dma_start3A_35 = tpu.memref_squeeze %dma_start3A_34 : memref<1x128xi32, #tpu.memory_space<vmem>> -> memref<128xi32, #tpu.memory_space<vmem>>
    %dma_start3A_36 = arith.constant 0 : i32
    %dma_start3A_37 = arith.constant 0 : i32
    %dma_start3A_38 = tpu.memref_slice %arg8[%dma_start3A_36, %dma_start3A_37] : memref<10240x64xf32, #tpu.memory_space<vmem_shared>> -> memref<10240x64xf32, #tpu.memory_space<vmem_shared>>
    %dma_start3A_39 = tpu.memref_slice %arg12[%dma_start3A_28] : memref<2x!tpu.dma_semaphore, #tpu.memory_space<semaphore_mem>> -> memref<1x!tpu.dma_semaphore, #tpu.memory_space<semaphore_mem>>
    %dma_start3A_40 = tpu.memref_squeeze %dma_start3A_39 : memref<1x!tpu.dma_semaphore, #tpu.memory_space<semaphore_mem>> -> memref<!tpu.dma_semaphore, #tpu.memory_space<semaphore_mem>>
    tpu.enqueue_indirect_dma source(%dma_start3A_38 : memref<10240x64xf32, #tpu.memory_space<vmem_shared>>) target(%dma_start3A_32 : memref<128x64xf32, #tpu.memory_space<vmem>>) offsets(%dma_start3A_35 : memref<128xi32, #tpu.memory_space<vmem>>) semaphore(%dma_start3A_40 : memref<!tpu.dma_semaphore, #tpu.memory_space<semaphore_mem>>)
    %dma_start3A_41 = arith.constant 1 : i32
    %dma_start3A_42 = arith.constant 1 : i32
    %dma_start3A_43 = arith.constant 1 : i32
    %dma_start3A_44 = arith.constant 0 : i32
    %dma_start3A_45 = arith.constant 0 : i32
    %dma_start3A_46 = tpu.memref_slice %arg11[%dma_start3A_42, %dma_start3A_44, %dma_start3A_45] : memref<2x128x64xf32, #tpu.memory_space<vmem>> -> memref<1x128x64xf32, #tpu.memory_space<vmem>>
    %dma_start3A_47 = tpu.memref_squeeze %dma_start3A_46 : memref<1x128x64xf32, #tpu.memory_space<vmem>> -> memref<128x64xf32, #tpu.memory_space<vmem>>
    %dma_start3A_48 = arith.constant 0 : i32
    %dma_start3A_49 = tpu.memref_slice %arg9[%dma_start3A_41, %dma_start3A_48] : memref<80x128xi32, #tpu.memory_space<vmem>> -> memref<1x128xi32, #tpu.memory_space<vmem>>
    %dma_start3A_50 = tpu.memref_squeeze %dma_start3A_49 : memref<1x128xi32, #tpu.memory_space<vmem>> -> memref<128xi32, #tpu.memory_space<vmem>>
    %dma_start3A_51 = arith.constant 0 : i32
    %dma_start3A_52 = arith.constant 0 : i32
    %dma_start3A_53 = tpu.memref_slice %arg8[%dma_start3A_51, %dma_start3A_52] : memref<10240x64xf32, #tpu.memory_space<vmem_shared>> -> memref<10240x64xf32, #tpu.memory_space<vmem_shared>>
    %dma_start3A_54 = tpu.memref_slice %arg12[%dma_start3A_43] : memref<2x!tpu.dma_semaphore, #tpu.memory_space<semaphore_mem>> -> memref<1x!tpu.dma_semaphore, #tpu.memory_space<semaphore_mem>>
    %dma_start3A_55 = tpu.memref_squeeze %dma_start3A_54 : memref<1x!tpu.dma_semaphore, #tpu.memory_space<semaphore_mem>> -> memref<!tpu.dma_semaphore, #tpu.memory_space<semaphore_mem>>
    tpu.enqueue_indirect_dma source(%dma_start3A_53 : memref<10240x64xf32, #tpu.memory_space<vmem_shared>>) target(%dma_start3A_47 : memref<128x64xf32, #tpu.memory_space<vmem>>) offsets(%dma_start3A_50 : memref<128xi32, #tpu.memory_space<vmem>>) semaphore(%dma_start3A_55 : memref<!tpu.dma_semaphore, #tpu.memory_space<semaphore_mem>>)
    %scan3A = arith.constant 0 : i32
    %scan3A_56 = arith.constant 39 : i32
    %scan3A_57 = arith.addi %scan3A, %scan3A_56 : i32
    %scan3A_58 = arith.constant 1 : i32
    scf.for %scan3A_154 = %scan3A to %scan3A_57 step %scan3A_58  : i32 {
      %mul3A_155 = arith.constant 1 : i32
      %mul3A_156 = arith.muli %scan3A_154, %mul3A_155 : i32
      %add3A_157 = arith.constant 0 : i32
      %add3A_158 = arith.addi %add3A_157, %mul3A_156 : i32
      %mul3A_159 = arith.constant 2 : i32
      %mul3A_160 = arith.muli %add3A_158, %mul3A_159 : i32
      %dma_wait3A_161 = arith.constant 0 : i32
      %dma_wait3A_162 = arith.constant 0 : i32
      %dma_wait3A_163 = arith.constant 0 : i32
      %dma_wait3A_164 = arith.constant 0 : i32
      %dma_wait3A_165 = arith.constant 0 : i32
      %dma_wait3A_166 = tpu.memref_slice %arg11[%dma_wait3A_162, %dma_wait3A_164, %dma_wait3A_165] : memref<2x128x64xf32, #tpu.memory_space<vmem>> -> memref<1x128x64xf32, #tpu.memory_space<vmem>>
      %dma_wait3A_167 = tpu.memref_squeeze %dma_wait3A_166 : memref<1x128x64xf32, #tpu.memory_space<vmem>> -> memref<128x64xf32, #tpu.memory_space<vmem>>
      %dma_wait3A_168 = arith.constant 0 : i32
      %dma_wait3A_169 = tpu.memref_slice %arg9[%dma_wait3A_161, %dma_wait3A_168] : memref<80x128xi32, #tpu.memory_space<vmem>> -> memref<1x128xi32, #tpu.memory_space<vmem>>
      %dma_wait3A_170 = tpu.memref_squeeze %dma_wait3A_169 : memref<1x128xi32, #tpu.memory_space<vmem>> -> memref<128xi32, #tpu.memory_space<vmem>>
      %dma_wait3A_171 = arith.constant 0 : i32
      %dma_wait3A_172 = arith.constant 0 : i32
      %dma_wait3A_173 = tpu.memref_slice %arg8[%dma_wait3A_171, %dma_wait3A_172] : memref<10240x64xf32, #tpu.memory_space<vmem_shared>> -> memref<10240x64xf32, #tpu.memory_space<vmem_shared>>
      %dma_wait3A_174 = tpu.memref_slice %arg12[%dma_wait3A_163] : memref<2x!tpu.dma_semaphore, #tpu.memory_space<semaphore_mem>> -> memref<1x!tpu.dma_semaphore, #tpu.memory_space<semaphore_mem>>
      %dma_wait3A_175 = tpu.memref_squeeze %dma_wait3A_174 : memref<1x!tpu.dma_semaphore, #tpu.memory_space<semaphore_mem>> -> memref<!tpu.dma_semaphore, #tpu.memory_space<semaphore_mem>>
      tpu.wait_indirect_dma semaphore(%dma_wait3A_175 : memref<!tpu.dma_semaphore, #tpu.memory_space<semaphore_mem>>) src(%dma_wait3A_173 : memref<10240x64xf32, #tpu.memory_space<vmem_shared>>) dst(%dma_wait3A_167 : memref<128x64xf32, #tpu.memory_space<vmem>>)
      %add3A_176 = arith.constant 0 : i32
      %add3A_177 = arith.addi %mul3A_160, %add3A_176 : i32
      %dma_start3A_178 = arith.constant 0 : i32
      %dma_start3A_179 = arith.constant 0 : i32
      %dma_start3A_180 = arith.constant 0 : i32
      %dma_start3A_181 = arith.constant 0 : i32
      %dma_start3A_182 = tpu.memref_slice %arg11[%dma_start3A_178, %dma_start3A_180, %dma_start3A_181] : memref<2x128x64xf32, #tpu.memory_space<vmem>> -> memref<1x128x64xf32, #tpu.memory_space<vmem>>
      %dma_start3A_183 = tpu.memref_squeeze %dma_start3A_182 : memref<1x128x64xf32, #tpu.memory_space<vmem>> -> memref<128x64xf32, #tpu.memory_space<vmem>>
      %dma_start3A_184 = arith.constant 0 : i32
      %dma_start3A_185 = tpu.memref_slice %arg10[%add3A_177, %dma_start3A_184] : memref<80x128xi32, #tpu.memory_space<vmem>> -> memref<1x128xi32, #tpu.memory_space<vmem>>
      %dma_start3A_186 = tpu.memref_squeeze %dma_start3A_185 : memref<1x128xi32, #tpu.memory_space<vmem>> -> memref<128xi32, #tpu.memory_space<vmem>>
      %dma_start3A_187 = arith.constant 0 : i32
      %dma_start3A_188 = arith.constant 0 : i32
      %dma_start3A_189 = tpu.memref_slice %arg7[%dma_start3A_187, %dma_start3A_188] : memref<10240x64xf32, #tpu.memory_space<vmem_shared>> -> memref<10240x64xf32, #tpu.memory_space<vmem_shared>>
      %dma_start3A_190 = tpu.memref_slice %arg13[%dma_start3A_179] : memref<2x!tpu.dma_semaphore, #tpu.memory_space<semaphore_mem>> -> memref<1x!tpu.dma_semaphore, #tpu.memory_space<semaphore_mem>>
      %dma_start3A_191 = tpu.memref_squeeze %dma_start3A_190 : memref<1x!tpu.dma_semaphore, #tpu.memory_space<semaphore_mem>> -> memref<!tpu.dma_semaphore, #tpu.memory_space<semaphore_mem>>
      tpu.enqueue_indirect_dma source(%dma_start3A_183 : memref<128x64xf32, #tpu.memory_space<vmem>>) target(%dma_start3A_189 : memref<10240x64xf32, #tpu.memory_space<vmem_shared>>) offsets(%dma_start3A_186 : memref<128xi32, #tpu.memory_space<vmem>>) semaphore(%dma_start3A_191 : memref<!tpu.dma_semaphore, #tpu.memory_space<semaphore_mem>>) {add = true}
      %dma_wait3A_192 = arith.constant 0 : i32
      %dma_wait3A_193 = arith.constant 1 : i32
      %dma_wait3A_194 = arith.constant 1 : i32
      %dma_wait3A_195 = arith.constant 0 : i32
      %dma_wait3A_196 = arith.constant 0 : i32
      %dma_wait3A_197 = tpu.memref_slice %arg11[%dma_wait3A_193, %dma_wait3A_195, %dma_wait3A_196] : memref<2x128x64xf32, #tpu.memory_space<vmem>> -> memref<1x128x64xf32, #tpu.memory_space<vmem>>
      %dma_wait3A_198 = tpu.memref_squeeze %dma_wait3A_197 : memref<1x128x64xf32, #tpu.memory_space<vmem>> -> memref<128x64xf32, #tpu.memory_space<vmem>>
      %dma_wait3A_199 = arith.constant 0 : i32
      %dma_wait3A_200 = tpu.memref_slice %arg9[%dma_wait3A_192, %dma_wait3A_199] : memref<80x128xi32, #tpu.memory_space<vmem>> -> memref<1x128xi32, #tpu.memory_space<vmem>>
      %dma_wait3A_201 = tpu.memref_squeeze %dma_wait3A_200 : memref<1x128xi32, #tpu.memory_space<vmem>> -> memref<128xi32, #tpu.memory_space<vmem>>
      %dma_wait3A_202 = arith.constant 0 : i32
      %dma_wait3A_203 = arith.constant 0 : i32
      %dma_wait3A_204 = tpu.memref_slice %arg8[%dma_wait3A_202, %dma_wait3A_203] : memref<10240x64xf32, #tpu.memory_space<vmem_shared>> -> memref<10240x64xf32, #tpu.memory_space<vmem_shared>>
      %dma_wait3A_205 = tpu.memref_slice %arg12[%dma_wait3A_194] : memref<2x!tpu.dma_semaphore, #tpu.memory_space<semaphore_mem>> -> memref<1x!tpu.dma_semaphore, #tpu.memory_space<semaphore_mem>>
      %dma_wait3A_206 = tpu.memref_squeeze %dma_wait3A_205 : memref<1x!tpu.dma_semaphore, #tpu.memory_space<semaphore_mem>> -> memref<!tpu.dma_semaphore, #tpu.memory_space<semaphore_mem>>
      tpu.wait_indirect_dma semaphore(%dma_wait3A_206 : memref<!tpu.dma_semaphore, #tpu.memory_space<semaphore_mem>>) src(%dma_wait3A_204 : memref<10240x64xf32, #tpu.memory_space<vmem_shared>>) dst(%dma_wait3A_198 : memref<128x64xf32, #tpu.memory_space<vmem>>)
      %add3A_207 = arith.constant 1 : i32
      %add3A_208 = arith.addi %mul3A_160, %add3A_207 : i32
      %dma_start3A_209 = arith.constant 1 : i32
      %dma_start3A_210 = arith.constant 1 : i32
      %dma_start3A_211 = arith.constant 0 : i32
      %dma_start3A_212 = arith.constant 0 : i32
      %dma_start3A_213 = tpu.memref_slice %arg11[%dma_start3A_209, %dma_start3A_211, %dma_start3A_212] : memref<2x128x64xf32, #tpu.memory_space<vmem>> -> memref<1x128x64xf32, #tpu.memory_space<vmem>>
      %dma_start3A_214 = tpu.memref_squeeze %dma_start3A_213 : memref<1x128x64xf32, #tpu.memory_space<vmem>> -> memref<128x64xf32, #tpu.memory_space<vmem>>
      %dma_start3A_215 = arith.constant 0 : i32
      %dma_start3A_216 = tpu.memref_slice %arg10[%add3A_208, %dma_start3A_215] : memref<80x128xi32, #tpu.memory_space<vmem>> -> memref<1x128xi32, #tpu.memory_space<vmem>>
      %dma_start3A_217 = tpu.memref_squeeze %dma_start3A_216 : memref<1x128xi32, #tpu.memory_space<vmem>> -> memref<128xi32, #tpu.memory_space<vmem>>
      %dma_start3A_218 = arith.constant 0 : i32
      %dma_start3A_219 = arith.constant 0 : i32
      %dma_start3A_220 = tpu.memref_slice %arg7[%dma_start3A_218, %dma_start3A_219] : memref<10240x64xf32, #tpu.memory_space<vmem_shared>> -> memref<10240x64xf32, #tpu.memory_space<vmem_shared>>
      %dma_start3A_221 = tpu.memref_slice %arg13[%dma_start3A_210] : memref<2x!tpu.dma_semaphore, #tpu.memory_space<semaphore_mem>> -> memref<1x!tpu.dma_semaphore, #tpu.memory_space<semaphore_mem>>
      %dma_start3A_222 = tpu.memref_squeeze %dma_start3A_221 : memref<1x!tpu.dma_semaphore, #tpu.memory_space<semaphore_mem>> -> memref<!tpu.dma_semaphore, #tpu.memory_space<semaphore_mem>>
      tpu.enqueue_indirect_dma source(%dma_start3A_214 : memref<128x64xf32, #tpu.memory_space<vmem>>) target(%dma_start3A_220 : memref<10240x64xf32, #tpu.memory_space<vmem_shared>>) offsets(%dma_start3A_217 : memref<128xi32, #tpu.memory_space<vmem>>) semaphore(%dma_start3A_222 : memref<!tpu.dma_semaphore, #tpu.memory_space<semaphore_mem>>) {add = true}
      %dma_wait3A_223 = arith.constant 0 : i32
      %dma_wait3A_224 = arith.constant 0 : i32
      %dma_wait3A_225 = arith.constant 0 : i32
      %dma_wait3A_226 = arith.constant 0 : i32
      %dma_wait3A_227 = arith.constant 0 : i32
      %dma_wait3A_228 = tpu.memref_slice %arg11[%dma_wait3A_223, %dma_wait3A_226, %dma_wait3A_227] : memref<2x128x64xf32, #tpu.memory_space<vmem>> -> memref<1x128x64xf32, #tpu.memory_space<vmem>>
      %dma_wait3A_229 = tpu.memref_squeeze %dma_wait3A_228 : memref<1x128x64xf32, #tpu.memory_space<vmem>> -> memref<128x64xf32, #tpu.memory_space<vmem>>
      %dma_wait3A_230 = arith.constant 0 : i32
      %dma_wait3A_231 = tpu.memref_slice %arg10[%dma_wait3A_224, %dma_wait3A_230] : memref<80x128xi32, #tpu.memory_space<vmem>> -> memref<1x128xi32, #tpu.memory_space<vmem>>
      %dma_wait3A_232 = tpu.memref_squeeze %dma_wait3A_231 : memref<1x128xi32, #tpu.memory_space<vmem>> -> memref<128xi32, #tpu.memory_space<vmem>>
      %dma_wait3A_233 = arith.constant 0 : i32
      %dma_wait3A_234 = arith.constant 0 : i32
      %dma_wait3A_235 = tpu.memref_slice %arg7[%dma_wait3A_233, %dma_wait3A_234] : memref<10240x64xf32, #tpu.memory_space<vmem_shared>> -> memref<10240x64xf32, #tpu.memory_space<vmem_shared>>
      %dma_wait3A_236 = tpu.memref_slice %arg13[%dma_wait3A_225] : memref<2x!tpu.dma_semaphore, #tpu.memory_space<semaphore_mem>> -> memref<1x!tpu.dma_semaphore, #tpu.memory_space<semaphore_mem>>
      %dma_wait3A_237 = tpu.memref_squeeze %dma_wait3A_236 : memref<1x!tpu.dma_semaphore, #tpu.memory_space<semaphore_mem>> -> memref<!tpu.dma_semaphore, #tpu.memory_space<semaphore_mem>>
      tpu.wait_indirect_dma semaphore(%dma_wait3A_237 : memref<!tpu.dma_semaphore, #tpu.memory_space<semaphore_mem>>) src(%dma_wait3A_229 : memref<128x64xf32, #tpu.memory_space<vmem>>) dst(%dma_wait3A_235 : memref<10240x64xf32, #tpu.memory_space<vmem_shared>>)
      %add3A_238 = arith.constant 2 : i32
      %add3A_239 = arith.addi %mul3A_160, %add3A_238 : i32
      %add3A_240 = arith.constant 0 : i32
      %add3A_241 = arith.addi %add3A_239, %add3A_240 : i32
      %dma_start3A_242 = arith.constant 0 : i32
      %dma_start3A_243 = arith.constant 0 : i32
      %dma_start3A_244 = arith.constant 0 : i32
      %dma_start3A_245 = arith.constant 0 : i32
      %dma_start3A_246 = tpu.memref_slice %arg11[%dma_start3A_242, %dma_start3A_244, %dma_start3A_245] : memref<2x128x64xf32, #tpu.memory_space<vmem>> -> memref<1x128x64xf32, #tpu.memory_space<vmem>>
      %dma_start3A_247 = tpu.memref_squeeze %dma_start3A_246 : memref<1x128x64xf32, #tpu.memory_space<vmem>> -> memref<128x64xf32, #tpu.memory_space<vmem>>
      %dma_start3A_248 = arith.constant 0 : i32
      %dma_start3A_249 = tpu.memref_slice %arg9[%add3A_241, %dma_start3A_248] : memref<80x128xi32, #tpu.memory_space<vmem>> -> memref<1x128xi32, #tpu.memory_space<vmem>>
      %dma_start3A_250 = tpu.memref_squeeze %dma_start3A_249 : memref<1x128xi32, #tpu.memory_space<vmem>> -> memref<128xi32, #tpu.memory_space<vmem>>
      %dma_start3A_251 = arith.constant 0 : i32
      %dma_start3A_252 = arith.constant 0 : i32
      %dma_start3A_253 = tpu.memref_slice %arg8[%dma_start3A_251, %dma_start3A_252] : memref<10240x64xf32, #tpu.memory_space<vmem_shared>> -> memref<10240x64xf32, #tpu.memory_space<vmem_shared>>
      %dma_start3A_254 = tpu.memref_slice %arg12[%dma_start3A_243] : memref<2x!tpu.dma_semaphore, #tpu.memory_space<semaphore_mem>> -> memref<1x!tpu.dma_semaphore, #tpu.memory_space<semaphore_mem>>
      %dma_start3A_255 = tpu.memref_squeeze %dma_start3A_254 : memref<1x!tpu.dma_semaphore, #tpu.memory_space<semaphore_mem>> -> memref<!tpu.dma_semaphore, #tpu.memory_space<semaphore_mem>>
      tpu.enqueue_indirect_dma source(%dma_start3A_253 : memref<10240x64xf32, #tpu.memory_space<vmem_shared>>) target(%dma_start3A_247 : memref<128x64xf32, #tpu.memory_space<vmem>>) offsets(%dma_start3A_250 : memref<128xi32, #tpu.memory_space<vmem>>) semaphore(%dma_start3A_255 : memref<!tpu.dma_semaphore, #tpu.memory_space<semaphore_mem>>)
      %dma_wait3A_256 = arith.constant 1 : i32
      %dma_wait3A_257 = arith.constant 0 : i32
      %dma_wait3A_258 = arith.constant 1 : i32
      %dma_wait3A_259 = arith.constant 0 : i32
      %dma_wait3A_260 = arith.constant 0 : i32
      %dma_wait3A_261 = tpu.memref_slice %arg11[%dma_wait3A_256, %dma_wait3A_259, %dma_wait3A_260] : memref<2x128x64xf32, #tpu.memory_space<vmem>> -> memref<1x128x64xf32, #tpu.memory_space<vmem>>
      %dma_wait3A_262 = tpu.memref_squeeze %dma_wait3A_261 : memref<1x128x64xf32, #tpu.memory_space<vmem>> -> memref<128x64xf32, #tpu.memory_space<vmem>>
      %dma_wait3A_263 = arith.constant 0 : i32
      %dma_wait3A_264 = tpu.memref_slice %arg10[%dma_wait3A_257, %dma_wait3A_263] : memref<80x128xi32, #tpu.memory_space<vmem>> -> memref<1x128xi32, #tpu.memory_space<vmem>>
      %dma_wait3A_265 = tpu.memref_squeeze %dma_wait3A_264 : memref<1x128xi32, #tpu.memory_space<vmem>> -> memref<128xi32, #tpu.memory_space<vmem>>
      %dma_wait3A_266 = arith.constant 0 : i32
      %dma_wait3A_267 = arith.constant 0 : i32
      %dma_wait3A_268 = tpu.memref_slice %arg7[%dma_wait3A_266, %dma_wait3A_267] : memref<10240x64xf32, #tpu.memory_space<vmem_shared>> -> memref<10240x64xf32, #tpu.memory_space<vmem_shared>>
      %dma_wait3A_269 = tpu.memref_slice %arg13[%dma_wait3A_258] : memref<2x!tpu.dma_semaphore, #tpu.memory_space<semaphore_mem>> -> memref<1x!tpu.dma_semaphore, #tpu.memory_space<semaphore_mem>>
      %dma_wait3A_270 = tpu.memref_squeeze %dma_wait3A_269 : memref<1x!tpu.dma_semaphore, #tpu.memory_space<semaphore_mem>> -> memref<!tpu.dma_semaphore, #tpu.memory_space<semaphore_mem>>
      tpu.wait_indirect_dma semaphore(%dma_wait3A_270 : memref<!tpu.dma_semaphore, #tpu.memory_space<semaphore_mem>>) src(%dma_wait3A_262 : memref<128x64xf32, #tpu.memory_space<vmem>>) dst(%dma_wait3A_268 : memref<10240x64xf32, #tpu.memory_space<vmem_shared>>)
      %add3A_271 = arith.constant 2 : i32
      %add3A_272 = arith.addi %mul3A_160, %add3A_271 : i32
      %add3A_273 = arith.constant 1 : i32
      %add3A_274 = arith.addi %add3A_272, %add3A_273 : i32
      %dma_start3A_275 = arith.constant 1 : i32
      %dma_start3A_276 = arith.constant 1 : i32
      %dma_start3A_277 = arith.constant 0 : i32
      %dma_start3A_278 = arith.constant 0 : i32
      %dma_start3A_279 = tpu.memref_slice %arg11[%dma_start3A_275, %dma_start3A_277, %dma_start3A_278] : memref<2x128x64xf32, #tpu.memory_space<vmem>> -> memref<1x128x64xf32, #tpu.memory_space<vmem>>
      %dma_start3A_280 = tpu.memref_squeeze %dma_start3A_279 : memref<1x128x64xf32, #tpu.memory_space<vmem>> -> memref<128x64xf32, #tpu.memory_space<vmem>>
      %dma_start3A_281 = arith.constant 0 : i32
      %dma_start3A_282 = tpu.memref_slice %arg9[%add3A_274, %dma_start3A_281] : memref<80x128xi32, #tpu.memory_space<vmem>> -> memref<1x128xi32, #tpu.memory_space<vmem>>
      %dma_start3A_283 = tpu.memref_squeeze %dma_start3A_282 : memref<1x128xi32, #tpu.memory_space<vmem>> -> memref<128xi32, #tpu.memory_space<vmem>>
      %dma_start3A_284 = arith.constant 0 : i32
      %dma_start3A_285 = arith.constant 0 : i32
      %dma_start3A_286 = tpu.memref_slice %arg8[%dma_start3A_284, %dma_start3A_285] : memref<10240x64xf32, #tpu.memory_space<vmem_shared>> -> memref<10240x64xf32, #tpu.memory_space<vmem_shared>>
      %dma_start3A_287 = tpu.memref_slice %arg12[%dma_start3A_276] : memref<2x!tpu.dma_semaphore, #tpu.memory_space<semaphore_mem>> -> memref<1x!tpu.dma_semaphore, #tpu.memory_space<semaphore_mem>>
      %dma_start3A_288 = tpu.memref_squeeze %dma_start3A_287 : memref<1x!tpu.dma_semaphore, #tpu.memory_space<semaphore_mem>> -> memref<!tpu.dma_semaphore, #tpu.memory_space<semaphore_mem>>
      tpu.enqueue_indirect_dma source(%dma_start3A_286 : memref<10240x64xf32, #tpu.memory_space<vmem_shared>>) target(%dma_start3A_280 : memref<128x64xf32, #tpu.memory_space<vmem>>) offsets(%dma_start3A_283 : memref<128xi32, #tpu.memory_space<vmem>>) semaphore(%dma_start3A_288 : memref<!tpu.dma_semaphore, #tpu.memory_space<semaphore_mem>>)
    }
    %scan3A_59 = arith.constant 39 : i32
    %dma_wait3A = arith.constant 0 : i32
    %dma_wait3A_60 = arith.constant 0 : i32
    %dma_wait3A_61 = arith.constant 0 : i32
    %dma_wait3A_62 = arith.constant 0 : i32
    %dma_wait3A_63 = arith.constant 0 : i32
    %dma_wait3A_64 = tpu.memref_slice %arg11[%dma_wait3A_60, %dma_wait3A_62, %dma_wait3A_63] : memref<2x128x64xf32, #tpu.memory_space<vmem>> -> memref<1x128x64xf32, #tpu.memory_space<vmem>>
    %dma_wait3A_65 = tpu.memref_squeeze %dma_wait3A_64 : memref<1x128x64xf32, #tpu.memory_space<vmem>> -> memref<128x64xf32, #tpu.memory_space<vmem>>
    %dma_wait3A_66 = arith.constant 0 : i32
    %dma_wait3A_67 = tpu.memref_slice %arg9[%dma_wait3A, %dma_wait3A_66] : memref<80x128xi32, #tpu.memory_space<vmem>> -> memref<1x128xi32, #tpu.memory_space<vmem>>
    %dma_wait3A_68 = tpu.memref_squeeze %dma_wait3A_67 : memref<1x128xi32, #tpu.memory_space<vmem>> -> memref<128xi32, #tpu.memory_space<vmem>>
    %dma_wait3A_69 = arith.constant 0 : i32
    %dma_wait3A_70 = arith.constant 0 : i32
    %dma_wait3A_71 = tpu.memref_slice %arg8[%dma_wait3A_69, %dma_wait3A_70] : memref<10240x64xf32, #tpu.memory_space<vmem_shared>> -> memref<10240x64xf32, #tpu.memory_space<vmem_shared>>
    %dma_wait3A_72 = tpu.memref_slice %arg12[%dma_wait3A_61] : memref<2x!tpu.dma_semaphore, #tpu.memory_space<semaphore_mem>> -> memref<1x!tpu.dma_semaphore, #tpu.memory_space<semaphore_mem>>
    %dma_wait3A_73 = tpu.memref_squeeze %dma_wait3A_72 : memref<1x!tpu.dma_semaphore, #tpu.memory_space<semaphore_mem>> -> memref<!tpu.dma_semaphore, #tpu.memory_space<semaphore_mem>>
    tpu.wait_indirect_dma semaphore(%dma_wait3A_73 : memref<!tpu.dma_semaphore, #tpu.memory_space<semaphore_mem>>) src(%dma_wait3A_71 : memref<10240x64xf32, #tpu.memory_space<vmem_shared>>) dst(%dma_wait3A_65 : memref<128x64xf32, #tpu.memory_space<vmem>>)
    %dma_start3A_74 = arith.constant 0 : i32
    %dma_start3A_75 = arith.constant 78 : i32
    %dma_start3A_76 = arith.constant 0 : i32
    %dma_start3A_77 = arith.constant 0 : i32
    %dma_start3A_78 = arith.constant 0 : i32
    %dma_start3A_79 = tpu.memref_slice %arg11[%dma_start3A_74, %dma_start3A_77, %dma_start3A_78] : memref<2x128x64xf32, #tpu.memory_space<vmem>> -> memref<1x128x64xf32, #tpu.memory_space<vmem>>
    %dma_start3A_80 = tpu.memref_squeeze %dma_start3A_79 : memref<1x128x64xf32, #tpu.memory_space<vmem>> -> memref<128x64xf32, #tpu.memory_space<vmem>>
    %dma_start3A_81 = arith.constant 0 : i32
    %dma_start3A_82 = tpu.memref_slice %arg10[%dma_start3A_75, %dma_start3A_81] : memref<80x128xi32, #tpu.memory_space<vmem>> -> memref<1x128xi32, #tpu.memory_space<vmem>>
    %dma_start3A_83 = tpu.memref_squeeze %dma_start3A_82 : memref<1x128xi32, #tpu.memory_space<vmem>> -> memref<128xi32, #tpu.memory_space<vmem>>
    %dma_start3A_84 = arith.constant 0 : i32
    %dma_start3A_85 = arith.constant 0 : i32
    %dma_start3A_86 = tpu.memref_slice %arg7[%dma_start3A_84, %dma_start3A_85] : memref<10240x64xf32, #tpu.memory_space<vmem_shared>> -> memref<10240x64xf32, #tpu.memory_space<vmem_shared>>
    %dma_start3A_87 = tpu.memref_slice %arg13[%dma_start3A_76] : memref<2x!tpu.dma_semaphore, #tpu.memory_space<semaphore_mem>> -> memref<1x!tpu.dma_semaphore, #tpu.memory_space<semaphore_mem>>
    %dma_start3A_88 = tpu.memref_squeeze %dma_start3A_87 : memref<1x!tpu.dma_semaphore, #tpu.memory_space<semaphore_mem>> -> memref<!tpu.dma_semaphore, #tpu.memory_space<semaphore_mem>>
    tpu.enqueue_indirect_dma source(%dma_start3A_80 : memref<128x64xf32, #tpu.memory_space<vmem>>) target(%dma_start3A_86 : memref<10240x64xf32, #tpu.memory_space<vmem_shared>>) offsets(%dma_start3A_83 : memref<128xi32, #tpu.memory_space<vmem>>) semaphore(%dma_start3A_88 : memref<!tpu.dma_semaphore, #tpu.memory_space<semaphore_mem>>) {add = true}
    %dma_wait3A_89 = arith.constant 0 : i32
    %dma_wait3A_90 = arith.constant 1 : i32
    %dma_wait3A_91 = arith.constant 1 : i32
    %dma_wait3A_92 = arith.constant 0 : i32
    %dma_wait3A_93 = arith.constant 0 : i32
    %dma_wait3A_94 = tpu.memref_slice %arg11[%dma_wait3A_90, %dma_wait3A_92, %dma_wait3A_93] : memref<2x128x64xf32, #tpu.memory_space<vmem>> -> memref<1x128x64xf32, #tpu.memory_space<vmem>>
    %dma_wait3A_95 = tpu.memref_squeeze %dma_wait3A_94 : memref<1x128x64xf32, #tpu.memory_space<vmem>> -> memref<128x64xf32, #tpu.memory_space<vmem>>
    %dma_wait3A_96 = arith.constant 0 : i32
    %dma_wait3A_97 = tpu.memref_slice %arg9[%dma_wait3A_89, %dma_wait3A_96] : memref<80x128xi32, #tpu.memory_space<vmem>> -> memref<1x128xi32, #tpu.memory_space<vmem>>
    %dma_wait3A_98 = tpu.memref_squeeze %dma_wait3A_97 : memref<1x128xi32, #tpu.memory_space<vmem>> -> memref<128xi32, #tpu.memory_space<vmem>>
    %dma_wait3A_99 = arith.constant 0 : i32
    %dma_wait3A_100 = arith.constant 0 : i32
    %dma_wait3A_101 = tpu.memref_slice %arg8[%dma_wait3A_99, %dma_wait3A_100] : memref<10240x64xf32, #tpu.memory_space<vmem_shared>> -> memref<10240x64xf32, #tpu.memory_space<vmem_shared>>
    %dma_wait3A_102 = tpu.memref_slice %arg12[%dma_wait3A_91] : memref<2x!tpu.dma_semaphore, #tpu.memory_space<semaphore_mem>> -> memref<1x!tpu.dma_semaphore, #tpu.memory_space<semaphore_mem>>
    %dma_wait3A_103 = tpu.memref_squeeze %dma_wait3A_102 : memref<1x!tpu.dma_semaphore, #tpu.memory_space<semaphore_mem>> -> memref<!tpu.dma_semaphore, #tpu.memory_space<semaphore_mem>>
    tpu.wait_indirect_dma semaphore(%dma_wait3A_103 : memref<!tpu.dma_semaphore, #tpu.memory_space<semaphore_mem>>) src(%dma_wait3A_101 : memref<10240x64xf32, #tpu.memory_space<vmem_shared>>) dst(%dma_wait3A_95 : memref<128x64xf32, #tpu.memory_space<vmem>>)
    %dma_start3A_104 = arith.constant 1 : i32
    %dma_start3A_105 = arith.constant 79 : i32
    %dma_start3A_106 = arith.constant 1 : i32
    %dma_start3A_107 = arith.constant 0 : i32
    %dma_start3A_108 = arith.constant 0 : i32
    %dma_start3A_109 = tpu.memref_slice %arg11[%dma_start3A_104, %dma_start3A_107, %dma_start3A_108] : memref<2x128x64xf32, #tpu.memory_space<vmem>> -> memref<1x128x64xf32, #tpu.memory_space<vmem>>
    %dma_start3A_110 = tpu.memref_squeeze %dma_start3A_109 : memref<1x128x64xf32, #tpu.memory_space<vmem>> -> memref<128x64xf32, #tpu.memory_space<vmem>>
    %dma_start3A_111 = arith.constant 0 : i32
    %dma_start3A_112 = tpu.memref_slice %arg10[%dma_start3A_105, %dma_start3A_111] : memref<80x128xi32, #tpu.memory_space<vmem>> -> memref<1x128xi32, #tpu.memory_space<vmem>>
    %dma_start3A_113 = tpu.memref_squeeze %dma_start3A_112 : memref<1x128xi32, #tpu.memory_space<vmem>> -> memref<128xi32, #tpu.memory_space<vmem>>
    %dma_start3A_114 = arith.constant 0 : i32
    %dma_start3A_115 = arith.constant 0 : i32
    %dma_start3A_116 = tpu.memref_slice %arg7[%dma_start3A_114, %dma_start3A_115] : memref<10240x64xf32, #tpu.memory_space<vmem_shared>> -> memref<10240x64xf32, #tpu.memory_space<vmem_shared>>
    %dma_start3A_117 = tpu.memref_slice %arg13[%dma_start3A_106] : memref<2x!tpu.dma_semaphore, #tpu.memory_space<semaphore_mem>> -> memref<1x!tpu.dma_semaphore, #tpu.memory_space<semaphore_mem>>
    %dma_start3A_118 = tpu.memref_squeeze %dma_start3A_117 : memref<1x!tpu.dma_semaphore, #tpu.memory_space<semaphore_mem>> -> memref<!tpu.dma_semaphore, #tpu.memory_space<semaphore_mem>>
    tpu.enqueue_indirect_dma source(%dma_start3A_110 : memref<128x64xf32, #tpu.memory_space<vmem>>) target(%dma_start3A_116 : memref<10240x64xf32, #tpu.memory_space<vmem_shared>>) offsets(%dma_start3A_113 : memref<128xi32, #tpu.memory_space<vmem>>) semaphore(%dma_start3A_118 : memref<!tpu.dma_semaphore, #tpu.memory_space<semaphore_mem>>) {add = true}
    %dma_wait3A_119 = arith.constant 0 : i32
    %dma_wait3A_120 = arith.constant 0 : i32
    %dma_wait3A_121 = arith.constant 0 : i32
    %dma_wait3A_122 = arith.constant 0 : i32
    %dma_wait3A_123 = arith.constant 0 : i32
    %dma_wait3A_124 = tpu.memref_slice %arg11[%dma_wait3A_119, %dma_wait3A_122, %dma_wait3A_123] : memref<2x128x64xf32, #tpu.memory_space<vmem>> -> memref<1x128x64xf32, #tpu.memory_space<vmem>>
    %dma_wait3A_125 = tpu.memref_squeeze %dma_wait3A_124 : memref<1x128x64xf32, #tpu.memory_space<vmem>> -> memref<128x64xf32, #tpu.memory_space<vmem>>
    %dma_wait3A_126 = arith.constant 0 : i32
    %dma_wait3A_127 = tpu.memref_slice %arg10[%dma_wait3A_120, %dma_wait3A_126] : memref<80x128xi32, #tpu.memory_space<vmem>> -> memref<1x128xi32, #tpu.memory_space<vmem>>
    %dma_wait3A_128 = tpu.memref_squeeze %dma_wait3A_127 : memref<1x128xi32, #tpu.memory_space<vmem>> -> memref<128xi32, #tpu.memory_space<vmem>>
    %dma_wait3A_129 = arith.constant 0 : i32
    %dma_wait3A_130 = arith.constant 0 : i32
    %dma_wait3A_131 = tpu.memref_slice %arg7[%dma_wait3A_129, %dma_wait3A_130] : memref<10240x64xf32, #tpu.memory_space<vmem_shared>> -> memref<10240x64xf32, #tpu.memory_space<vmem_shared>>
    %dma_wait3A_132 = tpu.memref_slice %arg13[%dma_wait3A_121] : memref<2x!tpu.dma_semaphore, #tpu.memory_space<semaphore_mem>> -> memref<1x!tpu.dma_semaphore, #tpu.memory_space<semaphore_mem>>
    %dma_wait3A_133 = tpu.memref_squeeze %dma_wait3A_132 : memref<1x!tpu.dma_semaphore, #tpu.memory_space<semaphore_mem>> -> memref<!tpu.dma_semaphore, #tpu.memory_space<semaphore_mem>>
    tpu.wait_indirect_dma semaphore(%dma_wait3A_133 : memref<!tpu.dma_semaphore, #tpu.memory_space<semaphore_mem>>) src(%dma_wait3A_125 : memref<128x64xf32, #tpu.memory_space<vmem>>) dst(%dma_wait3A_131 : memref<10240x64xf32, #tpu.memory_space<vmem_shared>>)
    %dma_wait3A_134 = arith.constant 1 : i32
    %dma_wait3A_135 = arith.constant 0 : i32
    %dma_wait3A_136 = arith.constant 1 : i32
    %dma_wait3A_137 = arith.constant 0 : i32
    %dma_wait3A_138 = arith.constant 0 : i32
    %dma_wait3A_139 = tpu.memref_slice %arg11[%dma_wait3A_134, %dma_wait3A_137, %dma_wait3A_138] : memref<2x128x64xf32, #tpu.memory_space<vmem>> -> memref<1x128x64xf32, #tpu.memory_space<vmem>>
    %dma_wait3A_140 = tpu.memref_squeeze %dma_wait3A_139 : memref<1x128x64xf32, #tpu.memory_space<vmem>> -> memref<128x64xf32, #tpu.memory_space<vmem>>
    %dma_wait3A_141 = arith.constant 0 : i32
    %dma_wait3A_142 = tpu.memref_slice %arg10[%dma_wait3A_135, %dma_wait3A_141] : memref<80x128xi32, #tpu.memory_space<vmem>> -> memref<1x128xi32, #tpu.memory_space<vmem>>
    %dma_wait3A_143 = tpu.memref_squeeze %dma_wait3A_142 : memref<1x128xi32, #tpu.memory_space<vmem>> -> memref<128xi32, #tpu.memory_space<vmem>>
    %dma_wait3A_144 = arith.constant 0 : i32
    %dma_wait3A_145 = arith.constant 0 : i32
    %dma_wait3A_146 = tpu.memref_slice %arg7[%dma_wait3A_144, %dma_wait3A_145] : memref<10240x64xf32, #tpu.memory_space<vmem_shared>> -> memref<10240x64xf32, #tpu.memory_space<vmem_shared>>
    %dma_wait3A_147 = tpu.memref_slice %arg13[%dma_wait3A_136] : memref<2x!tpu.dma_semaphore, #tpu.memory_space<semaphore_mem>> -> memref<1x!tpu.dma_semaphore, #tpu.memory_space<semaphore_mem>>
    %dma_wait3A_148 = tpu.memref_squeeze %dma_wait3A_147 : memref<1x!tpu.dma_semaphore, #tpu.memory_space<semaphore_mem>> -> memref<!tpu.dma_semaphore, #tpu.memory_space<semaphore_mem>>
    tpu.wait_indirect_dma semaphore(%dma_wait3A_148 : memref<!tpu.dma_semaphore, #tpu.memory_space<semaphore_mem>>) src(%dma_wait3A_140 : memref<128x64xf32, #tpu.memory_space<vmem>>) dst(%dma_wait3A_146 : memref<10240x64xf32, #tpu.memory_space<vmem_shared>>)
    %barrier3A_149 = arith.constant 0 : index
    tpu.barrier barrier_id(%barrier3A_149)
    %mul3A_150 = arith.constant 640 : i32
    %mul3A_151 = arith.muli %arg1, %mul3A_150 : i32
    %mul3A_152 = arith.constant 640 : i32
    %mul3A_153 = arith.muli %arg1, %mul3A_152 : i32
    "tpu.region"() ({
      %run_scoped3A = tpu.sem_alloc : memref<!tpu.dma_semaphore, #tpu.memory_space<semaphore_mem>>
      %dma_start3A_154 = arith.constant 0 : i32
      %dma_start3A_155 = tpu.memref_slice %arg6[%arg0, %mul3A_153, %dma_start3A_154] : memref<2x10240x64xf32, #tpu.memory_space<hbm>> -> memref<1x640x64xf32, #tpu.memory_space<hbm>>
      %dma_start3A_156 = tpu.memref_squeeze %dma_start3A_155 : memref<1x640x64xf32, #tpu.memory_space<hbm>> -> memref<640x64xf32, #tpu.memory_space<hbm>>
      %dma_start3A_157 = arith.constant 0 : i32
      %dma_start3A_158 = tpu.memref_slice %arg7[%mul3A_151, %dma_start3A_157] : memref<10240x64xf32, #tpu.memory_space<vmem_shared>> -> memref<640x64xf32, #tpu.memory_space<vmem_shared>>
      tpu.enqueue_dma source(%dma_start3A_158 : memref<640x64xf32, #tpu.memory_space<vmem_shared>>) target(%dma_start3A_156 : memref<640x64xf32, #tpu.memory_space<hbm>>) target_semaphore(%run_scoped3A : memref<!tpu.dma_semaphore, #tpu.memory_space<semaphore_mem>>)
      %dma_wait3A_159 = arith.constant 0 : i32
      %dma_wait3A_160 = tpu.memref_slice %arg6[%arg0, %mul3A_153, %dma_wait3A_159] : memref<2x10240x64xf32, #tpu.memory_space<hbm>> -> memref<1x640x64xf32, #tpu.memory_space<hbm>>
      %dma_wait3A_161 = tpu.memref_squeeze %dma_wait3A_160 : memref<1x640x64xf32, #tpu.memory_space<hbm>> -> memref<640x64xf32, #tpu.memory_space<hbm>>
      %dma_wait3A_162 = arith.constant 0 : i32
      %dma_wait3A_163 = tpu.memref_slice %arg7[%mul3A_151, %dma_wait3A_162] : memref<10240x64xf32, #tpu.memory_space<vmem_shared>> -> memref<640x64xf32, #tpu.memory_space<vmem_shared>>
      tpu.wait_dma2 semaphore(%run_scoped3A : memref<!tpu.dma_semaphore, #tpu.memory_space<semaphore_mem>>) src(%dma_wait3A_163 : memref<640x64xf32, #tpu.memory_space<vmem_shared>>) dst(%dma_wait3A_161 : memref<640x64xf32, #tpu.memory_space<hbm>>)
      tpu.yield
    }) : () -> ()
    return
  }
}

#map = affine_map<(d0, d1) -> (0, 0)>
#map1 = affine_map<(d0, d1) -> (0, 0, 0)>
module attributes {stable_mosaic.version = 14 : i64} {
  func.func @_sc_edge_body(%arg0: i32, %arg1: i32, %arg2: memref<10000x64xf32, #tpu.memory_space<hbm>>, %arg3: memref<32x80x128xi32, #tpu.memory_space<hbm>>, %arg4: memref<32x80x128xi32, #tpu.memory_space<hbm>>, %arg5: memref<128x64xf32, #tpu.memory_space<hbm>>, %arg6: memref<2x10240x64xf32, #tpu.memory_space<hbm>>, %arg7: memref<10240x64xf32, #tpu.memory_space<vmem_shared>>, %arg8: memref<10240x64xf32, #tpu.memory_space<vmem_shared>>, %arg9: memref<80x128xi32, #tpu.memory_space<vmem>>, %arg10: memref<80x128xi32, #tpu.memory_space<vmem>>, %arg11: memref<2x128x64xf32, #tpu.memory_space<vmem>>, %arg12: memref<2x!tpu.dma_semaphore, #tpu.memory_space<semaphore_mem>>, %arg13: memref<2x!tpu.dma_semaphore, #tpu.memory_space<semaphore_mem>>) attributes {dimension_semantics = [#tpu.dimension_semantics<core_parallel>, #tpu.dimension_semantics<subcore_parallel>], iteration_bounds = array<i64: 2, 16>, scalar_prefetch = 0 : i64, scratch_operands = 7 : i64, tpu.core_type = #tpu.core_type<sc_vector_subcore>, window_params = [{transform_indices = #map}, {transform_indices = #map1}, {transform_indices = #map1}, {transform_indices = #map}, {transform_indices = #map1}]} {
    %mul3A = arith.constant 16 : i32
    %mul3A_0 = arith.muli %arg0, %mul3A : i32
    %add3A = arith.addi %mul3A_0, %arg1 : i32
    "tpu.region"() ({
      %run_scoped3A = tpu.sem_alloc : memref<!tpu.dma_semaphore, #tpu.memory_space<semaphore_mem>>
      %dma_start3A_154 = arith.constant 0 : i32
      %dma_start3A_155 = arith.constant 0 : i32
      %dma_start3A_156 = tpu.memref_slice %arg3[%add3A, %dma_start3A_154, %dma_start3A_155] : memref<32x80x128xi32, #tpu.memory_space<hbm>> -> memref<1x80x128xi32, #tpu.memory_space<hbm>>
      %dma_start3A_157 = tpu.memref_squeeze %dma_start3A_156 : memref<1x80x128xi32, #tpu.memory_space<hbm>> -> memref<80x128xi32, #tpu.memory_space<hbm>>
      %dma_start3A_158 = arith.constant 0 : i32
      %dma_start3A_159 = arith.constant 0 : i32
      %dma_start3A_160 = tpu.memref_slice %arg3[%add3A, %dma_start3A_158, %dma_start3A_159] : memref<32x80x128xi32, #tpu.memory_space<hbm>> -> memref<1x80x128xi32, #tpu.memory_space<hbm>>
      %dma_start3A_161 = tpu.memref_squeeze %dma_start3A_160 : memref<1x80x128xi32, #tpu.memory_space<hbm>> -> memref<80x128xi32, #tpu.memory_space<hbm>>
      tpu.enqueue_dma source(%dma_start3A_161 : memref<80x128xi32, #tpu.memory_space<hbm>>) target(%arg9 : memref<80x128xi32, #tpu.memory_space<vmem>>) target_semaphore(%run_scoped3A : memref<!tpu.dma_semaphore, #tpu.memory_space<semaphore_mem>>)
      %dma_wait3A_162 = arith.constant 0 : i32
      %dma_wait3A_163 = arith.constant 0 : i32
      %dma_wait3A_164 = tpu.memref_slice %arg3[%add3A, %dma_wait3A_162, %dma_wait3A_163] : memref<32x80x128xi32, #tpu.memory_space<hbm>> -> memref<1x80x128xi32, #tpu.memory_space<hbm>>
      %dma_wait3A_165 = tpu.memref_squeeze %dma_wait3A_164 : memref<1x80x128xi32, #tpu.memory_space<hbm>> -> memref<80x128xi32, #tpu.memory_space<hbm>>
      %dma_wait3A_166 = arith.constant 0 : i32
      %dma_wait3A_167 = arith.constant 0 : i32
      %dma_wait3A_168 = tpu.memref_slice %arg3[%add3A, %dma_wait3A_166, %dma_wait3A_167] : memref<32x80x128xi32, #tpu.memory_space<hbm>> -> memref<1x80x128xi32, #tpu.memory_space<hbm>>
      %dma_wait3A_169 = tpu.memref_squeeze %dma_wait3A_168 : memref<1x80x128xi32, #tpu.memory_space<hbm>> -> memref<80x128xi32, #tpu.memory_space<hbm>>
      tpu.wait_dma2 semaphore(%run_scoped3A : memref<!tpu.dma_semaphore, #tpu.memory_space<semaphore_mem>>) src(%dma_wait3A_169 : memref<80x128xi32, #tpu.memory_space<hbm>>) dst(%arg9 : memref<80x128xi32, #tpu.memory_space<vmem>>)
      tpu.yield
    }) : () -> ()
    "tpu.region"() ({
      %run_scoped3A = tpu.sem_alloc : memref<!tpu.dma_semaphore, #tpu.memory_space<semaphore_mem>>
      %dma_start3A_154 = arith.constant 0 : i32
      %dma_start3A_155 = arith.constant 0 : i32
      %dma_start3A_156 = tpu.memref_slice %arg4[%add3A, %dma_start3A_154, %dma_start3A_155] : memref<32x80x128xi32, #tpu.memory_space<hbm>> -> memref<1x80x128xi32, #tpu.memory_space<hbm>>
      %dma_start3A_157 = tpu.memref_squeeze %dma_start3A_156 : memref<1x80x128xi32, #tpu.memory_space<hbm>> -> memref<80x128xi32, #tpu.memory_space<hbm>>
      %dma_start3A_158 = arith.constant 0 : i32
      %dma_start3A_159 = arith.constant 0 : i32
      %dma_start3A_160 = tpu.memref_slice %arg4[%add3A, %dma_start3A_158, %dma_start3A_159] : memref<32x80x128xi32, #tpu.memory_space<hbm>> -> memref<1x80x128xi32, #tpu.memory_space<hbm>>
      %dma_start3A_161 = tpu.memref_squeeze %dma_start3A_160 : memref<1x80x128xi32, #tpu.memory_space<hbm>> -> memref<80x128xi32, #tpu.memory_space<hbm>>
      tpu.enqueue_dma source(%dma_start3A_161 : memref<80x128xi32, #tpu.memory_space<hbm>>) target(%arg10 : memref<80x128xi32, #tpu.memory_space<vmem>>) target_semaphore(%run_scoped3A : memref<!tpu.dma_semaphore, #tpu.memory_space<semaphore_mem>>)
      %dma_wait3A_162 = arith.constant 0 : i32
      %dma_wait3A_163 = arith.constant 0 : i32
      %dma_wait3A_164 = tpu.memref_slice %arg4[%add3A, %dma_wait3A_162, %dma_wait3A_163] : memref<32x80x128xi32, #tpu.memory_space<hbm>> -> memref<1x80x128xi32, #tpu.memory_space<hbm>>
      %dma_wait3A_165 = tpu.memref_squeeze %dma_wait3A_164 : memref<1x80x128xi32, #tpu.memory_space<hbm>> -> memref<80x128xi32, #tpu.memory_space<hbm>>
      %dma_wait3A_166 = arith.constant 0 : i32
      %dma_wait3A_167 = arith.constant 0 : i32
      %dma_wait3A_168 = tpu.memref_slice %arg4[%add3A, %dma_wait3A_166, %dma_wait3A_167] : memref<32x80x128xi32, #tpu.memory_space<hbm>> -> memref<1x80x128xi32, #tpu.memory_space<hbm>>
      %dma_wait3A_169 = tpu.memref_squeeze %dma_wait3A_168 : memref<1x80x128xi32, #tpu.memory_space<hbm>> -> memref<80x128xi32, #tpu.memory_space<hbm>>
      tpu.wait_dma2 semaphore(%run_scoped3A : memref<!tpu.dma_semaphore, #tpu.memory_space<semaphore_mem>>) src(%dma_wait3A_169 : memref<80x128xi32, #tpu.memory_space<hbm>>) dst(%arg10 : memref<80x128xi32, #tpu.memory_space<vmem>>)
      tpu.yield
    }) : () -> ()
    %lt3A = arith.constant 15 : i32
    %lt3A_1 = arith.cmpi slt, %arg1, %lt3A : i32
    %convert_element_type3A = arith.extui %lt3A_1 : i1 to i32
    %cond3A = arith.constant 0 : i32
    %cond3A_2 = arith.cmpi ne, %convert_element_type3A, %cond3A : i32
    scf.if %cond3A_2 {
      %mul3A_154 = arith.constant 640 : i32
      %mul3A_155 = arith.muli %arg1, %mul3A_154 : i32
      %mul3A_156 = arith.constant 640 : i32
      %mul3A_157 = arith.muli %arg1, %mul3A_156 : i32
      "tpu.region"() ({
        %run_scoped3A = tpu.sem_alloc : memref<!tpu.dma_semaphore, #tpu.memory_space<semaphore_mem>>
        %dma_start3A_158 = arith.constant 0 : i32
        %dma_start3A_159 = tpu.memref_slice %arg8[%mul3A_157, %dma_start3A_158] : memref<10240x64xf32, #tpu.memory_space<vmem_shared>> -> memref<640x64xf32, #tpu.memory_space<vmem_shared>>
        %dma_start3A_160 = arith.constant 0 : i32
        %dma_start3A_161 = tpu.memref_slice %arg2[%mul3A_155, %dma_start3A_160] : memref<10000x64xf32, #tpu.memory_space<hbm>> -> memref<640x64xf32, #tpu.memory_space<hbm>>
        tpu.enqueue_dma source(%dma_start3A_161 : memref<640x64xf32, #tpu.memory_space<hbm>>) target(%dma_start3A_159 : memref<640x64xf32, #tpu.memory_space<vmem_shared>>) target_semaphore(%run_scoped3A : memref<!tpu.dma_semaphore, #tpu.memory_space<semaphore_mem>>)
        %dma_wait3A_162 = arith.constant 0 : i32
        %dma_wait3A_163 = tpu.memref_slice %arg8[%mul3A_157, %dma_wait3A_162] : memref<10240x64xf32, #tpu.memory_space<vmem_shared>> -> memref<640x64xf32, #tpu.memory_space<vmem_shared>>
        %dma_wait3A_164 = arith.constant 0 : i32
        %dma_wait3A_165 = tpu.memref_slice %arg2[%mul3A_155, %dma_wait3A_164] : memref<10000x64xf32, #tpu.memory_space<hbm>> -> memref<640x64xf32, #tpu.memory_space<hbm>>
        tpu.wait_dma2 semaphore(%run_scoped3A : memref<!tpu.dma_semaphore, #tpu.memory_space<semaphore_mem>>) src(%dma_wait3A_165 : memref<640x64xf32, #tpu.memory_space<hbm>>) dst(%dma_wait3A_163 : memref<640x64xf32, #tpu.memory_space<vmem_shared>>)
        tpu.yield
      }) : () -> ()
    } else {
    }
    %eq3A = arith.constant 15 : i32
    %eq3A_3 = arith.cmpi eq, %arg1, %eq3A : i32
    %convert_element_type3A_4 = arith.extui %eq3A_3 : i1 to i32
    %cond3A_5 = arith.constant 0 : i32
    %cond3A_6 = arith.cmpi ne, %convert_element_type3A_4, %cond3A_5 : i32
    scf.if %cond3A_6 {
      "tpu.region"() ({
        %run_scoped3A = tpu.sem_alloc : memref<!tpu.dma_semaphore, #tpu.memory_space<semaphore_mem>>
        %dma_start3A_154 = arith.constant 9600 : i32
        %dma_start3A_155 = arith.constant 0 : i32
        %dma_start3A_156 = tpu.memref_slice %arg8[%dma_start3A_154, %dma_start3A_155] : memref<10240x64xf32, #tpu.memory_space<vmem_shared>> -> memref<400x64xf32, #tpu.memory_space<vmem_shared>>
        %dma_start3A_157 = arith.constant 9600 : i32
        %dma_start3A_158 = arith.constant 0 : i32
        %dma_start3A_159 = tpu.memref_slice %arg2[%dma_start3A_157, %dma_start3A_158] : memref<10000x64xf32, #tpu.memory_space<hbm>> -> memref<400x64xf32, #tpu.memory_space<hbm>>
        tpu.enqueue_dma source(%dma_start3A_159 : memref<400x64xf32, #tpu.memory_space<hbm>>) target(%dma_start3A_156 : memref<400x64xf32, #tpu.memory_space<vmem_shared>>) target_semaphore(%run_scoped3A : memref<!tpu.dma_semaphore, #tpu.memory_space<semaphore_mem>>)
        %dma_wait3A_160 = arith.constant 9600 : i32
        %dma_wait3A_161 = arith.constant 0 : i32
        %dma_wait3A_162 = tpu.memref_slice %arg8[%dma_wait3A_160, %dma_wait3A_161] : memref<10240x64xf32, #tpu.memory_space<vmem_shared>> -> memref<400x64xf32, #tpu.memory_space<vmem_shared>>
        %dma_wait3A_163 = arith.constant 9600 : i32
        %dma_wait3A_164 = arith.constant 0 : i32
        %dma_wait3A_165 = tpu.memref_slice %arg2[%dma_wait3A_163, %dma_wait3A_164] : memref<10000x64xf32, #tpu.memory_space<hbm>> -> memref<400x64xf32, #tpu.memory_space<hbm>>
        tpu.wait_dma2 semaphore(%run_scoped3A : memref<!tpu.dma_semaphore, #tpu.memory_space<semaphore_mem>>) src(%dma_wait3A_165 : memref<400x64xf32, #tpu.memory_space<hbm>>) dst(%dma_wait3A_162 : memref<400x64xf32, #tpu.memory_space<vmem_shared>>)
        tpu.yield
      }) : () -> ()
    } else {
    }
    %mul3A_7 = arith.constant 640 : i32
    %mul3A_8 = arith.muli %arg1, %mul3A_7 : i32
    %add3A_9 = arith.constant 0 : i32
    %add3A_10 = arith.addi %mul3A_8, %add3A_9 : i32
    "tpu.region"() ({
      %run_scoped3A = tpu.sem_alloc : memref<!tpu.dma_semaphore, #tpu.memory_space<semaphore_mem>>
      %dma_start3A_154 = arith.constant 0 : i32
      %dma_start3A_155 = tpu.memref_slice %arg7[%add3A_10, %dma_start3A_154] : memref<10240x64xf32, #tpu.memory_space<vmem_shared>> -> memref<128x64xf32, #tpu.memory_space<vmem_shared>>
      tpu.enqueue_dma source(%arg5 : memref<128x64xf32, #tpu.memory_space<hbm>>) target(%dma_start3A_155 : memref<128x64xf32, #tpu.memory_space<vmem_shared>>) target_semaphore(%run_scoped3A : memref<!tpu.dma_semaphore, #tpu.memory_space<semaphore_mem>>)
      %dma_wait3A_156 = arith.constant 0 : i32
      %dma_wait3A_157 = tpu.memref_slice %arg7[%add3A_10, %dma_wait3A_156] : memref<10240x64xf32, #tpu.memory_space<vmem_shared>> -> memref<128x64xf32, #tpu.memory_space<vmem_shared>>
      tpu.wait_dma2 semaphore(%run_scoped3A : memref<!tpu.dma_semaphore, #tpu.memory_space<semaphore_mem>>) src(%arg5 : memref<128x64xf32, #tpu.memory_space<hbm>>) dst(%dma_wait3A_157 : memref<128x64xf32, #tpu.memory_space<vmem_shared>>)
      tpu.yield
    }) : () -> ()
    %mul3A_11 = arith.constant 640 : i32
    %mul3A_12 = arith.muli %arg1, %mul3A_11 : i32
    %add3A_13 = arith.constant 128 : i32
    %add3A_14 = arith.addi %mul3A_12, %add3A_13 : i32
    "tpu.region"() ({
      %run_scoped3A = tpu.sem_alloc : memref<!tpu.dma_semaphore, #tpu.memory_space<semaphore_mem>>
      %dma_start3A_154 = arith.constant 0 : i32
      %dma_start3A_155 = tpu.memref_slice %arg7[%add3A_14, %dma_start3A_154] : memref<10240x64xf32, #tpu.memory_space<vmem_shared>> -> memref<128x64xf32, #tpu.memory_space<vmem_shared>>
      tpu.enqueue_dma source(%arg5 : memref<128x64xf32, #tpu.memory_space<hbm>>) target(%dma_start3A_155 : memref<128x64xf32, #tpu.memory_space<vmem_shared>>) target_semaphore(%run_scoped3A : memref<!tpu.dma_semaphore, #tpu.memory_space<semaphore_mem>>)
      %dma_wait3A_156 = arith.constant 0 : i32
      %dma_wait3A_157 = tpu.memref_slice %arg7[%add3A_14, %dma_wait3A_156] : memref<10240x64xf32, #tpu.memory_space<vmem_shared>> -> memref<128x64xf32, #tpu.memory_space<vmem_shared>>
      tpu.wait_dma2 semaphore(%run_scoped3A : memref<!tpu.dma_semaphore, #tpu.memory_space<semaphore_mem>>) src(%arg5 : memref<128x64xf32, #tpu.memory_space<hbm>>) dst(%dma_wait3A_157 : memref<128x64xf32, #tpu.memory_space<vmem_shared>>)
      tpu.yield
    }) : () -> ()
    %mul3A_15 = arith.constant 640 : i32
    %mul3A_16 = arith.muli %arg1, %mul3A_15 : i32
    %add3A_17 = arith.constant 256 : i32
    %add3A_18 = arith.addi %mul3A_16, %add3A_17 : i32
    "tpu.region"() ({
      %run_scoped3A = tpu.sem_alloc : memref<!tpu.dma_semaphore, #tpu.memory_space<semaphore_mem>>
      %dma_start3A_154 = arith.constant 0 : i32
      %dma_start3A_155 = tpu.memref_slice %arg7[%add3A_18, %dma_start3A_154] : memref<10240x64xf32, #tpu.memory_space<vmem_shared>> -> memref<128x64xf32, #tpu.memory_space<vmem_shared>>
      tpu.enqueue_dma source(%arg5 : memref<128x64xf32, #tpu.memory_space<hbm>>) target(%dma_start3A_155 : memref<128x64xf32, #tpu.memory_space<vmem_shared>>) target_semaphore(%run_scoped3A : memref<!tpu.dma_semaphore, #tpu.memory_space<semaphore_mem>>)
      %dma_wait3A_156 = arith.constant 0 : i32
      %dma_wait3A_157 = tpu.memref_slice %arg7[%add3A_18, %dma_wait3A_156] : memref<10240x64xf32, #tpu.memory_space<vmem_shared>> -> memref<128x64xf32, #tpu.memory_space<vmem_shared>>
      tpu.wait_dma2 semaphore(%run_scoped3A : memref<!tpu.dma_semaphore, #tpu.memory_space<semaphore_mem>>) src(%arg5 : memref<128x64xf32, #tpu.memory_space<hbm>>) dst(%dma_wait3A_157 : memref<128x64xf32, #tpu.memory_space<vmem_shared>>)
      tpu.yield
    }) : () -> ()
    %mul3A_19 = arith.constant 640 : i32
    %mul3A_20 = arith.muli %arg1, %mul3A_19 : i32
    %add3A_21 = arith.constant 384 : i32
    %add3A_22 = arith.addi %mul3A_20, %add3A_21 : i32
    "tpu.region"() ({
      %run_scoped3A = tpu.sem_alloc : memref<!tpu.dma_semaphore, #tpu.memory_space<semaphore_mem>>
      %dma_start3A_154 = arith.constant 0 : i32
      %dma_start3A_155 = tpu.memref_slice %arg7[%add3A_22, %dma_start3A_154] : memref<10240x64xf32, #tpu.memory_space<vmem_shared>> -> memref<128x64xf32, #tpu.memory_space<vmem_shared>>
      tpu.enqueue_dma source(%arg5 : memref<128x64xf32, #tpu.memory_space<hbm>>) target(%dma_start3A_155 : memref<128x64xf32, #tpu.memory_space<vmem_shared>>) target_semaphore(%run_scoped3A : memref<!tpu.dma_semaphore, #tpu.memory_space<semaphore_mem>>)
      %dma_wait3A_156 = arith.constant 0 : i32
      %dma_wait3A_157 = tpu.memref_slice %arg7[%add3A_22, %dma_wait3A_156] : memref<10240x64xf32, #tpu.memory_space<vmem_shared>> -> memref<128x64xf32, #tpu.memory_space<vmem_shared>>
      tpu.wait_dma2 semaphore(%run_scoped3A : memref<!tpu.dma_semaphore, #tpu.memory_space<semaphore_mem>>) src(%arg5 : memref<128x64xf32, #tpu.memory_space<hbm>>) dst(%dma_wait3A_157 : memref<128x64xf32, #tpu.memory_space<vmem_shared>>)
      tpu.yield
    }) : () -> ()
    %mul3A_23 = arith.constant 640 : i32
    %mul3A_24 = arith.muli %arg1, %mul3A_23 : i32
    %add3A_25 = arith.constant 512 : i32
    %add3A_26 = arith.addi %mul3A_24, %add3A_25 : i32
    "tpu.region"() ({
      %run_scoped3A = tpu.sem_alloc : memref<!tpu.dma_semaphore, #tpu.memory_space<semaphore_mem>>
      %dma_start3A_154 = arith.constant 0 : i32
      %dma_start3A_155 = tpu.memref_slice %arg7[%add3A_26, %dma_start3A_154] : memref<10240x64xf32, #tpu.memory_space<vmem_shared>> -> memref<128x64xf32, #tpu.memory_space<vmem_shared>>
      tpu.enqueue_dma source(%arg5 : memref<128x64xf32, #tpu.memory_space<hbm>>) target(%dma_start3A_155 : memref<128x64xf32, #tpu.memory_space<vmem_shared>>) target_semaphore(%run_scoped3A : memref<!tpu.dma_semaphore, #tpu.memory_space<semaphore_mem>>)
      %dma_wait3A_156 = arith.constant 0 : i32
      %dma_wait3A_157 = tpu.memref_slice %arg7[%add3A_26, %dma_wait3A_156] : memref<10240x64xf32, #tpu.memory_space<vmem_shared>> -> memref<128x64xf32, #tpu.memory_space<vmem_shared>>
      tpu.wait_dma2 semaphore(%run_scoped3A : memref<!tpu.dma_semaphore, #tpu.memory_space<semaphore_mem>>) src(%arg5 : memref<128x64xf32, #tpu.memory_space<hbm>>) dst(%dma_wait3A_157 : memref<128x64xf32, #tpu.memory_space<vmem_shared>>)
      tpu.yield
    }) : () -> ()
    %barrier3A = arith.constant 0 : index
    tpu.barrier barrier_id(%barrier3A)
    %dma_start3A = arith.constant 0 : i32
    %dma_start3A_27 = arith.constant 0 : i32
    %dma_start3A_28 = arith.constant 0 : i32
    %dma_start3A_29 = arith.constant 0 : i32
    %dma_start3A_30 = arith.constant 0 : i32
    %dma_start3A_31 = tpu.memref_slice %arg11[%dma_start3A_27, %dma_start3A_29, %dma_start3A_30] : memref<2x128x64xf32, #tpu.memory_space<vmem>> -> memref<1x128x64xf32, #tpu.memory_space<vmem>>
    %dma_start3A_32 = tpu.memref_squeeze %dma_start3A_31 : memref<1x128x64xf32, #tpu.memory_space<vmem>> -> memref<128x64xf32, #tpu.memory_space<vmem>>
    %dma_start3A_33 = arith.constant 0 : i32
    %dma_start3A_34 = tpu.memref_slice %arg9[%dma_start3A, %dma_start3A_33] : memref<80x128xi32, #tpu.memory_space<vmem>> -> memref<1x128xi32, #tpu.memory_space<vmem>>
    %dma_start3A_35 = tpu.memref_squeeze %dma_start3A_34 : memref<1x128xi32, #tpu.memory_space<vmem>> -> memref<128xi32, #tpu.memory_space<vmem>>
    %dma_start3A_36 = arith.constant 0 : i32
    %dma_start3A_37 = arith.constant 0 : i32
    %dma_start3A_38 = tpu.memref_slice %arg8[%dma_start3A_36, %dma_start3A_37] : memref<10240x64xf32, #tpu.memory_space<vmem_shared>> -> memref<10240x64xf32, #tpu.memory_space<vmem_shared>>
    %dma_start3A_39 = tpu.memref_slice %arg12[%dma_start3A_28] : memref<2x!tpu.dma_semaphore, #tpu.memory_space<semaphore_mem>> -> memref<1x!tpu.dma_semaphore, #tpu.memory_space<semaphore_mem>>
    %dma_start3A_40 = tpu.memref_squeeze %dma_start3A_39 : memref<1x!tpu.dma_semaphore, #tpu.memory_space<semaphore_mem>> -> memref<!tpu.dma_semaphore, #tpu.memory_space<semaphore_mem>>
    tpu.enqueue_indirect_dma source(%dma_start3A_38 : memref<10240x64xf32, #tpu.memory_space<vmem_shared>>) target(%dma_start3A_32 : memref<128x64xf32, #tpu.memory_space<vmem>>) offsets(%dma_start3A_35 : memref<128xi32, #tpu.memory_space<vmem>>) semaphore(%dma_start3A_40 : memref<!tpu.dma_semaphore, #tpu.memory_space<semaphore_mem>>)
    %dma_start3A_41 = arith.constant 1 : i32
    %dma_start3A_42 = arith.constant 1 : i32
    %dma_start3A_43 = arith.constant 1 : i32
    %dma_start3A_44 = arith.constant 0 : i32
    %dma_start3A_45 = arith.constant 0 : i32
    %dma_start3A_46 = tpu.memref_slice %arg11[%dma_start3A_42, %dma_start3A_44, %dma_start3A_45] : memref<2x128x64xf32, #tpu.memory_space<vmem>> -> memref<1x128x64xf32, #tpu.memory_space<vmem>>
    %dma_start3A_47 = tpu.memref_squeeze %dma_start3A_46 : memref<1x128x64xf32, #tpu.memory_space<vmem>> -> memref<128x64xf32, #tpu.memory_space<vmem>>
    %dma_start3A_48 = arith.constant 0 : i32
    %dma_start3A_49 = tpu.memref_slice %arg9[%dma_start3A_41, %dma_start3A_48] : memref<80x128xi32, #tpu.memory_space<vmem>> -> memref<1x128xi32, #tpu.memory_space<vmem>>
    %dma_start3A_50 = tpu.memref_squeeze %dma_start3A_49 : memref<1x128xi32, #tpu.memory_space<vmem>> -> memref<128xi32, #tpu.memory_space<vmem>>
    %dma_start3A_51 = arith.constant 0 : i32
    %dma_start3A_52 = arith.constant 0 : i32
    %dma_start3A_53 = tpu.memref_slice %arg8[%dma_start3A_51, %dma_start3A_52] : memref<10240x64xf32, #tpu.memory_space<vmem_shared>> -> memref<10240x64xf32, #tpu.memory_space<vmem_shared>>
    %dma_start3A_54 = tpu.memref_slice %arg12[%dma_start3A_43] : memref<2x!tpu.dma_semaphore, #tpu.memory_space<semaphore_mem>> -> memref<1x!tpu.dma_semaphore, #tpu.memory_space<semaphore_mem>>
    %dma_start3A_55 = tpu.memref_squeeze %dma_start3A_54 : memref<1x!tpu.dma_semaphore, #tpu.memory_space<semaphore_mem>> -> memref<!tpu.dma_semaphore, #tpu.memory_space<semaphore_mem>>
    tpu.enqueue_indirect_dma source(%dma_start3A_53 : memref<10240x64xf32, #tpu.memory_space<vmem_shared>>) target(%dma_start3A_47 : memref<128x64xf32, #tpu.memory_space<vmem>>) offsets(%dma_start3A_50 : memref<128xi32, #tpu.memory_space<vmem>>) semaphore(%dma_start3A_55 : memref<!tpu.dma_semaphore, #tpu.memory_space<semaphore_mem>>)
    %scan3A = arith.constant 0 : i32
    %scan3A_56 = arith.constant 39 : i32
    %scan3A_57 = arith.addi %scan3A, %scan3A_56 : i32
    %scan3A_58 = arith.constant 1 : i32
    scf.for %scan3A_154 = %scan3A to %scan3A_57 step %scan3A_58  : i32 {
      %mul3A_155 = arith.constant 1 : i32
      %mul3A_156 = arith.muli %scan3A_154, %mul3A_155 : i32
      %add3A_157 = arith.constant 0 : i32
      %add3A_158 = arith.addi %add3A_157, %mul3A_156 : i32
      %mul3A_159 = arith.constant 2 : i32
      %mul3A_160 = arith.muli %add3A_158, %mul3A_159 : i32
      %dma_wait3A_161 = arith.constant 0 : i32
      %dma_wait3A_162 = arith.constant 0 : i32
      %dma_wait3A_163 = arith.constant 0 : i32
      %dma_wait3A_164 = arith.constant 0 : i32
      %dma_wait3A_165 = arith.constant 0 : i32
      %dma_wait3A_166 = tpu.memref_slice %arg11[%dma_wait3A_162, %dma_wait3A_164, %dma_wait3A_165] : memref<2x128x64xf32, #tpu.memory_space<vmem>> -> memref<1x128x64xf32, #tpu.memory_space<vmem>>
      %dma_wait3A_167 = tpu.memref_squeeze %dma_wait3A_166 : memref<1x128x64xf32, #tpu.memory_space<vmem>> -> memref<128x64xf32, #tpu.memory_space<vmem>>
      %dma_wait3A_168 = arith.constant 0 : i32
      %dma_wait3A_169 = tpu.memref_slice %arg9[%dma_wait3A_161, %dma_wait3A_168] : memref<80x128xi32, #tpu.memory_space<vmem>> -> memref<1x128xi32, #tpu.memory_space<vmem>>
      %dma_wait3A_170 = tpu.memref_squeeze %dma_wait3A_169 : memref<1x128xi32, #tpu.memory_space<vmem>> -> memref<128xi32, #tpu.memory_space<vmem>>
      %dma_wait3A_171 = arith.constant 0 : i32
      %dma_wait3A_172 = arith.constant 0 : i32
      %dma_wait3A_173 = tpu.memref_slice %arg8[%dma_wait3A_171, %dma_wait3A_172] : memref<10240x64xf32, #tpu.memory_space<vmem_shared>> -> memref<10240x64xf32, #tpu.memory_space<vmem_shared>>
      %dma_wait3A_174 = tpu.memref_slice %arg12[%dma_wait3A_163] : memref<2x!tpu.dma_semaphore, #tpu.memory_space<semaphore_mem>> -> memref<1x!tpu.dma_semaphore, #tpu.memory_space<semaphore_mem>>
      %dma_wait3A_175 = tpu.memref_squeeze %dma_wait3A_174 : memref<1x!tpu.dma_semaphore, #tpu.memory_space<semaphore_mem>> -> memref<!tpu.dma_semaphore, #tpu.memory_space<semaphore_mem>>
      tpu.wait_indirect_dma semaphore(%dma_wait3A_175 : memref<!tpu.dma_semaphore, #tpu.memory_space<semaphore_mem>>) src(%dma_wait3A_173 : memref<10240x64xf32, #tpu.memory_space<vmem_shared>>) dst(%dma_wait3A_167 : memref<128x64xf32, #tpu.memory_space<vmem>>)
      %add3A_176 = arith.constant 0 : i32
      %add3A_177 = arith.addi %mul3A_160, %add3A_176 : i32
      %dma_start3A_178 = arith.constant 0 : i32
      %dma_start3A_179 = arith.constant 0 : i32
      %dma_start3A_180 = arith.constant 0 : i32
      %dma_start3A_181 = arith.constant 0 : i32
      %dma_start3A_182 = tpu.memref_slice %arg11[%dma_start3A_178, %dma_start3A_180, %dma_start3A_181] : memref<2x128x64xf32, #tpu.memory_space<vmem>> -> memref<1x128x64xf32, #tpu.memory_space<vmem>>
      %dma_start3A_183 = tpu.memref_squeeze %dma_start3A_182 : memref<1x128x64xf32, #tpu.memory_space<vmem>> -> memref<128x64xf32, #tpu.memory_space<vmem>>
      %dma_start3A_184 = arith.constant 0 : i32
      %dma_start3A_185 = tpu.memref_slice %arg10[%add3A_177, %dma_start3A_184] : memref<80x128xi32, #tpu.memory_space<vmem>> -> memref<1x128xi32, #tpu.memory_space<vmem>>
      %dma_start3A_186 = tpu.memref_squeeze %dma_start3A_185 : memref<1x128xi32, #tpu.memory_space<vmem>> -> memref<128xi32, #tpu.memory_space<vmem>>
      %dma_start3A_187 = arith.constant 0 : i32
      %dma_start3A_188 = arith.constant 0 : i32
      %dma_start3A_189 = tpu.memref_slice %arg7[%dma_start3A_187, %dma_start3A_188] : memref<10240x64xf32, #tpu.memory_space<vmem_shared>> -> memref<10240x64xf32, #tpu.memory_space<vmem_shared>>
      %dma_start3A_190 = tpu.memref_slice %arg13[%dma_start3A_179] : memref<2x!tpu.dma_semaphore, #tpu.memory_space<semaphore_mem>> -> memref<1x!tpu.dma_semaphore, #tpu.memory_space<semaphore_mem>>
      %dma_start3A_191 = tpu.memref_squeeze %dma_start3A_190 : memref<1x!tpu.dma_semaphore, #tpu.memory_space<semaphore_mem>> -> memref<!tpu.dma_semaphore, #tpu.memory_space<semaphore_mem>>
      tpu.enqueue_indirect_dma source(%dma_start3A_183 : memref<128x64xf32, #tpu.memory_space<vmem>>) target(%dma_start3A_189 : memref<10240x64xf32, #tpu.memory_space<vmem_shared>>) offsets(%dma_start3A_186 : memref<128xi32, #tpu.memory_space<vmem>>) semaphore(%dma_start3A_191 : memref<!tpu.dma_semaphore, #tpu.memory_space<semaphore_mem>>) {add = true}
      %dma_wait3A_192 = arith.constant 0 : i32
      %dma_wait3A_193 = arith.constant 1 : i32
      %dma_wait3A_194 = arith.constant 1 : i32
      %dma_wait3A_195 = arith.constant 0 : i32
      %dma_wait3A_196 = arith.constant 0 : i32
      %dma_wait3A_197 = tpu.memref_slice %arg11[%dma_wait3A_193, %dma_wait3A_195, %dma_wait3A_196] : memref<2x128x64xf32, #tpu.memory_space<vmem>> -> memref<1x128x64xf32, #tpu.memory_space<vmem>>
      %dma_wait3A_198 = tpu.memref_squeeze %dma_wait3A_197 : memref<1x128x64xf32, #tpu.memory_space<vmem>> -> memref<128x64xf32, #tpu.memory_space<vmem>>
      %dma_wait3A_199 = arith.constant 0 : i32
      %dma_wait3A_200 = tpu.memref_slice %arg9[%dma_wait3A_192, %dma_wait3A_199] : memref<80x128xi32, #tpu.memory_space<vmem>> -> memref<1x128xi32, #tpu.memory_space<vmem>>
      %dma_wait3A_201 = tpu.memref_squeeze %dma_wait3A_200 : memref<1x128xi32, #tpu.memory_space<vmem>> -> memref<128xi32, #tpu.memory_space<vmem>>
      %dma_wait3A_202 = arith.constant 0 : i32
      %dma_wait3A_203 = arith.constant 0 : i32
      %dma_wait3A_204 = tpu.memref_slice %arg8[%dma_wait3A_202, %dma_wait3A_203] : memref<10240x64xf32, #tpu.memory_space<vmem_shared>> -> memref<10240x64xf32, #tpu.memory_space<vmem_shared>>
      %dma_wait3A_205 = tpu.memref_slice %arg12[%dma_wait3A_194] : memref<2x!tpu.dma_semaphore, #tpu.memory_space<semaphore_mem>> -> memref<1x!tpu.dma_semaphore, #tpu.memory_space<semaphore_mem>>
      %dma_wait3A_206 = tpu.memref_squeeze %dma_wait3A_205 : memref<1x!tpu.dma_semaphore, #tpu.memory_space<semaphore_mem>> -> memref<!tpu.dma_semaphore, #tpu.memory_space<semaphore_mem>>
      tpu.wait_indirect_dma semaphore(%dma_wait3A_206 : memref<!tpu.dma_semaphore, #tpu.memory_space<semaphore_mem>>) src(%dma_wait3A_204 : memref<10240x64xf32, #tpu.memory_space<vmem_shared>>) dst(%dma_wait3A_198 : memref<128x64xf32, #tpu.memory_space<vmem>>)
      %add3A_207 = arith.constant 1 : i32
      %add3A_208 = arith.addi %mul3A_160, %add3A_207 : i32
      %dma_start3A_209 = arith.constant 1 : i32
      %dma_start3A_210 = arith.constant 1 : i32
      %dma_start3A_211 = arith.constant 0 : i32
      %dma_start3A_212 = arith.constant 0 : i32
      %dma_start3A_213 = tpu.memref_slice %arg11[%dma_start3A_209, %dma_start3A_211, %dma_start3A_212] : memref<2x128x64xf32, #tpu.memory_space<vmem>> -> memref<1x128x64xf32, #tpu.memory_space<vmem>>
      %dma_start3A_214 = tpu.memref_squeeze %dma_start3A_213 : memref<1x128x64xf32, #tpu.memory_space<vmem>> -> memref<128x64xf32, #tpu.memory_space<vmem>>
      %dma_start3A_215 = arith.constant 0 : i32
      %dma_start3A_216 = tpu.memref_slice %arg10[%add3A_208, %dma_start3A_215] : memref<80x128xi32, #tpu.memory_space<vmem>> -> memref<1x128xi32, #tpu.memory_space<vmem>>
      %dma_start3A_217 = tpu.memref_squeeze %dma_start3A_216 : memref<1x128xi32, #tpu.memory_space<vmem>> -> memref<128xi32, #tpu.memory_space<vmem>>
      %dma_start3A_218 = arith.constant 0 : i32
      %dma_start3A_219 = arith.constant 0 : i32
      %dma_start3A_220 = tpu.memref_slice %arg7[%dma_start3A_218, %dma_start3A_219] : memref<10240x64xf32, #tpu.memory_space<vmem_shared>> -> memref<10240x64xf32, #tpu.memory_space<vmem_shared>>
      %dma_start3A_221 = tpu.memref_slice %arg13[%dma_start3A_210] : memref<2x!tpu.dma_semaphore, #tpu.memory_space<semaphore_mem>> -> memref<1x!tpu.dma_semaphore, #tpu.memory_space<semaphore_mem>>
      %dma_start3A_222 = tpu.memref_squeeze %dma_start3A_221 : memref<1x!tpu.dma_semaphore, #tpu.memory_space<semaphore_mem>> -> memref<!tpu.dma_semaphore, #tpu.memory_space<semaphore_mem>>
      tpu.enqueue_indirect_dma source(%dma_start3A_214 : memref<128x64xf32, #tpu.memory_space<vmem>>) target(%dma_start3A_220 : memref<10240x64xf32, #tpu.memory_space<vmem_shared>>) offsets(%dma_start3A_217 : memref<128xi32, #tpu.memory_space<vmem>>) semaphore(%dma_start3A_222 : memref<!tpu.dma_semaphore, #tpu.memory_space<semaphore_mem>>) {add = true}
      %dma_wait3A_223 = arith.constant 0 : i32
      %dma_wait3A_224 = arith.constant 0 : i32
      %dma_wait3A_225 = arith.constant 0 : i32
      %dma_wait3A_226 = arith.constant 0 : i32
      %dma_wait3A_227 = arith.constant 0 : i32
      %dma_wait3A_228 = tpu.memref_slice %arg11[%dma_wait3A_223, %dma_wait3A_226, %dma_wait3A_227] : memref<2x128x64xf32, #tpu.memory_space<vmem>> -> memref<1x128x64xf32, #tpu.memory_space<vmem>>
      %dma_wait3A_229 = tpu.memref_squeeze %dma_wait3A_228 : memref<1x128x64xf32, #tpu.memory_space<vmem>> -> memref<128x64xf32, #tpu.memory_space<vmem>>
      %dma_wait3A_230 = arith.constant 0 : i32
      %dma_wait3A_231 = tpu.memref_slice %arg10[%dma_wait3A_224, %dma_wait3A_230] : memref<80x128xi32, #tpu.memory_space<vmem>> -> memref<1x128xi32, #tpu.memory_space<vmem>>
      %dma_wait3A_232 = tpu.memref_squeeze %dma_wait3A_231 : memref<1x128xi32, #tpu.memory_space<vmem>> -> memref<128xi32, #tpu.memory_space<vmem>>
      %dma_wait3A_233 = arith.constant 0 : i32
      %dma_wait3A_234 = arith.constant 0 : i32
      %dma_wait3A_235 = tpu.memref_slice %arg7[%dma_wait3A_233, %dma_wait3A_234] : memref<10240x64xf32, #tpu.memory_space<vmem_shared>> -> memref<10240x64xf32, #tpu.memory_space<vmem_shared>>
      %dma_wait3A_236 = tpu.memref_slice %arg13[%dma_wait3A_225] : memref<2x!tpu.dma_semaphore, #tpu.memory_space<semaphore_mem>> -> memref<1x!tpu.dma_semaphore, #tpu.memory_space<semaphore_mem>>
      %dma_wait3A_237 = tpu.memref_squeeze %dma_wait3A_236 : memref<1x!tpu.dma_semaphore, #tpu.memory_space<semaphore_mem>> -> memref<!tpu.dma_semaphore, #tpu.memory_space<semaphore_mem>>
      tpu.wait_indirect_dma semaphore(%dma_wait3A_237 : memref<!tpu.dma_semaphore, #tpu.memory_space<semaphore_mem>>) src(%dma_wait3A_229 : memref<128x64xf32, #tpu.memory_space<vmem>>) dst(%dma_wait3A_235 : memref<10240x64xf32, #tpu.memory_space<vmem_shared>>)
      %add3A_238 = arith.constant 2 : i32
      %add3A_239 = arith.addi %mul3A_160, %add3A_238 : i32
      %add3A_240 = arith.constant 0 : i32
      %add3A_241 = arith.addi %add3A_239, %add3A_240 : i32
      %dma_start3A_242 = arith.constant 0 : i32
      %dma_start3A_243 = arith.constant 0 : i32
      %dma_start3A_244 = arith.constant 0 : i32
      %dma_start3A_245 = arith.constant 0 : i32
      %dma_start3A_246 = tpu.memref_slice %arg11[%dma_start3A_242, %dma_start3A_244, %dma_start3A_245] : memref<2x128x64xf32, #tpu.memory_space<vmem>> -> memref<1x128x64xf32, #tpu.memory_space<vmem>>
      %dma_start3A_247 = tpu.memref_squeeze %dma_start3A_246 : memref<1x128x64xf32, #tpu.memory_space<vmem>> -> memref<128x64xf32, #tpu.memory_space<vmem>>
      %dma_start3A_248 = arith.constant 0 : i32
      %dma_start3A_249 = tpu.memref_slice %arg9[%add3A_241, %dma_start3A_248] : memref<80x128xi32, #tpu.memory_space<vmem>> -> memref<1x128xi32, #tpu.memory_space<vmem>>
      %dma_start3A_250 = tpu.memref_squeeze %dma_start3A_249 : memref<1x128xi32, #tpu.memory_space<vmem>> -> memref<128xi32, #tpu.memory_space<vmem>>
      %dma_start3A_251 = arith.constant 0 : i32
      %dma_start3A_252 = arith.constant 0 : i32
      %dma_start3A_253 = tpu.memref_slice %arg8[%dma_start3A_251, %dma_start3A_252] : memref<10240x64xf32, #tpu.memory_space<vmem_shared>> -> memref<10240x64xf32, #tpu.memory_space<vmem_shared>>
      %dma_start3A_254 = tpu.memref_slice %arg12[%dma_start3A_243] : memref<2x!tpu.dma_semaphore, #tpu.memory_space<semaphore_mem>> -> memref<1x!tpu.dma_semaphore, #tpu.memory_space<semaphore_mem>>
      %dma_start3A_255 = tpu.memref_squeeze %dma_start3A_254 : memref<1x!tpu.dma_semaphore, #tpu.memory_space<semaphore_mem>> -> memref<!tpu.dma_semaphore, #tpu.memory_space<semaphore_mem>>
      tpu.enqueue_indirect_dma source(%dma_start3A_253 : memref<10240x64xf32, #tpu.memory_space<vmem_shared>>) target(%dma_start3A_247 : memref<128x64xf32, #tpu.memory_space<vmem>>) offsets(%dma_start3A_250 : memref<128xi32, #tpu.memory_space<vmem>>) semaphore(%dma_start3A_255 : memref<!tpu.dma_semaphore, #tpu.memory_space<semaphore_mem>>)
      %dma_wait3A_256 = arith.constant 1 : i32
      %dma_wait3A_257 = arith.constant 0 : i32
      %dma_wait3A_258 = arith.constant 1 : i32
      %dma_wait3A_259 = arith.constant 0 : i32
      %dma_wait3A_260 = arith.constant 0 : i32
      %dma_wait3A_261 = tpu.memref_slice %arg11[%dma_wait3A_256, %dma_wait3A_259, %dma_wait3A_260] : memref<2x128x64xf32, #tpu.memory_space<vmem>> -> memref<1x128x64xf32, #tpu.memory_space<vmem>>
      %dma_wait3A_262 = tpu.memref_squeeze %dma_wait3A_261 : memref<1x128x64xf32, #tpu.memory_space<vmem>> -> memref<128x64xf32, #tpu.memory_space<vmem>>
      %dma_wait3A_263 = arith.constant 0 : i32
      %dma_wait3A_264 = tpu.memref_slice %arg10[%dma_wait3A_257, %dma_wait3A_263] : memref<80x128xi32, #tpu.memory_space<vmem>> -> memref<1x128xi32, #tpu.memory_space<vmem>>
      %dma_wait3A_265 = tpu.memref_squeeze %dma_wait3A_264 : memref<1x128xi32, #tpu.memory_space<vmem>> -> memref<128xi32, #tpu.memory_space<vmem>>
      %dma_wait3A_266 = arith.constant 0 : i32
      %dma_wait3A_267 = arith.constant 0 : i32
      %dma_wait3A_268 = tpu.memref_slice %arg7[%dma_wait3A_266, %dma_wait3A_267] : memref<10240x64xf32, #tpu.memory_space<vmem_shared>> -> memref<10240x64xf32, #tpu.memory_space<vmem_shared>>
      %dma_wait3A_269 = tpu.memref_slice %arg13[%dma_wait3A_258] : memref<2x!tpu.dma_semaphore, #tpu.memory_space<semaphore_mem>> -> memref<1x!tpu.dma_semaphore, #tpu.memory_space<semaphore_mem>>
      %dma_wait3A_270 = tpu.memref_squeeze %dma_wait3A_269 : memref<1x!tpu.dma_semaphore, #tpu.memory_space<semaphore_mem>> -> memref<!tpu.dma_semaphore, #tpu.memory_space<semaphore_mem>>
      tpu.wait_indirect_dma semaphore(%dma_wait3A_270 : memref<!tpu.dma_semaphore, #tpu.memory_space<semaphore_mem>>) src(%dma_wait3A_262 : memref<128x64xf32, #tpu.memory_space<vmem>>) dst(%dma_wait3A_268 : memref<10240x64xf32, #tpu.memory_space<vmem_shared>>)
      %add3A_271 = arith.constant 2 : i32
      %add3A_272 = arith.addi %mul3A_160, %add3A_271 : i32
      %add3A_273 = arith.constant 1 : i32
      %add3A_274 = arith.addi %add3A_272, %add3A_273 : i32
      %dma_start3A_275 = arith.constant 1 : i32
      %dma_start3A_276 = arith.constant 1 : i32
      %dma_start3A_277 = arith.constant 0 : i32
      %dma_start3A_278 = arith.constant 0 : i32
      %dma_start3A_279 = tpu.memref_slice %arg11[%dma_start3A_275, %dma_start3A_277, %dma_start3A_278] : memref<2x128x64xf32, #tpu.memory_space<vmem>> -> memref<1x128x64xf32, #tpu.memory_space<vmem>>
      %dma_start3A_280 = tpu.memref_squeeze %dma_start3A_279 : memref<1x128x64xf32, #tpu.memory_space<vmem>> -> memref<128x64xf32, #tpu.memory_space<vmem>>
      %dma_start3A_281 = arith.constant 0 : i32
      %dma_start3A_282 = tpu.memref_slice %arg9[%add3A_274, %dma_start3A_281] : memref<80x128xi32, #tpu.memory_space<vmem>> -> memref<1x128xi32, #tpu.memory_space<vmem>>
      %dma_start3A_283 = tpu.memref_squeeze %dma_start3A_282 : memref<1x128xi32, #tpu.memory_space<vmem>> -> memref<128xi32, #tpu.memory_space<vmem>>
      %dma_start3A_284 = arith.constant 0 : i32
      %dma_start3A_285 = arith.constant 0 : i32
      %dma_start3A_286 = tpu.memref_slice %arg8[%dma_start3A_284, %dma_start3A_285] : memref<10240x64xf32, #tpu.memory_space<vmem_shared>> -> memref<10240x64xf32, #tpu.memory_space<vmem_shared>>
      %dma_start3A_287 = tpu.memref_slice %arg12[%dma_start3A_276] : memref<2x!tpu.dma_semaphore, #tpu.memory_space<semaphore_mem>> -> memref<1x!tpu.dma_semaphore, #tpu.memory_space<semaphore_mem>>
      %dma_start3A_288 = tpu.memref_squeeze %dma_start3A_287 : memref<1x!tpu.dma_semaphore, #tpu.memory_space<semaphore_mem>> -> memref<!tpu.dma_semaphore, #tpu.memory_space<semaphore_mem>>
      tpu.enqueue_indirect_dma source(%dma_start3A_286 : memref<10240x64xf32, #tpu.memory_space<vmem_shared>>) target(%dma_start3A_280 : memref<128x64xf32, #tpu.memory_space<vmem>>) offsets(%dma_start3A_283 : memref<128xi32, #tpu.memory_space<vmem>>) semaphore(%dma_start3A_288 : memref<!tpu.dma_semaphore, #tpu.memory_space<semaphore_mem>>)
    }
    %scan3A_59 = arith.constant 39 : i32
    %dma_wait3A = arith.constant 0 : i32
    %dma_wait3A_60 = arith.constant 0 : i32
    %dma_wait3A_61 = arith.constant 0 : i32
    %dma_wait3A_62 = arith.constant 0 : i32
    %dma_wait3A_63 = arith.constant 0 : i32
    %dma_wait3A_64 = tpu.memref_slice %arg11[%dma_wait3A_60, %dma_wait3A_62, %dma_wait3A_63] : memref<2x128x64xf32, #tpu.memory_space<vmem>> -> memref<1x128x64xf32, #tpu.memory_space<vmem>>
    %dma_wait3A_65 = tpu.memref_squeeze %dma_wait3A_64 : memref<1x128x64xf32, #tpu.memory_space<vmem>> -> memref<128x64xf32, #tpu.memory_space<vmem>>
    %dma_wait3A_66 = arith.constant 0 : i32
    %dma_wait3A_67 = tpu.memref_slice %arg9[%dma_wait3A, %dma_wait3A_66] : memref<80x128xi32, #tpu.memory_space<vmem>> -> memref<1x128xi32, #tpu.memory_space<vmem>>
    %dma_wait3A_68 = tpu.memref_squeeze %dma_wait3A_67 : memref<1x128xi32, #tpu.memory_space<vmem>> -> memref<128xi32, #tpu.memory_space<vmem>>
    %dma_wait3A_69 = arith.constant 0 : i32
    %dma_wait3A_70 = arith.constant 0 : i32
    %dma_wait3A_71 = tpu.memref_slice %arg8[%dma_wait3A_69, %dma_wait3A_70] : memref<10240x64xf32, #tpu.memory_space<vmem_shared>> -> memref<10240x64xf32, #tpu.memory_space<vmem_shared>>
    %dma_wait3A_72 = tpu.memref_slice %arg12[%dma_wait3A_61] : memref<2x!tpu.dma_semaphore, #tpu.memory_space<semaphore_mem>> -> memref<1x!tpu.dma_semaphore, #tpu.memory_space<semaphore_mem>>
    %dma_wait3A_73 = tpu.memref_squeeze %dma_wait3A_72 : memref<1x!tpu.dma_semaphore, #tpu.memory_space<semaphore_mem>> -> memref<!tpu.dma_semaphore, #tpu.memory_space<semaphore_mem>>
    tpu.wait_indirect_dma semaphore(%dma_wait3A_73 : memref<!tpu.dma_semaphore, #tpu.memory_space<semaphore_mem>>) src(%dma_wait3A_71 : memref<10240x64xf32, #tpu.memory_space<vmem_shared>>) dst(%dma_wait3A_65 : memref<128x64xf32, #tpu.memory_space<vmem>>)
    %dma_start3A_74 = arith.constant 0 : i32
    %dma_start3A_75 = arith.constant 78 : i32
    %dma_start3A_76 = arith.constant 0 : i32
    %dma_start3A_77 = arith.constant 0 : i32
    %dma_start3A_78 = arith.constant 0 : i32
    %dma_start3A_79 = tpu.memref_slice %arg11[%dma_start3A_74, %dma_start3A_77, %dma_start3A_78] : memref<2x128x64xf32, #tpu.memory_space<vmem>> -> memref<1x128x64xf32, #tpu.memory_space<vmem>>
    %dma_start3A_80 = tpu.memref_squeeze %dma_start3A_79 : memref<1x128x64xf32, #tpu.memory_space<vmem>> -> memref<128x64xf32, #tpu.memory_space<vmem>>
    %dma_start3A_81 = arith.constant 0 : i32
    %dma_start3A_82 = tpu.memref_slice %arg10[%dma_start3A_75, %dma_start3A_81] : memref<80x128xi32, #tpu.memory_space<vmem>> -> memref<1x128xi32, #tpu.memory_space<vmem>>
    %dma_start3A_83 = tpu.memref_squeeze %dma_start3A_82 : memref<1x128xi32, #tpu.memory_space<vmem>> -> memref<128xi32, #tpu.memory_space<vmem>>
    %dma_start3A_84 = arith.constant 0 : i32
    %dma_start3A_85 = arith.constant 0 : i32
    %dma_start3A_86 = tpu.memref_slice %arg7[%dma_start3A_84, %dma_start3A_85] : memref<10240x64xf32, #tpu.memory_space<vmem_shared>> -> memref<10240x64xf32, #tpu.memory_space<vmem_shared>>
    %dma_start3A_87 = tpu.memref_slice %arg13[%dma_start3A_76] : memref<2x!tpu.dma_semaphore, #tpu.memory_space<semaphore_mem>> -> memref<1x!tpu.dma_semaphore, #tpu.memory_space<semaphore_mem>>
    %dma_start3A_88 = tpu.memref_squeeze %dma_start3A_87 : memref<1x!tpu.dma_semaphore, #tpu.memory_space<semaphore_mem>> -> memref<!tpu.dma_semaphore, #tpu.memory_space<semaphore_mem>>
    tpu.enqueue_indirect_dma source(%dma_start3A_80 : memref<128x64xf32, #tpu.memory_space<vmem>>) target(%dma_start3A_86 : memref<10240x64xf32, #tpu.memory_space<vmem_shared>>) offsets(%dma_start3A_83 : memref<128xi32, #tpu.memory_space<vmem>>) semaphore(%dma_start3A_88 : memref<!tpu.dma_semaphore, #tpu.memory_space<semaphore_mem>>) {add = true}
    %dma_wait3A_89 = arith.constant 0 : i32
    %dma_wait3A_90 = arith.constant 1 : i32
    %dma_wait3A_91 = arith.constant 1 : i32
    %dma_wait3A_92 = arith.constant 0 : i32
    %dma_wait3A_93 = arith.constant 0 : i32
    %dma_wait3A_94 = tpu.memref_slice %arg11[%dma_wait3A_90, %dma_wait3A_92, %dma_wait3A_93] : memref<2x128x64xf32, #tpu.memory_space<vmem>> -> memref<1x128x64xf32, #tpu.memory_space<vmem>>
    %dma_wait3A_95 = tpu.memref_squeeze %dma_wait3A_94 : memref<1x128x64xf32, #tpu.memory_space<vmem>> -> memref<128x64xf32, #tpu.memory_space<vmem>>
    %dma_wait3A_96 = arith.constant 0 : i32
    %dma_wait3A_97 = tpu.memref_slice %arg9[%dma_wait3A_89, %dma_wait3A_96] : memref<80x128xi32, #tpu.memory_space<vmem>> -> memref<1x128xi32, #tpu.memory_space<vmem>>
    %dma_wait3A_98 = tpu.memref_squeeze %dma_wait3A_97 : memref<1x128xi32, #tpu.memory_space<vmem>> -> memref<128xi32, #tpu.memory_space<vmem>>
    %dma_wait3A_99 = arith.constant 0 : i32
    %dma_wait3A_100 = arith.constant 0 : i32
    %dma_wait3A_101 = tpu.memref_slice %arg8[%dma_wait3A_99, %dma_wait3A_100] : memref<10240x64xf32, #tpu.memory_space<vmem_shared>> -> memref<10240x64xf32, #tpu.memory_space<vmem_shared>>
    %dma_wait3A_102 = tpu.memref_slice %arg12[%dma_wait3A_91] : memref<2x!tpu.dma_semaphore, #tpu.memory_space<semaphore_mem>> -> memref<1x!tpu.dma_semaphore, #tpu.memory_space<semaphore_mem>>
    %dma_wait3A_103 = tpu.memref_squeeze %dma_wait3A_102 : memref<1x!tpu.dma_semaphore, #tpu.memory_space<semaphore_mem>> -> memref<!tpu.dma_semaphore, #tpu.memory_space<semaphore_mem>>
    tpu.wait_indirect_dma semaphore(%dma_wait3A_103 : memref<!tpu.dma_semaphore, #tpu.memory_space<semaphore_mem>>) src(%dma_wait3A_101 : memref<10240x64xf32, #tpu.memory_space<vmem_shared>>) dst(%dma_wait3A_95 : memref<128x64xf32, #tpu.memory_space<vmem>>)
    %dma_start3A_104 = arith.constant 1 : i32
    %dma_start3A_105 = arith.constant 79 : i32
    %dma_start3A_106 = arith.constant 1 : i32
    %dma_start3A_107 = arith.constant 0 : i32
    %dma_start3A_108 = arith.constant 0 : i32
    %dma_start3A_109 = tpu.memref_slice %arg11[%dma_start3A_104, %dma_start3A_107, %dma_start3A_108] : memref<2x128x64xf32, #tpu.memory_space<vmem>> -> memref<1x128x64xf32, #tpu.memory_space<vmem>>
    %dma_start3A_110 = tpu.memref_squeeze %dma_start3A_109 : memref<1x128x64xf32, #tpu.memory_space<vmem>> -> memref<128x64xf32, #tpu.memory_space<vmem>>
    %dma_start3A_111 = arith.constant 0 : i32
    %dma_start3A_112 = tpu.memref_slice %arg10[%dma_start3A_105, %dma_start3A_111] : memref<80x128xi32, #tpu.memory_space<vmem>> -> memref<1x128xi32, #tpu.memory_space<vmem>>
    %dma_start3A_113 = tpu.memref_squeeze %dma_start3A_112 : memref<1x128xi32, #tpu.memory_space<vmem>> -> memref<128xi32, #tpu.memory_space<vmem>>
    %dma_start3A_114 = arith.constant 0 : i32
    %dma_start3A_115 = arith.constant 0 : i32
    %dma_start3A_116 = tpu.memref_slice %arg7[%dma_start3A_114, %dma_start3A_115] : memref<10240x64xf32, #tpu.memory_space<vmem_shared>> -> memref<10240x64xf32, #tpu.memory_space<vmem_shared>>
    %dma_start3A_117 = tpu.memref_slice %arg13[%dma_start3A_106] : memref<2x!tpu.dma_semaphore, #tpu.memory_space<semaphore_mem>> -> memref<1x!tpu.dma_semaphore, #tpu.memory_space<semaphore_mem>>
    %dma_start3A_118 = tpu.memref_squeeze %dma_start3A_117 : memref<1x!tpu.dma_semaphore, #tpu.memory_space<semaphore_mem>> -> memref<!tpu.dma_semaphore, #tpu.memory_space<semaphore_mem>>
    tpu.enqueue_indirect_dma source(%dma_start3A_110 : memref<128x64xf32, #tpu.memory_space<vmem>>) target(%dma_start3A_116 : memref<10240x64xf32, #tpu.memory_space<vmem_shared>>) offsets(%dma_start3A_113 : memref<128xi32, #tpu.memory_space<vmem>>) semaphore(%dma_start3A_118 : memref<!tpu.dma_semaphore, #tpu.memory_space<semaphore_mem>>) {add = true}
    %dma_wait3A_119 = arith.constant 0 : i32
    %dma_wait3A_120 = arith.constant 0 : i32
    %dma_wait3A_121 = arith.constant 0 : i32
    %dma_wait3A_122 = arith.constant 0 : i32
    %dma_wait3A_123 = arith.constant 0 : i32
    %dma_wait3A_124 = tpu.memref_slice %arg11[%dma_wait3A_119, %dma_wait3A_122, %dma_wait3A_123] : memref<2x128x64xf32, #tpu.memory_space<vmem>> -> memref<1x128x64xf32, #tpu.memory_space<vmem>>
    %dma_wait3A_125 = tpu.memref_squeeze %dma_wait3A_124 : memref<1x128x64xf32, #tpu.memory_space<vmem>> -> memref<128x64xf32, #tpu.memory_space<vmem>>
    %dma_wait3A_126 = arith.constant 0 : i32
    %dma_wait3A_127 = tpu.memref_slice %arg10[%dma_wait3A_120, %dma_wait3A_126] : memref<80x128xi32, #tpu.memory_space<vmem>> -> memref<1x128xi32, #tpu.memory_space<vmem>>
    %dma_wait3A_128 = tpu.memref_squeeze %dma_wait3A_127 : memref<1x128xi32, #tpu.memory_space<vmem>> -> memref<128xi32, #tpu.memory_space<vmem>>
    %dma_wait3A_129 = arith.constant 0 : i32
    %dma_wait3A_130 = arith.constant 0 : i32
    %dma_wait3A_131 = tpu.memref_slice %arg7[%dma_wait3A_129, %dma_wait3A_130] : memref<10240x64xf32, #tpu.memory_space<vmem_shared>> -> memref<10240x64xf32, #tpu.memory_space<vmem_shared>>
    %dma_wait3A_132 = tpu.memref_slice %arg13[%dma_wait3A_121] : memref<2x!tpu.dma_semaphore, #tpu.memory_space<semaphore_mem>> -> memref<1x!tpu.dma_semaphore, #tpu.memory_space<semaphore_mem>>
    %dma_wait3A_133 = tpu.memref_squeeze %dma_wait3A_132 : memref<1x!tpu.dma_semaphore, #tpu.memory_space<semaphore_mem>> -> memref<!tpu.dma_semaphore, #tpu.memory_space<semaphore_mem>>
    tpu.wait_indirect_dma semaphore(%dma_wait3A_133 : memref<!tpu.dma_semaphore, #tpu.memory_space<semaphore_mem>>) src(%dma_wait3A_125 : memref<128x64xf32, #tpu.memory_space<vmem>>) dst(%dma_wait3A_131 : memref<10240x64xf32, #tpu.memory_space<vmem_shared>>)
    %dma_wait3A_134 = arith.constant 1 : i32
    %dma_wait3A_135 = arith.constant 0 : i32
    %dma_wait3A_136 = arith.constant 1 : i32
    %dma_wait3A_137 = arith.constant 0 : i32
    %dma_wait3A_138 = arith.constant 0 : i32
    %dma_wait3A_139 = tpu.memref_slice %arg11[%dma_wait3A_134, %dma_wait3A_137, %dma_wait3A_138] : memref<2x128x64xf32, #tpu.memory_space<vmem>> -> memref<1x128x64xf32, #tpu.memory_space<vmem>>
    %dma_wait3A_140 = tpu.memref_squeeze %dma_wait3A_139 : memref<1x128x64xf32, #tpu.memory_space<vmem>> -> memref<128x64xf32, #tpu.memory_space<vmem>>
    %dma_wait3A_141 = arith.constant 0 : i32
    %dma_wait3A_142 = tpu.memref_slice %arg10[%dma_wait3A_135, %dma_wait3A_141] : memref<80x128xi32, #tpu.memory_space<vmem>> -> memref<1x128xi32, #tpu.memory_space<vmem>>
    %dma_wait3A_143 = tpu.memref_squeeze %dma_wait3A_142 : memref<1x128xi32, #tpu.memory_space<vmem>> -> memref<128xi32, #tpu.memory_space<vmem>>
    %dma_wait3A_144 = arith.constant 0 : i32
    %dma_wait3A_145 = arith.constant 0 : i32
    %dma_wait3A_146 = tpu.memref_slice %arg7[%dma_wait3A_144, %dma_wait3A_145] : memref<10240x64xf32, #tpu.memory_space<vmem_shared>> -> memref<10240x64xf32, #tpu.memory_space<vmem_shared>>
    %dma_wait3A_147 = tpu.memref_slice %arg13[%dma_wait3A_136] : memref<2x!tpu.dma_semaphore, #tpu.memory_space<semaphore_mem>> -> memref<1x!tpu.dma_semaphore, #tpu.memory_space<semaphore_mem>>
    %dma_wait3A_148 = tpu.memref_squeeze %dma_wait3A_147 : memref<1x!tpu.dma_semaphore, #tpu.memory_space<semaphore_mem>> -> memref<!tpu.dma_semaphore, #tpu.memory_space<semaphore_mem>>
    tpu.wait_indirect_dma semaphore(%dma_wait3A_148 : memref<!tpu.dma_semaphore, #tpu.memory_space<semaphore_mem>>) src(%dma_wait3A_140 : memref<128x64xf32, #tpu.memory_space<vmem>>) dst(%dma_wait3A_146 : memref<10240x64xf32, #tpu.memory_space<vmem_shared>>)
    %barrier3A_149 = arith.constant 0 : index
    tpu.barrier barrier_id(%barrier3A_149)
    %mul3A_150 = arith.constant 640 : i32
    %mul3A_151 = arith.muli %arg1, %mul3A_150 : i32
    %mul3A_152 = arith.constant 640 : i32
    %mul3A_153 = arith.muli %arg1, %mul3A_152 : i32
    "tpu.region"() ({
      %run_scoped3A = tpu.sem_alloc : memref<!tpu.dma_semaphore, #tpu.memory_space<semaphore_mem>>
      %dma_start3A_154 = arith.constant 0 : i32
      %dma_start3A_155 = tpu.memref_slice %arg6[%arg0, %mul3A_153, %dma_start3A_154] : memref<2x10240x64xf32, #tpu.memory_space<hbm>> -> memref<1x640x64xf32, #tpu.memory_space<hbm>>
      %dma_start3A_156 = tpu.memref_squeeze %dma_start3A_155 : memref<1x640x64xf32, #tpu.memory_space<hbm>> -> memref<640x64xf32, #tpu.memory_space<hbm>>
      %dma_start3A_157 = arith.constant 0 : i32
      %dma_start3A_158 = tpu.memref_slice %arg7[%mul3A_151, %dma_start3A_157] : memref<10240x64xf32, #tpu.memory_space<vmem_shared>> -> memref<640x64xf32, #tpu.memory_space<vmem_shared>>
      tpu.enqueue_dma source(%dma_start3A_158 : memref<640x64xf32, #tpu.memory_space<vmem_shared>>) target(%dma_start3A_156 : memref<640x64xf32, #tpu.memory_space<hbm>>) target_semaphore(%run_scoped3A : memref<!tpu.dma_semaphore, #tpu.memory_space<semaphore_mem>>)
      %dma_wait3A_159 = arith.constant 0 : i32
      %dma_wait3A_160 = tpu.memref_slice %arg6[%arg0, %mul3A_153, %dma_wait3A_159] : memref<2x10240x64xf32, #tpu.memory_space<hbm>> -> memref<1x640x64xf32, #tpu.memory_space<hbm>>
      %dma_wait3A_161 = tpu.memref_squeeze %dma_wait3A_160 : memref<1x640x64xf32, #tpu.memory_space<hbm>> -> memref<640x64xf32, #tpu.memory_space<hbm>>
      %dma_wait3A_162 = arith.constant 0 : i32
      %dma_wait3A_163 = tpu.memref_slice %arg7[%mul3A_151, %dma_wait3A_162] : memref<10240x64xf32, #tpu.memory_space<vmem_shared>> -> memref<640x64xf32, #tpu.memory_space<vmem_shared>>
      tpu.wait_dma2 semaphore(%run_scoped3A : memref<!tpu.dma_semaphore, #tpu.memory_space<semaphore_mem>>) src(%dma_wait3A_163 : memref<640x64xf32, #tpu.memory_space<vmem_shared>>) dst(%dma_wait3A_161 : memref<640x64xf32, #tpu.memory_space<hbm>>)
      tpu.yield
    }) : () -> ()
    return
  }
}

module attributes {stable_mosaic.version = 14 : i64} {
  func.func @_enc_body(%arg0: i32, %arg1: memref<2000x128xf32, #tpu.memory_space<vmem>>, %arg2: memref<2x2000x16xf32, #tpu.memory_space<vmem>>, %arg3: memref<128x64xf32, #tpu.memory_space<vmem>>, %arg4: memref<1x64xf32, #tpu.memory_space<vmem>>, %arg5: memref<64x64xf32, #tpu.memory_space<vmem>>, %arg6: memref<2000x64xf32, #tpu.memory_space<vmem>>, %arg7: memref<2000x1xf32, #tpu.memory_space<vmem>>) attributes {dimension_semantics = [#tpu.dimension_semantics<arbitrary>], iteration_bounds = array<i64: 5>, scalar_prefetch = 0 : i64, scratch_operands = 0 : i64, tpu.core_type = #tpu.core_type<tc>, window_params = [{transform_indices = @transform_0, window_bounds = array<i64: 2000, 128>}, {transform_indices = @transform_1, window_bounds = array<i64: 2, 2000, 16>}, {pipeline_mode = #tpu.pipeline_mode<synchronous>, transform_indices = @transform_2, window_bounds = array<i64: 128, 64>}, {pipeline_mode = #tpu.pipeline_mode<synchronous>, transform_indices = @transform_3, window_bounds = array<i64: 1, 64>}, {pipeline_mode = #tpu.pipeline_mode<synchronous>, transform_indices = @transform_4, window_bounds = array<i64: 64, 64>}, {transform_indices = @transform_5, window_bounds = array<i64: 2000, 64>}, {transform_indices = @transform_6, window_bounds = array<i64: 2000, 1>}]} {
    %get3A = arith.constant 0 : index
    %get3A_0 = arith.constant 0 : index
    %get3A_1 = arith.constant 0 : index
    %get3A_2 = vector.load %arg2[%get3A, %get3A_0, %get3A_1] : memref<2x2000x16xf32, #tpu.memory_space<vmem>>, vector<1x2000x1xf32>
    %get3A_3 = vector.shape_cast %get3A_2 : vector<1x2000x1xf32> to vector<2000x1xf32>
    %get3A_4 = arith.constant 1 : index
    %get3A_5 = arith.constant 0 : index
    %get3A_6 = arith.constant 0 : index
    %get3A_7 = vector.load %arg2[%get3A_4, %get3A_5, %get3A_6] : memref<2x2000x16xf32, #tpu.memory_space<vmem>>, vector<1x2000x1xf32>
    %get3A_8 = vector.shape_cast %get3A_7 : vector<1x2000x1xf32> to vector<2000x1xf32>
    %add3A = arith.addf %get3A_3, %get3A_8 : vector<2000x1xf32>
    %add3A_9 = arith.constant 1.000000e+00 : f32
    %add3A_10 = vector.broadcast %add3A_9 : f32 to vector<2000x1xf32>
    %add3A_11 = arith.addf %add3A, %add3A_10 : vector<2000x1xf32>
    %rsqrt3A = math.rsqrt %add3A_11 : vector<2000x1xf32>
    %get3A_12 = arith.constant 0 : index
    %get3A_13 = arith.constant 0 : index
    %get3A_14 = vector.load %arg1[%get3A_12, %get3A_13] : memref<2000x128xf32, #tpu.memory_space<vmem>>, vector<2000x128xf32>
    %get3A_15 = arith.constant 0 : index
    %get3A_16 = arith.constant 0 : index
    %get3A_17 = vector.load %arg3[%get3A_15, %get3A_16] : memref<128x64xf32, #tpu.memory_space<vmem>>, vector<128x64xf32>
    %dot_general3A = arith.constant dense<0.000000e+00> : vector<2000x64xf32>
    %dot_general3A_18 = tpu.matmul %get3A_14, %get3A_17, %dot_general3A {dimension_numbers = #tpu.dot_dimension_numbers<[1], [0], [0], [1], [0, 0, 1, 1], [], []>, precision = #tpu.contract_precision<fp32>, transpose_lhs_hint = false} : vector<2000x128xf32>, vector<128x64xf32>, vector<2000x64xf32> -> vector<2000x64xf32>
    %get3A_19 = arith.constant 0 : index
    %get3A_20 = arith.constant 0 : index
    %get3A_21 = vector.load %arg4[%get3A_19, %get3A_20] : memref<1x64xf32, #tpu.memory_space<vmem>>, vector<1x64xf32>
    %add3A_22 = vector.broadcast %get3A_21 : vector<1x64xf32> to vector<2000x64xf32>
    %add3A_23 = arith.addf %dot_general3A_18, %add3A_22 : vector<2000x64xf32>
    %max3A = arith.constant 0.000000e+00 : f32
    %max3A_24 = vector.broadcast %max3A : f32 to vector<2000x64xf32>
    %max3A_25 = arith.maximumf %add3A_23, %max3A_24 : vector<2000x64xf32>
    %get3A_26 = arith.constant 0 : index
    %get3A_27 = arith.constant 0 : index
    %get3A_28 = vector.load %arg5[%get3A_26, %get3A_27] : memref<64x64xf32, #tpu.memory_space<vmem>>, vector<64x64xf32>
    %dot_general3A_29 = arith.constant dense<0.000000e+00> : vector<2000x64xf32>
    %dot_general3A_30 = tpu.matmul %max3A_25, %get3A_28, %dot_general3A_29 {dimension_numbers = #tpu.dot_dimension_numbers<[1], [0], [0], [1], [0, 0, 1, 1], [], []>, precision = #tpu.contract_precision<fp32>, transpose_lhs_hint = false} : vector<2000x64xf32>, vector<64x64xf32>, vector<2000x64xf32> -> vector<2000x64xf32>
    %mul3A = vector.broadcast %rsqrt3A : vector<2000x1xf32> to vector<2000x64xf32>
    %mul3A_31 = arith.mulf %dot_general3A_30, %mul3A : vector<2000x64xf32>
    %swap3A = arith.constant 0 : index
    %swap3A_32 = arith.constant 0 : index
    %swap3A_33 = vector.load %arg6[%swap3A, %swap3A_32] : memref<2000x64xf32, #tpu.memory_space<vmem>>, vector<2000x64xf32>
    tpu.vector_store %arg6[%swap3A, %swap3A_32], %mul3A_31 {strides = array<i32>} : memref<2000x64xf32, #tpu.memory_space<vmem>>, vector<2000x64xf32>,
    %swap3A_34 = arith.constant 0 : index
    %swap3A_35 = arith.constant 0 : index
    %swap3A_36 = vector.load %arg7[%swap3A_34, %swap3A_35] : memref<2000x1xf32, #tpu.memory_space<vmem>>, vector<2000x1xf32>
    tpu.vector_store %arg7[%swap3A_34, %swap3A_35], %rsqrt3A {strides = array<i32>} : memref<2000x1xf32, #tpu.memory_space<vmem>>, vector<2000x1xf32>,
    return
  }
  func.func @transform_0(%arg0: i32) -> (i32, i32) {
    %c0_i32 = arith.constant 0 : i32
    %c0_i32_0 = arith.constant 0 : i32
    return %arg0, %c0_i32 : i32, i32
  }
  func.func @transform_1(%arg0: i32) -> (i32, i32, i32) {
    %c0_i32 = arith.constant 0 : i32
    %c0_i32_0 = arith.constant 0 : i32
    %c0_i32_1 = arith.constant 0 : i32
    return %c0_i32, %arg0, %c0_i32_0 : i32, i32, i32
  }
  func.func @transform_2(%arg0: i32) -> (i32, i32) {
    %c0_i32 = arith.constant 0 : i32
    %c0_i32_0 = arith.constant 0 : i32
    %c0_i32_1 = arith.constant 0 : i32
    return %c0_i32, %c0_i32_0 : i32, i32
  }
  func.func @transform_3(%arg0: i32) -> (i32, i32) {
    %c0_i32 = arith.constant 0 : i32
    %c0_i32_0 = arith.constant 0 : i32
    %c0_i32_1 = arith.constant 0 : i32
    return %c0_i32, %c0_i32_0 : i32, i32
  }
  func.func @transform_4(%arg0: i32) -> (i32, i32) {
    %c0_i32 = arith.constant 0 : i32
    %c0_i32_0 = arith.constant 0 : i32
    %c0_i32_1 = arith.constant 0 : i32
    return %c0_i32, %c0_i32_0 : i32, i32
  }
  func.func @transform_5(%arg0: i32) -> (i32, i32) {
    %c0_i32 = arith.constant 0 : i32
    %c0_i32_0 = arith.constant 0 : i32
    return %arg0, %c0_i32 : i32, i32
  }
  func.func @transform_6(%arg0: i32) -> (i32, i32) {
    %c0_i32 = arith.constant 0 : i32
    %c0_i32_0 = arith.constant 0 : i32
    return %arg0, %c0_i32 : i32, i32
  }
}

module attributes {stable_mosaic.version = 14 : i64} {
  func.func @_layer_body(%arg0: i32, %arg1: memref<2x1000x128xf32, #tpu.memory_space<vmem>>, %arg2: memref<1000x128xf32, #tpu.memory_space<vmem>>, %arg3: memref<1000x128xf32, #tpu.memory_space<vmem>>, %arg4: memref<1x128xf32, #tpu.memory_space<vmem>>, %arg5: memref<64x64xf32, #tpu.memory_space<vmem>>, %arg6: memref<1000x128xf32, #tpu.memory_space<vmem>>) attributes {dimension_semantics = [#tpu.dimension_semantics<arbitrary>], iteration_bounds = array<i64: 5>, scalar_prefetch = 0 : i64, scratch_operands = 0 : i64, tpu.core_type = #tpu.core_type<tc>, window_params = [{transform_indices = @transform_0, window_bounds = array<i64: 2, 1000, 128>}, {transform_indices = @transform_1, window_bounds = array<i64: 1000, 128>}, {transform_indices = @transform_2, window_bounds = array<i64: 1000, 128>}, {pipeline_mode = #tpu.pipeline_mode<synchronous>, transform_indices = @transform_3, window_bounds = array<i64: 1, 128>}, {pipeline_mode = #tpu.pipeline_mode<synchronous>, transform_indices = @transform_4, window_bounds = array<i64: 64, 64>}, {transform_indices = @transform_5, window_bounds = array<i64: 1000, 128>}]} {
    %get3A = arith.constant 0 : index
    %get3A_0 = arith.constant 0 : index
    %get3A_1 = arith.constant 0 : index
    %get3A_2 = vector.load %arg1[%get3A, %get3A_0, %get3A_1] : memref<2x1000x128xf32, #tpu.memory_space<vmem>>, vector<1x1000x128xf32>
    %get3A_3 = vector.shape_cast %get3A_2 : vector<1x1000x128xf32> to vector<1000x128xf32>
    %get3A_4 = arith.constant 1 : index
    %get3A_5 = arith.constant 0 : index
    %get3A_6 = arith.constant 0 : index
    %get3A_7 = vector.load %arg1[%get3A_4, %get3A_5, %get3A_6] : memref<2x1000x128xf32, #tpu.memory_space<vmem>>, vector<1x1000x128xf32>
    %get3A_8 = vector.shape_cast %get3A_7 : vector<1x1000x128xf32> to vector<1000x128xf32>
    %add3A = arith.addf %get3A_3, %get3A_8 : vector<1000x128xf32>
    %get3A_9 = arith.constant 0 : index
    %get3A_10 = arith.constant 0 : index
    %get3A_11 = vector.load %arg2[%get3A_9, %get3A_10] : memref<1000x128xf32, #tpu.memory_space<vmem>>, vector<1000x128xf32>
    %add3A_12 = arith.addf %add3A, %get3A_11 : vector<1000x128xf32>
    %get3A_13 = arith.constant 0 : index
    %get3A_14 = arith.constant 0 : index
    %get3A_15 = vector.load %arg3[%get3A_13, %get3A_14] : memref<1000x128xf32, #tpu.memory_space<vmem>>, vector<1000x128xf32>
    %mul3A = arith.mulf %get3A_15, %add3A_12 : vector<1000x128xf32>
    %get3A_16 = arith.constant 0 : index
    %get3A_17 = arith.constant 0 : index
    %get3A_18 = vector.load %arg4[%get3A_16, %get3A_17] : memref<1x128xf32, #tpu.memory_space<vmem>>, vector<1x128xf32>
    %add3A_19 = vector.broadcast %get3A_18 : vector<1x128xf32> to vector<1000x128xf32>
    %add3A_20 = arith.addf %mul3A, %add3A_19 : vector<1000x128xf32>
    %integer_pow3A = arith.mulf %add3A_20, %add3A_20 : vector<1000x128xf32>
    %integer_pow3A_21 = arith.mulf %add3A_20, %integer_pow3A : vector<1000x128xf32>
    %mul3A_22 = arith.constant 4.471500e-02 : f32
    %mul3A_23 = vector.broadcast %mul3A_22 : f32 to vector<1000x128xf32>
    %mul3A_24 = arith.mulf %mul3A_23, %integer_pow3A_21 : vector<1000x128xf32>
    %add3A_25 = arith.addf %add3A_20, %mul3A_24 : vector<1000x128xf32>
    %mul3A_26 = arith.constant 0.797884583 : f32
    %mul3A_27 = vector.broadcast %mul3A_26 : f32 to vector<1000x128xf32>
    %mul3A_28 = arith.mulf %mul3A_27, %add3A_25 : vector<1000x128xf32>
    %tanh3A = math.tanh %mul3A_28 : vector<1000x128xf32>
    %add3A_29 = arith.constant 1.000000e+00 : f32
    %add3A_30 = vector.broadcast %add3A_29 : f32 to vector<1000x128xf32>
    %add3A_31 = arith.addf %add3A_30, %tanh3A : vector<1000x128xf32>
    %mul3A_32 = arith.constant 5.000000e-01 : f32
    %mul3A_33 = vector.broadcast %mul3A_32 : f32 to vector<1000x128xf32>
    %mul3A_34 = arith.mulf %mul3A_33, %add3A_31 : vector<1000x128xf32>
    %mul3A_35 = arith.mulf %add3A_20, %mul3A_34 : vector<1000x128xf32>
    %slice3A = vector.extract_strided_slice %mul3A_35 {offsets = [0, 0], sizes = [1000, 64], strides = [1, 1]} : vector<1000x128xf32> to vector<1000x64xf32>
    %get3A_36 = arith.constant 0 : index
    %get3A_37 = arith.constant 0 : index
    %get3A_38 = vector.load %arg5[%get3A_36, %get3A_37] : memref<64x64xf32, #tpu.memory_space<vmem>>, vector<64x64xf32>
    %dot_general3A = arith.constant dense<0.000000e+00> : vector<1000x64xf32>
    %dot_general3A_39 = tpu.matmul %slice3A, %get3A_38, %dot_general3A {dimension_numbers = #tpu.dot_dimension_numbers<[1], [0], [0], [1], [0, 0, 1, 1], [], []>, precision = #tpu.contract_precision<fp32>, transpose_lhs_hint = false} : vector<1000x64xf32>, vector<64x64xf32>, vector<1000x64xf32> -> vector<1000x64xf32>
    %slice3A_40 = vector.extract_strided_slice %mul3A_35 {offsets = [0, 64], sizes = [1000, 64], strides = [1, 1]} : vector<1000x128xf32> to vector<1000x64xf32>
    %get3A_41 = arith.constant 0 : index
    %get3A_42 = arith.constant 0 : index
    %get3A_43 = vector.load %arg5[%get3A_41, %get3A_42] : memref<64x64xf32, #tpu.memory_space<vmem>>, vector<64x64xf32>
    %dot_general3A_44 = arith.constant dense<0.000000e+00> : vector<1000x64xf32>
    %dot_general3A_45 = tpu.matmul %slice3A_40, %get3A_43, %dot_general3A_44 {dimension_numbers = #tpu.dot_dimension_numbers<[1], [0], [0], [1], [0, 0, 1, 1], [], []>, precision = #tpu.contract_precision<fp32>, transpose_lhs_hint = false} : vector<1000x64xf32>, vector<64x64xf32>, vector<1000x64xf32> -> vector<1000x64xf32>
    %concatenate3A = tpu.concatenate %dot_general3A_39, %dot_general3A_45 in 1 : vector<1000x64xf32>, vector<1000x64xf32> -> vector<1000x128xf32>
    %get3A_46 = arith.constant 0 : index
    %get3A_47 = arith.constant 0 : index
    %get3A_48 = vector.load %arg3[%get3A_46, %get3A_47] : memref<1000x128xf32, #tpu.memory_space<vmem>>, vector<1000x128xf32>
    %mul3A_49 = arith.mulf %concatenate3A, %get3A_48 : vector<1000x128xf32>
    %swap3A = arith.constant 0 : index
    %swap3A_50 = arith.constant 0 : index
    %swap3A_51 = vector.load %arg6[%swap3A, %swap3A_50] : memref<1000x128xf32, #tpu.memory_space<vmem>>, vector<1000x128xf32>
    tpu.vector_store %arg6[%swap3A, %swap3A_50], %mul3A_49 {strides = array<i32>} : memref<1000x128xf32, #tpu.memory_space<vmem>>, vector<1000x128xf32>,
    return
  }
  func.func @transform_0(%arg0: i32) -> (i32, i32, i32) {
    %c0_i32 = arith.constant 0 : i32
    %c0_i32_0 = arith.constant 0 : i32
    %c0_i32_1 = arith.constant 0 : i32
    return %c0_i32, %arg0, %c0_i32_0 : i32, i32, i32
  }
  func.func @transform_1(%arg0: i32) -> (i32, i32) {
    %c0_i32 = arith.constant 0 : i32
    %c0_i32_0 = arith.constant 0 : i32
    return %arg0, %c0_i32 : i32, i32
  }
  func.func @transform_2(%arg0: i32) -> (i32, i32) {
    %c0_i32 = arith.constant 0 : i32
    %c0_i32_0 = arith.constant 0 : i32
    return %arg0, %c0_i32 : i32, i32
  }
  func.func @transform_3(%arg0: i32) -> (i32, i32) {
    %c0_i32 = arith.constant 0 : i32
    %c0_i32_0 = arith.constant 0 : i32
    %c0_i32_1 = arith.constant 0 : i32
    return %c0_i32, %c0_i32_0 : i32, i32
  }
  func.func @transform_4(%arg0: i32) -> (i32, i32) {
    %c0_i32 = arith.constant 0 : i32
    %c0_i32_0 = arith.constant 0 : i32
    %c0_i32_1 = arith.constant 0 : i32
    return %c0_i32, %c0_i32_0 : i32, i32
  }
  func.func @transform_5(%arg0: i32) -> (i32, i32) {
    %c0_i32 = arith.constant 0 : i32
    %c0_i32_0 = arith.constant 0 : i32
    return %arg0, %c0_i32 : i32, i32
  }
}

module attributes {stable_mosaic.version = 14 : i64} {
  func.func @_final_body(%arg0: i32, %arg1: memref<2x1000x128xf32, #tpu.memory_space<vmem>>, %arg2: memref<1000x128xf32, #tpu.memory_space<vmem>>, %arg3: memref<1000x128xf32, #tpu.memory_space<vmem>>, %arg4: memref<1x128xf32, #tpu.memory_space<vmem>>, %arg5: memref<64x4xf32, #tpu.memory_space<vmem>>, %arg6: memref<1x4xf32, #tpu.memory_space<vmem>>, %arg7: memref<1000x8xf32, #tpu.memory_space<vmem>>) attributes {dimension_semantics = [#tpu.dimension_semantics<arbitrary>], iteration_bounds = array<i64: 5>, scalar_prefetch = 0 : i64, scratch_operands = 0 : i64, tpu.core_type = #tpu.core_type<tc>, window_params = [{transform_indices = @transform_0, window_bounds = array<i64: 2, 1000, 128>}, {transform_indices = @transform_1, window_bounds = array<i64: 1000, 128>}, {transform_indices = @transform_2, window_bounds = array<i64: 1000, 128>}, {pipeline_mode = #tpu.pipeline_mode<synchronous>, transform_indices = @transform_3, window_bounds = array<i64: 1, 128>}, {pipeline_mode = #tpu.pipeline_mode<synchronous>, transform_indices = @transform_4, window_bounds = array<i64: 64, 4>}, {pipeline_mode = #tpu.pipeline_mode<synchronous>, transform_indices = @transform_5, window_bounds = array<i64: 1, 4>}, {transform_indices = @transform_6, window_bounds = array<i64: 1000, 8>}]} {
    %get3A = arith.constant 0 : index
    %get3A_0 = arith.constant 0 : index
    %get3A_1 = arith.constant 0 : index
    %get3A_2 = vector.load %arg1[%get3A, %get3A_0, %get3A_1] : memref<2x1000x128xf32, #tpu.memory_space<vmem>>, vector<1x1000x128xf32>
    %get3A_3 = vector.shape_cast %get3A_2 : vector<1x1000x128xf32> to vector<1000x128xf32>
    %get3A_4 = arith.constant 1 : index
    %get3A_5 = arith.constant 0 : index
    %get3A_6 = arith.constant 0 : index
    %get3A_7 = vector.load %arg1[%get3A_4, %get3A_5, %get3A_6] : memref<2x1000x128xf32, #tpu.memory_space<vmem>>, vector<1x1000x128xf32>
    %get3A_8 = vector.shape_cast %get3A_7 : vector<1x1000x128xf32> to vector<1000x128xf32>
    %add3A = arith.addf %get3A_3, %get3A_8 : vector<1000x128xf32>
    %get3A_9 = arith.constant 0 : index
    %get3A_10 = arith.constant 0 : index
    %get3A_11 = vector.load %arg2[%get3A_9, %get3A_10] : memref<1000x128xf32, #tpu.memory_space<vmem>>, vector<1000x128xf32>
    %add3A_12 = arith.addf %add3A, %get3A_11 : vector<1000x128xf32>
    %get3A_13 = arith.constant 0 : index
    %get3A_14 = arith.constant 0 : index
    %get3A_15 = vector.load %arg3[%get3A_13, %get3A_14] : memref<1000x128xf32, #tpu.memory_space<vmem>>, vector<1000x128xf32>
    %mul3A = arith.mulf %get3A_15, %add3A_12 : vector<1000x128xf32>
    %get3A_16 = arith.constant 0 : index
    %get3A_17 = arith.constant 0 : index
    %get3A_18 = vector.load %arg4[%get3A_16, %get3A_17] : memref<1x128xf32, #tpu.memory_space<vmem>>, vector<1x128xf32>
    %add3A_19 = vector.broadcast %get3A_18 : vector<1x128xf32> to vector<1000x128xf32>
    %add3A_20 = arith.addf %mul3A, %add3A_19 : vector<1000x128xf32>
    %integer_pow3A = arith.mulf %add3A_20, %add3A_20 : vector<1000x128xf32>
    %integer_pow3A_21 = arith.mulf %add3A_20, %integer_pow3A : vector<1000x128xf32>
    %mul3A_22 = arith.constant 4.471500e-02 : f32
    %mul3A_23 = vector.broadcast %mul3A_22 : f32 to vector<1000x128xf32>
    %mul3A_24 = arith.mulf %mul3A_23, %integer_pow3A_21 : vector<1000x128xf32>
    %add3A_25 = arith.addf %add3A_20, %mul3A_24 : vector<1000x128xf32>
    %mul3A_26 = arith.constant 0.797884583 : f32
    %mul3A_27 = vector.broadcast %mul3A_26 : f32 to vector<1000x128xf32>
    %mul3A_28 = arith.mulf %mul3A_27, %add3A_25 : vector<1000x128xf32>
    %tanh3A = math.tanh %mul3A_28 : vector<1000x128xf32>
    %add3A_29 = arith.constant 1.000000e+00 : f32
    %add3A_30 = vector.broadcast %add3A_29 : f32 to vector<1000x128xf32>
    %add3A_31 = arith.addf %add3A_30, %tanh3A : vector<1000x128xf32>
    %mul3A_32 = arith.constant 5.000000e-01 : f32
    %mul3A_33 = vector.broadcast %mul3A_32 : f32 to vector<1000x128xf32>
    %mul3A_34 = arith.mulf %mul3A_33, %add3A_31 : vector<1000x128xf32>
    %mul3A_35 = arith.mulf %add3A_20, %mul3A_34 : vector<1000x128xf32>
    %slice3A = vector.extract_strided_slice %mul3A_35 {offsets = [0, 0], sizes = [1000, 64], strides = [1, 1]} : vector<1000x128xf32> to vector<1000x64xf32>
    %get3A_36 = arith.constant 0 : index
    %get3A_37 = arith.constant 0 : index
    %get3A_38 = vector.load %arg5[%get3A_36, %get3A_37] : memref<64x4xf32, #tpu.memory_space<vmem>>, vector<64x4xf32>
    %dot_general3A = arith.constant dense<0.000000e+00> : vector<1000x4xf32>
    %dot_general3A_39 = tpu.matmul %slice3A, %get3A_38, %dot_general3A {dimension_numbers = #tpu.dot_dimension_numbers<[1], [0], [0], [1], [0, 0, 1, 1], [], []>, precision = #tpu.contract_precision<fp32>, transpose_lhs_hint = false} : vector<1000x64xf32>, vector<64x4xf32>, vector<1000x4xf32> -> vector<1000x4xf32>
    %get3A_40 = arith.constant 0 : index
    %get3A_41 = arith.constant 0 : index
    %get3A_42 = vector.load %arg6[%get3A_40, %get3A_41] : memref<1x4xf32, #tpu.memory_space<vmem>>, vector<1x4xf32>
    %add3A_43 = vector.broadcast %get3A_42 : vector<1x4xf32> to vector<1000x4xf32>
    %add3A_44 = arith.addf %dot_general3A_39, %add3A_43 : vector<1000x4xf32>
    %slice3A_45 = vector.extract_strided_slice %mul3A_35 {offsets = [0, 64], sizes = [1000, 64], strides = [1, 1]} : vector<1000x128xf32> to vector<1000x64xf32>
    %get3A_46 = arith.constant 0 : index
    %get3A_47 = arith.constant 0 : index
    %get3A_48 = vector.load %arg5[%get3A_46, %get3A_47] : memref<64x4xf32, #tpu.memory_space<vmem>>, vector<64x4xf32>
    %dot_general3A_49 = arith.constant dense<0.000000e+00> : vector<1000x4xf32>
    %dot_general3A_50 = tpu.matmul %slice3A_45, %get3A_48, %dot_general3A_49 {dimension_numbers = #tpu.dot_dimension_numbers<[1], [0], [0], [1], [0, 0, 1, 1], [], []>, precision = #tpu.contract_precision<fp32>, transpose_lhs_hint = false} : vector<1000x64xf32>, vector<64x4xf32>, vector<1000x4xf32> -> vector<1000x4xf32>
    %get3A_51 = arith.constant 0 : index
    %get3A_52 = arith.constant 0 : index
    %get3A_53 = vector.load %arg6[%get3A_51, %get3A_52] : memref<1x4xf32, #tpu.memory_space<vmem>>, vector<1x4xf32>
    %add3A_54 = vector.broadcast %get3A_53 : vector<1x4xf32> to vector<1000x4xf32>
    %add3A_55 = arith.addf %dot_general3A_50, %add3A_54 : vector<1000x4xf32>
    %concatenate3A = tpu.concatenate %add3A_44, %add3A_55 in 1 : vector<1000x4xf32>, vector<1000x4xf32> -> vector<1000x8xf32>
    %swap3A = arith.constant 0 : index
    %swap3A_56 = arith.constant 0 : index
    %swap3A_57 = vector.load %arg7[%swap3A, %swap3A_56] : memref<1000x8xf32, #tpu.memory_space<vmem>>, vector<1000x8xf32>
    tpu.vector_store %arg7[%swap3A, %swap3A_56], %concatenate3A {strides = array<i32>} : memref<1000x8xf32, #tpu.memory_space<vmem>>, vector<1000x8xf32>,
    return
  }
  func.func @transform_0(%arg0: i32) -> (i32, i32, i32) {
    %c0_i32 = arith.constant 0 : i32
    %c0_i32_0 = arith.constant 0 : i32
    %c0_i32_1 = arith.constant 0 : i32
    return %c0_i32, %arg0, %c0_i32_0 : i32, i32, i32
  }
  func.func @transform_1(%arg0: i32) -> (i32, i32) {
    %c0_i32 = arith.constant 0 : i32
    %c0_i32_0 = arith.constant 0 : i32
    return %arg0, %c0_i32 : i32, i32
  }
  func.func @transform_2(%arg0: i32) -> (i32, i32) {
    %c0_i32 = arith.constant 0 : i32
    %c0_i32_0 = arith.constant 0 : i32
    return %arg0, %c0_i32 : i32, i32
  }
  func.func @transform_3(%arg0: i32) -> (i32, i32) {
    %c0_i32 = arith.constant 0 : i32
    %c0_i32_0 = arith.constant 0 : i32
    %c0_i32_1 = arith.constant 0 : i32
    return %c0_i32, %c0_i32_0 : i32, i32
  }
  func.func @transform_4(%arg0: i32) -> (i32, i32) {
    %c0_i32 = arith.constant 0 : i32
    %c0_i32_0 = arith.constant 0 : i32
    %c0_i32_1 = arith.constant 0 : i32
    return %c0_i32, %c0_i32_0 : i32, i32
  }
  func.func @transform_5(%arg0: i32) -> (i32, i32) {
    %c0_i32 = arith.constant 0 : i32
    %c0_i32_0 = arith.constant 0 : i32
    %c0_i32_1 = arith.constant 0 : i32
    return %c0_i32, %c0_i32_0 : i32, i32
  }
  func.func @transform_6(%arg0: i32) -> (i32, i32) {
    %c0_i32 = arith.constant 0 : i32
    %c0_i32_0 = arith.constant 0 : i32
    return %arg0, %c0_i32 : i32, i32
  }
}

</mosaic_0001>

<sc_bundles>
// kernel: kernel.12.cloned.1.call-start
scs
__scs_entry_jumppad:
0x0: {  	(pc) =	sbr.rel $0x88, $3  }
0x1: {  	(tag) =	ssettag $0x0;
	lr =	simm.s32 $0x1  }
0x2: {  	[smem:$0x3F93] =	sst lr;
	_ =	strace $0xD0000000  }
0x3: {  	_ = 	snop  }
0x4: {  	_ = 	snop  }
0x5: {  	_ = 	snop  }
0x6: {  	_ = 	snop  }
0x7: {  	_ = 	snop  }
__scs_overlays_trampoline_lowered:
0x8: {  	[smem:$0x3FA2] =	sst s0  }
0x9: {  	[smem:$0x3FA3] =	sst s1  }
0xa: {  	[smem:$0x3FA4] =	sst s2  }
0xb: {  	[smem:$0x3FA5] =	sst s3  }
0xc: {  	[smem:$0x3FA6] =	sst s4  }
0xd: {  	[smem:$0x3FA7] =	sst s5  }
0xe: {  	[smem:$0x3FA8] =	sst s6  }
0xf: {  	[smem:$0x3FA9] =	sst s7  }
0x10: {  	[smem:$0x3FAA] =	sst s8  }
0x11: {  	[smem:$0x3FAB] =	sst s9;
	s0 =	simm.s32 @!p0 $0x0  }
0x12: {  	s1 =	sld [smem:$0x3F91];
	s0 =	simm.s32 @p0 $0x1  }
0x13: {  	[smem:$0x3FAC] =	sst s0;
	s0 =	simm.s32 @!p1 $0x0  }
0x14: {  	s2 =	sld [smem:$0x3F90];
	s0 =	simm.s32 @p1 $0x1  }
0x15: {  	[smem:$0x3FAD] =	sst s0;
	s0 =	simm.s32 @!p2 $0x0  }
0x16: {  	s3 =	sld [smem:$0x3FDB];
	s0 =	simm.s32 @p2 $0x1  }
0x17: {  	s4 =	simm.s32 $0x1BF5;
	[smem:$0x3FAF] =	sst s0  }
0x18: {  	s0 =	sld [smem:$0x3F92];
	_ =	swait.ge [sflag:s4], $0x0  }
0x19: {  	s7 =	sld [smem:$0x3F93]  }
0x1a: {  	s8 =	sadd.s32 $0xFFFFE003, lr  }
0x1b: {  	s9 =	sadd.s32 $0xFFFFFEF7, lr;
	s5 =	simm.s32 $0xFFFFFFFF;
	p2 =	slt.u32 s8, $0xFFFFF086  }
0x1c: {  	p1 =	slt.u32 s9, $0xF7A;
	s5 =	simm.s32 @!p2 $0x0  }
0x1d: {  	s5 =	simm.s32 @p1 $0x1;
	p0 =	seq.s32 s7, s2  }
0x1e: {  	s7 =	smul.u32 @!p0 $0xF7A, s2;
	p2 =	seq.s32 @!p0 s5, $0x0  }
0x1f: {  	s9 =	smul.u32 $0xF7A, s1;
	s8 =	simm.s32 @!p0 $0x1BF5;
	p2 =	por !p2, p0  }
0x20: {  	[sflag:s8] =	ssyncset.s32 @!p0 $0xFFFFF086;
	s6 =	sadd.s32 @!p0 s3, s7;
	s7 =	simm.s32 @!p0 $0x108  }
0x21: {  	s3 =	sadd.s32 s3, s9;
	s6 =	sadd.s32 @!p0 $0x88, s6;
	s7 =	simm.s32 @p2 $0x1082  }
0x22: {  	[simem:s7], [sflag:s8] =	dma.local @!p0 [hbm:s6], $0xF7A  }
0x23: {  	s9 =	sor.u32 $0xD0000000, s2;
	s6 =	simm.s32 $0x108;
	_ =	swait.ge @!p0 [sflag:s8], $0x0  }
0x24: {  	s3 =	sadd.s32 $0x88, s3;
	s6 =	simm.s32 @!p1 $0x1082;
	[sflag:s4] =	ssyncset.s32 $0xFFFFF086  }
0x25: {  	[simem:s6], [sflag:s4] =	dma.local [hbm:s3], $0xF7A  }
0x26: {  	[smem:$0x3F93] =	sst s1;
	(tag) =	ssettag s2;
	_ =	strace s9  }
0x27: {  	s1 =	sld [smem:$0x3FA3]  }
0x28: {  	s2 =	sld [smem:$0x3FA4]  }
0x29: {  	s4 =	sld [smem:$0x3FA6]  }
0x2a: {  	p0 =	seq.s32 s5, $0x0;
	s5 =	sld [smem:$0x3FA7]  }
0x2b: {  	s6 =	sld [smem:$0x3FA8]  }
0x2c: {  	s7 =	sld [smem:$0x3FA9]  }
0x2d: {  	s3 =	simm.s32 $0x108;
	s8 =	sld [smem:$0x3FAA]  }
0x2e: {  	s3 =	simm.s32 @!p0 $0x1082;
	s9 =	sld [smem:$0x3FAB]  }
0x2f: {  	lr =	sadd.s32 s0, s3;
	s0 =	sld [smem:$0x3FA2]  }
0x30: {  	s3 =	sld [smem:$0x3FA5]  }
0x31: {  	[smem:$0x3FAE] =	sst s10  }
0x32: {  	s10 =	sld [smem:$0x3FAC];
	_ =	sdelay $0x3  }
0x33: {  	p0 =	seq.s32 s10, $0x1;
	s10 =	sld [smem:$0x3FAE];
	_ =	sdelay $0x3  }
0x34: {  	[smem:$0x3FAE] =	sst s10  }
0x35: {  	s10 =	sld [smem:$0x3FAD];
	_ =	sdelay $0x3  }
0x36: {  	p1 =	seq.s32 s10, $0x1;
	s10 =	sld [smem:$0x3FAE];
	_ =	sdelay $0x3  }
0x37: {  	[smem:$0x3FAE] =	sst s10  }
0x38: {  	s10 =	sld [smem:$0x3FAF]  }
0x39: {  	_ = 	snop;
	(pc) =	sbr.ind lr, $3  }
0x3a: {  	_ = 	snop  }
0x3b: {  	_ = 	snop  }
0x3c: {  	p2 =	seq.s32 s10, $0x1;
	s10 =	sld [smem:$0x3FAE]  }
0x3d: {  	_ =	shalt  }
0x3e: {  	_ =	shalt  }
0x3f: {  	_ =	shalt  }
0x40: {  	_ =	shalt  }
0x41: {  	_ =	shalt  }
0x42: {  	_ =	shalt  }
0x43: {  	_ =	shalt  }
0x44: {  	_ =	shalt  }
0x45: {  	_ =	shalt  }
0x46: {  	_ =	shalt  }
0x47: {  	_ =	shalt  }
0x48: {  	_ =	shalt  }
0x49: {  	_ =	shalt  }
0x4a: {  	_ =	shalt  }
0x4b: {  	_ =	shalt  }
0x4c: {  	_ =	shalt  }
0x4d: {  	_ =	shalt  }
0x4e: {  	_ =	shalt  }
0x4f: {  	_ =	shalt  }
0x50: {  	_ =	shalt  }
0x51: {  	_ =	shalt  }
0x52: {  	_ =	shalt  }
0x53: {  	_ =	shalt  }
0x54: {  	_ =	shalt  }
0x55: {  	_ =	shalt  }
0x56: {  	_ =	shalt  }
0x57: {  	_ =	shalt  }
0x58: {  	_ =	shalt  }
0x59: {  	_ =	shalt  }
0x5a: {  	_ =	shalt  }
0x5b: {  	_ =	shalt  }
0x5c: {  	_ =	shalt  }
0x5d: {  	_ =	shalt  }
0x5e: {  	_ =	shalt  }
0x5f: {  	_ =	shalt  }
0x60: {  	_ =	shalt  }
0x61: {  	_ =	shalt  }
0x62: {  	_ =	shalt  }
0x63: {  	_ =	shalt  }
0x64: {  	_ =	shalt  }
0x65: {  	_ =	shalt  }
0x66: {  	_ =	shalt  }
0x67: {  	_ =	shalt  }
0x68: {  	_ =	shalt  }
0x69: {  	_ =	shalt  }
0x6a: {  	_ =	shalt  }
0x6b: {  	_ =	shalt  }
0x6c: {  	_ =	shalt  }
0x6d: {  	_ =	shalt  }
0x6e: {  	_ =	shalt  }
0x6f: {  	_ =	shalt  }
0x70: {  	_ =	shalt  }
0x71: {  	_ =	shalt  }
0x72: {  	_ =	shalt  }
0x73: {  	_ =	shalt  }
0x74: {  	_ =	shalt  }
0x75: {  	_ =	shalt  }
0x76: {  	_ =	shalt  }
0x77: {  	_ =	shalt  }
0x78: {  	_ =	shalt  }
0x79: {  	_ =	shalt  }
0x7a: {  	_ =	shalt  }
0x7b: {  	_ =	shalt  }
0x7c: {  	_ =	shalt  }
0x7d: {  	_ =	shalt  }
0x7e: {  	_ =	shalt  }
0x7f: {  	_ =	shalt  }
0x80: {  	_ =	shalt  }
0x81: {  	_ =	shalt  }
0x82: {  	_ =	shalt  }
0x83: {  	_ =	shalt  }
0x84: {  	_ =	shalt  }
0x85: {  	_ =	shalt  }
0x86: {  	_ =	shalt  }
0x87: {  	_ =	shalt  }
.Lfunc_end0:
.L_simem_size_0:
called_computation_lowered:
.L_overlay_start_0:
0x88: {  	s2 =	sld [smem:$0x3FD9]  }
0x89: {  	s3 =	sld [smem:$0x3FFE];
	_ =	sdelay $0x1  }
0x8a: {  	s1 =	srdreg.scid  }
0x8b: {  	s0 =	sand.u32 $0x1, s1  }
0x8c: {  	s17 =	sshll.u32 s0, $0xA;
	s2 =	sadd.s32 s3, s2  }
0x8d: {  	s2 =	sadd.s32 s2, s17  }
0x8e: {  	[smem:$0x3FBA] =	sst s2  }
0x8f: {  	_ = 	snop  }
0x90: {  	s2 =	sld [smem:$0x3FD0];
	(tm) =	ssettm $0x1  }
0x91: {  	s18 =	sld [smem:$0x3FFB];
	_ =	sdelay $0x3  }
0x92: {  	_ =	strace s18  }
0x93: {  	s3 =	sld [smem:$0x3FFC];
	_ =	sdelay $0x3  }
0x94: {  	_ =	strace s3  }
0x95: {  	s3 =	sld [smem:$0x3FFD];
	_ =	sdelay $0x3  }
0x96: {  	_ =	strace s3  }
0x97: {  	_ =	strace $0x8FFFFFFF  }
0x98: {  	s19 =	sld [smem:$0x3FDB];
	_ =	sdelay $0x1  }
0x99: {  	s4 =	simm.s32 $_scs_section_size  }
0x9a: {  	s5 =	simm.s32 $_size__tile_overlayer_lowered;
	s6 =	simm.s32 $_tile_overlayer_lowered  }
0x9b: {  	s22 =	simm.s32 $0x1BFF;
	s21 =	sshll.u32 s6, $0x1;
	s3 =	sadd.s32 s4, s19  }
0x9c: {  	s7 =	simm.s32 $0x0;
	s20 =	sshll.u32 s5, $0x1;
	s5 =	sadd.s32 s21, s3  }
0x9d: {  	[timem:s7], [sflag:s22] =	dma.local [hbm:s5], s20  }
0x9e: {  	_ =	swait.ge [sflag:s22], s20  }
0x9f: {  	s4 =	ssub.s32 $0x0, s20;
	[sflag:s22] =	ssyncset.done $0x0  }
0xa0: {  	[sflag:s22] =	ssyncadd.s32 s4;
	_ =	sdelay $0x1  }
0xa1: {  	s23 =	simm.s32 $0x1B8B  }
0xa2: {  	_ =	swait.ge [sflag:s23], $0x1  }
0xa3: {  	[sflag:s23] =	ssyncset.done $0x0  }
0xa4: {  	s25 =	simm.s32 $0x1B8E;
	s24 =	sld [smem:$0x3FFE];
	[sflag:s23] =	ssyncadd.s32 $0xFFFFFFFF  }
0xa5: {  	s26 =	simm.s32 $execute0_lowered;
	[smem:$0x3FD2] =	sst s25  }
0xa6: {  	s5 =	sshll.u32 s26, $0x1;
	_ =	strace $0x80000046;
	[dreg:$0x1] =	wrdreg $0xFFFFFFFF  }
0xa7: {  	s28 =	simm.s32 $_size_execute0_lowered;
	s3 =	sadd.s32 s3, s5;
	[dreg:$0x0] =	wrdreg $0x0  }
0xa8: {  	s5 =	sshll.u32 s28, $0x1;
	[dreg:$0x2] =	wrdreg s3  }
0xa9: {  	[dreg:$0x3] =	wrdreg s5  }
0xaa: {  	[dreg:$0x4] =	wrdreg $0xC0  }
0xab: {  	_ =	task [dreg:s7], $0x5FFFF  }
0xac: {  	[dreg:$0x1] =	wrdreg $0xFFFFFFFF  }
0xad: {  	[dreg:$0x0] =	wrdreg $0x60  }
0xae: {  	[dreg:$0x2] =	wrdreg s24  }
0xaf: {  	[dreg:$0x3] =	wrdreg s2  }
0xb0: {  	[dreg:$0x4] =	wrdreg $0x0  }
0xb1: {  	[dreg:$0x5] =	wrdreg $0x9  }
0xb2: {  	_ =	task.clear_ibuf [dreg:s7], $0x6FFFF;
	_ =	strace $0x90000046  }
0xb3: {  	s29 =	simm.s32 $0x9;
	_ =	strace $0x80000048  }
0xb4: {  	_ =	swait.ge [sflag:s29], $0x1  }
0xb5: {  	[sflag:s29] =	ssyncadd.s32 $0xFFFFFFFF  }
0xb6: {  	_ =	strace $0x90000048  }
0xb7: {  	_ =	sfence  }
0xb8: {  	s30 =	sld [smem:$0x0];
	_ =	sdelay $0x2  }
0xb9: {  	s31 =	sshll.u32 s1, $0xD;
	s1 =	sshrl.u32 s1, $0x2  }
0xba: {  	s3 =	sand.u32 $0x4000, s31;
	s1 =	sadd.s32 s1, s30  }
0xbb: {  	s0 =	sor.u32 s3, s0;
	s1 =	sshll.u32 s1, $0x11  }
0xbc: {  	s0 =	sor.u32 s1, s0  }
0xbd: {  	s0 =	sadd.s32 $0x8F2B, s0  }
0xbe: {  	[sflag:s0] =	ssyncadd.remote.s32 $0x1  }
0xbf: {  	_ =	sfence.sel $0xFFFF  }
0xc0: {  	[dreg:$0x0] =	wrdreg $0xFFFFFFFF;
	(pc) =	sbr.abs _section_cstart, $3  }
0xc1: {  	[dreg:$0x1] =	wrdreg $0xFFFFFFFF  }
0xc2: {  	_ =	task.clear_ibuf [dreg:s7], $0x2FFFF;
	_ =	strace $0x9FFFFFFF  }
0xc3: {  	(tm) =	ssettm $0x7FFFFFFF  }
tec
execute0_lowered:
.L_overlay_start_1:
0x0: {  	(tag) =	ssettag $0x1  }
0x1: {  	s7 =	rddreg [dreg:$0x0]  }
0x2: {  	s2 =	rddreg [dreg:$0x1]  }
0x3: {  	s0 =	srdreg.scid;
	s3 =	rddreg [dreg:$0x2];
	s4 =	simm.s32 $0x0  }
0x4: {  	s15 =	simm.s32 $0x2;
	s16 =	simm.s32 $0x5000;
	s17 =	simm.s32 $0x2800  }
0x5: {  	s18 =	simm.s32 $0x80;
	s6 =	sand.u32 $0x1, s0;
	s0 =	stileid.u32  }
0x6: {  	s19 =	simm.s32 $0x1;
	s22 =	simm.s32 $0x0;
	s8 =	smul.u32 $0x2800, s0  }
0x7: {  	[smem:$0x7FF] =	sst s4;
	s1 =	sshll.u32 s6, $0x4;
	s9 =	smul.u32 $0x28000, s6  }
0x8: {  	s11 =	smul.u32 $0xA000, s0;
	s6 =	ssub.s32 $0x2, s6;
	s20 =	sshll.u32 s0, $0x6  }
0x9: {  	s1 =	sor.u32 s0, s1;
	s12 =	sshrl.u32 s6, $0x1;
	s20 =	sor.u32 $0x1C02, s20  }
0xa: {  	s5 =	smul.u32 $0x500, s1;
	s1 =	rddreg [dreg:$0x3];
	_ =	strace $0x80000047  }
0xb: {  	s9 =	sadd.s32 s8, s9;
	s11 =	sshrl.u32 s11, $0x2;
	s14 =	ssub.s32 s6, s12  }
0xc: {  	s9 =	sshrl.u32 s9, $0x3;
	s11 =	sadd.s32 s11, s3;
	s10 =	sadd.s32 s5, s7  }
0xd: {  	s5 =	sadd.s32 $0xDC00, s7;
	s13 =	sadd.s32 s9, s7;
	s7 =	sadd.s32 s8, s3  }
0xe: {  	s8 =	sadd.s32 $0x800, s11;
	s9 =	sadd.s32 $0x1000, s11;
	s6 =	sadd.s32 $0x3C00, s10  }
0xf: {  	s10 =	sadd.s32 $0x1800, s11;
	s11 =	sadd.s32 $0x2000, s11;
	s12 =	sadd.s32 $0xDE00, s13  }
0x10: {  	s13 =	smax.u32 s14, $0x1;
	s14 =	simm.s32 $0x5800;
	s21 =	sshrl.u32 s7, $0x3  }
.LBB2_1:
0x11: {  	[tilespmem:s14], [sflag:$0x2] =	stream.linear.gather [hbm4b:s2+s4], $0x800, $0x38;
	[tilespmem:$0x6000] =	vst v63  }
0x12: {  	_ =	swait.ge [sflag:s15], $0x800  }
0x13: {  	[sflag:s15] =	ssyncset.done $0x0  }
0x14: {  	[sflag:s15] =	ssyncadd.s32 $0xFFFFF800  }
0x15: {  	[tilespmem:s16], [sflag:$0x2] =	stream.linear.gather [hbm4b:s5+s4], $0x800, $0x38;
	[tilespmem:$0x6000] =	vst v63  }
0x16: {  	_ =	swait.ge [sflag:s15], $0x800  }
0x17: {  	[sflag:s15] =	ssyncset.done $0x0  }
0x18: {  	[sflag:s15] =	ssyncadd.s32 $0xFFFFF800  }
0x19: {  	[tilespmem:s17], [sflag:$0x2] =	stream.linear.gather [hbm4b:s6+s4], $0x2800, $0x38;
	[tilespmem:$0x6000] =	vst v63  }
0x1a: {  	_ =	swait.ge [sflag:s15], $0x2800  }
0x1b: {  	[sflag:s15] =	ssyncset.done $0x0  }
0x1c: {  	[sflag:s15] =	ssyncadd.s32 $0xFFFFD800  }
0x1d: {  	[spmem:s7] =	stream.linear.scatter [tilespmem:s14], [sflag:$0x2], $0x800, $0x38;
	[tilespmem:$0x6000] =	vst v63  }
0x1e: {  	_ =	swait.ge [sflag:s15], $0x800  }
0x1f: {  	[sflag:s15] =	ssyncset.done $0x0  }
0x20: {  	[sflag:s15] =	ssyncadd.s32 $0xFFFFF800  }
0x21: {  	[spmem:s8] =	stream.linear.scatter [tilespmem:s14], [sflag:$0x2], $0x800, $0x38;
	[tilespmem:$0x6000] =	vst v63  }
0x22: {  	_ =	swait.ge [sflag:s15], $0x800  }
0x23: {  	[sflag:s15] =	ssyncset.done $0x0  }
0x24: {  	[sflag:s15] =	ssyncadd.s32 $0xFFFFF800  }
0x25: {  	[spmem:s9] =	stream.linear.scatter [tilespmem:s14], [sflag:$0x2], $0x800, $0x38;
	[tilespmem:$0x6000] =	vst v63  }
0x26: {  	_ =	swait.ge [sflag:s15], $0x800  }
0x27: {  	[sflag:s15] =	ssyncset.done $0x0  }
0x28: {  	[sflag:s15] =	ssyncadd.s32 $0xFFFFF800  }
0x29: {  	[spmem:s10] =	stream.linear.scatter [tilespmem:s14], [sflag:$0x2], $0x800, $0x38;
	[tilespmem:$0x6000] =	vst v63  }
0x2a: {  	_ =	swait.ge [sflag:s15], $0x800  }
0x2b: {  	[sflag:s15] =	ssyncset.done $0x0  }
0x2c: {  	[sflag:s15] =	ssyncadd.s32 $0xFFFFF800  }
0x2d: {  	[spmem:s11] =	stream.linear.scatter [tilespmem:s14], [sflag:$0x2], $0x800, $0x38;
	[tilespmem:$0x6000] =	vst v63  }
0x2e: {  	_ =	swait.ge [sflag:s15], $0x800  }
0x2f: {  	[sflag:s15] =	ssyncset.done $0x0  }
0x30: {  	[sflag:s15] =	ssyncadd.s32 $0xFFFFF800  }
0x31: {  	s23 =	simm.s32 $0x2800;
	[bflag:$0x0] =	sbarrier.arrive $0xFFFF  }
0x32: {  	[spmem:s3] =	stream.indirect.scatter.add.f32 [tilespmem:s16], [sflag:$0x1], $0x10, s23, s18, $0xb8;
	[tilespmem:$0x6000] =	vst v63  }
0x33: {  	s24 =	simm.s32 $0x2880  }
0x34: {  	[spmem:s3] =	stream.indirect.scatter.add.f32 [tilespmem:s16], [sflag:$0x1], $0x10, s24, s18, $0xb8;
	[tilespmem:$0x6000] =	vst v63  }
0x35: {  	s25 =	simm.s32 $0x2900  }
0x36: {  	[spmem:s3] =	stream.indirect.scatter.add.f32 [tilespmem:s16], [sflag:$0x1], $0x10, s25, s18, $0xb8;
	[tilespmem:$0x6000] =	vst v63  }
0x37: {  	s26 =	simm.s32 $0x2980  }
0x38: {  	[spmem:s3] =	stream.indirect.scatter.add.f32 [tilespmem:s16], [sflag:$0x1], $0x10, s26, s18, $0xb8;
	[tilespmem:$0x6000] =	vst v63  }
0x39: {  	s28 =	simm.s32 $0x2A00  }
0x3a: {  	[spmem:s3] =	stream.indirect.scatter.add.f32 [tilespmem:s16], [sflag:$0x1], $0x10, s28, s18, $0xb8;
	[tilespmem:$0x6000] =	vst v63  }
0x3b: {  	s29 =	simm.s32 $0x2A80  }
0x3c: {  	[spmem:s3] =	stream.indirect.scatter.add.f32 [tilespmem:s16], [sflag:$0x1], $0x10, s29, s18, $0xb8;
	[tilespmem:$0x6000] =	vst v63  }
0x3d: {  	s30 =	simm.s32 $0x2B00  }
0x3e: {  	[spmem:s3] =	stream.indirect.scatter.add.f32 [tilespmem:s16], [sflag:$0x1], $0x10, s30, s18, $0xb8;
	[tilespmem:$0x6000] =	vst v63  }
0x3f: {  	s31 =	simm.s32 $0x2B80  }
0x40: {  	[spmem:s3] =	stream.indirect.scatter.add.f32 [tilespmem:s16], [sflag:$0x1], $0x10, s31, s18, $0xb8;
	[tilespmem:$0x6000] =	vst v63  }
0x41: {  	_ =	swait.ge [sflag:s19], $0x800  }
0x42: {  	[sflag:s19] =	ssyncset.done $0x0  }
0x43: {  	[sflag:s19] =	ssyncadd.s32 $0xFFFFF800  }
0x44: {  	_ =	swait.ge [sflag:s19], $0x800  }
0x45: {  	[sflag:s19] =	ssyncset.done $0x0  }
0x46: {  	[sflag:s19] =	ssyncadd.s32 $0xFFFFF800  }
0x47: {  	_ =	swait.ge [sflag:s19], $0x800  }
0x48: {  	[sflag:s19] =	ssyncset.done $0x0  }
0x49: {  	[sflag:s19] =	ssyncadd.s32 $0xFFFFF800  }
0x4a: {  	_ =	swait.ge [sflag:s19], $0x800  }
0x4b: {  	[sflag:s19] =	ssyncset.done $0x0  }
0x4c: {  	[sflag:s19] =	ssyncadd.s32 $0xFFFFF800  }
0x4d: {  	_ =	swait.ge [sflag:s19], $0x800  }
0x4e: {  	[sflag:s19] =	ssyncset.done $0x0  }
0x4f: {  	[sflag:s19] =	ssyncadd.s32 $0xFFFFF800  }
0x50: {  	_ =	swait.ge [sflag:s19], $0x800  }
0x51: {  	[sflag:s19] =	ssyncset.done $0x0  }
0x52: {  	[sflag:s19] =	ssyncadd.s32 $0xFFFFF800  }
0x53: {  	_ =	swait.ge [sflag:s19], $0x800  }
0x54: {  	[sflag:s19] =	ssyncset.done $0x0  }
0x55: {  	[sflag:s19] =	ssyncadd.s32 $0xFFFFF800  }
0x56: {  	_ =	swait.ge [sflag:s19], $0x800  }
0x57: {  	s25 =	simm.s32 $0x400;
	s26 =	simm.s32 $0x2000;
	[sflag:s19] =	ssyncset.done $0x0  }
.LBB2_2:
0x58: {  	s28 =	sadd.s32 $0x2800, s25  }
0x59: {  	[sflag:s19] =	ssyncadd.s32 $0xFFFFF800;
	s24 =	smov.u32 s26;
	s23 =	sadd.s32 $0x1000, s26  }
0x5a: {  	[spmem:s3] =	stream.indirect.scatter.add.f32 [tilespmem:s16], [sflag:$0x1], $0x10, s28, s18, $0xb8;
	[tilespmem:$0x6000] =	vst v63  }
0x5b: {  	p0 =	sne.s32 s26, $0x9000;
	s26 =	sadd.s32 $0x2880, s25  }
0x5c: {  	[spmem:s3] =	stream.indirect.scatter.add.f32 [tilespmem:s16], [sflag:$0x1], $0x10, s26, s18, $0xb8;
	[tilespmem:$0x6000] =	vst v63  }
0x5d: {  	s26 =	sadd.s32 $0x2900, s25  }
0x5e: {  	[spmem:s3] =	stream.indirect.scatter.add.f32 [tilespmem:s16], [sflag:$0x1], $0x10, s26, s18, $0xb8;
	[tilespmem:$0x6000] =	vst v63  }
0x5f: {  	s26 =	sadd.s32 $0x2980, s25  }
0x60: {  	[spmem:s3] =	stream.indirect.scatter.add.f32 [tilespmem:s16], [sflag:$0x1], $0x10, s26, s18, $0xb8;
	[tilespmem:$0x6000] =	vst v63  }
0x61: {  	s26 =	sadd.s32 $0x2A00, s25  }
0x62: {  	[spmem:s3] =	stream.indirect.scatter.add.f32 [tilespmem:s16], [sflag:$0x1], $0x10, s26, s18, $0xb8;
	[tilespmem:$0x6000] =	vst v63  }
0x63: {  	s26 =	sadd.s32 $0x2A80, s25  }
0x64: {  	[spmem:s3] =	stream.indirect.scatter.add.f32 [tilespmem:s16], [sflag:$0x1], $0x10, s26, s18, $0xb8;
	[tilespmem:$0x6000] =	vst v63  }
0x65: {  	s26 =	sadd.s32 $0x2B00, s25  }
0x66: {  	[spmem:s3] =	stream.indirect.scatter.add.f32 [tilespmem:s16], [sflag:$0x1], $0x10, s26, s18, $0xb8;
	[tilespmem:$0x6000] =	vst v63  }
0x67: {  	s25 =	sadd.s32 $0x2B80, s25  }
0x68: {  	[spmem:s3] =	stream.indirect.scatter.add.f32 [tilespmem:s16], [sflag:$0x1], $0x10, s25, s18, $0xb8;
	[tilespmem:$0x6000] =	vst v63  }
0x69: {  	_ =	swait.ge [sflag:s19], $0x800  }
0x6a: {  	[sflag:s19] =	ssyncset.done $0x0  }
0x6b: {  	[sflag:s19] =	ssyncadd.s32 $0xFFFFF800  }
0x6c: {  	_ =	swait.ge [sflag:s19], $0x800  }
0x6d: {  	[sflag:s19] =	ssyncset.done $0x0  }
0x6e: {  	[sflag:s19] =	ssyncadd.s32 $0xFFFFF800  }
0x6f: {  	_ =	swait.ge [sflag:s19], $0x800  }
0x70: {  	[sflag:s19] =	ssyncset.done $0x0  }
0x71: {  	[sflag:s19] =	ssyncadd.s32 $0xFFFFF800  }
0x72: {  	_ =	swait.ge [sflag:s19], $0x800  }
0x73: {  	[sflag:s19] =	ssyncset.done $0x0  }
0x74: {  	[sflag:s19] =	ssyncadd.s32 $0xFFFFF800  }
0x75: {  	_ =	swait.ge [sflag:s19], $0x800  }
0x76: {  	[sflag:s19] =	ssyncset.done $0x0  }
0x77: {  	[sflag:s19] =	ssyncadd.s32 $0xFFFFF800  }
0x78: {  	_ =	swait.ge [sflag:s19], $0x800  }
0x79: {  	[sflag:s19] =	ssyncset.done $0x0  }
0x7a: {  	[sflag:s19] =	ssyncadd.s32 $0xFFFFF800  }
.Ltmp0:
0x7b: {  	_ =	swait.ge [sflag:s19], $0x800;
	(pc) =	sbr.rel @p0 .LBB2_2-.Ltmp0, $4  }
0x7c: {  	[sflag:s19] =	ssyncset.done $0x0  }
0x7d: {  	[sflag:s19] =	ssyncadd.s32 $0xFFFFF800  }
0x7e: {  	_ =	swait.ge [sflag:s19], $0x800  }
0x7f: {  	s26 =	smov.u32 s23;
	s25 =	sshra.s32 s24, $0x2;
	[sflag:s19] =	ssyncset.done $0x0  }
0x80: {  	s23 =	sadd.s32 $0x2800, s25;
	[sflag:s19] =	ssyncadd.s32 $0xFFFFF800  }
0x81: {  	[spmem:s3] =	stream.indirect.scatter.add.f32 [tilespmem:s16], [sflag:$0x1], $0x10, s23, s18, $0xb8;
	[tilespmem:$0x6000] =	vst v63  }
0x82: {  	s31 =	sadd.s32 $0x2880, s25  }
0x83: {  	[spmem:s3] =	stream.indirect.scatter.add.f32 [tilespmem:s16], [sflag:$0x1], $0x10, s31, s18, $0xb8;
	[tilespmem:$0x6000] =	vst v63  }
0x84: {  	s24 =	sadd.s32 $0x2900, s25  }
0x85: {  	[spmem:s3] =	stream.indirect.scatter.add.f32 [tilespmem:s16], [sflag:$0x1], $0x10, s24, s18, $0xb8;
	[tilespmem:$0x6000] =	vst v63  }
0x86: {  	s26 =	sadd.s32 $0x2980, s25  }
0x87: {  	[spmem:s3] =	stream.indirect.scatter.add.f32 [tilespmem:s16], [sflag:$0x1], $0x10, s26, s18, $0xb8;
	[tilespmem:$0x6000] =	vst v63  }
0x88: {  	s28 =	sadd.s32 $0x2A00, s25  }
0x89: {  	[spmem:s3] =	stream.indirect.scatter.add.f32 [tilespmem:s16], [sflag:$0x1], $0x10, s28, s18, $0xb8;
	[tilespmem:$0x6000] =	vst v63  }
0x8a: {  	s29 =	sadd.s32 $0x2A80, s25  }
0x8b: {  	[spmem:s3] =	stream.indirect.scatter.add.f32 [tilespmem:s16], [sflag:$0x1], $0x10, s29, s18, $0xb8;
	[tilespmem:$0x6000] =	vst v63  }
0x8c: {  	s30 =	sadd.s32 $0x2B00, s25  }
0x8d: {  	[spmem:s3] =	stream.indirect.scatter.add.f32 [tilespmem:s16], [sflag:$0x1], $0x10, s30, s18, $0xb8;
	[tilespmem:$0x6000] =	vst v63  }
0x8e: {  	s31 =	sadd.s32 $0x2B80, s25  }
0x8f: {  	[spmem:s3] =	stream.indirect.scatter.add.f32 [tilespmem:s16], [sflag:$0x1], $0x10, s31, s18, $0xb8;
	[tilespmem:$0x6000] =	vst v63  }
0x90: {  	_ =	swait.ge [sflag:s19], $0x800  }
0x91: {  	[sflag:s19] =	ssyncset.done $0x0  }
0x92: {  	[sflag:s19] =	ssyncadd.s32 $0xFFFFF800  }
0x93: {  	_ =	swait.ge [sflag:s19], $0x800  }
0x94: {  	[sflag:s19] =	ssyncset.done $0x0  }
0x95: {  	[sflag:s19] =	ssyncadd.s32 $0xFFFFF800  }
0x96: {  	_ =	swait.ge [sflag:s19], $0x800  }
0x97: {  	[sflag:s19] =	ssyncset.done $0x0  }
0x98: {  	[sflag:s19] =	ssyncadd.s32 $0xFFFFF800  }
0x99: {  	_ =	swait.ge [sflag:s19], $0x800  }
0x9a: {  	[sflag:s19] =	ssyncset.done $0x0  }
0x9b: {  	[sflag:s19] =	ssyncadd.s32 $0xFFFFF800  }
0x9c: {  	_ =	swait.ge [sflag:s19], $0x800  }
0x9d: {  	[sflag:s19] =	ssyncset.done $0x0  }
0x9e: {  	[sflag:s19] =	ssyncadd.s32 $0xFFFFF800  }
0x9f: {  	_ =	swait.ge [sflag:s19], $0x800  }
0xa0: {  	[sflag:s19] =	ssyncset.done $0x0  }
0xa1: {  	[sflag:s19] =	ssyncadd.s32 $0xFFFFF800  }
0xa2: {  	_ =	swait.ge [sflag:s19], $0x800  }
0xa3: {  	[sflag:s19] =	ssyncset.done $0x0  }
0xa4: {  	[sflag:s19] =	ssyncadd.s32 $0xFFFFF800  }
0xa5: {  	_ =	swait.ge [sflag:s19], $0x800  }
0xa6: {  	s22 =	sadd.s32 $0x1, s22;
	[sflag:s19] =	ssyncset.done $0x0  }
0xa7: {  	p0 =	sne.s32 s22, s13;
	[sflag:s19] =	ssyncadd.s32 $0xFFFFF800  }
.Ltmp1:
0xa8: {  	[bflag:$0x0] =	sbarrier.arrive $0xFFFF;
	(pc) =	sbr.rel @p0 .LBB2_1-.Ltmp1, $4  }
0xa9: {  	[hbm:s12], [sflag:s20] =	dma.local [spmem:s21], $0x500  }
0xaa: {  	_ =	swait.ge [sflag:s15], $0x500  }
0xab: {  	[sflag:s15] =	ssyncset.done $0x0  }
0xac: {  	[sflag:s15] =	ssyncadd.s32 $0xFFFFFB00  }
0xad: {  	_ =	sfence.sel $0x180000  }
0xae: {  	[bflag:$0x0] =	sbarrier.arrive $0xFFFF  }
0xaf: {  	p0 =	sne.s32 s0, $0x0;
	_ =	strace $0x90000047  }
0xb0: {  	s0 =	sadd.s32 @!p0 $0x100000, s1;
	[bflag:$0x2] =	sbarrier.arrive $0xFFFF  }
0xb1: {  	[sflag:s0] =	ssyncadd.tile.s32 @!p0 $0x1;
	_ =	shalt  }
.Lfunc_end2:
_tile_overlayer_lowered:
.L_overlay_start_2:
0xb2: {  	(tag) =	ssettag $0x2  }
0xb3: {  	s0 =	rddreg [dreg:$0x0];
	s2 =	stileid.u32  }
0xb4: {  	s1 =	rddreg [dreg:$0x1];
	p0 =	sne.s32 s2, $0x0  }
0xb5: {  	s3 =	rddreg [dreg:$0x2];
	[bflag:$0x3] =	sbarrier.arrive $0xFFFF;
	s2 =	simm.s32 @!p0 $0x1C02  }
0xb6: {  	[timem:s3], [sflag:s2] =	dma.local @!p0 [hbm:s0], s1  }
0xb7: {  	s0 =	simm.s32 @!p0 $0x2  }
0xb8: {  	_ =	swait.ge @!p0 [sflag:s0], s1  }
0xb9: {  	s1 =	ssub.s32 @!p0 $0x0, s1;
	[sflag:s0] =	ssyncset.done @!p0 $0x0  }
0xba: {  	[sflag:s0] =	ssyncadd.s32 @!p0 s1  }
0xbb: {  	[bflag:$0x3] =	sbarrier.arrive $0xFFFF  }
0xbc: {  	_ =	shalt  }

// kernel: kernel.15.cloned.1.call-start
scs
__scs_entry_jumppad:
0x0: {  	(pc) =	sbr.rel $0x88, $3  }
0x1: {  	(tag) =	ssettag $0x0;
	lr =	simm.s32 $0x1  }
0x2: {  	[smem:$0x3F93] =	sst lr;
	_ =	strace $0xD0000000  }
0x3: {  	_ = 	snop  }
0x4: {  	_ = 	snop  }
0x5: {  	_ = 	snop  }
0x6: {  	_ = 	snop  }
0x7: {  	_ = 	snop  }
__scs_overlays_trampoline_lowered:
0x8: {  	[smem:$0x3FA2] =	sst s0  }
0x9: {  	[smem:$0x3FA3] =	sst s1  }
0xa: {  	[smem:$0x3FA4] =	sst s2  }
0xb: {  	[smem:$0x3FA5] =	sst s3  }
0xc: {  	[smem:$0x3FA6] =	sst s4  }
0xd: {  	[smem:$0x3FA7] =	sst s5  }
0xe: {  	[smem:$0x3FA8] =	sst s6  }
0xf: {  	[smem:$0x3FA9] =	sst s7  }
0x10: {  	[smem:$0x3FAA] =	sst s8  }
0x11: {  	[smem:$0x3FAB] =	sst s9;
	s0 =	simm.s32 @!p0 $0x0  }
0x12: {  	s1 =	sld [smem:$0x3F91];
	s0 =	simm.s32 @p0 $0x1  }
0x13: {  	[smem:$0x3FAC] =	sst s0;
	s0 =	simm.s32 @!p1 $0x0  }
0x14: {  	s2 =	sld [smem:$0x3F90];
	s0 =	simm.s32 @p1 $0x1  }
0x15: {  	[smem:$0x3FAD] =	sst s0;
	s0 =	simm.s32 @!p2 $0x0  }
0x16: {  	s3 =	sld [smem:$0x3FDB];
	s0 =	simm.s32 @p2 $0x1  }
0x17: {  	s4 =	simm.s32 $0x1BF5;
	[smem:$0x3FAF] =	sst s0  }
0x18: {  	s0 =	sld [smem:$0x3F92];
	_ =	swait.ge [sflag:s4], $0x0  }
0x19: {  	s7 =	sld [smem:$0x3F93]  }
0x1a: {  	s8 =	sadd.s32 $0xFFFFE003, lr  }
0x1b: {  	s9 =	sadd.s32 $0xFFFFFEF7, lr;
	s5 =	simm.s32 $0xFFFFFFFF;
	p2 =	slt.u32 s8, $0xFFFFF086  }
0x1c: {  	p1 =	slt.u32 s9, $0xF7A;
	s5 =	simm.s32 @!p2 $0x0  }
0x1d: {  	s5 =	simm.s32 @p1 $0x1;
	p0 =	seq.s32 s7, s2  }
0x1e: {  	s7 =	smul.u32 @!p0 $0xF7A, s2;
	p2 =	seq.s32 @!p0 s5, $0x0  }
0x1f: {  	s9 =	smul.u32 $0xF7A, s1;
	s8 =	simm.s32 @!p0 $0x1BF5;
	p2 =	por !p2, p0  }
0x20: {  	[sflag:s8] =	ssyncset.s32 @!p0 $0xFFFFF086;
	s6 =	sadd.s32 @!p0 s3, s7;
	s7 =	simm.s32 @!p0 $0x108  }
0x21: {  	s3 =	sadd.s32 s3, s9;
	s6 =	sadd.s32 @!p0 $0x88, s6;
	s7 =	simm.s32 @p2 $0x1082  }
0x22: {  	[simem:s7], [sflag:s8] =	dma.local @!p0 [hbm:s6], $0xF7A  }
0x23: {  	s9 =	sor.u32 $0xD0000000, s2;
	s6 =	simm.s32 $0x108;
	_ =	swait.ge @!p0 [sflag:s8], $0x0  }
0x24: {  	s3 =	sadd.s32 $0x88, s3;
	s6 =	simm.s32 @!p1 $0x1082;
	[sflag:s4] =	ssyncset.s32 $0xFFFFF086  }
0x25: {  	[simem:s6], [sflag:s4] =	dma.local [hbm:s3], $0xF7A  }
0x26: {  	[smem:$0x3F93] =	sst s1;
	(tag) =	ssettag s2;
	_ =	strace s9  }
0x27: {  	s1 =	sld [smem:$0x3FA3]  }
0x28: {  	s2 =	sld [smem:$0x3FA4]  }
0x29: {  	s4 =	sld [smem:$0x3FA6]  }
0x2a: {  	p0 =	seq.s32 s5, $0x0;
	s5 =	sld [smem:$0x3FA7]  }
0x2b: {  	s6 =	sld [smem:$0x3FA8]  }
0x2c: {  	s7 =	sld [smem:$0x3FA9]  }
0x2d: {  	s3 =	simm.s32 $0x108;
	s8 =	sld [smem:$0x3FAA]  }
0x2e: {  	s3 =	simm.s32 @!p0 $0x1082;
	s9 =	sld [smem:$0x3FAB]  }
0x2f: {  	lr =	sadd.s32 s0, s3;
	s0 =	sld [smem:$0x3FA2]  }
0x30: {  	s3 =	sld [smem:$0x3FA5]  }
0x31: {  	[smem:$0x3FAE] =	sst s10  }
0x32: {  	s10 =	sld [smem:$0x3FAC];
	_ =	sdelay $0x3  }
0x33: {  	p0 =	seq.s32 s10, $0x1;
	s10 =	sld [smem:$0x3FAE];
	_ =	sdelay $0x3  }
0x34: {  	[smem:$0x3FAE] =	sst s10  }
0x35: {  	s10 =	sld [smem:$0x3FAD];
	_ =	sdelay $0x3  }
0x36: {  	p1 =	seq.s32 s10, $0x1;
	s10 =	sld [smem:$0x3FAE];
	_ =	sdelay $0x3  }
0x37: {  	[smem:$0x3FAE] =	sst s10  }
0x38: {  	s10 =	sld [smem:$0x3FAF]  }
0x39: {  	_ = 	snop;
	(pc) =	sbr.ind lr, $3  }
0x3a: {  	_ = 	snop  }
0x3b: {  	_ = 	snop  }
0x3c: {  	p2 =	seq.s32 s10, $0x1;
	s10 =	sld [smem:$0x3FAE]  }
0x3d: {  	_ =	shalt  }
0x3e: {  	_ =	shalt  }
0x3f: {  	_ =	shalt  }
0x40: {  	_ =	shalt  }
0x41: {  	_ =	shalt  }
0x42: {  	_ =	shalt  }
0x43: {  	_ =	shalt  }
0x44: {  	_ =	shalt  }
0x45: {  	_ =	shalt  }
0x46: {  	_ =	shalt  }
0x47: {  	_ =	shalt  }
0x48: {  	_ =	shalt  }
0x49: {  	_ =	shalt  }
0x4a: {  	_ =	shalt  }
0x4b: {  	_ =	shalt  }
0x4c: {  	_ =	shalt  }
0x4d: {  	_ =	shalt  }
0x4e: {  	_ =	shalt  }
0x4f: {  	_ =	shalt  }
0x50: {  	_ =	shalt  }
0x51: {  	_ =	shalt  }
0x52: {  	_ =	shalt  }
0x53: {  	_ =	shalt  }
0x54: {  	_ =	shalt  }
0x55: {  	_ =	shalt  }
0x56: {  	_ =	shalt  }
0x57: {  	_ =	shalt  }
0x58: {  	_ =	shalt  }
0x59: {  	_ =	shalt  }
0x5a: {  	_ =	shalt  }
0x5b: {  	_ =	shalt  }
0x5c: {  	_ =	shalt  }
0x5d: {  	_ =	shalt  }
0x5e: {  	_ =	shalt  }
0x5f: {  	_ =	shalt  }
0x60: {  	_ =	shalt  }
0x61: {  	_ =	shalt  }
0x62: {  	_ =	shalt  }
0x63: {  	_ =	shalt  }
0x64: {  	_ =	shalt  }
0x65: {  	_ =	shalt  }
0x66: {  	_ =	shalt  }
0x67: {  	_ =	shalt  }
0x68: {  	_ =	shalt  }
0x69: {  	_ =	shalt  }
0x6a: {  	_ =	shalt  }
0x6b: {  	_ =	shalt  }
0x6c: {  	_ =	shalt  }
0x6d: {  	_ =	shalt  }
0x6e: {  	_ =	shalt  }
0x6f: {  	_ =	shalt  }
0x70: {  	_ =	shalt  }
0x71: {  	_ =	shalt  }
0x72: {  	_ =	shalt  }
0x73: {  	_ =	shalt  }
0x74: {  	_ =	shalt  }
0x75: {  	_ =	shalt  }
0x76: {  	_ =	shalt  }
0x77: {  	_ =	shalt  }
0x78: {  	_ =	shalt  }
0x79: {  	_ =	shalt  }
0x7a: {  	_ =	shalt  }
0x7b: {  	_ =	shalt  }
0x7c: {  	_ =	shalt  }
0x7d: {  	_ =	shalt  }
0x7e: {  	_ =	shalt  }
0x7f: {  	_ =	shalt  }
0x80: {  	_ =	shalt  }
0x81: {  	_ =	shalt  }
0x82: {  	_ =	shalt  }
0x83: {  	_ =	shalt  }
0x84: {  	_ =	shalt  }
0x85: {  	_ =	shalt  }
0x86: {  	_ =	shalt  }
0x87: {  	_ =	shalt  }
.Lfunc_end0:
.L_simem_size_0:
called_computation.1_lowered:
.L_overlay_start_0:
0x88: {  	s2 =	sld [smem:$0x3FD9]  }
0x89: {  	s3 =	sld [smem:$0x3FFE];
	_ =	sdelay $0x1  }
0x8a: {  	s1 =	srdreg.scid  }
0x8b: {  	s0 =	sand.u32 $0x1, s1  }
0x8c: {  	s17 =	sshll.u32 s0, $0xA;
	s2 =	sadd.s32 s3, s2  }
0x8d: {  	s2 =	sadd.s32 s2, s17  }
0x8e: {  	[smem:$0x3FBA] =	sst s2  }
0x8f: {  	_ = 	snop  }
0x90: {  	s2 =	sld [smem:$0x3FD0];
	(tm) =	ssettm $0x1  }
0x91: {  	s18 =	sld [smem:$0x3FFB];
	_ =	sdelay $0x3  }
0x92: {  	_ =	strace s18  }
0x93: {  	s3 =	sld [smem:$0x3FFC];
	_ =	sdelay $0x3  }
0x94: {  	_ =	strace s3  }
0x95: {  	s3 =	sld [smem:$0x3FFD];
	_ =	sdelay $0x3  }
0x96: {  	_ =	strace s3  }
0x97: {  	_ =	strace $0x8FFFFFFF  }
0x98: {  	s19 =	sld [smem:$0x3FDB];
	_ =	sdelay $0x1  }
0x99: {  	s4 =	simm.s32 $_scs_section_size  }
0x9a: {  	s5 =	simm.s32 $_size__tile_overlayer_lowered;
	s6 =	simm.s32 $_tile_overlayer_lowered  }
0x9b: {  	s22 =	simm.s32 $0x1BFF;
	s21 =	sshll.u32 s6, $0x1;
	s3 =	sadd.s32 s4, s19  }
0x9c: {  	s7 =	simm.s32 $0x0;
	s20 =	sshll.u32 s5, $0x1;
	s5 =	sadd.s32 s21, s3  }
0x9d: {  	[timem:s7], [sflag:s22] =	dma.local [hbm:s5], s20  }
0x9e: {  	_ =	swait.ge [sflag:s22], s20  }
0x9f: {  	s4 =	ssub.s32 $0x0, s20;
	[sflag:s22] =	ssyncset.done $0x0  }
0xa0: {  	[sflag:s22] =	ssyncadd.s32 s4;
	_ =	sdelay $0x1  }
0xa1: {  	s23 =	simm.s32 $0x1B8B  }
0xa2: {  	_ =	swait.ge [sflag:s23], $0x1  }
0xa3: {  	[sflag:s23] =	ssyncset.done $0x0  }
0xa4: {  	s25 =	simm.s32 $0x1B8E;
	s24 =	sld [smem:$0x3FFE];
	[sflag:s23] =	ssyncadd.s32 $0xFFFFFFFF  }
0xa5: {  	s26 =	simm.s32 $execute0_lowered;
	[smem:$0x3FD2] =	sst s25  }
0xa6: {  	s5 =	sshll.u32 s26, $0x1;
	_ =	strace $0x80000049;
	[dreg:$0x1] =	wrdreg $0xFFFFFFFF  }
0xa7: {  	s28 =	simm.s32 $_size_execute0_lowered;
	s3 =	sadd.s32 s3, s5;
	[dreg:$0x0] =	wrdreg $0x0  }
0xa8: {  	s5 =	sshll.u32 s28, $0x1;
	[dreg:$0x2] =	wrdreg s3  }
0xa9: {  	[dreg:$0x3] =	wrdreg s5  }
0xaa: {  	[dreg:$0x4] =	wrdreg $0xC0  }
0xab: {  	_ =	task [dreg:s7], $0x5FFFF  }
0xac: {  	[dreg:$0x1] =	wrdreg $0xFFFFFFFF  }
0xad: {  	[dreg:$0x0] =	wrdreg $0x60  }
0xae: {  	[dreg:$0x2] =	wrdreg s24  }
0xaf: {  	[dreg:$0x3] =	wrdreg s2  }
0xb0: {  	[dreg:$0x4] =	wrdreg $0xA0000  }
0xb1: {  	[dreg:$0x5] =	wrdreg $0x0  }
0xb2: {  	[dreg:$0x6] =	wrdreg $0x9  }
0xb3: {  	_ =	task.clear_ibuf [dreg:s7], $0x7FFFF;
	_ =	strace $0x90000049  }
0xb4: {  	s29 =	simm.s32 $0x9;
	_ =	strace $0x8000004B  }
0xb5: {  	_ =	swait.ge [sflag:s29], $0x1  }
0xb6: {  	[sflag:s29] =	ssyncadd.s32 $0xFFFFFFFF  }
0xb7: {  	_ =	strace $0x9000004B  }
0xb8: {  	_ =	sfence  }
0xb9: {  	s30 =	sld [smem:$0x0];
	_ =	sdelay $0x2  }
0xba: {  	s31 =	sshll.u32 s1, $0xD;
	s1 =	sshrl.u32 s1, $0x2  }
0xbb: {  	s3 =	sand.u32 $0x4000, s31;
	s1 =	sadd.s32 s1, s30  }
0xbc: {  	s0 =	sor.u32 s3, s0;
	s1 =	sshll.u32 s1, $0x11  }
0xbd: {  	s0 =	sor.u32 s1, s0  }
0xbe: {  	s0 =	sadd.s32 $0x8F2B, s0  }
0xbf: {  	[sflag:s0] =	ssyncadd.remote.s32 $0x1  }
0xc0: {  	_ =	sfence.sel $0xFFFF  }
0xc1: {  	[dreg:$0x0] =	wrdreg $0xFFFFFFFF;
	(pc) =	sbr.abs _section_cstart, $3  }
0xc2: {  	[dreg:$0x1] =	wrdreg $0xFFFFFFFF  }
0xc3: {  	_ =	task.clear_ibuf [dreg:s7], $0x2FFFF;
	_ =	strace $0x9FFFFFFF  }
0xc4: {  	(tm) =	ssettm $0x7FFFFFFF  }
0xc5: {  	_ =	shalt  }
tec
execute0_lowered:
.L_overlay_start_1:
0x0: {  	(tag) =	ssettag $0x1  }
0x1: {  	s0 =	rddreg [dreg:$0x0]  }
0x2: {  	s2 =	rddreg [dreg:$0x1]  }
0x3: {  	s3 =	rddreg [dreg:$0x2]  }
0x4: {  	s1 =	srdreg.scid;
	s4 =	rddreg [dreg:$0x3]  }
0x5: {  	s5 =	stileid.u32;
	s8 =	simm.s32 $0x0;
	s13 =	simm.s32 $0x5  }
0x6: {  	s28 =	simm.s32 $0x1B000;
	s29 =	simm.s32 $0x1;
	s30 =	simm.s32 $0x2  }
0x7: {  	s31 =	simm.s32 $0x3;
	s1 =	sand.u32 $0x1, s1;
	s10 =	smul.u32 $0xA000, s5  }
0x8: {  	[smem:$0x7FF] =	sst s8;
	s12 =	smul.u32 $0x28000, s5;
	s15 =	sadd.s32 $0x96000, s3  }
0x9: {  	p0 =	seq.s32 s5, $0xF;
	s26 =	sshll.u32 s5, $0x6;
	s6 =	sshll.u32 s1, $0x4  }
0xa: {  	s7 =	smul.u32 $0xA0000, s1;
	_ =	strace $0x8000004A;
	s1 =	ssub.s32 $0x2, s1  }
0xb: {  	s15 =	sshrl.u32 @p0 s15, $0x3;
	s18 =	sor.u32 $0x1C05, s26;
	s26 =	simm.s32 $0x0  }
0xc: {  	s6 =	sor.u32 s5, s6;
	s22 =	sshrl.u32 s10, $0x3;
	s24 =	sshrl.u32 s1, $0x1  }
0xd: {  	s14 =	sadd.s32 s10, s3;
	s12 =	sshrl.u32 s12, $0x2;
	s19 =	sadd.s32 s10, s4  }
0xe: {  	s6 =	smul.u32 $0x500, s6;
	s8 =	sadd.s32 s22, s0;
	s7 =	sadd.s32 s10, s7  }
0xf: {  	s1 =	ssub.s32 s1, s24;
	s25 =	sadd.s32 s12, s4;
	s12 =	simm.s32 $0x14000  }
0x10: {  	s17 =	sshrl.u32 @!p0 s14, $0x3;
	s19 =	sshrl.u32 s19, $0x3;
	s24 =	simm.s32 $0x80  }
0x11: {  	s23 =	sshrl.u32 s7, $0x3;
	s8 =	sadd.s32 $0x21E00, s8;
	s20 =	sadd.s32 $0x2000, s25  }
0x12: {  	s21 =	sadd.s32 $0x4000, s25;
	s22 =	sadd.s32 $0x6000, s25;
	s9 =	sadd.s32 s6, s0  }
0x13: {  	s11 =	sadd.s32 s23, s0;
	s20 =	sshrl.u32 s20, $0x3;
	s21 =	sshrl.u32 s21, $0x3  }
0x14: {  	s22 =	sshrl.u32 s22, $0x3;
	s6 =	sadd.s32 $0x17E00, s9;
	s7 =	sadd.s32 $0x3C00, s9  }
0x15: {  	s9 =	sadd.s32 $0x34A00, s0;
	s0 =	sadd.s32 $0x8000, s25;
	s10 =	sadd.s32 $0x35800, s11  }
0x16: {  	s11 =	smax.u32 s1, $0x1;
	s1 =	sshll.u32 @!p0 s5, $0x6;
	s25 =	simm.s32 $0x19000  }
0x17: {  	s16 =	sor.u32 @!p0 $0x1C05, s1;
	s23 =	sshrl.u32 s0, $0x3;
	s0 =	simm.s32 $0x4  }
.LBB2_1:
0x18: {  	s1 =	simm.s32 $0x0  }
0x19: {  	[tilespmem:s12], [sflag:$0x5] =	stream.linear.gather [hbm4b:s6+s1], $0x2800, $0x38;
	[tilespmem:$0x1D000] =	vst v63  }
0x1a: {  	_ =	swait.ge [sflag:s13], $0x2800  }
0x1b: {  	[sflag:s13] =	ssyncset.done $0x0  }
0x1c: {  	s5 =	simm.s32 $0x16800;
	[sflag:s13] =	ssyncadd.s32 $0xFFFFD800  }
0x1d: {  	[tilespmem:s5], [sflag:$0x5] =	stream.linear.gather [hbm4b:s7+s1], $0x2800, $0x38;
	[tilespmem:$0x1D000] =	vst v63  }
0x1e: {  	_ =	swait.ge [sflag:s13], $0x2800  }
0x1f: {  	[sflag:s13] =	ssyncset.done $0x0  }
0x20: {  	s1 =	simm.s32 @p0 $0x1FC5;
	[sflag:s13] =	ssyncadd.s32 $0xFFFFD800  }
0x21: {  	[spmem:s15], [sflag:s1] =	dma.local @p0 [hbm:s9], $0xC80  }
0x22: {  	s1 =	simm.s32 @p0 $0x5  }
0x23: {  	_ =	swait.ge @p0 [sflag:s1], $0xC80  }
0x24: {  	[sflag:s1] =	ssyncset.done @p0 $0x0  }
0x25: {  	[sflag:s1] =	ssyncadd.s32 @p0 $0xFFFFF380;
	s1 =	simm.s32 @!p0 $0x5  }
0x26: {  	[spmem:s17], [sflag:s16] =	dma.local @!p0 [hbm:s8], $0x1400  }
0x27: {  	_ =	swait.ge @!p0 [sflag:s1], $0x1400  }
0x28: {  	[sflag:s1] =	ssyncset.done @!p0 $0x0  }
0x29: {  	[sflag:s1] =	ssyncadd.s32 @!p0 $0xFFFFEC00  }
0x2a: {  	[spmem:s19], [sflag:s18] =	dma.local [hbm:s2], $0x400  }
0x2b: {  	_ =	swait.ge [sflag:s13], $0x400  }
0x2c: {  	[sflag:s13] =	ssyncset.done $0x0  }
0x2d: {  	[sflag:s13] =	ssyncadd.s32 $0xFFFFFC00  }
0x2e: {  	[spmem:s20], [sflag:s18] =	dma.local [hbm:s2], $0x400  }
0x2f: {  	_ =	swait.ge [sflag:s13], $0x400  }
0x30: {  	[sflag:s13] =	ssyncset.done $0x0  }
0x31: {  	[sflag:s13] =	ssyncadd.s32 $0xFFFFFC00  }
0x32: {  	[spmem:s21], [sflag:s18] =	dma.local [hbm:s2], $0x400  }
0x33: {  	_ =	swait.ge [sflag:s13], $0x400  }
0x34: {  	[sflag:s13] =	ssyncset.done $0x0  }
0x35: {  	[sflag:s13] =	ssyncadd.s32 $0xFFFFFC00  }
0x36: {  	[spmem:s22], [sflag:s18] =	dma.local [hbm:s2], $0x400  }
0x37: {  	_ =	swait.ge [sflag:s13], $0x400  }
0x38: {  	[sflag:s13] =	ssyncset.done $0x0  }
0x39: {  	[sflag:s13] =	ssyncadd.s32 $0xFFFFFC00  }
0x3a: {  	[spmem:s23], [sflag:s18] =	dma.local [hbm:s2], $0x400  }
0x3b: {  	_ =	swait.ge [sflag:s13], $0x400  }
0x3c: {  	[sflag:s13] =	ssyncset.done $0x0  }
0x3d: {  	[sflag:s13] =	ssyncadd.s32 $0xFFFFFC00  }
0x3e: {  	[bflag:$0x0] =	sbarrier.arrive $0xFFFF  }
0x3f: {  	[tilespmem:s25], [sflag:$0x1] =	stream.indirect.gather [spmem:s3], $0x40, s12, s24, $0xb8;
	[tilespmem:$0x1D000] =	vst v63  }
0x40: {  	s5 =	simm.s32 $0x14080  }
0x41: {  	[tilespmem:s28], [sflag:$0x2] =	stream.indirect.gather [spmem:s3], $0x40, s5, s24, $0xb8;
	[tilespmem:$0x1D000] =	vst v63  }
0x42: {  	_ =	swait.ge [sflag:s29], $0x2000  }
0x43: {  	[sflag:s29] =	ssyncset.done $0x0  }
0x44: {  	s14 =	simm.s32 $0x16800;
	[sflag:s29] =	ssyncadd.s32 $0xFFFFE000  }
0x45: {  	[spmem:s4] =	stream.indirect.scatter.add.f32 [tilespmem:s25], [sflag:$0x3], $0x40, s14, s24, $0xb8;
	[tilespmem:$0x1D000] =	vst v63  }
0x46: {  	_ =	swait.ge [sflag:s30], $0x2000  }
0x47: {  	[sflag:s30] =	ssyncset.done $0x0  }
0x48: {  	s5 =	simm.s32 $0x16880;
	[sflag:s30] =	ssyncadd.s32 $0xFFFFE000  }
0x49: {  	[spmem:s4] =	stream.indirect.scatter.add.f32 [tilespmem:s28], [sflag:$0x4], $0x40, s5, s24, $0xb8;
	[tilespmem:$0x1D000] =	vst v63  }
0x4a: {  	_ =	swait.ge [sflag:s31], $0x2000  }
0x4b: {  	[sflag:s31] =	ssyncset.done $0x0  }
0x4c: {  	s14 =	simm.s32 $0x14100;
	[sflag:s31] =	ssyncadd.s32 $0xFFFFE000  }
0x4d: {  	[tilespmem:s25], [sflag:$0x1] =	stream.indirect.gather [spmem:s3], $0x40, s14, s24, $0xb8;
	[tilespmem:$0x1D000] =	vst v63  }
0x4e: {  	_ =	swait.ge [sflag:s0], $0x2000  }
0x4f: {  	[sflag:s0] =	ssyncset.done $0x0  }
0x50: {  	s1 =	simm.s32 $0x400;
	s14 =	simm.s32 $0x14180;
	[sflag:s0] =	ssyncadd.s32 $0xFFFFE000  }
.LBB2_2:
0x51: {  	[tilespmem:s28], [sflag:$0x2] =	stream.indirect.gather [spmem:s3], $0x40, s14, s24, $0xb8;
	[tilespmem:$0x1D000] =	vst v63  }
0x52: {  	s14 =	smov.u32 s1  }
0x53: {  	p1 =	sne.s32 s1, $0x9800;
	s1 =	sadd.s32 $0x400, s1;
	_ =	swait.ge [sflag:s29], $0x2000  }
0x54: {  	s14 =	sshra.s32 s14, $0x2;
	[sflag:s29] =	ssyncset.done $0x0  }
0x55: {  	s5 =	sadd.s32 $0x16800, s14;
	[sflag:s29] =	ssyncadd.s32 $0xFFFFE000  }
0x56: {  	[spmem:s4] =	stream.indirect.scatter.add.f32 [tilespmem:s25], [sflag:$0x3], $0x40, s5, s24, $0xb8;
	[tilespmem:$0x1D000] =	vst v63  }
0x57: {  	_ =	swait.ge [sflag:s30], $0x2000  }
0x58: {  	[sflag:s30] =	ssyncset.done $0x0  }
0x59: {  	s5 =	sadd.s32 $0x16880, s14;
	[sflag:s30] =	ssyncadd.s32 $0xFFFFE000  }
0x5a: {  	[spmem:s4] =	stream.indirect.scatter.add.f32 [tilespmem:s28], [sflag:$0x4], $0x40, s5, s24, $0xb8;
	[tilespmem:$0x1D000] =	vst v63  }
0x5b: {  	_ =	swait.ge [sflag:s31], $0x2000  }
0x5c: {  	[sflag:s31] =	ssyncset.done $0x0  }
.Ltmp0:
0x5d: {  	s5 =	sadd.s32 $0x14100, s14;
	[sflag:s31] =	ssyncadd.s32 $0xFFFFE000;
	(pc) =	sbr.rel @p1 .LBB2_2-.Ltmp0, $4  }
0x5e: {  	[tilespmem:s25], [sflag:$0x1] =	stream.indirect.gather [spmem:s3], $0x40, s5, s24, $0xb8;
	[tilespmem:$0x1D000] =	vst v63  }
0x5f: {  	_ =	swait.ge [sflag:s0], $0x2000  }
0x60: {  	[sflag:s0] =	ssyncset.done $0x0  }
0x61: {  	s14 =	sadd.s32 $0x14180, s14;
	[sflag:s0] =	ssyncadd.s32 $0xFFFFE000  }
0x62: {  	[tilespmem:s28], [sflag:$0x2] =	stream.indirect.gather [spmem:s3], $0x40, s14, s24, $0xb8;
	[tilespmem:$0x1D000] =	vst v63  }
0x63: {  	_ =	swait.ge [sflag:s29], $0x2000  }
0x64: {  	[sflag:s29] =	ssyncset.done $0x0  }
0x65: {  	s1 =	simm.s32 $0x18F00;
	[sflag:s29] =	ssyncadd.s32 $0xFFFFE000  }
0x66: {  	[spmem:s4] =	stream.indirect.scatter.add.f32 [tilespmem:s25], [sflag:$0x3], $0x40, s1, s24, $0xb8;
	[tilespmem:$0x1D000] =	vst v63  }
0x67: {  	_ =	swait.ge [sflag:s30], $0x2000  }
0x68: {  	[sflag:s30] =	ssyncset.done $0x0  }
0x69: {  	s14 =	simm.s32 $0x18F80;
	[sflag:s30] =	ssyncadd.s32 $0xFFFFE000  }
0x6a: {  	[spmem:s4] =	stream.indirect.scatter.add.f32 [tilespmem:s28], [sflag:$0x4], $0x40, s14, s24, $0xb8;
	[tilespmem:$0x1D000] =	vst v63  }
0x6b: {  	_ =	swait.ge [sflag:s31], $0x2000  }
0x6c: {  	[sflag:s31] =	ssyncset.done $0x0  }
0x6d: {  	[sflag:s31] =	ssyncadd.s32 $0xFFFFE000  }
0x6e: {  	_ =	swait.ge [sflag:s0], $0x2000  }
0x6f: {  	s26 =	sadd.s32 $0x1, s26;
	[sflag:s0] =	ssyncset.done $0x0  }
0x70: {  	p1 =	sne.s32 s26, s11;
	[sflag:s0] =	ssyncadd.s32 $0xFFFFE000  }
.Ltmp1:
0x71: {  	[bflag:$0x0] =	sbarrier.arrive $0xFFFF;
	(pc) =	sbr.rel @p1 .LBB2_1-.Ltmp1, $4  }
0x72: {  	[hbm:s10], [sflag:s18] =	dma.local [spmem:s19], $0x1400  }
0x73: {  	_ =	swait.ge [sflag:s13], $0x1400  }
0x74: {  	[sflag:s13] =	ssyncset.done $0x0  }
0x75: {  	[sflag:s13] =	ssyncadd.s32 $0xFFFFEC00  }
0x76: {  	_ =	sfence.sel $0x180000  }
0x77: {  	[bflag:$0x0] =	sbarrier.arrive $0xFFFF  }
0x78: {  	_ =	strace $0x9000004A  }
0x79: {  	s0 =	stileid.u32;
	[bflag:$0x2] =	sbarrier.arrive $0xFFFF  }
0x7a: {  	p0 =	sne.s32 s0, $0x0;
	s0 =	rddreg [dreg:$0x4]  }
0x7b: {  	s0 =	sadd.s32 @!p0 $0x100000, s0  }
0x7c: {  	[sflag:s0] =	ssyncadd.tile.s32 @!p0 $0x1;
	_ =	shalt  }
.Lfunc_end2:
_tile_overlayer_lowered:
.L_overlay_start_2:
0x7d: {  	(tag) =	ssettag $0x2  }
0x7e: {  	s0 =	rddreg [dreg:$0x0];
	s2 =	stileid.u32  }
0x7f: {  	s1 =	rddreg [dreg:$0x1];
	p0 =	sne.s32 s2, $0x0  }
0x80: {  	s3 =	rddreg [dreg:$0x2];
	[bflag:$0x3] =	sbarrier.arrive $0xFFFF;
	s2 =	simm.s32 @!p0 $0x1C05  }
0x81: {  	[timem:s3], [sflag:s2] =	dma.local @!p0 [hbm:s0], s1  }
0x82: {  	s0 =	simm.s32 @!p0 $0x5  }
0x83: {  	_ =	swait.ge @!p0 [sflag:s0], s1  }
0x84: {  	s1 =	ssub.s32 @!p0 $0x0, s1;
	[sflag:s0] =	ssyncset.done @!p0 $0x0  }
0x85: {  	[sflag:s0] =	ssyncadd.s32 @!p0 s1  }
0x86: {  	[bflag:$0x3] =	sbarrier.arrive $0xFFFF  }
0x87: {  	_ =	shalt  }

// kernel: kernel.18.cloned.1.call-start
scs
__scs_entry_jumppad:
0x0: {  	(pc) =	sbr.rel $0x88, $3  }
0x1: {  	(tag) =	ssettag $0x0;
	lr =	simm.s32 $0x1  }
0x2: {  	[smem:$0x3F93] =	sst lr;
	_ =	strace $0xD0000000  }
0x3: {  	_ = 	snop  }
0x4: {  	_ = 	snop  }
0x5: {  	_ = 	snop  }
0x6: {  	_ = 	snop  }
0x7: {  	_ = 	snop  }
__scs_overlays_trampoline_lowered:
0x8: {  	[smem:$0x3FA2] =	sst s0  }
0x9: {  	[smem:$0x3FA3] =	sst s1  }
0xa: {  	[smem:$0x3FA4] =	sst s2  }
0xb: {  	[smem:$0x3FA5] =	sst s3  }
0xc: {  	[smem:$0x3FA6] =	sst s4  }
0xd: {  	[smem:$0x3FA7] =	sst s5  }
0xe: {  	[smem:$0x3FA8] =	sst s6  }
0xf: {  	[smem:$0x3FA9] =	sst s7  }
0x10: {  	[smem:$0x3FAA] =	sst s8  }
0x11: {  	[smem:$0x3FAB] =	sst s9;
	s0 =	simm.s32 @!p0 $0x0  }
0x12: {  	s1 =	sld [smem:$0x3F91];
	s0 =	simm.s32 @p0 $0x1  }
0x13: {  	[smem:$0x3FAC] =	sst s0;
	s0 =	simm.s32 @!p1 $0x0  }
0x14: {  	s2 =	sld [smem:$0x3F90];
	s0 =	simm.s32 @p1 $0x1  }
0x15: {  	[smem:$0x3FAD] =	sst s0;
	s0 =	simm.s32 @!p2 $0x0  }
0x16: {  	s3 =	sld [smem:$0x3FDB];
	s0 =	simm.s32 @p2 $0x1  }
0x17: {  	s4 =	simm.s32 $0x1BF5;
	[smem:$0x3FAF] =	sst s0  }
0x18: {  	s0 =	sld [smem:$0x3F92];
	_ =	swait.ge [sflag:s4], $0x0  }
0x19: {  	s7 =	sld [smem:$0x3F93]  }
0x1a: {  	s8 =	sadd.s32 $0xFFFFE003, lr  }
0x1b: {  	s9 =	sadd.s32 $0xFFFFFEF7, lr;
	s5 =	simm.s32 $0xFFFFFFFF;
	p2 =	slt.u32 s8, $0xFFFFF086  }
0x1c: {  	p1 =	slt.u32 s9, $0xF7A;
	s5 =	simm.s32 @!p2 $0x0  }
0x1d: {  	s5 =	simm.s32 @p1 $0x1;
	p0 =	seq.s32 s7, s2  }
0x1e: {  	s7 =	smul.u32 @!p0 $0xF7A, s2;
	p2 =	seq.s32 @!p0 s5, $0x0  }
0x1f: {  	s9 =	smul.u32 $0xF7A, s1;
	s8 =	simm.s32 @!p0 $0x1BF5;
	p2 =	por !p2, p0  }
0x20: {  	[sflag:s8] =	ssyncset.s32 @!p0 $0xFFFFF086;
	s6 =	sadd.s32 @!p0 s3, s7;
	s7 =	simm.s32 @!p0 $0x108  }
0x21: {  	s3 =	sadd.s32 s3, s9;
	s6 =	sadd.s32 @!p0 $0x88, s6;
	s7 =	simm.s32 @p2 $0x1082  }
0x22: {  	[simem:s7], [sflag:s8] =	dma.local @!p0 [hbm:s6], $0xF7A  }
0x23: {  	s9 =	sor.u32 $0xD0000000, s2;
	s6 =	simm.s32 $0x108;
	_ =	swait.ge @!p0 [sflag:s8], $0x0  }
0x24: {  	s3 =	sadd.s32 $0x88, s3;
	s6 =	simm.s32 @!p1 $0x1082;
	[sflag:s4] =	ssyncset.s32 $0xFFFFF086  }
0x25: {  	[simem:s6], [sflag:s4] =	dma.local [hbm:s3], $0xF7A  }
0x26: {  	[smem:$0x3F93] =	sst s1;
	(tag) =	ssettag s2;
	_ =	strace s9  }
0x27: {  	s1 =	sld [smem:$0x3FA3]  }
0x28: {  	s2 =	sld [smem:$0x3FA4]  }
0x29: {  	s4 =	sld [smem:$0x3FA6]  }
0x2a: {  	p0 =	seq.s32 s5, $0x0;
	s5 =	sld [smem:$0x3FA7]  }
0x2b: {  	s6 =	sld [smem:$0x3FA8]  }
0x2c: {  	s7 =	sld [smem:$0x3FA9]  }
0x2d: {  	s3 =	simm.s32 $0x108;
	s8 =	sld [smem:$0x3FAA]  }
0x2e: {  	s3 =	simm.s32 @!p0 $0x1082;
	s9 =	sld [smem:$0x3FAB]  }
0x2f: {  	lr =	sadd.s32 s0, s3;
	s0 =	sld [smem:$0x3FA2]  }
0x30: {  	s3 =	sld [smem:$0x3FA5]  }
0x31: {  	[smem:$0x3FAE] =	sst s10  }
0x32: {  	s10 =	sld [smem:$0x3FAC];
	_ =	sdelay $0x3  }
0x33: {  	p0 =	seq.s32 s10, $0x1;
	s10 =	sld [smem:$0x3FAE];
	_ =	sdelay $0x3  }
0x34: {  	[smem:$0x3FAE] =	sst s10  }
0x35: {  	s10 =	sld [smem:$0x3FAD];
	_ =	sdelay $0x3  }
0x36: {  	p1 =	seq.s32 s10, $0x1;
	s10 =	sld [smem:$0x3FAE];
	_ =	sdelay $0x3  }
0x37: {  	[smem:$0x3FAE] =	sst s10  }
0x38: {  	s10 =	sld [smem:$0x3FAF]  }
0x39: {  	_ = 	snop;
	(pc) =	sbr.ind lr, $3  }
0x3a: {  	_ = 	snop  }
0x3b: {  	_ = 	snop  }
0x3c: {  	p2 =	seq.s32 s10, $0x1;
	s10 =	sld [smem:$0x3FAE]  }
0x3d: {  	_ =	shalt  }
0x3e: {  	_ =	shalt  }
0x3f: {  	_ =	shalt  }
0x40: {  	_ =	shalt  }
0x41: {  	_ =	shalt  }
0x42: {  	_ =	shalt  }
0x43: {  	_ =	shalt  }
0x44: {  	_ =	shalt  }
0x45: {  	_ =	shalt  }
0x46: {  	_ =	shalt  }
0x47: {  	_ =	shalt  }
0x48: {  	_ =	shalt  }
0x49: {  	_ =	shalt  }
0x4a: {  	_ =	shalt  }
0x4b: {  	_ =	shalt  }
0x4c: {  	_ =	shalt  }
0x4d: {  	_ =	shalt  }
0x4e: {  	_ =	shalt  }
0x4f: {  	_ =	shalt  }
0x50: {  	_ =	shalt  }
0x51: {  	_ =	shalt  }
0x52: {  	_ =	shalt  }
0x53: {  	_ =	shalt  }
0x54: {  	_ =	shalt  }
0x55: {  	_ =	shalt  }
0x56: {  	_ =	shalt  }
0x57: {  	_ =	shalt  }
0x58: {  	_ =	shalt  }
0x59: {  	_ =	shalt  }
0x5a: {  	_ =	shalt  }
0x5b: {  	_ =	shalt  }
0x5c: {  	_ =	shalt  }
0x5d: {  	_ =	shalt  }
0x5e: {  	_ =	shalt  }
0x5f: {  	_ =	shalt  }
0x60: {  	_ =	shalt  }
0x61: {  	_ =	shalt  }
0x62: {  	_ =	shalt  }
0x63: {  	_ =	shalt  }
0x64: {  	_ =	shalt  }
0x65: {  	_ =	shalt  }
0x66: {  	_ =	shalt  }
0x67: {  	_ =	shalt  }
0x68: {  	_ =	shalt  }
0x69: {  	_ =	shalt  }
0x6a: {  	_ =	shalt  }
0x6b: {  	_ =	shalt  }
0x6c: {  	_ =	shalt  }
0x6d: {  	_ =	shalt  }
0x6e: {  	_ =	shalt  }
0x6f: {  	_ =	shalt  }
0x70: {  	_ =	shalt  }
0x71: {  	_ =	shalt  }
0x72: {  	_ =	shalt  }
0x73: {  	_ =	shalt  }
0x74: {  	_ =	shalt  }
0x75: {  	_ =	shalt  }
0x76: {  	_ =	shalt  }
0x77: {  	_ =	shalt  }
0x78: {  	_ =	shalt  }
0x79: {  	_ =	shalt  }
0x7a: {  	_ =	shalt  }
0x7b: {  	_ =	shalt  }
0x7c: {  	_ =	shalt  }
0x7d: {  	_ =	shalt  }
0x7e: {  	_ =	shalt  }
0x7f: {  	_ =	shalt  }
0x80: {  	_ =	shalt  }
0x81: {  	_ =	shalt  }
0x82: {  	_ =	shalt  }
0x83: {  	_ =	shalt  }
0x84: {  	_ =	shalt  }
0x85: {  	_ =	shalt  }
0x86: {  	_ =	shalt  }
0x87: {  	_ =	shalt  }
.Lfunc_end0:
.L_simem_size_0:
called_computation.2_lowered:
.L_overlay_start_0:
0x88: {  	s2 =	sld [smem:$0x3FD9]  }
0x89: {  	s3 =	sld [smem:$0x3FFE];
	_ =	sdelay $0x1  }
0x8a: {  	s1 =	srdreg.scid  }
0x8b: {  	s0 =	sand.u32 $0x1, s1  }
0x8c: {  	s17 =	sshll.u32 s0, $0xA;
	s2 =	sadd.s32 s3, s2  }
0x8d: {  	s2 =	sadd.s32 s2, s17  }
0x8e: {  	[smem:$0x3FBA] =	sst s2  }
0x8f: {  	_ = 	snop  }
0x90: {  	s2 =	sld [smem:$0x3FD0];
	(tm) =	ssettm $0x1  }
0x91: {  	s18 =	sld [smem:$0x3FFB];
	_ =	sdelay $0x3  }
0x92: {  	_ =	strace s18  }
0x93: {  	s3 =	sld [smem:$0x3FFC];
	_ =	sdelay $0x3  }
0x94: {  	_ =	strace s3  }
0x95: {  	s3 =	sld [smem:$0x3FFD];
	_ =	sdelay $0x3  }
0x96: {  	_ =	strace s3  }
0x97: {  	_ =	strace $0x8FFFFFFF  }
0x98: {  	s19 =	sld [smem:$0x3FDB];
	_ =	sdelay $0x1  }
0x99: {  	s4 =	simm.s32 $_scs_section_size  }
0x9a: {  	s5 =	simm.s32 $_size__tile_overlayer_lowered;
	s6 =	simm.s32 $_tile_overlayer_lowered  }
0x9b: {  	s22 =	simm.s32 $0x1BFF;
	s21 =	sshll.u32 s6, $0x1;
	s3 =	sadd.s32 s4, s19  }
0x9c: {  	s7 =	simm.s32 $0x0;
	s20 =	sshll.u32 s5, $0x1;
	s5 =	sadd.s32 s21, s3  }
0x9d: {  	[timem:s7], [sflag:s22] =	dma.local [hbm:s5], s20  }
0x9e: {  	_ =	swait.ge [sflag:s22], s20  }
0x9f: {  	s4 =	ssub.s32 $0x0, s20;
	[sflag:s22] =	ssyncset.done $0x0  }
0xa0: {  	[sflag:s22] =	ssyncadd.s32 s4;
	_ =	sdelay $0x1  }
0xa1: {  	s23 =	simm.s32 $0x1B8B  }
0xa2: {  	_ =	swait.ge [sflag:s23], $0x1  }
0xa3: {  	[sflag:s23] =	ssyncset.done $0x0  }
0xa4: {  	s25 =	simm.s32 $0x1B8E;
	s24 =	sld [smem:$0x3FFE];
	[sflag:s23] =	ssyncadd.s32 $0xFFFFFFFF  }
0xa5: {  	s26 =	simm.s32 $execute0_lowered;
	[smem:$0x3FD2] =	sst s25  }
0xa6: {  	s5 =	sshll.u32 s26, $0x1;
	_ =	strace $0x8000004C;
	[dreg:$0x1] =	wrdreg $0xFFFFFFFF  }
0xa7: {  	s28 =	simm.s32 $_size_execute0_lowered;
	s3 =	sadd.s32 s3, s5;
	[dreg:$0x0] =	wrdreg $0x0  }
0xa8: {  	s5 =	sshll.u32 s28, $0x1;
	[dreg:$0x2] =	wrdreg s3  }
0xa9: {  	[dreg:$0x3] =	wrdreg s5  }
0xaa: {  	[dreg:$0x4] =	wrdreg $0xC0  }
0xab: {  	_ =	task [dreg:s7], $0x5FFFF  }
0xac: {  	[dreg:$0x1] =	wrdreg $0xFFFFFFFF  }
0xad: {  	[dreg:$0x0] =	wrdreg $0x60  }
0xae: {  	[dreg:$0x2] =	wrdreg s24  }
0xaf: {  	[dreg:$0x3] =	wrdreg s2  }
0xb0: {  	[dreg:$0x4] =	wrdreg $0xA0000  }
0xb1: {  	[dreg:$0x5] =	wrdreg $0x0  }
0xb2: {  	[dreg:$0x6] =	wrdreg $0x9  }
0xb3: {  	_ =	task.clear_ibuf [dreg:s7], $0x7FFFF;
	_ =	strace $0x9000004C  }
0xb4: {  	s29 =	simm.s32 $0x9;
	_ =	strace $0x8000004E  }
0xb5: {  	_ =	swait.ge [sflag:s29], $0x1  }
0xb6: {  	[sflag:s29] =	ssyncadd.s32 $0xFFFFFFFF  }
0xb7: {  	_ =	strace $0x9000004E  }
0xb8: {  	_ =	sfence  }
0xb9: {  	s30 =	sld [smem:$0x0];
	_ =	sdelay $0x2  }
0xba: {  	s31 =	sshll.u32 s1, $0xD;
	s1 =	sshrl.u32 s1, $0x2  }
0xbb: {  	s3 =	sand.u32 $0x4000, s31;
	s1 =	sadd.s32 s1, s30  }
0xbc: {  	s0 =	sor.u32 s3, s0;
	s1 =	sshll.u32 s1, $0x11  }
0xbd: {  	s0 =	sor.u32 s1, s0  }
0xbe: {  	s0 =	sadd.s32 $0x8F2B, s0  }
0xbf: {  	[sflag:s0] =	ssyncadd.remote.s32 $0x1  }
0xc0: {  	_ =	sfence.sel $0xFFFF  }
0xc1: {  	[dreg:$0x0] =	wrdreg $0xFFFFFFFF;
	(pc) =	sbr.abs _section_cstart, $3  }
0xc2: {  	[dreg:$0x1] =	wrdreg $0xFFFFFFFF  }
0xc3: {  	_ =	task.clear_ibuf [dreg:s7], $0x2FFFF;
	_ =	strace $0x9FFFFFFF  }
0xc4: {  	(tm) =	ssettm $0x7FFFFFFF  }
0xc5: {  	_ =	shalt  }
tec
execute0_lowered:
.L_overlay_start_1:
0x0: {  	(tag) =	ssettag $0x1  }
0x1: {  	s0 =	rddreg [dreg:$0x0]  }
0x2: {  	s2 =	rddreg [dreg:$0x1]  }
0x3: {  	s3 =	rddreg [dreg:$0x2]  }
0x4: {  	s1 =	srdreg.scid;
	s4 =	rddreg [dreg:$0x3]  }
0x5: {  	s5 =	stileid.u32;
	s8 =	simm.s32 $0x0;
	s13 =	simm.s32 $0x5  }
0x6: {  	s28 =	simm.s32 $0x1B000;
	s29 =	simm.s32 $0x1;
	s30 =	simm.s32 $0x2  }
0x7: {  	s31 =	simm.s32 $0x3;
	s1 =	sand.u32 $0x1, s1;
	s10 =	smul.u32 $0xA000, s5  }
0x8: {  	[smem:$0x7FF] =	sst s8;
	s12 =	smul.u32 $0x28000, s5;
	s15 =	sadd.s32 $0x96000, s3  }
0x9: {  	p0 =	seq.s32 s5, $0xF;
	s26 =	sshll.u32 s5, $0x6;
	s6 =	sshll.u32 s1, $0x4  }
0xa: {  	s7 =	smul.u32 $0xA0000, s1;
	_ =	strace $0x8000004D;
	s1 =	ssub.s32 $0x2, s1  }
0xb: {  	s15 =	sshrl.u32 @p0 s15, $0x3;
	s18 =	sor.u32 $0x1C05, s26;
	s26 =	simm.s32 $0x0  }
0xc: {  	s6 =	sor.u32 s5, s6;
	s22 =	sshrl.u32 s10, $0x3;
	s24 =	sshrl.u32 s1, $0x1  }
0xd: {  	s14 =	sadd.s32 s10, s3;
	s12 =	sshrl.u32 s12, $0x2;
	s19 =	sadd.s32 s10, s4  }
0xe: {  	s6 =	smul.u32 $0x500, s6;
	s8 =	sadd.s32 s22, s0;
	s7 =	sadd.s32 s10, s7  }
0xf: {  	s1 =	ssub.s32 s1, s24;
	s25 =	sadd.s32 s12, s4;
	s12 =	simm.s32 $0x14000  }
0x10: {  	s17 =	sshrl.u32 @!p0 s14, $0x3;
	s19 =	sshrl.u32 s19, $0x3;
	s24 =	simm.s32 $0x80  }
0x11: {  	s23 =	sshrl.u32 s7, $0x3;
	s8 =	sadd.s32 $0x21E00, s8;
	s20 =	sadd.s32 $0x2000, s25  }
0x12: {  	s21 =	sadd.s32 $0x4000, s25;
	s22 =	sadd.s32 $0x6000, s25;
	s9 =	sadd.s32 s6, s0  }
0x13: {  	s11 =	sadd.s32 s23, s0;
	s20 =	sshrl.u32 s20, $0x3;
	s21 =	sshrl.u32 s21, $0x3  }
0x14: {  	s22 =	sshrl.u32 s22, $0x3;
	s6 =	sadd.s32 $0x17E00, s9;
	s7 =	sadd.s32 $0x3C00, s9  }
0x15: {  	s9 =	sadd.s32 $0x34A00, s0;
	s0 =	sadd.s32 $0x8000, s25;
	s10 =	sadd.s32 $0x35800, s11  }
0x16: {  	s11 =	smax.u32 s1, $0x1;
	s1 =	sshll.u32 @!p0 s5, $0x6;
	s25 =	simm.s32 $0x19000  }
0x17: {  	s16 =	sor.u32 @!p0 $0x1C05, s1;
	s23 =	sshrl.u32 s0, $0x3;
	s0 =	simm.s32 $0x4  }
.LBB2_1:
0x18: {  	s1 =	simm.s32 $0x0  }
0x19: {  	[tilespmem:s12], [sflag:$0x5] =	stream.linear.gather [hbm4b:s6+s1], $0x2800, $0x38;
	[tilespmem:$0x1D000] =	vst v63  }
0x1a: {  	_ =	swait.ge [sflag:s13], $0x2800  }
0x1b: {  	[sflag:s13] =	ssyncset.done $0x0  }
0x1c: {  	s5 =	simm.s32 $0x16800;
	[sflag:s13] =	ssyncadd.s32 $0xFFFFD800  }
0x1d: {  	[tilespmem:s5], [sflag:$0x5] =	stream.linear.gather [hbm4b:s7+s1], $0x2800, $0x38;
	[tilespmem:$0x1D000] =	vst v63  }
0x1e: {  	_ =	swait.ge [sflag:s13], $0x2800  }
0x1f: {  	[sflag:s13] =	ssyncset.done $0x0  }
0x20: {  	s1 =	simm.s32 @p0 $0x1FC5;
	[sflag:s13] =	ssyncadd.s32 $0xFFFFD800  }
0x21: {  	[spmem:s15], [sflag:s1] =	dma.local @p0 [hbm:s9], $0xC80  }
0x22: {  	s1 =	simm.s32 @p0 $0x5  }
0x23: {  	_ =	swait.ge @p0 [sflag:s1], $0xC80  }
0x24: {  	[sflag:s1] =	ssyncset.done @p0 $0x0  }
0x25: {  	[sflag:s1] =	ssyncadd.s32 @p0 $0xFFFFF380;
	s1 =	simm.s32 @!p0 $0x5  }
0x26: {  	[spmem:s17], [sflag:s16] =	dma.local @!p0 [hbm:s8], $0x1400  }
0x27: {  	_ =	swait.ge @!p0 [sflag:s1], $0x1400  }
0x28: {  	[sflag:s1] =	ssyncset.done @!p0 $0x0  }
0x29: {  	[sflag:s1] =	ssyncadd.s32 @!p0 $0xFFFFEC00  }
0x2a: {  	[spmem:s19], [sflag:s18] =	dma.local [hbm:s2], $0x400  }
0x2b: {  	_ =	swait.ge [sflag:s13], $0x400  }
0x2c: {  	[sflag:s13] =	ssyncset.done $0x0  }
0x2d: {  	[sflag:s13] =	ssyncadd.s32 $0xFFFFFC00  }
0x2e: {  	[spmem:s20], [sflag:s18] =	dma.local [hbm:s2], $0x400  }
0x2f: {  	_ =	swait.ge [sflag:s13], $0x400  }
0x30: {  	[sflag:s13] =	ssyncset.done $0x0  }
0x31: {  	[sflag:s13] =	ssyncadd.s32 $0xFFFFFC00  }
0x32: {  	[spmem:s21], [sflag:s18] =	dma.local [hbm:s2], $0x400  }
0x33: {  	_ =	swait.ge [sflag:s13], $0x400  }
0x34: {  	[sflag:s13] =	ssyncset.done $0x0  }
0x35: {  	[sflag:s13] =	ssyncadd.s32 $0xFFFFFC00  }
0x36: {  	[spmem:s22], [sflag:s18] =	dma.local [hbm:s2], $0x400  }
0x37: {  	_ =	swait.ge [sflag:s13], $0x400  }
0x38: {  	[sflag:s13] =	ssyncset.done $0x0  }
0x39: {  	[sflag:s13] =	ssyncadd.s32 $0xFFFFFC00  }
0x3a: {  	[spmem:s23], [sflag:s18] =	dma.local [hbm:s2], $0x400  }
0x3b: {  	_ =	swait.ge [sflag:s13], $0x400  }
0x3c: {  	[sflag:s13] =	ssyncset.done $0x0  }
0x3d: {  	[sflag:s13] =	ssyncadd.s32 $0xFFFFFC00  }
0x3e: {  	[bflag:$0x0] =	sbarrier.arrive $0xFFFF  }
0x3f: {  	[tilespmem:s25], [sflag:$0x1] =	stream.indirect.gather [spmem:s3], $0x40, s12, s24, $0xb8;
	[tilespmem:$0x1D000] =	vst v63  }
0x40: {  	s5 =	simm.s32 $0x14080  }
0x41: {  	[tilespmem:s28], [sflag:$0x2] =	stream.indirect.gather [spmem:s3], $0x40, s5, s24, $0xb8;
	[tilespmem:$0x1D000] =	vst v63  }
0x42: {  	_ =	swait.ge [sflag:s29], $0x2000  }
0x43: {  	[sflag:s29] =	ssyncset.done $0x0  }
0x44: {  	s14 =	simm.s32 $0x16800;
	[sflag:s29] =	ssyncadd.s32 $0xFFFFE000  }
0x45: {  	[spmem:s4] =	stream.indirect.scatter.add.f32 [tilespmem:s25], [sflag:$0x3], $0x40, s14, s24, $0xb8;
	[tilespmem:$0x1D000] =	vst v63  }
0x46: {  	_ =	swait.ge [sflag:s30], $0x2000  }
0x47: {  	[sflag:s30] =	ssyncset.done $0x0  }
0x48: {  	s5 =	simm.s32 $0x16880;
	[sflag:s30] =	ssyncadd.s32 $0xFFFFE000  }
0x49: {  	[spmem:s4] =	stream.indirect.scatter.add.f32 [tilespmem:s28], [sflag:$0x4], $0x40, s5, s24, $0xb8;
	[tilespmem:$0x1D000] =	vst v63  }
0x4a: {  	_ =	swait.ge [sflag:s31], $0x2000  }
0x4b: {  	[sflag:s31] =	ssyncset.done $0x0  }
0x4c: {  	s14 =	simm.s32 $0x14100;
	[sflag:s31] =	ssyncadd.s32 $0xFFFFE000  }
0x4d: {  	[tilespmem:s25], [sflag:$0x1] =	stream.indirect.gather [spmem:s3], $0x40, s14, s24, $0xb8;
	[tilespmem:$0x1D000] =	vst v63  }
0x4e: {  	_ =	swait.ge [sflag:s0], $0x2000  }
0x4f: {  	[sflag:s0] =	ssyncset.done $0x0  }
0x50: {  	s1 =	simm.s32 $0x400;
	s14 =	simm.s32 $0x14180;
	[sflag:s0] =	ssyncadd.s32 $0xFFFFE000  }
.LBB2_2:
0x51: {  	[tilespmem:s28], [sflag:$0x2] =	stream.indirect.gather [spmem:s3], $0x40, s14, s24, $0xb8;
	[tilespmem:$0x1D000] =	vst v63  }
0x52: {  	s14 =	smov.u32 s1  }
0x53: {  	p1 =	sne.s32 s1, $0x9800;
	s1 =	sadd.s32 $0x400, s1;
	_ =	swait.ge [sflag:s29], $0x2000  }
0x54: {  	s14 =	sshra.s32 s14, $0x2;
	[sflag:s29] =	ssyncset.done $0x0  }
0x55: {  	s5 =	sadd.s32 $0x16800, s14;
	[sflag:s29] =	ssyncadd.s32 $0xFFFFE000  }
0x56: {  	[spmem:s4] =	stream.indirect.scatter.add.f32 [tilespmem:s25], [sflag:$0x3], $0x40, s5, s24, $0xb8;
	[tilespmem:$0x1D000] =	vst v63  }
0x57: {  	_ =	swait.ge [sflag:s30], $0x2000  }
0x58: {  	[sflag:s30] =	ssyncset.done $0x0  }
0x59: {  	s5 =	sadd.s32 $0x16880, s14;
	[sflag:s30] =	ssyncadd.s32 $0xFFFFE000  }
0x5a: {  	[spmem:s4] =	stream.indirect.scatter.add.f32 [tilespmem:s28], [sflag:$0x4], $0x40, s5, s24, $0xb8;
	[tilespmem:$0x1D000] =	vst v63  }
0x5b: {  	_ =	swait.ge [sflag:s31], $0x2000  }
0x5c: {  	[sflag:s31] =	ssyncset.done $0x0  }
.Ltmp0:
0x5d: {  	s5 =	sadd.s32 $0x14100, s14;
	[sflag:s31] =	ssyncadd.s32 $0xFFFFE000;
	(pc) =	sbr.rel @p1 .LBB2_2-.Ltmp0, $4  }
0x5e: {  	[tilespmem:s25], [sflag:$0x1] =	stream.indirect.gather [spmem:s3], $0x40, s5, s24, $0xb8;
	[tilespmem:$0x1D000] =	vst v63  }
0x5f: {  	_ =	swait.ge [sflag:s0], $0x2000  }
0x60: {  	[sflag:s0] =	ssyncset.done $0x0  }
0x61: {  	s14 =	sadd.s32 $0x14180, s14;
	[sflag:s0] =	ssyncadd.s32 $0xFFFFE000  }
0x62: {  	[tilespmem:s28], [sflag:$0x2] =	stream.indirect.gather [spmem:s3], $0x40, s14, s24, $0xb8;
	[tilespmem:$0x1D000] =	vst v63  }
0x63: {  	_ =	swait.ge [sflag:s29], $0x2000  }
0x64: {  	[sflag:s29] =	ssyncset.done $0x0  }
0x65: {  	s1 =	simm.s32 $0x18F00;
	[sflag:s29] =	ssyncadd.s32 $0xFFFFE000  }
0x66: {  	[spmem:s4] =	stream.indirect.scatter.add.f32 [tilespmem:s25], [sflag:$0x3], $0x40, s1, s24, $0xb8;
	[tilespmem:$0x1D000] =	vst v63  }
0x67: {  	_ =	swait.ge [sflag:s30], $0x2000  }
0x68: {  	[sflag:s30] =	ssyncset.done $0x0  }
0x69: {  	s14 =	simm.s32 $0x18F80;
	[sflag:s30] =	ssyncadd.s32 $0xFFFFE000  }
0x6a: {  	[spmem:s4] =	stream.indirect.scatter.add.f32 [tilespmem:s28], [sflag:$0x4], $0x40, s14, s24, $0xb8;
	[tilespmem:$0x1D000] =	vst v63  }
0x6b: {  	_ =	swait.ge [sflag:s31], $0x2000  }
0x6c: {  	[sflag:s31] =	ssyncset.done $0x0  }
0x6d: {  	[sflag:s31] =	ssyncadd.s32 $0xFFFFE000  }
0x6e: {  	_ =	swait.ge [sflag:s0], $0x2000  }
0x6f: {  	s26 =	sadd.s32 $0x1, s26;
	[sflag:s0] =	ssyncset.done $0x0  }
0x70: {  	p1 =	sne.s32 s26, s11;
	[sflag:s0] =	ssyncadd.s32 $0xFFFFE000  }
.Ltmp1:
0x71: {  	[bflag:$0x0] =	sbarrier.arrive $0xFFFF;
	(pc) =	sbr.rel @p1 .LBB2_1-.Ltmp1, $4  }
0x72: {  	[hbm:s10], [sflag:s18] =	dma.local [spmem:s19], $0x1400  }
0x73: {  	_ =	swait.ge [sflag:s13], $0x1400  }
0x74: {  	[sflag:s13] =	ssyncset.done $0x0  }
0x75: {  	[sflag:s13] =	ssyncadd.s32 $0xFFFFEC00  }
0x76: {  	_ =	sfence.sel $0x180000  }
0x77: {  	[bflag:$0x0] =	sbarrier.arrive $0xFFFF  }
0x78: {  	_ =	strace $0x9000004D  }
0x79: {  	s0 =	stileid.u32;
	[bflag:$0x2] =	sbarrier.arrive $0xFFFF  }
0x7a: {  	p0 =	sne.s32 s0, $0x0;
	s0 =	rddreg [dreg:$0x4]  }
0x7b: {  	s0 =	sadd.s32 @!p0 $0x100000, s0  }
0x7c: {  	[sflag:s0] =	ssyncadd.tile.s32 @!p0 $0x1;
	_ =	shalt  }
.Lfunc_end2:
_tile_overlayer_lowered:
.L_overlay_start_2:
0x7d: {  	(tag) =	ssettag $0x2  }
0x7e: {  	s0 =	rddreg [dreg:$0x0];
	s2 =	stileid.u32  }
0x7f: {  	s1 =	rddreg [dreg:$0x1];
	p0 =	sne.s32 s2, $0x0  }
0x80: {  	s3 =	rddreg [dreg:$0x2];
	[bflag:$0x3] =	sbarrier.arrive $0xFFFF;
	s2 =	simm.s32 @!p0 $0x1C05  }
0x81: {  	[timem:s3], [sflag:s2] =	dma.local @!p0 [hbm:s0], s1  }
0x82: {  	s0 =	simm.s32 @!p0 $0x5  }
0x83: {  	_ =	swait.ge @!p0 [sflag:s0], s1  }
0x84: {  	s1 =	ssub.s32 @!p0 $0x0, s1;
	[sflag:s0] =	ssyncset.done @!p0 $0x0  }
0x85: {  	[sflag:s0] =	ssyncadd.s32 @!p0 s1  }
0x86: {  	[bflag:$0x3] =	sbarrier.arrive $0xFFFF  }
0x87: {  	_ =	shalt  }

// kernel: kernel.21.cloned.1.call-start
scs
__scs_entry_jumppad:
0x0: {  	(pc) =	sbr.rel $0x88, $3  }
0x1: {  	(tag) =	ssettag $0x0;
	lr =	simm.s32 $0x1  }
0x2: {  	[smem:$0x3F93] =	sst lr;
	_ =	strace $0xD0000000  }
0x3: {  	_ = 	snop  }
0x4: {  	_ = 	snop  }
0x5: {  	_ = 	snop  }
0x6: {  	_ = 	snop  }
0x7: {  	_ = 	snop  }
__scs_overlays_trampoline_lowered:
0x8: {  	[smem:$0x3FA2] =	sst s0  }
0x9: {  	[smem:$0x3FA3] =	sst s1  }
0xa: {  	[smem:$0x3FA4] =	sst s2  }
0xb: {  	[smem:$0x3FA5] =	sst s3  }
0xc: {  	[smem:$0x3FA6] =	sst s4  }
0xd: {  	[smem:$0x3FA7] =	sst s5  }
0xe: {  	[smem:$0x3FA8] =	sst s6  }
0xf: {  	[smem:$0x3FA9] =	sst s7  }
0x10: {  	[smem:$0x3FAA] =	sst s8  }
0x11: {  	[smem:$0x3FAB] =	sst s9;
	s0 =	simm.s32 @!p0 $0x0  }
0x12: {  	s1 =	sld [smem:$0x3F91];
	s0 =	simm.s32 @p0 $0x1  }
0x13: {  	[smem:$0x3FAC] =	sst s0;
	s0 =	simm.s32 @!p1 $0x0  }
0x14: {  	s2 =	sld [smem:$0x3F90];
	s0 =	simm.s32 @p1 $0x1  }
0x15: {  	[smem:$0x3FAD] =	sst s0;
	s0 =	simm.s32 @!p2 $0x0  }
0x16: {  	s3 =	sld [smem:$0x3FDB];
	s0 =	simm.s32 @p2 $0x1  }
0x17: {  	s4 =	simm.s32 $0x1BF5;
	[smem:$0x3FAF] =	sst s0  }
0x18: {  	s0 =	sld [smem:$0x3F92];
	_ =	swait.ge [sflag:s4], $0x0  }
0x19: {  	s7 =	sld [smem:$0x3F93]  }
0x1a: {  	s8 =	sadd.s32 $0xFFFFE003, lr  }
0x1b: {  	s9 =	sadd.s32 $0xFFFFFEF7, lr;
	s5 =	simm.s32 $0xFFFFFFFF;
	p2 =	slt.u32 s8, $0xFFFFF086  }
0x1c: {  	p1 =	slt.u32 s9, $0xF7A;
	s5 =	simm.s32 @!p2 $0x0  }
0x1d: {  	s5 =	simm.s32 @p1 $0x1;
	p0 =	seq.s32 s7, s2  }
0x1e: {  	s7 =	smul.u32 @!p0 $0xF7A, s2;
	p2 =	seq.s32 @!p0 s5, $0x0  }
0x1f: {  	s9 =	smul.u32 $0xF7A, s1;
	s8 =	simm.s32 @!p0 $0x1BF5;
	p2 =	por !p2, p0  }
0x20: {  	[sflag:s8] =	ssyncset.s32 @!p0 $0xFFFFF086;
	s6 =	sadd.s32 @!p0 s3, s7;
	s7 =	simm.s32 @!p0 $0x108  }
0x21: {  	s3 =	sadd.s32 s3, s9;
	s6 =	sadd.s32 @!p0 $0x88, s6;
	s7 =	simm.s32 @p2 $0x1082  }
0x22: {  	[simem:s7], [sflag:s8] =	dma.local @!p0 [hbm:s6], $0xF7A  }
0x23: {  	s9 =	sor.u32 $0xD0000000, s2;
	s6 =	simm.s32 $0x108;
	_ =	swait.ge @!p0 [sflag:s8], $0x0  }
0x24: {  	s3 =	sadd.s32 $0x88, s3;
	s6 =	simm.s32 @!p1 $0x1082;
	[sflag:s4] =	ssyncset.s32 $0xFFFFF086  }
0x25: {  	[simem:s6], [sflag:s4] =	dma.local [hbm:s3], $0xF7A  }
0x26: {  	[smem:$0x3F93] =	sst s1;
	(tag) =	ssettag s2;
	_ =	strace s9  }
0x27: {  	s1 =	sld [smem:$0x3FA3]  }
0x28: {  	s2 =	sld [smem:$0x3FA4]  }
0x29: {  	s4 =	sld [smem:$0x3FA6]  }
0x2a: {  	p0 =	seq.s32 s5, $0x0;
	s5 =	sld [smem:$0x3FA7]  }
0x2b: {  	s6 =	sld [smem:$0x3FA8]  }
0x2c: {  	s7 =	sld [smem:$0x3FA9]  }
0x2d: {  	s3 =	simm.s32 $0x108;
	s8 =	sld [smem:$0x3FAA]  }
0x2e: {  	s3 =	simm.s32 @!p0 $0x1082;
	s9 =	sld [smem:$0x3FAB]  }
0x2f: {  	lr =	sadd.s32 s0, s3;
	s0 =	sld [smem:$0x3FA2]  }
0x30: {  	s3 =	sld [smem:$0x3FA5]  }
0x31: {  	[smem:$0x3FAE] =	sst s10  }
0x32: {  	s10 =	sld [smem:$0x3FAC];
	_ =	sdelay $0x3  }
0x33: {  	p0 =	seq.s32 s10, $0x1;
	s10 =	sld [smem:$0x3FAE];
	_ =	sdelay $0x3  }
0x34: {  	[smem:$0x3FAE] =	sst s10  }
0x35: {  	s10 =	sld [smem:$0x3FAD];
	_ =	sdelay $0x3  }
0x36: {  	p1 =	seq.s32 s10, $0x1;
	s10 =	sld [smem:$0x3FAE];
	_ =	sdelay $0x3  }
0x37: {  	[smem:$0x3FAE] =	sst s10  }
0x38: {  	s10 =	sld [smem:$0x3FAF]  }
0x39: {  	_ = 	snop;
	(pc) =	sbr.ind lr, $3  }
0x3a: {  	_ = 	snop  }
0x3b: {  	_ = 	snop  }
0x3c: {  	p2 =	seq.s32 s10, $0x1;
	s10 =	sld [smem:$0x3FAE]  }
0x3d: {  	_ =	shalt  }
0x3e: {  	_ =	shalt  }
0x3f: {  	_ =	shalt  }
0x40: {  	_ =	shalt  }
0x41: {  	_ =	shalt  }
0x42: {  	_ =	shalt  }
0x43: {  	_ =	shalt  }
0x44: {  	_ =	shalt  }
0x45: {  	_ =	shalt  }
0x46: {  	_ =	shalt  }
0x47: {  	_ =	shalt  }
0x48: {  	_ =	shalt  }
0x49: {  	_ =	shalt  }
0x4a: {  	_ =	shalt  }
0x4b: {  	_ =	shalt  }
0x4c: {  	_ =	shalt  }
0x4d: {  	_ =	shalt  }
0x4e: {  	_ =	shalt  }
0x4f: {  	_ =	shalt  }
0x50: {  	_ =	shalt  }
0x51: {  	_ =	shalt  }
0x52: {  	_ =	shalt  }
0x53: {  	_ =	shalt  }
0x54: {  	_ =	shalt  }
0x55: {  	_ =	shalt  }
0x56: {  	_ =	shalt  }
0x57: {  	_ =	shalt  }
0x58: {  	_ =	shalt  }
0x59: {  	_ =	shalt  }
0x5a: {  	_ =	shalt  }
0x5b: {  	_ =	shalt  }
0x5c: {  	_ =	shalt  }
0x5d: {  	_ =	shalt  }
0x5e: {  	_ =	shalt  }
0x5f: {  	_ =	shalt  }
0x60: {  	_ =	shalt  }
0x61: {  	_ =	shalt  }
0x62: {  	_ =	shalt  }
0x63: {  	_ =	shalt  }
0x64: {  	_ =	shalt  }
0x65: {  	_ =	shalt  }
0x66: {  	_ =	shalt  }
0x67: {  	_ =	shalt  }
0x68: {  	_ =	shalt  }
0x69: {  	_ =	shalt  }
0x6a: {  	_ =	shalt  }
0x6b: {  	_ =	shalt  }
0x6c: {  	_ =	shalt  }
0x6d: {  	_ =	shalt  }
0x6e: {  	_ =	shalt  }
0x6f: {  	_ =	shalt  }
0x70: {  	_ =	shalt  }
0x71: {  	_ =	shalt  }
0x72: {  	_ =	shalt  }
0x73: {  	_ =	shalt  }
0x74: {  	_ =	shalt  }
0x75: {  	_ =	shalt  }
0x76: {  	_ =	shalt  }
0x77: {  	_ =	shalt  }
0x78: {  	_ =	shalt  }
0x79: {  	_ =	shalt  }
0x7a: {  	_ =	shalt  }
0x7b: {  	_ =	shalt  }
0x7c: {  	_ =	shalt  }
0x7d: {  	_ =	shalt  }
0x7e: {  	_ =	shalt  }
0x7f: {  	_ =	shalt  }
0x80: {  	_ =	shalt  }
0x81: {  	_ =	shalt  }
0x82: {  	_ =	shalt  }
0x83: {  	_ =	shalt  }
0x84: {  	_ =	shalt  }
0x85: {  	_ =	shalt  }
0x86: {  	_ =	shalt  }
0x87: {  	_ =	shalt  }
.Lfunc_end0:
.L_simem_size_0:
called_computation.3_lowered:
.L_overlay_start_0:
0x88: {  	s2 =	sld [smem:$0x3FD9]  }
0x89: {  	s3 =	sld [smem:$0x3FFE];
	_ =	sdelay $0x1  }
0x8a: {  	s1 =	srdreg.scid  }
0x8b: {  	s0 =	sand.u32 $0x1, s1  }
0x8c: {  	s17 =	sshll.u32 s0, $0xA;
	s2 =	sadd.s32 s3, s2  }
0x8d: {  	s2 =	sadd.s32 s2, s17  }
0x8e: {  	[smem:$0x3FBA] =	sst s2  }
0x8f: {  	_ = 	snop  }
0x90: {  	s2 =	sld [smem:$0x3FD0];
	(tm) =	ssettm $0x1  }
0x91: {  	s18 =	sld [smem:$0x3FFB];
	_ =	sdelay $0x3  }
0x92: {  	_ =	strace s18  }
0x93: {  	s3 =	sld [smem:$0x3FFC];
	_ =	sdelay $0x3  }
0x94: {  	_ =	strace s3  }
0x95: {  	s3 =	sld [smem:$0x3FFD];
	_ =	sdelay $0x3  }
0x96: {  	_ =	strace s3  }
0x97: {  	_ =	strace $0x8FFFFFFF  }
0x98: {  	s19 =	sld [smem:$0x3FDB];
	_ =	sdelay $0x1  }
0x99: {  	s4 =	simm.s32 $_scs_section_size  }
0x9a: {  	s5 =	simm.s32 $_size__tile_overlayer_lowered;
	s6 =	simm.s32 $_tile_overlayer_lowered  }
0x9b: {  	s22 =	simm.s32 $0x1BFF;
	s21 =	sshll.u32 s6, $0x1;
	s3 =	sadd.s32 s4, s19  }
0x9c: {  	s7 =	simm.s32 $0x0;
	s20 =	sshll.u32 s5, $0x1;
	s5 =	sadd.s32 s21, s3  }
0x9d: {  	[timem:s7], [sflag:s22] =	dma.local [hbm:s5], s20  }
0x9e: {  	_ =	swait.ge [sflag:s22], s20  }
0x9f: {  	s4 =	ssub.s32 $0x0, s20;
	[sflag:s22] =	ssyncset.done $0x0  }
0xa0: {  	[sflag:s22] =	ssyncadd.s32 s4;
	_ =	sdelay $0x1  }
0xa1: {  	s23 =	simm.s32 $0x1B8B  }
0xa2: {  	_ =	swait.ge [sflag:s23], $0x1  }
0xa3: {  	[sflag:s23] =	ssyncset.done $0x0  }
0xa4: {  	s25 =	simm.s32 $0x1B8E;
	s24 =	sld [smem:$0x3FFE];
	[sflag:s23] =	ssyncadd.s32 $0xFFFFFFFF  }
0xa5: {  	s26 =	simm.s32 $execute0_lowered;
	[smem:$0x3FD2] =	sst s25  }
0xa6: {  	s5 =	sshll.u32 s26, $0x1;
	_ =	strace $0x8000004F;
	[dreg:$0x1] =	wrdreg $0xFFFFFFFF  }
0xa7: {  	s28 =	simm.s32 $_size_execute0_lowered;
	s3 =	sadd.s32 s3, s5;
	[dreg:$0x0] =	wrdreg $0x0  }
0xa8: {  	s5 =	sshll.u32 s28, $0x1;
	[dreg:$0x2] =	wrdreg s3  }
0xa9: {  	[dreg:$0x3] =	wrdreg s5  }
0xaa: {  	[dreg:$0x4] =	wrdreg $0xC0  }
0xab: {  	_ =	task [dreg:s7], $0x5FFFF  }
0xac: {  	[dreg:$0x1] =	wrdreg $0xFFFFFFFF  }
0xad: {  	[dreg:$0x0] =	wrdreg $0x60  }
0xae: {  	[dreg:$0x2] =	wrdreg s24  }
0xaf: {  	[dreg:$0x3] =	wrdreg s2  }
0xb0: {  	[dreg:$0x4] =	wrdreg $0xA0000  }
0xb1: {  	[dreg:$0x5] =	wrdreg $0x0  }
0xb2: {  	[dreg:$0x6] =	wrdreg $0x9  }
0xb3: {  	_ =	task.clear_ibuf [dreg:s7], $0x7FFFF;
	_ =	strace $0x9000004F  }
0xb4: {  	s29 =	simm.s32 $0x9;
	_ =	strace $0x80000051  }
0xb5: {  	_ =	swait.ge [sflag:s29], $0x1  }
0xb6: {  	[sflag:s29] =	ssyncadd.s32 $0xFFFFFFFF  }
0xb7: {  	_ =	strace $0x90000051  }
0xb8: {  	_ =	sfence  }
0xb9: {  	s30 =	sld [smem:$0x0];
	_ =	sdelay $0x2  }
0xba: {  	s31 =	sshll.u32 s1, $0xD;
	s1 =	sshrl.u32 s1, $0x2  }
0xbb: {  	s3 =	sand.u32 $0x4000, s31;
	s1 =	sadd.s32 s1, s30  }
0xbc: {  	s0 =	sor.u32 s3, s0;
	s1 =	sshll.u32 s1, $0x11  }
0xbd: {  	s0 =	sor.u32 s1, s0  }
0xbe: {  	s0 =	sadd.s32 $0x8F2B, s0  }
0xbf: {  	[sflag:s0] =	ssyncadd.remote.s32 $0x1  }
0xc0: {  	_ =	sfence.sel $0xFFFF  }
0xc1: {  	[dreg:$0x0] =	wrdreg $0xFFFFFFFF;
	(pc) =	sbr.abs _section_cstart, $3  }
0xc2: {  	[dreg:$0x1] =	wrdreg $0xFFFFFFFF  }
0xc3: {  	_ =	task.clear_ibuf [dreg:s7], $0x2FFFF;
	_ =	strace $0x9FFFFFFF  }
0xc4: {  	(tm) =	ssettm $0x7FFFFFFF  }
0xc5: {  	_ =	shalt  }
tec
execute0_lowered:
.L_overlay_start_1:
0x0: {  	(tag) =	ssettag $0x1  }
0x1: {  	s0 =	rddreg [dreg:$0x0]  }
0x2: {  	s2 =	rddreg [dreg:$0x1]  }
0x3: {  	s3 =	rddreg [dreg:$0x2]  }
0x4: {  	s1 =	srdreg.scid;
	s4 =	rddreg [dreg:$0x3]  }
0x5: {  	s5 =	stileid.u32;
	s8 =	simm.s32 $0x0;
	s13 =	simm.s32 $0x5  }
0x6: {  	s28 =	simm.s32 $0x1B000;
	s29 =	simm.s32 $0x1;
	s30 =	simm.s32 $0x2  }
0x7: {  	s31 =	simm.s32 $0x3;
	s1 =	sand.u32 $0x1, s1;
	s10 =	smul.u32 $0xA000, s5  }
0x8: {  	[smem:$0x7FF] =	sst s8;
	s12 =	smul.u32 $0x28000, s5;
	s15 =	sadd.s32 $0x96000, s3  }
0x9: {  	p0 =	seq.s32 s5, $0xF;
	s26 =	sshll.u32 s5, $0x6;
	s6 =	sshll.u32 s1, $0x4  }
0xa: {  	s7 =	smul.u32 $0xA0000, s1;
	_ =	strace $0x80000050;
	s1 =	ssub.s32 $0x2, s1  }
0xb: {  	s15 =	sshrl.u32 @p0 s15, $0x3;
	s18 =	sor.u32 $0x1C05, s26;
	s26 =	simm.s32 $0x0  }
0xc: {  	s6 =	sor.u32 s5, s6;
	s22 =	sshrl.u32 s10, $0x3;
	s24 =	sshrl.u32 s1, $0x1  }
0xd: {  	s14 =	sadd.s32 s10, s3;
	s12 =	sshrl.u32 s12, $0x2;
	s19 =	sadd.s32 s10, s4  }
0xe: {  	s6 =	smul.u32 $0x500, s6;
	s8 =	sadd.s32 s22, s0;
	s7 =	sadd.s32 s10, s7  }
0xf: {  	s1 =	ssub.s32 s1, s24;
	s25 =	sadd.s32 s12, s4;
	s12 =	simm.s32 $0x14000  }
0x10: {  	s17 =	sshrl.u32 @!p0 s14, $0x3;
	s19 =	sshrl.u32 s19, $0x3;
	s24 =	simm.s32 $0x80  }
0x11: {  	s23 =	sshrl.u32 s7, $0x3;
	s8 =	sadd.s32 $0x21E00, s8;
	s20 =	sadd.s32 $0x2000, s25  }
0x12: {  	s21 =	sadd.s32 $0x4000, s25;
	s22 =	sadd.s32 $0x6000, s25;
	s9 =	sadd.s32 s6, s0  }
0x13: {  	s11 =	sadd.s32 s23, s0;
	s20 =	sshrl.u32 s20, $0x3;
	s21 =	sshrl.u32 s21, $0x3  }
0x14: {  	s22 =	sshrl.u32 s22, $0x3;
	s6 =	sadd.s32 $0x17E00, s9;
	s7 =	sadd.s32 $0x3C00, s9  }
0x15: {  	s9 =	sadd.s32 $0x34A00, s0;
	s0 =	sadd.s32 $0x8000, s25;
	s10 =	sadd.s32 $0x35800, s11  }
0x16: {  	s11 =	smax.u32 s1, $0x1;
	s1 =	sshll.u32 @!p0 s5, $0x6;
	s25 =	simm.s32 $0x19000  }
0x17: {  	s16 =	sor.u32 @!p0 $0x1C05, s1;
	s23 =	sshrl.u32 s0, $0x3;
	s0 =	simm.s32 $0x4  }
.LBB2_1:
0x18: {  	s1 =	simm.s32 $0x0  }
0x19: {  	[tilespmem:s12], [sflag:$0x5] =	stream.linear.gather [hbm4b:s6+s1], $0x2800, $0x38;
	[tilespmem:$0x1D000] =	vst v63  }
0x1a: {  	_ =	swait.ge [sflag:s13], $0x2800  }
0x1b: {  	[sflag:s13] =	ssyncset.done $0x0  }
0x1c: {  	s5 =	simm.s32 $0x16800;
	[sflag:s13] =	ssyncadd.s32 $0xFFFFD800  }
0x1d: {  	[tilespmem:s5], [sflag:$0x5] =	stream.linear.gather [hbm4b:s7+s1], $0x2800, $0x38;
	[tilespmem:$0x1D000] =	vst v63  }
0x1e: {  	_ =	swait.ge [sflag:s13], $0x2800  }
0x1f: {  	[sflag:s13] =	ssyncset.done $0x0  }
0x20: {  	s1 =	simm.s32 @p0 $0x1FC5;
	[sflag:s13] =	ssyncadd.s32 $0xFFFFD800  }
0x21: {  	[spmem:s15], [sflag:s1] =	dma.local @p0 [hbm:s9], $0xC80  }
0x22: {  	s1 =	simm.s32 @p0 $0x5  }
0x23: {  	_ =	swait.ge @p0 [sflag:s1], $0xC80  }
0x24: {  	[sflag:s1] =	ssyncset.done @p0 $0x0  }
0x25: {  	[sflag:s1] =	ssyncadd.s32 @p0 $0xFFFFF380;
	s1 =	simm.s32 @!p0 $0x5  }
0x26: {  	[spmem:s17], [sflag:s16] =	dma.local @!p0 [hbm:s8], $0x1400  }
0x27: {  	_ =	swait.ge @!p0 [sflag:s1], $0x1400  }
0x28: {  	[sflag:s1] =	ssyncset.done @!p0 $0x0  }
0x29: {  	[sflag:s1] =	ssyncadd.s32 @!p0 $0xFFFFEC00  }
0x2a: {  	[spmem:s19], [sflag:s18] =	dma.local [hbm:s2], $0x400  }
0x2b: {  	_ =	swait.ge [sflag:s13], $0x400  }
0x2c: {  	[sflag:s13] =	ssyncset.done $0x0  }
0x2d: {  	[sflag:s13] =	ssyncadd.s32 $0xFFFFFC00  }
0x2e: {  	[spmem:s20], [sflag:s18] =	dma.local [hbm:s2], $0x400  }
0x2f: {  	_ =	swait.ge [sflag:s13], $0x400  }
0x30: {  	[sflag:s13] =	ssyncset.done $0x0  }
0x31: {  	[sflag:s13] =	ssyncadd.s32 $0xFFFFFC00  }
0x32: {  	[spmem:s21], [sflag:s18] =	dma.local [hbm:s2], $0x400  }
0x33: {  	_ =	swait.ge [sflag:s13], $0x400  }
0x34: {  	[sflag:s13] =	ssyncset.done $0x0  }
0x35: {  	[sflag:s13] =	ssyncadd.s32 $0xFFFFFC00  }
0x36: {  	[spmem:s22], [sflag:s18] =	dma.local [hbm:s2], $0x400  }
0x37: {  	_ =	swait.ge [sflag:s13], $0x400  }
0x38: {  	[sflag:s13] =	ssyncset.done $0x0  }
0x39: {  	[sflag:s13] =	ssyncadd.s32 $0xFFFFFC00  }
0x3a: {  	[spmem:s23], [sflag:s18] =	dma.local [hbm:s2], $0x400  }
0x3b: {  	_ =	swait.ge [sflag:s13], $0x400  }
0x3c: {  	[sflag:s13] =	ssyncset.done $0x0  }
0x3d: {  	[sflag:s13] =	ssyncadd.s32 $0xFFFFFC00  }
0x3e: {  	[bflag:$0x0] =	sbarrier.arrive $0xFFFF  }
0x3f: {  	[tilespmem:s25], [sflag:$0x1] =	stream.indirect.gather [spmem:s3], $0x40, s12, s24, $0xb8;
	[tilespmem:$0x1D000] =	vst v63  }
0x40: {  	s5 =	simm.s32 $0x14080  }
0x41: {  	[tilespmem:s28], [sflag:$0x2] =	stream.indirect.gather [spmem:s3], $0x40, s5, s24, $0xb8;
	[tilespmem:$0x1D000] =	vst v63  }
0x42: {  	_ =	swait.ge [sflag:s29], $0x2000  }
0x43: {  	[sflag:s29] =	ssyncset.done $0x0  }
0x44: {  	s14 =	simm.s32 $0x16800;
	[sflag:s29] =	ssyncadd.s32 $0xFFFFE000  }
0x45: {  	[spmem:s4] =	stream.indirect.scatter.add.f32 [tilespmem:s25], [sflag:$0x3], $0x40, s14, s24, $0xb8;
	[tilespmem:$0x1D000] =	vst v63  }
0x46: {  	_ =	swait.ge [sflag:s30], $0x2000  }
0x47: {  	[sflag:s30] =	ssyncset.done $0x0  }
0x48: {  	s5 =	simm.s32 $0x16880;
	[sflag:s30] =	ssyncadd.s32 $0xFFFFE000  }
0x49: {  	[spmem:s4] =	stream.indirect.scatter.add.f32 [tilespmem:s28], [sflag:$0x4], $0x40, s5, s24, $0xb8;
	[tilespmem:$0x1D000] =	vst v63  }
0x4a: {  	_ =	swait.ge [sflag:s31], $0x2000  }
0x4b: {  	[sflag:s31] =	ssyncset.done $0x0  }
0x4c: {  	s14 =	simm.s32 $0x14100;
	[sflag:s31] =	ssyncadd.s32 $0xFFFFE000  }
0x4d: {  	[tilespmem:s25], [sflag:$0x1] =	stream.indirect.gather [spmem:s3], $0x40, s14, s24, $0xb8;
	[tilespmem:$0x1D000] =	vst v63  }
0x4e: {  	_ =	swait.ge [sflag:s0], $0x2000  }
0x4f: {  	[sflag:s0] =	ssyncset.done $0x0  }
0x50: {  	s1 =	simm.s32 $0x400;
	s14 =	simm.s32 $0x14180;
	[sflag:s0] =	ssyncadd.s32 $0xFFFFE000  }
.LBB2_2:
0x51: {  	[tilespmem:s28], [sflag:$0x2] =	stream.indirect.gather [spmem:s3], $0x40, s14, s24, $0xb8;
	[tilespmem:$0x1D000] =	vst v63  }
0x52: {  	s14 =	smov.u32 s1  }
0x53: {  	p1 =	sne.s32 s1, $0x9800;
	s1 =	sadd.s32 $0x400, s1;
	_ =	swait.ge [sflag:s29], $0x2000  }
0x54: {  	s14 =	sshra.s32 s14, $0x2;
	[sflag:s29] =	ssyncset.done $0x0  }
0x55: {  	s5 =	sadd.s32 $0x16800, s14;
	[sflag:s29] =	ssyncadd.s32 $0xFFFFE000  }
0x56: {  	[spmem:s4] =	stream.indirect.scatter.add.f32 [tilespmem:s25], [sflag:$0x3], $0x40, s5, s24, $0xb8;
	[tilespmem:$0x1D000] =	vst v63  }
0x57: {  	_ =	swait.ge [sflag:s30], $0x2000  }
0x58: {  	[sflag:s30] =	ssyncset.done $0x0  }
0x59: {  	s5 =	sadd.s32 $0x16880, s14;
	[sflag:s30] =	ssyncadd.s32 $0xFFFFE000  }
0x5a: {  	[spmem:s4] =	stream.indirect.scatter.add.f32 [tilespmem:s28], [sflag:$0x4], $0x40, s5, s24, $0xb8;
	[tilespmem:$0x1D000] =	vst v63  }
0x5b: {  	_ =	swait.ge [sflag:s31], $0x2000  }
0x5c: {  	[sflag:s31] =	ssyncset.done $0x0  }
.Ltmp0:
0x5d: {  	s5 =	sadd.s32 $0x14100, s14;
	[sflag:s31] =	ssyncadd.s32 $0xFFFFE000;
	(pc) =	sbr.rel @p1 .LBB2_2-.Ltmp0, $4  }
0x5e: {  	[tilespmem:s25], [sflag:$0x1] =	stream.indirect.gather [spmem:s3], $0x40, s5, s24, $0xb8;
	[tilespmem:$0x1D000] =	vst v63  }
0x5f: {  	_ =	swait.ge [sflag:s0], $0x2000  }
0x60: {  	[sflag:s0] =	ssyncset.done $0x0  }
0x61: {  	s14 =	sadd.s32 $0x14180, s14;
	[sflag:s0] =	ssyncadd.s32 $0xFFFFE000  }
0x62: {  	[tilespmem:s28], [sflag:$0x2] =	stream.indirect.gather [spmem:s3], $0x40, s14, s24, $0xb8;
	[tilespmem:$0x1D000] =	vst v63  }
0x63: {  	_ =	swait.ge [sflag:s29], $0x2000  }
0x64: {  	[sflag:s29] =	ssyncset.done $0x0  }
0x65: {  	s1 =	simm.s32 $0x18F00;
	[sflag:s29] =	ssyncadd.s32 $0xFFFFE000  }
0x66: {  	[spmem:s4] =	stream.indirect.scatter.add.f32 [tilespmem:s25], [sflag:$0x3], $0x40, s1, s24, $0xb8;
	[tilespmem:$0x1D000] =	vst v63  }
0x67: {  	_ =	swait.ge [sflag:s30], $0x2000  }
0x68: {  	[sflag:s30] =	ssyncset.done $0x0  }
0x69: {  	s14 =	simm.s32 $0x18F80;
	[sflag:s30] =	ssyncadd.s32 $0xFFFFE000  }
0x6a: {  	[spmem:s4] =	stream.indirect.scatter.add.f32 [tilespmem:s28], [sflag:$0x4], $0x40, s14, s24, $0xb8;
	[tilespmem:$0x1D000] =	vst v63  }
0x6b: {  	_ =	swait.ge [sflag:s31], $0x2000  }
0x6c: {  	[sflag:s31] =	ssyncset.done $0x0  }
0x6d: {  	[sflag:s31] =	ssyncadd.s32 $0xFFFFE000  }
0x6e: {  	_ =	swait.ge [sflag:s0], $0x2000  }
0x6f: {  	s26 =	sadd.s32 $0x1, s26;
	[sflag:s0] =	ssyncset.done $0x0  }
0x70: {  	p1 =	sne.s32 s26, s11;
	[sflag:s0] =	ssyncadd.s32 $0xFFFFE000  }
.Ltmp1:
0x71: {  	[bflag:$0x0] =	sbarrier.arrive $0xFFFF;
	(pc) =	sbr.rel @p1 .LBB2_1-.Ltmp1, $4  }
0x72: {  	[hbm:s10], [sflag:s18] =	dma.local [spmem:s19], $0x1400  }
0x73: {  	_ =	swait.ge [sflag:s13], $0x1400  }
0x74: {  	[sflag:s13] =	ssyncset.done $0x0  }
0x75: {  	[sflag:s13] =	ssyncadd.s32 $0xFFFFEC00  }
0x76: {  	_ =	sfence.sel $0x180000  }
0x77: {  	[bflag:$0x0] =	sbarrier.arrive $0xFFFF  }
0x78: {  	_ =	strace $0x90000050  }
0x79: {  	s0 =	stileid.u32;
	[bflag:$0x2] =	sbarrier.arrive $0xFFFF  }
0x7a: {  	p0 =	sne.s32 s0, $0x0;
	s0 =	rddreg [dreg:$0x4]  }
0x7b: {  	s0 =	sadd.s32 @!p0 $0x100000, s0  }
0x7c: {  	[sflag:s0] =	ssyncadd.tile.s32 @!p0 $0x1;
	_ =	shalt  }
.Lfunc_end2:
_tile_overlayer_lowered:
.L_overlay_start_2:
0x7d: {  	(tag) =	ssettag $0x2  }
0x7e: {  	s0 =	rddreg [dreg:$0x0];
	s2 =	stileid.u32  }
0x7f: {  	s1 =	rddreg [dreg:$0x1];
	p0 =	sne.s32 s2, $0x0  }
0x80: {  	s3 =	rddreg [dreg:$0x2];
	[bflag:$0x3] =	sbarrier.arrive $0xFFFF;
	s2 =	simm.s32 @!p0 $0x1C05  }
0x81: {  	[timem:s3], [sflag:s2] =	dma.local @!p0 [hbm:s0], s1  }
0x82: {  	s0 =	simm.s32 @!p0 $0x5  }
0x83: {  	_ =	swait.ge @!p0 [sflag:s0], s1  }
0x84: {  	s1 =	ssub.s32 @!p0 $0x0, s1;
	[sflag:s0] =	ssyncset.done @!p0 $0x0  }
0x85: {  	[sflag:s0] =	ssyncadd.s32 @!p0 s1  }
0x86: {  	[bflag:$0x3] =	sbarrier.arrive $0xFFFF  }
0x87: {  	_ =	shalt  }

// kernel: kernel.24.cloned.1.call-start
scs
__scs_entry_jumppad:
0x0: {  	(pc) =	sbr.rel $0x88, $3  }
0x1: {  	(tag) =	ssettag $0x0;
	lr =	simm.s32 $0x1  }
0x2: {  	[smem:$0x3F93] =	sst lr;
	_ =	strace $0xD0000000  }
0x3: {  	_ = 	snop  }
0x4: {  	_ = 	snop  }
0x5: {  	_ = 	snop  }
0x6: {  	_ = 	snop  }
0x7: {  	_ = 	snop  }
__scs_overlays_trampoline_lowered:
0x8: {  	[smem:$0x3FA2] =	sst s0  }
0x9: {  	[smem:$0x3FA3] =	sst s1  }
0xa: {  	[smem:$0x3FA4] =	sst s2  }
0xb: {  	[smem:$0x3FA5] =	sst s3  }
0xc: {  	[smem:$0x3FA6] =	sst s4  }
0xd: {  	[smem:$0x3FA7] =	sst s5  }
0xe: {  	[smem:$0x3FA8] =	sst s6  }
0xf: {  	[smem:$0x3FA9] =	sst s7  }
0x10: {  	[smem:$0x3FAA] =	sst s8  }
0x11: {  	[smem:$0x3FAB] =	sst s9;
	s0 =	simm.s32 @!p0 $0x0  }
0x12: {  	s1 =	sld [smem:$0x3F91];
	s0 =	simm.s32 @p0 $0x1  }
0x13: {  	[smem:$0x3FAC] =	sst s0;
	s0 =	simm.s32 @!p1 $0x0  }
0x14: {  	s2 =	sld [smem:$0x3F90];
	s0 =	simm.s32 @p1 $0x1  }
0x15: {  	[smem:$0x3FAD] =	sst s0;
	s0 =	simm.s32 @!p2 $0x0  }
0x16: {  	s3 =	sld [smem:$0x3FDB];
	s0 =	simm.s32 @p2 $0x1  }
0x17: {  	s4 =	simm.s32 $0x1BF5;
	[smem:$0x3FAF] =	sst s0  }
0x18: {  	s0 =	sld [smem:$0x3F92];
	_ =	swait.ge [sflag:s4], $0x0  }
0x19: {  	s7 =	sld [smem:$0x3F93]  }
0x1a: {  	s8 =	sadd.s32 $0xFFFFE003, lr  }
0x1b: {  	s9 =	sadd.s32 $0xFFFFFEF7, lr;
	s5 =	simm.s32 $0xFFFFFFFF;
	p2 =	slt.u32 s8, $0xFFFFF086  }
0x1c: {  	p1 =	slt.u32 s9, $0xF7A;
	s5 =	simm.s32 @!p2 $0x0  }
0x1d: {  	s5 =	simm.s32 @p1 $0x1;
	p0 =	seq.s32 s7, s2  }
0x1e: {  	s7 =	smul.u32 @!p0 $0xF7A, s2;
	p2 =	seq.s32 @!p0 s5, $0x0  }
0x1f: {  	s9 =	smul.u32 $0xF7A, s1;
	s8 =	simm.s32 @!p0 $0x1BF5;
	p2 =	por !p2, p0  }
0x20: {  	[sflag:s8] =	ssyncset.s32 @!p0 $0xFFFFF086;
	s6 =	sadd.s32 @!p0 s3, s7;
	s7 =	simm.s32 @!p0 $0x108  }
0x21: {  	s3 =	sadd.s32 s3, s9;
	s6 =	sadd.s32 @!p0 $0x88, s6;
	s7 =	simm.s32 @p2 $0x1082  }
0x22: {  	[simem:s7], [sflag:s8] =	dma.local @!p0 [hbm:s6], $0xF7A  }
0x23: {  	s9 =	sor.u32 $0xD0000000, s2;
	s6 =	simm.s32 $0x108;
	_ =	swait.ge @!p0 [sflag:s8], $0x0  }
0x24: {  	s3 =	sadd.s32 $0x88, s3;
	s6 =	simm.s32 @!p1 $0x1082;
	[sflag:s4] =	ssyncset.s32 $0xFFFFF086  }
0x25: {  	[simem:s6], [sflag:s4] =	dma.local [hbm:s3], $0xF7A  }
0x26: {  	[smem:$0x3F93] =	sst s1;
	(tag) =	ssettag s2;
	_ =	strace s9  }
0x27: {  	s1 =	sld [smem:$0x3FA3]  }
0x28: {  	s2 =	sld [smem:$0x3FA4]  }
0x29: {  	s4 =	sld [smem:$0x3FA6]  }
0x2a: {  	p0 =	seq.s32 s5, $0x0;
	s5 =	sld [smem:$0x3FA7]  }
0x2b: {  	s6 =	sld [smem:$0x3FA8]  }
0x2c: {  	s7 =	sld [smem:$0x3FA9]  }
0x2d: {  	s3 =	simm.s32 $0x108;
	s8 =	sld [smem:$0x3FAA]  }
0x2e: {  	s3 =	simm.s32 @!p0 $0x1082;
	s9 =	sld [smem:$0x3FAB]  }
0x2f: {  	lr =	sadd.s32 s0, s3;
	s0 =	sld [smem:$0x3FA2]  }
0x30: {  	s3 =	sld [smem:$0x3FA5]  }
0x31: {  	[smem:$0x3FAE] =	sst s10  }
0x32: {  	s10 =	sld [smem:$0x3FAC];
	_ =	sdelay $0x3  }
0x33: {  	p0 =	seq.s32 s10, $0x1;
	s10 =	sld [smem:$0x3FAE];
	_ =	sdelay $0x3  }
0x34: {  	[smem:$0x3FAE] =	sst s10  }
0x35: {  	s10 =	sld [smem:$0x3FAD];
	_ =	sdelay $0x3  }
0x36: {  	p1 =	seq.s32 s10, $0x1;
	s10 =	sld [smem:$0x3FAE];
	_ =	sdelay $0x3  }
0x37: {  	[smem:$0x3FAE] =	sst s10  }
0x38: {  	s10 =	sld [smem:$0x3FAF]  }
0x39: {  	_ = 	snop;
	(pc) =	sbr.ind lr, $3  }
0x3a: {  	_ = 	snop  }
0x3b: {  	_ = 	snop  }
0x3c: {  	p2 =	seq.s32 s10, $0x1;
	s10 =	sld [smem:$0x3FAE]  }
0x3d: {  	_ =	shalt  }
0x3e: {  	_ =	shalt  }
0x3f: {  	_ =	shalt  }
0x40: {  	_ =	shalt  }
0x41: {  	_ =	shalt  }
0x42: {  	_ =	shalt  }
0x43: {  	_ =	shalt  }
0x44: {  	_ =	shalt  }
0x45: {  	_ =	shalt  }
0x46: {  	_ =	shalt  }
0x47: {  	_ =	shalt  }
0x48: {  	_ =	shalt  }
0x49: {  	_ =	shalt  }
0x4a: {  	_ =	shalt  }
0x4b: {  	_ =	shalt  }
0x4c: {  	_ =	shalt  }
0x4d: {  	_ =	shalt  }
0x4e: {  	_ =	shalt  }
0x4f: {  	_ =	shalt  }
0x50: {  	_ =	shalt  }
0x51: {  	_ =	shalt  }
0x52: {  	_ =	shalt  }
0x53: {  	_ =	shalt  }
0x54: {  	_ =	shalt  }
0x55: {  	_ =	shalt  }
0x56: {  	_ =	shalt  }
0x57: {  	_ =	shalt  }
0x58: {  	_ =	shalt  }
0x59: {  	_ =	shalt  }
0x5a: {  	_ =	shalt  }
0x5b: {  	_ =	shalt  }
0x5c: {  	_ =	shalt  }
0x5d: {  	_ =	shalt  }
0x5e: {  	_ =	shalt  }
0x5f: {  	_ =	shalt  }
0x60: {  	_ =	shalt  }
0x61: {  	_ =	shalt  }
0x62: {  	_ =	shalt  }
0x63: {  	_ =	shalt  }
0x64: {  	_ =	shalt  }
0x65: {  	_ =	shalt  }
0x66: {  	_ =	shalt  }
0x67: {  	_ =	shalt  }
0x68: {  	_ =	shalt  }
0x69: {  	_ =	shalt  }
0x6a: {  	_ =	shalt  }
0x6b: {  	_ =	shalt  }
0x6c: {  	_ =	shalt  }
0x6d: {  	_ =	shalt  }
0x6e: {  	_ =	shalt  }
0x6f: {  	_ =	shalt  }
0x70: {  	_ =	shalt  }
0x71: {  	_ =	shalt  }
0x72: {  	_ =	shalt  }
0x73: {  	_ =	shalt  }
0x74: {  	_ =	shalt  }
0x75: {  	_ =	shalt  }
0x76: {  	_ =	shalt  }
0x77: {  	_ =	shalt  }
0x78: {  	_ =	shalt  }
0x79: {  	_ =	shalt  }
0x7a: {  	_ =	shalt  }
0x7b: {  	_ =	shalt  }
0x7c: {  	_ =	shalt  }
0x7d: {  	_ =	shalt  }
0x7e: {  	_ =	shalt  }
0x7f: {  	_ =	shalt  }
0x80: {  	_ =	shalt  }
0x81: {  	_ =	shalt  }
0x82: {  	_ =	shalt  }
0x83: {  	_ =	shalt  }
0x84: {  	_ =	shalt  }
0x85: {  	_ =	shalt  }
0x86: {  	_ =	shalt  }
0x87: {  	_ =	shalt  }
.Lfunc_end0:
.L_simem_size_0:
called_computation.4_lowered:
.L_overlay_start_0:
0x88: {  	s2 =	sld [smem:$0x3FD9]  }
0x89: {  	s3 =	sld [smem:$0x3FFE];
	_ =	sdelay $0x1  }
0x8a: {  	s1 =	srdreg.scid  }
0x8b: {  	s0 =	sand.u32 $0x1, s1  }
0x8c: {  	s17 =	sshll.u32 s0, $0xA;
	s2 =	sadd.s32 s3, s2  }
0x8d: {  	s2 =	sadd.s32 s2, s17  }
0x8e: {  	[smem:$0x3FBA] =	sst s2  }
0x8f: {  	_ = 	snop  }
0x90: {  	s2 =	sld [smem:$0x3FD0];
	(tm) =	ssettm $0x1  }
0x91: {  	s18 =	sld [smem:$0x3FFB];
	_ =	sdelay $0x3  }
0x92: {  	_ =	strace s18  }
0x93: {  	s3 =	sld [smem:$0x3FFC];
	_ =	sdelay $0x3  }
0x94: {  	_ =	strace s3  }
0x95: {  	s3 =	sld [smem:$0x3FFD];
	_ =	sdelay $0x3  }
0x96: {  	_ =	strace s3  }
0x97: {  	_ =	strace $0x8FFFFFFF  }
0x98: {  	s19 =	sld [smem:$0x3FDB];
	_ =	sdelay $0x1  }
0x99: {  	s4 =	simm.s32 $_scs_section_size  }
0x9a: {  	s5 =	simm.s32 $_size__tile_overlayer_lowered;
	s6 =	simm.s32 $_tile_overlayer_lowered  }
0x9b: {  	s22 =	simm.s32 $0x1BFF;
	s21 =	sshll.u32 s6, $0x1;
	s3 =	sadd.s32 s4, s19  }
0x9c: {  	s7 =	simm.s32 $0x0;
	s20 =	sshll.u32 s5, $0x1;
	s5 =	sadd.s32 s21, s3  }
0x9d: {  	[timem:s7], [sflag:s22] =	dma.local [hbm:s5], s20  }
0x9e: {  	_ =	swait.ge [sflag:s22], s20  }
0x9f: {  	s4 =	ssub.s32 $0x0, s20;
	[sflag:s22] =	ssyncset.done $0x0  }
0xa0: {  	[sflag:s22] =	ssyncadd.s32 s4;
	_ =	sdelay $0x1  }
0xa1: {  	s23 =	simm.s32 $0x1B8B  }
0xa2: {  	_ =	swait.ge [sflag:s23], $0x1  }
0xa3: {  	[sflag:s23] =	ssyncset.done $0x0  }
0xa4: {  	s25 =	simm.s32 $0x1B8E;
	s24 =	sld [smem:$0x3FFE];
	[sflag:s23] =	ssyncadd.s32 $0xFFFFFFFF  }
0xa5: {  	s26 =	simm.s32 $execute0_lowered;
	[smem:$0x3FD2] =	sst s25  }
0xa6: {  	s5 =	sshll.u32 s26, $0x1;
	_ =	strace $0x80000052;
	[dreg:$0x1] =	wrdreg $0xFFFFFFFF  }
0xa7: {  	s28 =	simm.s32 $_size_execute0_lowered;
	s3 =	sadd.s32 s3, s5;
	[dreg:$0x0] =	wrdreg $0x0  }
0xa8: {  	s5 =	sshll.u32 s28, $0x1;
	[dreg:$0x2] =	wrdreg s3  }
0xa9: {  	[dreg:$0x3] =	wrdreg s5  }
0xaa: {  	[dreg:$0x4] =	wrdreg $0xC0  }
0xab: {  	_ =	task [dreg:s7], $0x5FFFF  }
0xac: {  	[dreg:$0x1] =	wrdreg $0xFFFFFFFF  }
0xad: {  	[dreg:$0x0] =	wrdreg $0x60  }
0xae: {  	[dreg:$0x2] =	wrdreg s24  }
0xaf: {  	[dreg:$0x3] =	wrdreg s2  }
0xb0: {  	[dreg:$0x4] =	wrdreg $0xA0000  }
0xb1: {  	[dreg:$0x5] =	wrdreg $0x0  }
0xb2: {  	[dreg:$0x6] =	wrdreg $0x9  }
0xb3: {  	_ =	task.clear_ibuf [dreg:s7], $0x7FFFF;
	_ =	strace $0x90000052  }
0xb4: {  	s29 =	simm.s32 $0x9;
	_ =	strace $0x80000054  }
0xb5: {  	_ =	swait.ge [sflag:s29], $0x1  }
0xb6: {  	[sflag:s29] =	ssyncadd.s32 $0xFFFFFFFF  }
0xb7: {  	_ =	strace $0x90000054  }
0xb8: {  	_ =	sfence  }
0xb9: {  	s30 =	sld [smem:$0x0];
	_ =	sdelay $0x2  }
0xba: {  	s31 =	sshll.u32 s1, $0xD;
	s1 =	sshrl.u32 s1, $0x2  }
0xbb: {  	s3 =	sand.u32 $0x4000, s31;
	s1 =	sadd.s32 s1, s30  }
0xbc: {  	s0 =	sor.u32 s3, s0;
	s1 =	sshll.u32 s1, $0x11  }
0xbd: {  	s0 =	sor.u32 s1, s0  }
0xbe: {  	s0 =	sadd.s32 $0x8F2B, s0  }
0xbf: {  	[sflag:s0] =	ssyncadd.remote.s32 $0x1  }
0xc0: {  	_ =	sfence.sel $0xFFFF  }
0xc1: {  	[dreg:$0x0] =	wrdreg $0xFFFFFFFF;
	(pc) =	sbr.abs _section_cstart, $3  }
0xc2: {  	[dreg:$0x1] =	wrdreg $0xFFFFFFFF  }
0xc3: {  	_ =	task.clear_ibuf [dreg:s7], $0x2FFFF;
	_ =	strace $0x9FFFFFFF  }
0xc4: {  	(tm) =	ssettm $0x7FFFFFFF  }
0xc5: {  	_ =	shalt  }
tec
execute0_lowered:
.L_overlay_start_1:
0x0: {  	(tag) =	ssettag $0x1  }
0x1: {  	s0 =	rddreg [dreg:$0x0]  }
0x2: {  	s2 =	rddreg [dreg:$0x1]  }
0x3: {  	s3 =	rddreg [dreg:$0x2]  }
0x4: {  	s1 =	srdreg.scid;
	s4 =	rddreg [dreg:$0x3]  }
0x5: {  	s5 =	stileid.u32;
	s8 =	simm.s32 $0x0;
	s13 =	simm.s32 $0x5  }
0x6: {  	s28 =	simm.s32 $0x1B000;
	s29 =	simm.s32 $0x1;
	s30 =	simm.s32 $0x2  }
0x7: {  	s31 =	simm.s32 $0x3;
	s1 =	sand.u32 $0x1, s1;
	s10 =	smul.u32 $0xA000, s5  }
0x8: {  	[smem:$0x7FF] =	sst s8;
	s12 =	smul.u32 $0x28000, s5;
	s15 =	sadd.s32 $0x96000, s3  }
0x9: {  	p0 =	seq.s32 s5, $0xF;
	s26 =	sshll.u32 s5, $0x6;
	s6 =	sshll.u32 s1, $0x4  }
0xa: {  	s7 =	smul.u32 $0xA0000, s1;
	_ =	strace $0x80000053;
	s1 =	ssub.s32 $0x2, s1  }
0xb: {  	s15 =	sshrl.u32 @p0 s15, $0x3;
	s18 =	sor.u32 $0x1C05, s26;
	s26 =	simm.s32 $0x0  }
0xc: {  	s6 =	sor.u32 s5, s6;
	s22 =	sshrl.u32 s10, $0x3;
	s24 =	sshrl.u32 s1, $0x1  }
0xd: {  	s14 =	sadd.s32 s10, s3;
	s12 =	sshrl.u32 s12, $0x2;
	s19 =	sadd.s32 s10, s4  }
0xe: {  	s6 =	smul.u32 $0x500, s6;
	s8 =	sadd.s32 s22, s0;
	s7 =	sadd.s32 s10, s7  }
0xf: {  	s1 =	ssub.s32 s1, s24;
	s25 =	sadd.s32 s12, s4;
	s12 =	simm.s32 $0x14000  }
0x10: {  	s17 =	sshrl.u32 @!p0 s14, $0x3;
	s19 =	sshrl.u32 s19, $0x3;
	s24 =	simm.s32 $0x80  }
0x11: {  	s23 =	sshrl.u32 s7, $0x3;
	s8 =	sadd.s32 $0x21E00, s8;
	s20 =	sadd.s32 $0x2000, s25  }
0x12: {  	s21 =	sadd.s32 $0x4000, s25;
	s22 =	sadd.s32 $0x6000, s25;
	s9 =	sadd.s32 s6, s0  }
0x13: {  	s11 =	sadd.s32 s23, s0;
	s20 =	sshrl.u32 s20, $0x3;
	s21 =	sshrl.u32 s21, $0x3  }
0x14: {  	s22 =	sshrl.u32 s22, $0x3;
	s6 =	sadd.s32 $0x17E00, s9;
	s7 =	sadd.s32 $0x3C00, s9  }
0x15: {  	s9 =	sadd.s32 $0x34A00, s0;
	s0 =	sadd.s32 $0x8000, s25;
	s10 =	sadd.s32 $0x35800, s11  }
0x16: {  	s11 =	smax.u32 s1, $0x1;
	s1 =	sshll.u32 @!p0 s5, $0x6;
	s25 =	simm.s32 $0x19000  }
0x17: {  	s16 =	sor.u32 @!p0 $0x1C05, s1;
	s23 =	sshrl.u32 s0, $0x3;
	s0 =	simm.s32 $0x4  }
.LBB2_1:
0x18: {  	s1 =	simm.s32 $0x0  }
0x19: {  	[tilespmem:s12], [sflag:$0x5] =	stream.linear.gather [hbm4b:s6+s1], $0x2800, $0x38;
	[tilespmem:$0x1D000] =	vst v63  }
0x1a: {  	_ =	swait.ge [sflag:s13], $0x2800  }
0x1b: {  	[sflag:s13] =	ssyncset.done $0x0  }
0x1c: {  	s5 =	simm.s32 $0x16800;
	[sflag:s13] =	ssyncadd.s32 $0xFFFFD800  }
0x1d: {  	[tilespmem:s5], [sflag:$0x5] =	stream.linear.gather [hbm4b:s7+s1], $0x2800, $0x38;
	[tilespmem:$0x1D000] =	vst v63  }
0x1e: {  	_ =	swait.ge [sflag:s13], $0x2800  }
0x1f: {  	[sflag:s13] =	ssyncset.done $0x0  }
0x20: {  	s1 =	simm.s32 @p0 $0x1FC5;
	[sflag:s13] =	ssyncadd.s32 $0xFFFFD800  }
0x21: {  	[spmem:s15], [sflag:s1] =	dma.local @p0 [hbm:s9], $0xC80  }
0x22: {  	s1 =	simm.s32 @p0 $0x5  }
0x23: {  	_ =	swait.ge @p0 [sflag:s1], $0xC80  }
0x24: {  	[sflag:s1] =	ssyncset.done @p0 $0x0  }
0x25: {  	[sflag:s1] =	ssyncadd.s32 @p0 $0xFFFFF380;
	s1 =	simm.s32 @!p0 $0x5  }
0x26: {  	[spmem:s17], [sflag:s16] =	dma.local @!p0 [hbm:s8], $0x1400  }
0x27: {  	_ =	swait.ge @!p0 [sflag:s1], $0x1400  }
0x28: {  	[sflag:s1] =	ssyncset.done @!p0 $0x0  }
0x29: {  	[sflag:s1] =	ssyncadd.s32 @!p0 $0xFFFFEC00  }
0x2a: {  	[spmem:s19], [sflag:s18] =	dma.local [hbm:s2], $0x400  }
0x2b: {  	_ =	swait.ge [sflag:s13], $0x400  }
0x2c: {  	[sflag:s13] =	ssyncset.done $0x0  }
0x2d: {  	[sflag:s13] =	ssyncadd.s32 $0xFFFFFC00  }
0x2e: {  	[spmem:s20], [sflag:s18] =	dma.local [hbm:s2], $0x400  }
0x2f: {  	_ =	swait.ge [sflag:s13], $0x400  }
0x30: {  	[sflag:s13] =	ssyncset.done $0x0  }
0x31: {  	[sflag:s13] =	ssyncadd.s32 $0xFFFFFC00  }
0x32: {  	[spmem:s21], [sflag:s18] =	dma.local [hbm:s2], $0x400  }
0x33: {  	_ =	swait.ge [sflag:s13], $0x400  }
0x34: {  	[sflag:s13] =	ssyncset.done $0x0  }
0x35: {  	[sflag:s13] =	ssyncadd.s32 $0xFFFFFC00  }
0x36: {  	[spmem:s22], [sflag:s18] =	dma.local [hbm:s2], $0x400  }
0x37: {  	_ =	swait.ge [sflag:s13], $0x400  }
0x38: {  	[sflag:s13] =	ssyncset.done $0x0  }
0x39: {  	[sflag:s13] =	ssyncadd.s32 $0xFFFFFC00  }
0x3a: {  	[spmem:s23], [sflag:s18] =	dma.local [hbm:s2], $0x400  }
0x3b: {  	_ =	swait.ge [sflag:s13], $0x400  }
0x3c: {  	[sflag:s13] =	ssyncset.done $0x0  }
0x3d: {  	[sflag:s13] =	ssyncadd.s32 $0xFFFFFC00  }
0x3e: {  	[bflag:$0x0] =	sbarrier.arrive $0xFFFF  }
0x3f: {  	[tilespmem:s25], [sflag:$0x1] =	stream.indirect.gather [spmem:s3], $0x40, s12, s24, $0xb8;
	[tilespmem:$0x1D000] =	vst v63  }
0x40: {  	s5 =	simm.s32 $0x14080  }
0x41: {  	[tilespmem:s28], [sflag:$0x2] =	stream.indirect.gather [spmem:s3], $0x40, s5, s24, $0xb8;
	[tilespmem:$0x1D000] =	vst v63  }
0x42: {  	_ =	swait.ge [sflag:s29], $0x2000  }
0x43: {  	[sflag:s29] =	ssyncset.done $0x0  }
0x44: {  	s14 =	simm.s32 $0x16800;
	[sflag:s29] =	ssyncadd.s32 $0xFFFFE000  }
0x45: {  	[spmem:s4] =	stream.indirect.scatter.add.f32 [tilespmem:s25], [sflag:$0x3], $0x40, s14, s24, $0xb8;
	[tilespmem:$0x1D000] =	vst v63  }
0x46: {  	_ =	swait.ge [sflag:s30], $0x2000  }
0x47: {  	[sflag:s30] =	ssyncset.done $0x0  }
0x48: {  	s5 =	simm.s32 $0x16880;
	[sflag:s30] =	ssyncadd.s32 $0xFFFFE000  }
0x49: {  	[spmem:s4] =	stream.indirect.scatter.add.f32 [tilespmem:s28], [sflag:$0x4], $0x40, s5, s24, $0xb8;
	[tilespmem:$0x1D000] =	vst v63  }
0x4a: {  	_ =	swait.ge [sflag:s31], $0x2000  }
0x4b: {  	[sflag:s31] =	ssyncset.done $0x0  }
0x4c: {  	s14 =	simm.s32 $0x14100;
	[sflag:s31] =	ssyncadd.s32 $0xFFFFE000  }
0x4d: {  	[tilespmem:s25], [sflag:$0x1] =	stream.indirect.gather [spmem:s3], $0x40, s14, s24, $0xb8;
	[tilespmem:$0x1D000] =	vst v63  }
0x4e: {  	_ =	swait.ge [sflag:s0], $0x2000  }
0x4f: {  	[sflag:s0] =	ssyncset.done $0x0  }
0x50: {  	s1 =	simm.s32 $0x400;
	s14 =	simm.s32 $0x14180;
	[sflag:s0] =	ssyncadd.s32 $0xFFFFE000  }
.LBB2_2:
0x51: {  	[tilespmem:s28], [sflag:$0x2] =	stream.indirect.gather [spmem:s3], $0x40, s14, s24, $0xb8;
	[tilespmem:$0x1D000] =	vst v63  }
0x52: {  	s14 =	smov.u32 s1  }
0x53: {  	p1 =	sne.s32 s1, $0x9800;
	s1 =	sadd.s32 $0x400, s1;
	_ =	swait.ge [sflag:s29], $0x2000  }
0x54: {  	s14 =	sshra.s32 s14, $0x2;
	[sflag:s29] =	ssyncset.done $0x0  }
0x55: {  	s5 =	sadd.s32 $0x16800, s14;
	[sflag:s29] =	ssyncadd.s32 $0xFFFFE000  }
0x56: {  	[spmem:s4] =	stream.indirect.scatter.add.f32 [tilespmem:s25], [sflag:$0x3], $0x40, s5, s24, $0xb8;
	[tilespmem:$0x1D000] =	vst v63  }
0x57: {  	_ =	swait.ge [sflag:s30], $0x2000  }
0x58: {  	[sflag:s30] =	ssyncset.done $0x0  }
0x59: {  	s5 =	sadd.s32 $0x16880, s14;
	[sflag:s30] =	ssyncadd.s32 $0xFFFFE000  }
0x5a: {  	[spmem:s4] =	stream.indirect.scatter.add.f32 [tilespmem:s28], [sflag:$0x4], $0x40, s5, s24, $0xb8;
	[tilespmem:$0x1D000] =	vst v63  }
0x5b: {  	_ =	swait.ge [sflag:s31], $0x2000  }
0x5c: {  	[sflag:s31] =	ssyncset.done $0x0  }
.Ltmp0:
0x5d: {  	s5 =	sadd.s32 $0x14100, s14;
	[sflag:s31] =	ssyncadd.s32 $0xFFFFE000;
	(pc) =	sbr.rel @p1 .LBB2_2-.Ltmp0, $4  }
0x5e: {  	[tilespmem:s25], [sflag:$0x1] =	stream.indirect.gather [spmem:s3], $0x40, s5, s24, $0xb8;
	[tilespmem:$0x1D000] =	vst v63  }
0x5f: {  	_ =	swait.ge [sflag:s0], $0x2000  }
0x60: {  	[sflag:s0] =	ssyncset.done $0x0  }
0x61: {  	s14 =	sadd.s32 $0x14180, s14;
	[sflag:s0] =	ssyncadd.s32 $0xFFFFE000  }
0x62: {  	[tilespmem:s28], [sflag:$0x2] =	stream.indirect.gather [spmem:s3], $0x40, s14, s24, $0xb8;
	[tilespmem:$0x1D000] =	vst v63  }
0x63: {  	_ =	swait.ge [sflag:s29], $0x2000  }
0x64: {  	[sflag:s29] =	ssyncset.done $0x0  }
0x65: {  	s1 =	simm.s32 $0x18F00;
	[sflag:s29] =	ssyncadd.s32 $0xFFFFE000  }
0x66: {  	[spmem:s4] =	stream.indirect.scatter.add.f32 [tilespmem:s25], [sflag:$0x3], $0x40, s1, s24, $0xb8;
	[tilespmem:$0x1D000] =	vst v63  }
0x67: {  	_ =	swait.ge [sflag:s30], $0x2000  }
0x68: {  	[sflag:s30] =	ssyncset.done $0x0  }
0x69: {  	s14 =	simm.s32 $0x18F80;
	[sflag:s30] =	ssyncadd.s32 $0xFFFFE000  }
0x6a: {  	[spmem:s4] =	stream.indirect.scatter.add.f32 [tilespmem:s28], [sflag:$0x4], $0x40, s14, s24, $0xb8;
	[tilespmem:$0x1D000] =	vst v63  }
0x6b: {  	_ =	swait.ge [sflag:s31], $0x2000  }
0x6c: {  	[sflag:s31] =	ssyncset.done $0x0  }
0x6d: {  	[sflag:s31] =	ssyncadd.s32 $0xFFFFE000  }
0x6e: {  	_ =	swait.ge [sflag:s0], $0x2000  }
0x6f: {  	s26 =	sadd.s32 $0x1, s26;
	[sflag:s0] =	ssyncset.done $0x0  }
0x70: {  	p1 =	sne.s32 s26, s11;
	[sflag:s0] =	ssyncadd.s32 $0xFFFFE000  }
.Ltmp1:
0x71: {  	[bflag:$0x0] =	sbarrier.arrive $0xFFFF;
	(pc) =	sbr.rel @p1 .LBB2_1-.Ltmp1, $4  }
0x72: {  	[hbm:s10], [sflag:s18] =	dma.local [spmem:s19], $0x1400  }
0x73: {  	_ =	swait.ge [sflag:s13], $0x1400  }
0x74: {  	[sflag:s13] =	ssyncset.done $0x0  }
0x75: {  	[sflag:s13] =	ssyncadd.s32 $0xFFFFEC00  }
0x76: {  	_ =	sfence.sel $0x180000  }
0x77: {  	[bflag:$0x0] =	sbarrier.arrive $0xFFFF  }
0x78: {  	_ =	strace $0x90000053  }
0x79: {  	s0 =	stileid.u32;
	[bflag:$0x2] =	sbarrier.arrive $0xFFFF  }
0x7a: {  	p0 =	sne.s32 s0, $0x0;
	s0 =	rddreg [dreg:$0x4]  }
0x7b: {  	s0 =	sadd.s32 @!p0 $0x100000, s0  }
0x7c: {  	[sflag:s0] =	ssyncadd.tile.s32 @!p0 $0x1;
	_ =	shalt  }
.Lfunc_end2:
_tile_overlayer_lowered:
.L_overlay_start_2:
0x7d: {  	(tag) =	ssettag $0x2  }
0x7e: {  	s0 =	rddreg [dreg:$0x0];
	s2 =	stileid.u32  }
0x7f: {  	s1 =	rddreg [dreg:$0x1];
	p0 =	sne.s32 s2, $0x0  }
0x80: {  	s3 =	rddreg [dreg:$0x2];
	[bflag:$0x3] =	sbarrier.arrive $0xFFFF;
	s2 =	simm.s32 @!p0 $0x1C05  }
0x81: {  	[timem:s3], [sflag:s2] =	dma.local @!p0 [hbm:s0], s1  }
0x82: {  	s0 =	simm.s32 @!p0 $0x5  }
0x83: {  	_ =	swait.ge @!p0 [sflag:s0], s1  }
0x84: {  	s1 =	ssub.s32 @!p0 $0x0, s1;
	[sflag:s0] =	ssyncset.done @!p0 $0x0  }
0x85: {  	[sflag:s0] =	ssyncadd.s32 @!p0 s1  }
0x86: {  	[bflag:$0x3] =	sbarrier.arrive $0xFFFF  }
0x87: {  	_ =	shalt  }

</sc_bundles>
